<compile_context>
chip_gen: v7x
topology: tpu7x:2x2x1
jax: 0.10.2.dev20260603
libtpu: 0.0.44.dev20260713+nightly
codegen_flags: <defaults>
</compile_context>

<pallas_src>
import jax
import jax.numpy as jnp
from jax import lax
from jax.experimental import pallas as pl
from jax.experimental.pallas import tpu as pltpu
from jax.experimental.pallas import tpu_sc as plsc

N = 10000
E = 160000
P = 16
D = 32
MAX_NF = 8
MAX_EF = 8
NF = MAX_EF + 1
T_MP = 3
T_S2S = 6

NC, NS = 2, 16
CHUNK = 125
EROWS = E // CHUNK
RPW = EROWS // (NC * NS)
NROWS = N
RPT = NROWS // NS
NBLK = 2000

_f32 = jnp.float32


def _const_body(ef, w1, b1, w2, b2, src, efq, ewtab, eidx):
    v = jax.nn.relu(jnp.dot(ef[...], w1[...], preferred_element_type=_f32) + b1[...])
    ewtab[...] = jnp.dot(v, w2[...], preferred_element_type=_f32) + b2[...]
    eidx[...] = src[...] * NF + jnp.clip(efq[...], 0, MAX_EF)


_const_call = pl.pallas_call(
    _const_body,
    out_shape=[jax.ShapeDtypeStruct((NF, D * D), _f32),
               jax.ShapeDtypeStruct((EROWS, CHUNK), jnp.int32)],
)


def _whole(shape):
    return pl.BlockSpec(shape, lambda i: (0,) * len(shape))


def _project(x, wbig, outp):
    outp[...] = jnp.dot(x, wbig, preferred_element_type=_f32)


FDIM = 2 * P + 2


def _init_body(feats, embw, wcat, b0, wbig, out0, outp):
    fv = feats[...]
    nfi = jnp.clip(fv[:, FDIM - 1:FDIM].astype(jnp.int32), 0, MAX_NF)
    oh = (lax.broadcasted_iota(jnp.int32, (NBLK, NF), 1) == nfi).astype(_f32)
    x = (jnp.dot(fv, wcat[...], preferred_element_type=_f32)
         + jnp.dot(oh, embw[...], preferred_element_type=_f32)
         + b0[...])
    o = jax.nn.relu(x)
    out0[...] = o
    _project(o, wbig[...], outp)


_init_call = pl.pallas_call(
    _init_body,
    grid=(N // NBLK,),
    in_specs=[pl.BlockSpec((NBLK, FDIM), lambda i: (i, 0)),
              _whole((NF, D)),
              _whole((FDIM, D)), _whole((1, D)),
              _whole((D, NF * D))],
    out_specs=[pl.BlockSpec((NBLK, D), lambda i: (i, 0)),
               pl.BlockSpec((NBLK, NF * D), lambda i: (i, 0))],
    out_shape=[jax.ShapeDtypeStruct((N, D), _f32),
               jax.ShapeDtypeStruct((N, NF * D), _f32)],
)


NBUF = 10


def _mp_body(outp_hbm, eidx_hbm, dst_hbm, aggs_hbm,
             zbuf, eidx_v, dst_v, rows_v, agg_sh, isem, gsem, ssem):
    cid = lax.axis_index("c")
    sid = lax.axis_index("s")

    base = cid * (EROWS // NC) + sid * RPW
    idx_cp = pltpu.async_copy(eidx_hbm.at[pl.ds(base, RPW)], eidx_v, isem)
    dst_cp = pltpu.async_copy(dst_hbm.at[pl.ds(base, RPW)], dst_v, isem)

    def zr(i, c):
        zbuf[i, pl.ds(0, 16)] = jnp.zeros((16,), _f32)
        zbuf[i, pl.ds(16, 16)] = jnp.zeros((16,), _f32)
        return c

    lax.fori_loop(0, RPT, zr, 0)
    idx_cp.wait()
    dst_cp.wait()
    for k in range(NBUF):
        pltpu.async_copy(outp_hbm.at[eidx_v.at[k]], rows_v.at[k], gsem.at[k])
    pltpu.sync_copy(zbuf, agg_sh.at[pl.ds(sid * RPT, RPT)])
    plsc.subcore_barrier()

    def round_(r, c):
        j0 = r * NBUF
        for k in range(NBUF):
            j = j0 + k
            pltpu.make_async_copy(
                outp_hbm.at[eidx_v.at[j]], rows_v.at[k], gsem.at[k]).wait()
            pltpu.async_copy(rows_v.at[k], agg_sh.at[dst_v.at[j]], ssem.at[k],
                             add=True)
        for k in range(NBUF):
            j = j0 + k

            @pl.when(j + NBUF < RPW)
            def _():
                pltpu.make_async_copy(
                    rows_v.at[k], agg_sh.at[dst_v.at[j]], ssem.at[k]).wait()
                pltpu.async_copy(outp_hbm.at[eidx_v.at[j + NBUF]],
                                 rows_v.at[k], gsem.at[k])
        return c

    lax.fori_loop(0, RPW // NBUF, round_, 0)
    for k in range(NBUF):
        j = RPW - NBUF + k
        pltpu.make_async_copy(
            rows_v.at[k], agg_sh.at[dst_v.at[j]], ssem.at[k]).wait()
    plsc.subcore_barrier()
    pltpu.sync_copy(agg_sh.at[pl.ds(sid * RPT, RPT)], zbuf)
    pltpu.sync_copy(zbuf, aggs_hbm.at[pl.ds(cid * NROWS + sid * RPT, RPT)])


_mp_call = pl.kernel(
    _mp_body,
    out_type=jax.ShapeDtypeStruct((NC * NROWS, D), _f32),
    mesh=plsc.VectorSubcoreMesh(core_axis_name="c", subcore_axis_name="s",
                                num_cores=NC, num_subcores=NS),
    scratch_types=[pltpu.VMEM((RPT, D), _f32),
                   pltpu.VMEM((RPW, CHUNK), jnp.int32),
                   pltpu.VMEM((RPW, CHUNK), jnp.int32),
                   pltpu.VMEM((NBUF, CHUNK, D), _f32),
                   pltpu.VMEM_SHARED((NROWS, D), _f32),
                   pltpu.SemaphoreType.DMA,
                   pltpu.SemaphoreType.DMA((NBUF,)),
                   pltpu.SemaphoreType.DMA((NBUF,))],
    compiler_params=pltpu.CompilerParams(use_tc_tiling_on_sc=False),
)


def _gru_body(a0, a1, h, cb, wih, bih, whh, bhh, wbig, hout, outp):
    hv = h[...]
    m = jax.nn.relu(a0[...] + a1[...] + cb[...])
    gi = jnp.dot(m, wih[...], preferred_element_type=_f32) + bih[...]
    gh = jnp.dot(hv, whh[...], preferred_element_type=_f32) + bhh[...]
    r = jax.nn.sigmoid(gi[:, 0:D] + gh[:, 0:D])
    z = jax.nn.sigmoid(gi[:, D:2 * D] + gh[:, D:2 * D])
    n_ = jnp.tanh(gi[:, 2 * D:3 * D] + r * gh[:, 2 * D:3 * D])
    hnew = (1.0 - z) * n_ + z * hv
    hout[...] = hnew
    _project(hnew, wbig[...], outp)


_gru_call = pl.pallas_call(
    _gru_body,
    grid=(N // NBLK,),
    in_specs=[pl.BlockSpec((NBLK, D), lambda i: (i, 0)),
              pl.BlockSpec((NBLK, D), lambda i: (i + NROWS // NBLK, 0)),
              pl.BlockSpec((NBLK, D), lambda i: (i, 0)),
              _whole((1, D)),
              _whole((D, 3 * D)), _whole((1, 3 * D)),
              _whole((D, 3 * D)), _whole((1, 3 * D)),
              _whole((D, NF * D))],
    out_specs=[pl.BlockSpec((NBLK, D), lambda i: (i, 0)),
               pl.BlockSpec((NBLK, NF * D), lambda i: (i, 0))],
    out_shape=[jax.ShapeDtypeStruct((N, D), _f32),
               jax.ShapeDtypeStruct((N, NF * D), _f32)],
)


def _s2s_body(h_ref, wi0, wh0, bi0, bh0, wi1, wh1, bi1, bh1,
              wi2, wh2, bi2, bh2, l1w, l1b, l2w, l2b, out_ref):
    x = h_ref[...]
    wi0v, wh0v, b0v = wi0[...], wh0[...], bi0[...] + bh0[...]
    wi1v, wh1v, b1v = wi1[...], wh1[...], bi1[...] + bh1[...]
    wi2v, wh2v, b2v = wi2[...], wh2[...], bi2[...] + bh2[...]
    l1wv, l2wv = l1w[...], l2w[...]
    zero = jnp.zeros((1, D), _f32)

    def lstm(g, cp):
        i_g = jax.nn.sigmoid(g[:, 0:D])
        f_g = jax.nn.sigmoid(g[:, D:2 * D])
        g_g = jnp.tanh(g[:, 2 * D:3 * D])
        o_g = jax.nn.sigmoid(g[:, 3 * D:4 * D])
        cn = f_g * cp + i_g * g_g
        return o_g * jnp.tanh(cn), cn

    def it(t, carry):
        q, r, h0, c0, h1, c1, h2, c2 = carry
        g = (jnp.dot(q, wi0v[0:D], preferred_element_type=_f32)
             + jnp.dot(r, wi0v[D:2 * D], preferred_element_type=_f32)
             + jnp.dot(h0, wh0v, preferred_element_type=_f32) + b0v)
        h0, c0 = lstm(g, c0)
        g = (jnp.dot(h0, wi1v, preferred_element_type=_f32)
             + jnp.dot(h1, wh1v, preferred_element_type=_f32) + b1v)
        h1, c1 = lstm(g, c1)
        g = (jnp.dot(h1, wi2v, preferred_element_type=_f32)
             + jnp.dot(h2, wh2v, preferred_element_type=_f32) + b2v)
        h2, c2 = lstm(g, c2)
        q = h2
        e = jnp.sum(x * q, axis=1, keepdims=True)
        a = jnp.exp(e - jnp.max(e))
        r = jnp.sum(a * x, axis=0, keepdims=True) / jnp.sum(a)
        return (q, r, h0, c0, h1, c1, h2, c2)

    q, r = lax.fori_loop(0, T_S2S, it, (zero,) * 8)[:2]
    y = jax.nn.relu(jnp.dot(q, l1wv[0:D], preferred_element_type=_f32)
                    + jnp.dot(r, l1wv[D:2 * D], preferred_element_type=_f32)
                    + l1b[...])
    y = jnp.dot(y, l2wv, preferred_element_type=_f32) + l2b[...]
    out_ref[...] = jnp.broadcast_to(y, (8, D))


_s2s_call = pl.pallas_call(
    _s2s_body,
    out_shape=jax.ShapeDtypeStruct((8, D), _f32),
)


def kernel(pos_undirected, pos_directed, params, nfreq, seed, efreq, edge_index):
    p = params
    src = edge_index[0].astype(jnp.int32)
    dst = edge_index[1].astype(jnp.int32)
    efq = efreq.astype(jnp.int32)

    ef_feat = jnp.concatenate(
        [p['edge_freq_emb'], (jnp.arange(NF, dtype=_f32) / MAX_EF)[:, None]], axis=1)
    ewtab, eidx = _const_call(
        ef_feat, p['edge_W1'], p['edge_b1'][None], p['edge_W2'], p['edge_b2'][None],
        src.reshape(EROWS, CHUNK), efq.reshape(EROWS, CHUNK))
    wbig = ewtab.reshape(NF, D, D).transpose(1, 0, 2).reshape(D, NF * D)
    dstp = dst.reshape(EROWS, CHUNK)

    feats = jnp.concatenate(
        [pos_undirected.astype(_f32), pos_directed.astype(_f32),
         seed.astype(_f32)[:, None], nfreq.astype(_f32)[:, None]], axis=1)
    w0 = p['lin0_W']
    wcat = jnp.concatenate(
        [w0[0:2 * P], w0[2 * P + D:2 * P + D + 1],
         w0[2 * P + D + 1:2 * P + D + 2] * (1.0 / MAX_NF)], axis=0)
    embw = jnp.dot(p['node_freq_emb'], w0[2 * P:2 * P + D],
                   preferred_element_type=_f32)
    h, outp = _init_call(feats, embw, wcat, p['lin0_b'][None], wbig)

    for _ in range(T_MP):
        aggs = _mp_call(outp.reshape(N * NF, D), eidx, dstp)
        h, outp = _gru_call(
            aggs, aggs, h, p['conv_bias'][None],
            p['gru_Wih'], p['gru_bih'][None], p['gru_Whh'], p['gru_bhh'][None],
            wbig)

    y8 = _s2s_call(
        h,
        p['lstm0_Wih'], p['lstm0_Whh'], p['lstm0_bih'][None], p['lstm0_bhh'][None],
        p['lstm1_Wih'], p['lstm1_Whh'], p['lstm1_bih'][None], p['lstm1_bhh'][None],
        p['lstm2_Wih'], p['lstm2_Whh'], p['lstm2_bih'][None], p['lstm2_bhh'][None],
        p['lin1_W'], p['lin1_b'][None], p['lin2_W'], p['lin2_b'][None])
    return y8[0:1]

# --- scband reference (transcript-rebuilt; emitter-appended) ---
"""Pipeline reference for scband-unsupervised-mpnn-47845935677653 (READ-ONLY COPY).

The authoritative reference and input builder live on the scoring server;
editing this copy changes nothing except your own understanding.
"""

import jax, jax.numpy as jnp
import numpy as np

N = 10000
E = 160000
P = 16
FE = 32
D = 32
EH = 32
OUT = 32
MAX_NF = 8
MAX_EF = 8
T_MP = 3
T_S2S = 6
L_S2S = 3


def _lin_init(k, fi, fo):
    s = 1.0 / np.sqrt(fi)
    kw, kb = jax.random.split(k)
    W = jax.random.uniform(kw, (fi, fo), minval=-s, maxval=s, dtype=jnp.float32)
    b = jax.random.uniform(kb, (fo,), minval=-s, maxval=s, dtype=jnp.float32)
    return W, b


def setup_inputs(seed: int = 0):
    key = jax.random.key(seed)
    ks = jax.random.split(key, 40)
    pos_undirected = jax.random.normal(ks[0], (N, P), dtype=jnp.float32)
    pos_directed = jax.random.normal(ks[1], (N, P), dtype=jnp.float32)
    nfreq = jax.random.randint(ks[2], (N,), 0, MAX_NF + 1)
    seed = jax.random.randint(ks[3], (N,), 0, 2)
    efreq = jax.random.randint(ks[4], (E,), 0, MAX_EF + 1)
    edge_index = jax.random.randint(ks[5], (2, E), 0, N)
    params = {}
    params['node_freq_emb'] = jax.random.normal(ks[6], (MAX_NF + 1, FE), dtype=jnp.float32)
    params['edge_freq_emb'] = jax.random.normal(ks[7], (MAX_EF + 1, FE), dtype=jnp.float32)
    params['lin0_W'], params['lin0_b'] = _lin_init(ks[8], 2 * P + FE + 2, D)
    params['edge_W1'], params['edge_b1'] = _lin_init(ks[9], FE + 1, EH)
    params['edge_W2'], params['edge_b2'] = _lin_init(ks[10], EH, D * D)
    params['conv_bias'] = jnp.zeros((D,), dtype=jnp.float32)
    params['gru_Wih'], params['gru_bih'] = _lin_init(ks[11], D, 3 * D)
    params['gru_Whh'], params['gru_bhh'] = _lin_init(ks[12], D, 3 * D)
    for l in range(L_S2S):
        fi = 2 * D if l == 0 else D
        params['lstm%d_Wih' % l], params['lstm%d_bih' % l] = _lin_init(ks[13 + 2 * l], fi, 4 * D)
        params['lstm%d_Whh' % l], params['lstm%d_bhh' % l] = _lin_init(ks[14 + 2 * l], D, 4 * D)
    params['lin1_W'], params['lin1_b'] = _lin_init(ks[20], 2 * D, D)
    params['lin2_W'], params['lin2_b'] = _lin_init(ks[21], D, OUT)
    return {'pos_undirected': pos_undirected, 'pos_directed': pos_directed,
            'params': params, 'nfreq': nfreq, 'seed': seed, 'efreq': efreq,
            'edge_index': edge_index}


def _forward(pos_undirected, pos_directed, params, nfreq, seed, efreq, edge_index):
    src = edge_index[0]
    dst = edge_index[1]
    n_emb = jnp.take(params['node_freq_emb'], jnp.clip(nfreq, 0, MAX_NF), axis=0)
    n_feat = jnp.concatenate([
        pos_undirected, pos_directed, n_emb,
        seed[:, None].astype(jnp.float32),
        nfreq[:, None].astype(jnp.float32) / MAX_NF], axis=-1)
    e_emb = jnp.take(params['edge_freq_emb'], jnp.clip(efreq, 0, MAX_EF), axis=0)
    e_feat = jnp.concatenate([e_emb, efreq[:, None].astype(jnp.float32) / MAX_EF], axis=-1)
    out = jax.nn.relu(n_feat @ params['lin0_W'] + params['lin0_b'])
    h = out
    # edge-conditioned weights (edge_func of NNConv); e_feat is constant across MP steps
    ew = jax.nn.relu(e_feat @ params['edge_W1'] + params['edge_b1'])
    ew = (ew @ params['edge_W2'] + params['edge_b2']).reshape(E, D, D)
    for _ in range(T_MP):
        m_src = jnp.take(out, src, axis=0)
        msg = jnp.einsum('ei,eio->eo', m_src, ew)
        agg = jax.ops.segment_sum(msg, dst, num_segments=N)
        m = jax.nn.relu(agg + params['conv_bias'])
        # GRU step (torch gate order r, z, n), batch = N nodes, seq_len = 1
        gi = m @ params['gru_Wih'] + params['gru_bih']
        gh = h @ params['gru_Whh'] + params['gru_bhh']
        ir, iz, i_n = jnp.split(gi, 3, axis=-1)
        hr, hz, hn = jnp.split(gh, 3, axis=-1)
        r = jax.nn.sigmoid(ir + hr)
        z = jax.nn.sigmoid(iz + hz)
        n_ = jnp.tanh(i_n + r * hn)
        h = (1.0 - z) * n_ + z * h
        out = h
    # Set2Set over a single graph (B = 1)
    q_star = jnp.zeros((1, 2 * D), dtype=jnp.float32)
    hs = [jnp.zeros((1, D), dtype=jnp.float32) for _ in range(L_S2S)]
    cs = [jnp.zeros((1, D), dtype=jnp.float32) for _ in range(L_S2S)]
    for _ in range(T_S2S):
        x_in = q_star
        for l in range(L_S2S):
            g = (x_in @ params['lstm%d_Wih' % l] + params['lstm%d_bih' % l]
                 + hs[l] @ params['lstm%d_Whh' % l] + params['lstm%d_bhh' % l])
            gi_, gf_, gg_, go_ = jnp.split(g, 4, axis=-1)
            i_g = jax.nn.sigmoid(gi_)
            f_g = jax.nn.sigmoid(gf_)
            g_g = jnp.tanh(gg_)
            o_g = jax.nn.sigmoid(go_)
            c_new = f_g * cs[l] + i_g * g_g
            h_new = o_g * jnp.tanh(c_new)
            hs[l] = h_new
            cs[l] = c_new
            x_in = h_new
        q = x_in  # (1, D)
        e = jnp.sum(out * q, axis=-1)  # (N,)
        alpha = jax.nn.softmax(e)
        r_read = jnp.sum(alpha[:, None] * out, axis=0, keepdims=True)
        q_star = jnp.concatenate([q, r_read], axis=-1)
    y = jax.nn.relu(q_star @ params['lin1_W'] + params['lin1_b'])
    y = y @ params['lin2_W'] + params['lin2_b']
    return y


def reference(pos_undirected, pos_directed, params, nfreq, seed, efreq, edge_index):
    return _forward(pos_undirected, pos_directed, params, nfreq, seed, efreq, edge_index)

if __name__ == "__main__":
    import jax
    _d = setup_inputs()
    print(jax.jit(kernel)(*tuple(_d.values())))

</pallas_src>

<mosaic_0001>
#map = affine_map<(d0, d1) -> (0, 0)>
module attributes {stable_mosaic.version = 14 : i64} {
  func.func @_mp_body(%arg0: i32, %arg1: i32, %arg2: memref<90000x32xf32, #tpu.memory_space<hbm>>, %arg3: memref<1280x125xi32, #tpu.memory_space<hbm>>, %arg4: memref<1280x125xi32, #tpu.memory_space<hbm>>, %arg5: memref<20000x32xf32, #tpu.memory_space<hbm>>, %arg6: memref<625x32xf32, #tpu.memory_space<vmem>>, %arg7: memref<40x125xi32, #tpu.memory_space<vmem>>, %arg8: memref<40x125xi32, #tpu.memory_space<vmem>>, %arg9: memref<10x125x32xf32, #tpu.memory_space<vmem>>, %arg10: memref<10000x32xf32, #tpu.memory_space<vmem_shared>>, %arg11: memref<!tpu.dma_semaphore, #tpu.memory_space<semaphore_mem>>, %arg12: memref<10x!tpu.dma_semaphore, #tpu.memory_space<semaphore_mem>>, %arg13: memref<10x!tpu.dma_semaphore, #tpu.memory_space<semaphore_mem>>) attributes {dimension_semantics = [#tpu.dimension_semantics<core_parallel>, #tpu.dimension_semantics<subcore_parallel>], iteration_bounds = array<i64: 2, 16>, scalar_prefetch = 0 : i64, scratch_operands = 8 : i64, tpu.core_type = #tpu.core_type<sc_vector_subcore>, window_params = [{transform_indices = #map}, {transform_indices = #map}, {transform_indices = #map}, {transform_indices = #map}]} {
    %mul3A = arith.constant 640 : i32
    %mul3A_0 = arith.muli %arg0, %mul3A : i32
    %mul3A_1 = arith.constant 40 : i32
    %mul3A_2 = arith.muli %arg1, %mul3A_1 : i32
    %add3A = arith.addi %mul3A_0, %mul3A_2 : i32
    %dma_start3A = arith.constant 0 : i32
    %dma_start3A_3 = tpu.memref_slice %arg3[%add3A, %dma_start3A] : memref<1280x125xi32, #tpu.memory_space<hbm>> -> memref<40x125xi32, #tpu.memory_space<hbm>>
    %dma_start3A_4 = arith.constant 0 : i32
    %dma_start3A_5 = tpu.memref_slice %arg3[%add3A, %dma_start3A_4] : memref<1280x125xi32, #tpu.memory_space<hbm>> -> memref<40x125xi32, #tpu.memory_space<hbm>>
    tpu.enqueue_dma source(%dma_start3A_5 : memref<40x125xi32, #tpu.memory_space<hbm>>) target(%arg7 : memref<40x125xi32, #tpu.memory_space<vmem>>) target_semaphore(%arg11 : memref<!tpu.dma_semaphore, #tpu.memory_space<semaphore_mem>>)
    %dma_start3A_6 = arith.constant 0 : i32
    %dma_start3A_7 = tpu.memref_slice %arg4[%add3A, %dma_start3A_6] : memref<1280x125xi32, #tpu.memory_space<hbm>> -> memref<40x125xi32, #tpu.memory_space<hbm>>
    %dma_start3A_8 = arith.constant 0 : i32
    %dma_start3A_9 = tpu.memref_slice %arg4[%add3A, %dma_start3A_8] : memref<1280x125xi32, #tpu.memory_space<hbm>> -> memref<40x125xi32, #tpu.memory_space<hbm>>
    tpu.enqueue_dma source(%dma_start3A_9 : memref<40x125xi32, #tpu.memory_space<hbm>>) target(%arg8 : memref<40x125xi32, #tpu.memory_space<vmem>>) target_semaphore(%arg11 : memref<!tpu.dma_semaphore, #tpu.memory_space<semaphore_mem>>)
    %scan3A = arith.constant 0 : i32
    %scan3A_10 = arith.constant 0 : i32
    %scan3A_11 = arith.constant 625 : i32
    %scan3A_12 = arith.addi %scan3A_10, %scan3A_11 : i32
    %scan3A_13 = arith.constant 1 : i32
    scf.for %scan3A_338 = %scan3A_10 to %scan3A_12 step %scan3A_13  : i32 {
      %broadcast_in_dim3A = arith.constant 0.000000e+00 : f32
      %broadcast_in_dim3A_339 = vector.broadcast %broadcast_in_dim3A : f32 to vector<16xf32>
      %swap3A = arith.index_cast %scan3A_338 : i32 to index
      %swap3A_340 = arith.constant 0 : index
      %swap3A_341 = tpu.vector_load %arg6[%swap3A, %swap3A_340] {strides = array<i32>} : memref<625x32xf32, #tpu.memory_space<vmem>>, vector<1x16xf32>,
      %swap3A_342 = vector.shape_cast %swap3A_341 : vector<1x16xf32> to vector<16xf32>
      %swap3A_343 = vector.shape_cast %broadcast_in_dim3A_339 : vector<16xf32> to vector<1x16xf32>
      tpu.vector_store %arg6[%swap3A, %swap3A_340], %swap3A_343 {strides = array<i32>} : memref<625x32xf32, #tpu.memory_space<vmem>>, vector<1x16xf32>,
      %broadcast_in_dim3A_344 = arith.constant 0.000000e+00 : f32
      %broadcast_in_dim3A_345 = vector.broadcast %broadcast_in_dim3A_344 : f32 to vector<16xf32>
      %swap3A_346 = arith.index_cast %scan3A_338 : i32 to index
      %swap3A_347 = arith.constant 16 : index
      %swap3A_348 = tpu.vector_load %arg6[%swap3A_346, %swap3A_347] {strides = array<i32>} : memref<625x32xf32, #tpu.memory_space<vmem>>, vector<1x16xf32>,
      %swap3A_349 = vector.shape_cast %swap3A_348 : vector<1x16xf32> to vector<16xf32>
      %swap3A_350 = vector.shape_cast %broadcast_in_dim3A_345 : vector<16xf32> to vector<1x16xf32>
      tpu.vector_store %arg6[%swap3A_346, %swap3A_347], %swap3A_350 {strides = array<i32>} : memref<625x32xf32, #tpu.memory_space<vmem>>, vector<1x16xf32>,
    }
    %scan3A_14 = arith.constant 625 : i32
    %dma_wait3A = arith.constant 0 : i32
    %dma_wait3A_15 = tpu.memref_slice %arg3[%add3A, %dma_wait3A] : memref<1280x125xi32, #tpu.memory_space<hbm>> -> memref<40x125xi32, #tpu.memory_space<hbm>>
    %dma_wait3A_16 = arith.constant 0 : i32
    %dma_wait3A_17 = tpu.memref_slice %arg3[%add3A, %dma_wait3A_16] : memref<1280x125xi32, #tpu.memory_space<hbm>> -> memref<40x125xi32, #tpu.memory_space<hbm>>
    tpu.wait_dma2 semaphore(%arg11 : memref<!tpu.dma_semaphore, #tpu.memory_space<semaphore_mem>>) src(%dma_wait3A_17 : memref<40x125xi32, #tpu.memory_space<hbm>>) dst(%arg7 : memref<40x125xi32, #tpu.memory_space<vmem>>)
    %dma_wait3A_18 = arith.constant 0 : i32
    %dma_wait3A_19 = tpu.memref_slice %arg4[%add3A, %dma_wait3A_18] : memref<1280x125xi32, #tpu.memory_space<hbm>> -> memref<40x125xi32, #tpu.memory_space<hbm>>
    %dma_wait3A_20 = arith.constant 0 : i32
    %dma_wait3A_21 = tpu.memref_slice %arg4[%add3A, %dma_wait3A_20] : memref<1280x125xi32, #tpu.memory_space<hbm>> -> memref<40x125xi32, #tpu.memory_space<hbm>>
    tpu.wait_dma2 semaphore(%arg11 : memref<!tpu.dma_semaphore, #tpu.memory_space<semaphore_mem>>) src(%dma_wait3A_21 : memref<40x125xi32, #tpu.memory_space<hbm>>) dst(%arg8 : memref<40x125xi32, #tpu.memory_space<vmem>>)
    %dma_start3A_22 = arith.constant 0 : i32
    %dma_start3A_23 = arith.constant 0 : i32
    %dma_start3A_24 = arith.constant 0 : i32
    %dma_start3A_25 = arith.constant 0 : i32
    %dma_start3A_26 = arith.constant 0 : i32
    %dma_start3A_27 = tpu.memref_slice %arg9[%dma_start3A_23, %dma_start3A_25, %dma_start3A_26] : memref<10x125x32xf32, #tpu.memory_space<vmem>> -> memref<1x125x32xf32, #tpu.memory_space<vmem>>
    %dma_start3A_28 = tpu.memref_squeeze %dma_start3A_27 : memref<1x125x32xf32, #tpu.memory_space<vmem>> -> memref<125x32xf32, #tpu.memory_space<vmem>>
    %dma_start3A_29 = arith.constant 0 : i32
    %dma_start3A_30 = tpu.memref_slice %arg7[%dma_start3A_22, %dma_start3A_29] : memref<40x125xi32, #tpu.memory_space<vmem>> -> memref<1x125xi32, #tpu.memory_space<vmem>>
    %dma_start3A_31 = tpu.memref_squeeze %dma_start3A_30 : memref<1x125xi32, #tpu.memory_space<vmem>> -> memref<125xi32, #tpu.memory_space<vmem>>
    %dma_start3A_32 = arith.constant 0 : i32
    %dma_start3A_33 = arith.constant 0 : i32
    %dma_start3A_34 = tpu.memref_slice %arg2[%dma_start3A_32, %dma_start3A_33] : memref<90000x32xf32, #tpu.memory_space<hbm>> -> memref<90000x32xf32, #tpu.memory_space<hbm>>
    %dma_start3A_35 = tpu.memref_slice %arg12[%dma_start3A_24] : memref<10x!tpu.dma_semaphore, #tpu.memory_space<semaphore_mem>> -> memref<1x!tpu.dma_semaphore, #tpu.memory_space<semaphore_mem>>
    %dma_start3A_36 = tpu.memref_squeeze %dma_start3A_35 : memref<1x!tpu.dma_semaphore, #tpu.memory_space<semaphore_mem>> -> memref<!tpu.dma_semaphore, #tpu.memory_space<semaphore_mem>>
    tpu.enqueue_indirect_dma source(%dma_start3A_34 : memref<90000x32xf32, #tpu.memory_space<hbm>>) target(%dma_start3A_28 : memref<125x32xf32, #tpu.memory_space<vmem>>) offsets(%dma_start3A_31 : memref<125xi32, #tpu.memory_space<vmem>>) semaphore(%dma_start3A_36 : memref<!tpu.dma_semaphore, #tpu.memory_space<semaphore_mem>>)
    %dma_start3A_37 = arith.constant 1 : i32
    %dma_start3A_38 = arith.constant 1 : i32
    %dma_start3A_39 = arith.constant 1 : i32
    %dma_start3A_40 = arith.constant 0 : i32
    %dma_start3A_41 = arith.constant 0 : i32
    %dma_start3A_42 = tpu.memref_slice %arg9[%dma_start3A_38, %dma_start3A_40, %dma_start3A_41] : memref<10x125x32xf32, #tpu.memory_space<vmem>> -> memref<1x125x32xf32, #tpu.memory_space<vmem>>
    %dma_start3A_43 = tpu.memref_squeeze %dma_start3A_42 : memref<1x125x32xf32, #tpu.memory_space<vmem>> -> memref<125x32xf32, #tpu.memory_space<vmem>>
    %dma_start3A_44 = arith.constant 0 : i32
    %dma_start3A_45 = tpu.memref_slice %arg7[%dma_start3A_37, %dma_start3A_44] : memref<40x125xi32, #tpu.memory_space<vmem>> -> memref<1x125xi32, #tpu.memory_space<vmem>>
    %dma_start3A_46 = tpu.memref_squeeze %dma_start3A_45 : memref<1x125xi32, #tpu.memory_space<vmem>> -> memref<125xi32, #tpu.memory_space<vmem>>
    %dma_start3A_47 = arith.constant 0 : i32
    %dma_start3A_48 = arith.constant 0 : i32
    %dma_start3A_49 = tpu.memref_slice %arg2[%dma_start3A_47, %dma_start3A_48] : memref<90000x32xf32, #tpu.memory_space<hbm>> -> memref<90000x32xf32, #tpu.memory_space<hbm>>
    %dma_start3A_50 = tpu.memref_slice %arg12[%dma_start3A_39] : memref<10x!tpu.dma_semaphore, #tpu.memory_space<semaphore_mem>> -> memref<1x!tpu.dma_semaphore, #tpu.memory_space<semaphore_mem>>
    %dma_start3A_51 = tpu.memref_squeeze %dma_start3A_50 : memref<1x!tpu.dma_semaphore, #tpu.memory_space<semaphore_mem>> -> memref<!tpu.dma_semaphore, #tpu.memory_space<semaphore_mem>>
    tpu.enqueue_indirect_dma source(%dma_start3A_49 : memref<90000x32xf32, #tpu.memory_space<hbm>>) target(%dma_start3A_43 : memref<125x32xf32, #tpu.memory_space<vmem>>) offsets(%dma_start3A_46 : memref<125xi32, #tpu.memory_space<vmem>>) semaphore(%dma_start3A_51 : memref<!tpu.dma_semaphore, #tpu.memory_space<semaphore_mem>>)
    %dma_start3A_52 = arith.constant 2 : i32
    %dma_start3A_53 = arith.constant 2 : i32
    %dma_start3A_54 = arith.constant 2 : i32
    %dma_start3A_55 = arith.constant 0 : i32
    %dma_start3A_56 = arith.constant 0 : i32
    %dma_start3A_57 = tpu.memref_slice %arg9[%dma_start3A_53, %dma_start3A_55, %dma_start3A_56] : memref<10x125x32xf32, #tpu.memory_space<vmem>> -> memref<1x125x32xf32, #tpu.memory_space<vmem>>
    %dma_start3A_58 = tpu.memref_squeeze %dma_start3A_57 : memref<1x125x32xf32, #tpu.memory_space<vmem>> -> memref<125x32xf32, #tpu.memory_space<vmem>>
    %dma_start3A_59 = arith.constant 0 : i32
    %dma_start3A_60 = tpu.memref_slice %arg7[%dma_start3A_52, %dma_start3A_59] : memref<40x125xi32, #tpu.memory_space<vmem>> -> memref<1x125xi32, #tpu.memory_space<vmem>>
    %dma_start3A_61 = tpu.memref_squeeze %dma_start3A_60 : memref<1x125xi32, #tpu.memory_space<vmem>> -> memref<125xi32, #tpu.memory_space<vmem>>
    %dma_start3A_62 = arith.constant 0 : i32
    %dma_start3A_63 = arith.constant 0 : i32
    %dma_start3A_64 = tpu.memref_slice %arg2[%dma_start3A_62, %dma_start3A_63] : memref<90000x32xf32, #tpu.memory_space<hbm>> -> memref<90000x32xf32, #tpu.memory_space<hbm>>
    %dma_start3A_65 = tpu.memref_slice %arg12[%dma_start3A_54] : memref<10x!tpu.dma_semaphore, #tpu.memory_space<semaphore_mem>> -> memref<1x!tpu.dma_semaphore, #tpu.memory_space<semaphore_mem>>
    %dma_start3A_66 = tpu.memref_squeeze %dma_start3A_65 : memref<1x!tpu.dma_semaphore, #tpu.memory_space<semaphore_mem>> -> memref<!tpu.dma_semaphore, #tpu.memory_space<semaphore_mem>>
    tpu.enqueue_indirect_dma source(%dma_start3A_64 : memref<90000x32xf32, #tpu.memory_space<hbm>>) target(%dma_start3A_58 : memref<125x32xf32, #tpu.memory_space<vmem>>) offsets(%dma_start3A_61 : memref<125xi32, #tpu.memory_space<vmem>>) semaphore(%dma_start3A_66 : memref<!tpu.dma_semaphore, #tpu.memory_space<semaphore_mem>>)
    %dma_start3A_67 = arith.constant 3 : i32
    %dma_start3A_68 = arith.constant 3 : i32
    %dma_start3A_69 = arith.constant 3 : i32
    %dma_start3A_70 = arith.constant 0 : i32
    %dma_start3A_71 = arith.constant 0 : i32
    %dma_start3A_72 = tpu.memref_slice %arg9[%dma_start3A_68, %dma_start3A_70, %dma_start3A_71] : memref<10x125x32xf32, #tpu.memory_space<vmem>> -> memref<1x125x32xf32, #tpu.memory_space<vmem>>
    %dma_start3A_73 = tpu.memref_squeeze %dma_start3A_72 : memref<1x125x32xf32, #tpu.memory_space<vmem>> -> memref<125x32xf32, #tpu.memory_space<vmem>>
    %dma_start3A_74 = arith.constant 0 : i32
    %dma_start3A_75 = tpu.memref_slice %arg7[%dma_start3A_67, %dma_start3A_74] : memref<40x125xi32, #tpu.memory_space<vmem>> -> memref<1x125xi32, #tpu.memory_space<vmem>>
    %dma_start3A_76 = tpu.memref_squeeze %dma_start3A_75 : memref<1x125xi32, #tpu.memory_space<vmem>> -> memref<125xi32, #tpu.memory_space<vmem>>
    %dma_start3A_77 = arith.constant 0 : i32
    %dma_start3A_78 = arith.constant 0 : i32
    %dma_start3A_79 = tpu.memref_slice %arg2[%dma_start3A_77, %dma_start3A_78] : memref<90000x32xf32, #tpu.memory_space<hbm>> -> memref<90000x32xf32, #tpu.memory_space<hbm>>
    %dma_start3A_80 = tpu.memref_slice %arg12[%dma_start3A_69] : memref<10x!tpu.dma_semaphore, #tpu.memory_space<semaphore_mem>> -> memref<1x!tpu.dma_semaphore, #tpu.memory_space<semaphore_mem>>
    %dma_start3A_81 = tpu.memref_squeeze %dma_start3A_80 : memref<1x!tpu.dma_semaphore, #tpu.memory_space<semaphore_mem>> -> memref<!tpu.dma_semaphore, #tpu.memory_space<semaphore_mem>>
    tpu.enqueue_indirect_dma source(%dma_start3A_79 : memref<90000x32xf32, #tpu.memory_space<hbm>>) target(%dma_start3A_73 : memref<125x32xf32, #tpu.memory_space<vmem>>) offsets(%dma_start3A_76 : memref<125xi32, #tpu.memory_space<vmem>>) semaphore(%dma_start3A_81 : memref<!tpu.dma_semaphore, #tpu.memory_space<semaphore_mem>>)
    %dma_start3A_82 = arith.constant 4 : i32
    %dma_start3A_83 = arith.constant 4 : i32
    %dma_start3A_84 = arith.constant 4 : i32
    %dma_start3A_85 = arith.constant 0 : i32
    %dma_start3A_86 = arith.constant 0 : i32
    %dma_start3A_87 = tpu.memref_slice %arg9[%dma_start3A_83, %dma_start3A_85, %dma_start3A_86] : memref<10x125x32xf32, #tpu.memory_space<vmem>> -> memref<1x125x32xf32, #tpu.memory_space<vmem>>
    %dma_start3A_88 = tpu.memref_squeeze %dma_start3A_87 : memref<1x125x32xf32, #tpu.memory_space<vmem>> -> memref<125x32xf32, #tpu.memory_space<vmem>>
    %dma_start3A_89 = arith.constant 0 : i32
    %dma_start3A_90 = tpu.memref_slice %arg7[%dma_start3A_82, %dma_start3A_89] : memref<40x125xi32, #tpu.memory_space<vmem>> -> memref<1x125xi32, #tpu.memory_space<vmem>>
    %dma_start3A_91 = tpu.memref_squeeze %dma_start3A_90 : memref<1x125xi32, #tpu.memory_space<vmem>> -> memref<125xi32, #tpu.memory_space<vmem>>
    %dma_start3A_92 = arith.constant 0 : i32
    %dma_start3A_93 = arith.constant 0 : i32
    %dma_start3A_94 = tpu.memref_slice %arg2[%dma_start3A_92, %dma_start3A_93] : memref<90000x32xf32, #tpu.memory_space<hbm>> -> memref<90000x32xf32, #tpu.memory_space<hbm>>
    %dma_start3A_95 = tpu.memref_slice %arg12[%dma_start3A_84] : memref<10x!tpu.dma_semaphore, #tpu.memory_space<semaphore_mem>> -> memref<1x!tpu.dma_semaphore, #tpu.memory_space<semaphore_mem>>
    %dma_start3A_96 = tpu.memref_squeeze %dma_start3A_95 : memref<1x!tpu.dma_semaphore, #tpu.memory_space<semaphore_mem>> -> memref<!tpu.dma_semaphore, #tpu.memory_space<semaphore_mem>>
    tpu.enqueue_indirect_dma source(%dma_start3A_94 : memref<90000x32xf32, #tpu.memory_space<hbm>>) target(%dma_start3A_88 : memref<125x32xf32, #tpu.memory_space<vmem>>) offsets(%dma_start3A_91 : memref<125xi32, #tpu.memory_space<vmem>>) semaphore(%dma_start3A_96 : memref<!tpu.dma_semaphore, #tpu.memory_space<semaphore_mem>>)
    %dma_start3A_97 = arith.constant 5 : i32
    %dma_start3A_98 = arith.constant 5 : i32
    %dma_start3A_99 = arith.constant 5 : i32
    %dma_start3A_100 = arith.constant 0 : i32
    %dma_start3A_101 = arith.constant 0 : i32
    %dma_start3A_102 = tpu.memref_slice %arg9[%dma_start3A_98, %dma_start3A_100, %dma_start3A_101] : memref<10x125x32xf32, #tpu.memory_space<vmem>> -> memref<1x125x32xf32, #tpu.memory_space<vmem>>
    %dma_start3A_103 = tpu.memref_squeeze %dma_start3A_102 : memref<1x125x32xf32, #tpu.memory_space<vmem>> -> memref<125x32xf32, #tpu.memory_space<vmem>>
    %dma_start3A_104 = arith.constant 0 : i32
    %dma_start3A_105 = tpu.memref_slice %arg7[%dma_start3A_97, %dma_start3A_104] : memref<40x125xi32, #tpu.memory_space<vmem>> -> memref<1x125xi32, #tpu.memory_space<vmem>>
    %dma_start3A_106 = tpu.memref_squeeze %dma_start3A_105 : memref<1x125xi32, #tpu.memory_space<vmem>> -> memref<125xi32, #tpu.memory_space<vmem>>
    %dma_start3A_107 = arith.constant 0 : i32
    %dma_start3A_108 = arith.constant 0 : i32
    %dma_start3A_109 = tpu.memref_slice %arg2[%dma_start3A_107, %dma_start3A_108] : memref<90000x32xf32, #tpu.memory_space<hbm>> -> memref<90000x32xf32, #tpu.memory_space<hbm>>
    %dma_start3A_110 = tpu.memref_slice %arg12[%dma_start3A_99] : memref<10x!tpu.dma_semaphore, #tpu.memory_space<semaphore_mem>> -> memref<1x!tpu.dma_semaphore, #tpu.memory_space<semaphore_mem>>
    %dma_start3A_111 = tpu.memref_squeeze %dma_start3A_110 : memref<1x!tpu.dma_semaphore, #tpu.memory_space<semaphore_mem>> -> memref<!tpu.dma_semaphore, #tpu.memory_space<semaphore_mem>>
    tpu.enqueue_indirect_dma source(%dma_start3A_109 : memref<90000x32xf32, #tpu.memory_space<hbm>>) target(%dma_start3A_103 : memref<125x32xf32, #tpu.memory_space<vmem>>) offsets(%dma_start3A_106 : memref<125xi32, #tpu.memory_space<vmem>>) semaphore(%dma_start3A_111 : memref<!tpu.dma_semaphore, #tpu.memory_space<semaphore_mem>>)
    %dma_start3A_112 = arith.constant 6 : i32
    %dma_start3A_113 = arith.constant 6 : i32
    %dma_start3A_114 = arith.constant 6 : i32
    %dma_start3A_115 = arith.constant 0 : i32
    %dma_start3A_116 = arith.constant 0 : i32
    %dma_start3A_117 = tpu.memref_slice %arg9[%dma_start3A_113, %dma_start3A_115, %dma_start3A_116] : memref<10x125x32xf32, #tpu.memory_space<vmem>> -> memref<1x125x32xf32, #tpu.memory_space<vmem>>
    %dma_start3A_118 = tpu.memref_squeeze %dma_start3A_117 : memref<1x125x32xf32, #tpu.memory_space<vmem>> -> memref<125x32xf32, #tpu.memory_space<vmem>>
    %dma_start3A_119 = arith.constant 0 : i32
    %dma_start3A_120 = tpu.memref_slice %arg7[%dma_start3A_112, %dma_start3A_119] : memref<40x125xi32, #tpu.memory_space<vmem>> -> memref<1x125xi32, #tpu.memory_space<vmem>>
    %dma_start3A_121 = tpu.memref_squeeze %dma_start3A_120 : memref<1x125xi32, #tpu.memory_space<vmem>> -> memref<125xi32, #tpu.memory_space<vmem>>
    %dma_start3A_122 = arith.constant 0 : i32
    %dma_start3A_123 = arith.constant 0 : i32
    %dma_start3A_124 = tpu.memref_slice %arg2[%dma_start3A_122, %dma_start3A_123] : memref<90000x32xf32, #tpu.memory_space<hbm>> -> memref<90000x32xf32, #tpu.memory_space<hbm>>
    %dma_start3A_125 = tpu.memref_slice %arg12[%dma_start3A_114] : memref<10x!tpu.dma_semaphore, #tpu.memory_space<semaphore_mem>> -> memref<1x!tpu.dma_semaphore, #tpu.memory_space<semaphore_mem>>
    %dma_start3A_126 = tpu.memref_squeeze %dma_start3A_125 : memref<1x!tpu.dma_semaphore, #tpu.memory_space<semaphore_mem>> -> memref<!tpu.dma_semaphore, #tpu.memory_space<semaphore_mem>>
    tpu.enqueue_indirect_dma source(%dma_start3A_124 : memref<90000x32xf32, #tpu.memory_space<hbm>>) target(%dma_start3A_118 : memref<125x32xf32, #tpu.memory_space<vmem>>) offsets(%dma_start3A_121 : memref<125xi32, #tpu.memory_space<vmem>>) semaphore(%dma_start3A_126 : memref<!tpu.dma_semaphore, #tpu.memory_space<semaphore_mem>>)
    %dma_start3A_127 = arith.constant 7 : i32
    %dma_start3A_128 = arith.constant 7 : i32
    %dma_start3A_129 = arith.constant 7 : i32
    %dma_start3A_130 = arith.constant 0 : i32
    %dma_start3A_131 = arith.constant 0 : i32
    %dma_start3A_132 = tpu.memref_slice %arg9[%dma_start3A_128, %dma_start3A_130, %dma_start3A_131] : memref<10x125x32xf32, #tpu.memory_space<vmem>> -> memref<1x125x32xf32, #tpu.memory_space<vmem>>
    %dma_start3A_133 = tpu.memref_squeeze %dma_start3A_132 : memref<1x125x32xf32, #tpu.memory_space<vmem>> -> memref<125x32xf32, #tpu.memory_space<vmem>>
    %dma_start3A_134 = arith.constant 0 : i32
    %dma_start3A_135 = tpu.memref_slice %arg7[%dma_start3A_127, %dma_start3A_134] : memref<40x125xi32, #tpu.memory_space<vmem>> -> memref<1x125xi32, #tpu.memory_space<vmem>>
    %dma_start3A_136 = tpu.memref_squeeze %dma_start3A_135 : memref<1x125xi32, #tpu.memory_space<vmem>> -> memref<125xi32, #tpu.memory_space<vmem>>
    %dma_start3A_137 = arith.constant 0 : i32
    %dma_start3A_138 = arith.constant 0 : i32
    %dma_start3A_139 = tpu.memref_slice %arg2[%dma_start3A_137, %dma_start3A_138] : memref<90000x32xf32, #tpu.memory_space<hbm>> -> memref<90000x32xf32, #tpu.memory_space<hbm>>
    %dma_start3A_140 = tpu.memref_slice %arg12[%dma_start3A_129] : memref<10x!tpu.dma_semaphore, #tpu.memory_space<semaphore_mem>> -> memref<1x!tpu.dma_semaphore, #tpu.memory_space<semaphore_mem>>
    %dma_start3A_141 = tpu.memref_squeeze %dma_start3A_140 : memref<1x!tpu.dma_semaphore, #tpu.memory_space<semaphore_mem>> -> memref<!tpu.dma_semaphore, #tpu.memory_space<semaphore_mem>>
    tpu.enqueue_indirect_dma source(%dma_start3A_139 : memref<90000x32xf32, #tpu.memory_space<hbm>>) target(%dma_start3A_133 : memref<125x32xf32, #tpu.memory_space<vmem>>) offsets(%dma_start3A_136 : memref<125xi32, #tpu.memory_space<vmem>>) semaphore(%dma_start3A_141 : memref<!tpu.dma_semaphore, #tpu.memory_space<semaphore_mem>>)
    %dma_start3A_142 = arith.constant 8 : i32
    %dma_start3A_143 = arith.constant 8 : i32
    %dma_start3A_144 = arith.constant 8 : i32
    %dma_start3A_145 = arith.constant 0 : i32
    %dma_start3A_146 = arith.constant 0 : i32
    %dma_start3A_147 = tpu.memref_slice %arg9[%dma_start3A_143, %dma_start3A_145, %dma_start3A_146] : memref<10x125x32xf32, #tpu.memory_space<vmem>> -> memref<1x125x32xf32, #tpu.memory_space<vmem>>
    %dma_start3A_148 = tpu.memref_squeeze %dma_start3A_147 : memref<1x125x32xf32, #tpu.memory_space<vmem>> -> memref<125x32xf32, #tpu.memory_space<vmem>>
    %dma_start3A_149 = arith.constant 0 : i32
    %dma_start3A_150 = tpu.memref_slice %arg7[%dma_start3A_142, %dma_start3A_149] : memref<40x125xi32, #tpu.memory_space<vmem>> -> memref<1x125xi32, #tpu.memory_space<vmem>>
    %dma_start3A_151 = tpu.memref_squeeze %dma_start3A_150 : memref<1x125xi32, #tpu.memory_space<vmem>> -> memref<125xi32, #tpu.memory_space<vmem>>
    %dma_start3A_152 = arith.constant 0 : i32
    %dma_start3A_153 = arith.constant 0 : i32
    %dma_start3A_154 = tpu.memref_slice %arg2[%dma_start3A_152, %dma_start3A_153] : memref<90000x32xf32, #tpu.memory_space<hbm>> -> memref<90000x32xf32, #tpu.memory_space<hbm>>
    %dma_start3A_155 = tpu.memref_slice %arg12[%dma_start3A_144] : memref<10x!tpu.dma_semaphore, #tpu.memory_space<semaphore_mem>> -> memref<1x!tpu.dma_semaphore, #tpu.memory_space<semaphore_mem>>
    %dma_start3A_156 = tpu.memref_squeeze %dma_start3A_155 : memref<1x!tpu.dma_semaphore, #tpu.memory_space<semaphore_mem>> -> memref<!tpu.dma_semaphore, #tpu.memory_space<semaphore_mem>>
    tpu.enqueue_indirect_dma source(%dma_start3A_154 : memref<90000x32xf32, #tpu.memory_space<hbm>>) target(%dma_start3A_148 : memref<125x32xf32, #tpu.memory_space<vmem>>) offsets(%dma_start3A_151 : memref<125xi32, #tpu.memory_space<vmem>>) semaphore(%dma_start3A_156 : memref<!tpu.dma_semaphore, #tpu.memory_space<semaphore_mem>>)
    %dma_start3A_157 = arith.constant 9 : i32
    %dma_start3A_158 = arith.constant 9 : i32
    %dma_start3A_159 = arith.constant 9 : i32
    %dma_start3A_160 = arith.constant 0 : i32
    %dma_start3A_161 = arith.constant 0 : i32
    %dma_start3A_162 = tpu.memref_slice %arg9[%dma_start3A_158, %dma_start3A_160, %dma_start3A_161] : memref<10x125x32xf32, #tpu.memory_space<vmem>> -> memref<1x125x32xf32, #tpu.memory_space<vmem>>
    %dma_start3A_163 = tpu.memref_squeeze %dma_start3A_162 : memref<1x125x32xf32, #tpu.memory_space<vmem>> -> memref<125x32xf32, #tpu.memory_space<vmem>>
    %dma_start3A_164 = arith.constant 0 : i32
    %dma_start3A_165 = tpu.memref_slice %arg7[%dma_start3A_157, %dma_start3A_164] : memref<40x125xi32, #tpu.memory_space<vmem>> -> memref<1x125xi32, #tpu.memory_space<vmem>>
    %dma_start3A_166 = tpu.memref_squeeze %dma_start3A_165 : memref<1x125xi32, #tpu.memory_space<vmem>> -> memref<125xi32, #tpu.memory_space<vmem>>
    %dma_start3A_167 = arith.constant 0 : i32
    %dma_start3A_168 = arith.constant 0 : i32
    %dma_start3A_169 = tpu.memref_slice %arg2[%dma_start3A_167, %dma_start3A_168] : memref<90000x32xf32, #tpu.memory_space<hbm>> -> memref<90000x32xf32, #tpu.memory_space<hbm>>
    %dma_start3A_170 = tpu.memref_slice %arg12[%dma_start3A_159] : memref<10x!tpu.dma_semaphore, #tpu.memory_space<semaphore_mem>> -> memref<1x!tpu.dma_semaphore, #tpu.memory_space<semaphore_mem>>
    %dma_start3A_171 = tpu.memref_squeeze %dma_start3A_170 : memref<1x!tpu.dma_semaphore, #tpu.memory_space<semaphore_mem>> -> memref<!tpu.dma_semaphore, #tpu.memory_space<semaphore_mem>>
    tpu.enqueue_indirect_dma source(%dma_start3A_169 : memref<90000x32xf32, #tpu.memory_space<hbm>>) target(%dma_start3A_163 : memref<125x32xf32, #tpu.memory_space<vmem>>) offsets(%dma_start3A_166 : memref<125xi32, #tpu.memory_space<vmem>>) semaphore(%dma_start3A_171 : memref<!tpu.dma_semaphore, #tpu.memory_space<semaphore_mem>>)
    %mul3A_172 = arith.constant 625 : i32
    %mul3A_173 = arith.muli %arg1, %mul3A_172 : i32
    "tpu.region"() ({
      %run_scoped3A = tpu.sem_alloc : memref<!tpu.dma_semaphore, #tpu.memory_space<semaphore_mem>>
      %dma_start3A_338 = arith.constant 0 : i32
      %dma_start3A_339 = tpu.memref_slice %arg10[%mul3A_173, %dma_start3A_338] : memref<10000x32xf32, #tpu.memory_space<vmem_shared>> -> memref<625x32xf32, #tpu.memory_space<vmem_shared>>
      %dma_start3A_340 = arith.constant 0 : i32
      %dma_start3A_341 = tpu.memref_slice %arg10[%mul3A_173, %dma_start3A_340] : memref<10000x32xf32, #tpu.memory_space<vmem_shared>> -> memref<625x32xf32, #tpu.memory_space<vmem_shared>>
      tpu.enqueue_dma source(%arg6 : memref<625x32xf32, #tpu.memory_space<vmem>>) target(%dma_start3A_341 : memref<625x32xf32, #tpu.memory_space<vmem_shared>>) target_semaphore(%run_scoped3A : memref<!tpu.dma_semaphore, #tpu.memory_space<semaphore_mem>>)
      %dma_wait3A_342 = arith.constant 0 : i32
      %dma_wait3A_343 = tpu.memref_slice %arg10[%mul3A_173, %dma_wait3A_342] : memref<10000x32xf32, #tpu.memory_space<vmem_shared>> -> memref<625x32xf32, #tpu.memory_space<vmem_shared>>
      %dma_wait3A_344 = arith.constant 0 : i32
      %dma_wait3A_345 = tpu.memref_slice %arg10[%mul3A_173, %dma_wait3A_344] : memref<10000x32xf32, #tpu.memory_space<vmem_shared>> -> memref<625x32xf32, #tpu.memory_space<vmem_shared>>
      tpu.wait_dma2 semaphore(%run_scoped3A : memref<!tpu.dma_semaphore, #tpu.memory_space<semaphore_mem>>) src(%arg6 : memref<625x32xf32, #tpu.memory_space<vmem>>) dst(%dma_wait3A_345 : memref<625x32xf32, #tpu.memory_space<vmem_shared>>)
      tpu.yield
    }) : () -> ()
    %barrier3A = arith.constant 0 : index
    tpu.barrier barrier_id(%barrier3A)
    %scan3A_174 = arith.constant 0 : i32
    %scan3A_175 = arith.constant 0 : i32
    %scan3A_176 = arith.constant 4 : i32
    %scan3A_177 = arith.addi %scan3A_175, %scan3A_176 : i32
    %scan3A_178 = arith.constant 1 : i32
    scf.for %scan3A_338 = %scan3A_175 to %scan3A_177 step %scan3A_178  : i32 {
      %mul3A_339 = arith.constant 10 : i32
      %mul3A_340 = arith.muli %scan3A_338, %mul3A_339 : i32
      %add3A_341 = arith.constant 0 : i32
      %add3A_342 = arith.addi %mul3A_340, %add3A_341 : i32
      %dma_wait3A_343 = arith.constant 0 : i32
      %dma_wait3A_344 = arith.constant 0 : i32
      %dma_wait3A_345 = arith.constant 0 : i32
      %dma_wait3A_346 = arith.constant 0 : i32
      %dma_wait3A_347 = tpu.memref_slice %arg9[%dma_wait3A_343, %dma_wait3A_345, %dma_wait3A_346] : memref<10x125x32xf32, #tpu.memory_space<vmem>> -> memref<1x125x32xf32, #tpu.memory_space<vmem>>
      %dma_wait3A_348 = tpu.memref_squeeze %dma_wait3A_347 : memref<1x125x32xf32, #tpu.memory_space<vmem>> -> memref<125x32xf32, #tpu.memory_space<vmem>>
      %dma_wait3A_349 = arith.constant 0 : i32
      %dma_wait3A_350 = tpu.memref_slice %arg7[%add3A_342, %dma_wait3A_349] : memref<40x125xi32, #tpu.memory_space<vmem>> -> memref<1x125xi32, #tpu.memory_space<vmem>>
      %dma_wait3A_351 = tpu.memref_squeeze %dma_wait3A_350 : memref<1x125xi32, #tpu.memory_space<vmem>> -> memref<125xi32, #tpu.memory_space<vmem>>
      %dma_wait3A_352 = arith.constant 0 : i32
      %dma_wait3A_353 = arith.constant 0 : i32
      %dma_wait3A_354 = tpu.memref_slice %arg2[%dma_wait3A_352, %dma_wait3A_353] : memref<90000x32xf32, #tpu.memory_space<hbm>> -> memref<90000x32xf32, #tpu.memory_space<hbm>>
      %dma_wait3A_355 = tpu.memref_slice %arg12[%dma_wait3A_344] : memref<10x!tpu.dma_semaphore, #tpu.memory_space<semaphore_mem>> -> memref<1x!tpu.dma_semaphore, #tpu.memory_space<semaphore_mem>>
      %dma_wait3A_356 = tpu.memref_squeeze %dma_wait3A_355 : memref<1x!tpu.dma_semaphore, #tpu.memory_space<semaphore_mem>> -> memref<!tpu.dma_semaphore, #tpu.memory_space<semaphore_mem>>
      tpu.wait_indirect_dma semaphore(%dma_wait3A_356 : memref<!tpu.dma_semaphore, #tpu.memory_space<semaphore_mem>>) src(%dma_wait3A_354 : memref<90000x32xf32, #tpu.memory_space<hbm>>) dst(%dma_wait3A_348 : memref<125x32xf32, #tpu.memory_space<vmem>>)
      %dma_start3A_357 = arith.constant 0 : i32
      %dma_start3A_358 = arith.constant 0 : i32
      %dma_start3A_359 = arith.constant 0 : i32
      %dma_start3A_360 = arith.constant 0 : i32
      %dma_start3A_361 = tpu.memref_slice %arg9[%dma_start3A_357, %dma_start3A_359, %dma_start3A_360] : memref<10x125x32xf32, #tpu.memory_space<vmem>> -> memref<1x125x32xf32, #tpu.memory_space<vmem>>
      %dma_start3A_362 = tpu.memref_squeeze %dma_start3A_361 : memref<1x125x32xf32, #tpu.memory_space<vmem>> -> memref<125x32xf32, #tpu.memory_space<vmem>>
      %dma_start3A_363 = arith.constant 0 : i32
      %dma_start3A_364 = tpu.memref_slice %arg8[%add3A_342, %dma_start3A_363] : memref<40x125xi32, #tpu.memory_space<vmem>> -> memref<1x125xi32, #tpu.memory_space<vmem>>
      %dma_start3A_365 = tpu.memref_squeeze %dma_start3A_364 : memref<1x125xi32, #tpu.memory_space<vmem>> -> memref<125xi32, #tpu.memory_space<vmem>>
      %dma_start3A_366 = arith.constant 0 : i32
      %dma_start3A_367 = arith.constant 0 : i32
      %dma_start3A_368 = tpu.memref_slice %arg10[%dma_start3A_366, %dma_start3A_367] : memref<10000x32xf32, #tpu.memory_space<vmem_shared>> -> memref<10000x32xf32, #tpu.memory_space<vmem_shared>>
      %dma_start3A_369 = tpu.memref_slice %arg13[%dma_start3A_358] : memref<10x!tpu.dma_semaphore, #tpu.memory_space<semaphore_mem>> -> memref<1x!tpu.dma_semaphore, #tpu.memory_space<semaphore_mem>>
      %dma_start3A_370 = tpu.memref_squeeze %dma_start3A_369 : memref<1x!tpu.dma_semaphore, #tpu.memory_space<semaphore_mem>> -> memref<!tpu.dma_semaphore, #tpu.memory_space<semaphore_mem>>
      tpu.enqueue_indirect_dma source(%dma_start3A_362 : memref<125x32xf32, #tpu.memory_space<vmem>>) target(%dma_start3A_368 : memref<10000x32xf32, #tpu.memory_space<vmem_shared>>) offsets(%dma_start3A_365 : memref<125xi32, #tpu.memory_space<vmem>>) semaphore(%dma_start3A_370 : memref<!tpu.dma_semaphore, #tpu.memory_space<semaphore_mem>>) {add = true}
      %add3A_371 = arith.constant 1 : i32
      %add3A_372 = arith.addi %mul3A_340, %add3A_371 : i32
      %dma_wait3A_373 = arith.constant 1 : i32
      %dma_wait3A_374 = arith.constant 1 : i32
      %dma_wait3A_375 = arith.constant 0 : i32
      %dma_wait3A_376 = arith.constant 0 : i32
      %dma_wait3A_377 = tpu.memref_slice %arg9[%dma_wait3A_373, %dma_wait3A_375, %dma_wait3A_376] : memref<10x125x32xf32, #tpu.memory_space<vmem>> -> memref<1x125x32xf32, #tpu.memory_space<vmem>>
      %dma_wait3A_378 = tpu.memref_squeeze %dma_wait3A_377 : memref<1x125x32xf32, #tpu.memory_space<vmem>> -> memref<125x32xf32, #tpu.memory_space<vmem>>
      %dma_wait3A_379 = arith.constant 0 : i32
      %dma_wait3A_380 = tpu.memref_slice %arg7[%add3A_372, %dma_wait3A_379] : memref<40x125xi32, #tpu.memory_space<vmem>> -> memref<1x125xi32, #tpu.memory_space<vmem>>
      %dma_wait3A_381 = tpu.memref_squeeze %dma_wait3A_380 : memref<1x125xi32, #tpu.memory_space<vmem>> -> memref<125xi32, #tpu.memory_space<vmem>>
      %dma_wait3A_382 = arith.constant 0 : i32
      %dma_wait3A_383 = arith.constant 0 : i32
      %dma_wait3A_384 = tpu.memref_slice %arg2[%dma_wait3A_382, %dma_wait3A_383] : memref<90000x32xf32, #tpu.memory_space<hbm>> -> memref<90000x32xf32, #tpu.memory_space<hbm>>
      %dma_wait3A_385 = tpu.memref_slice %arg12[%dma_wait3A_374] : memref<10x!tpu.dma_semaphore, #tpu.memory_space<semaphore_mem>> -> memref<1x!tpu.dma_semaphore, #tpu.memory_space<semaphore_mem>>
      %dma_wait3A_386 = tpu.memref_squeeze %dma_wait3A_385 : memref<1x!tpu.dma_semaphore, #tpu.memory_space<semaphore_mem>> -> memref<!tpu.dma_semaphore, #tpu.memory_space<semaphore_mem>>
      tpu.wait_indirect_dma semaphore(%dma_wait3A_386 : memref<!tpu.dma_semaphore, #tpu.memory_space<semaphore_mem>>) src(%dma_wait3A_384 : memref<90000x32xf32, #tpu.memory_space<hbm>>) dst(%dma_wait3A_378 : memref<125x32xf32, #tpu.memory_space<vmem>>)
      %dma_start3A_387 = arith.constant 1 : i32
      %dma_start3A_388 = arith.constant 1 : i32
      %dma_start3A_389 = arith.constant 0 : i32
      %dma_start3A_390 = arith.constant 0 : i32
      %dma_start3A_391 = tpu.memref_slice %arg9[%dma_start3A_387, %dma_start3A_389, %dma_start3A_390] : memref<10x125x32xf32, #tpu.memory_space<vmem>> -> memref<1x125x32xf32, #tpu.memory_space<vmem>>
      %dma_start3A_392 = tpu.memref_squeeze %dma_start3A_391 : memref<1x125x32xf32, #tpu.memory_space<vmem>> -> memref<125x32xf32, #tpu.memory_space<vmem>>
      %dma_start3A_393 = arith.constant 0 : i32
      %dma_start3A_394 = tpu.memref_slice %arg8[%add3A_372, %dma_start3A_393] : memref<40x125xi32, #tpu.memory_space<vmem>> -> memref<1x125xi32, #tpu.memory_space<vmem>>
      %dma_start3A_395 = tpu.memref_squeeze %dma_start3A_394 : memref<1x125xi32, #tpu.memory_space<vmem>> -> memref<125xi32, #tpu.memory_space<vmem>>
      %dma_start3A_396 = arith.constant 0 : i32
      %dma_start3A_397 = arith.constant 0 : i32
      %dma_start3A_398 = tpu.memref_slice %arg10[%dma_start3A_396, %dma_start3A_397] : memref<10000x32xf32, #tpu.memory_space<vmem_shared>> -> memref<10000x32xf32, #tpu.memory_space<vmem_shared>>
      %dma_start3A_399 = tpu.memref_slice %arg13[%dma_start3A_388] : memref<10x!tpu.dma_semaphore, #tpu.memory_space<semaphore_mem>> -> memref<1x!tpu.dma_semaphore, #tpu.memory_space<semaphore_mem>>
      %dma_start3A_400 = tpu.memref_squeeze %dma_start3A_399 : memref<1x!tpu.dma_semaphore, #tpu.memory_space<semaphore_mem>> -> memref<!tpu.dma_semaphore, #tpu.memory_space<semaphore_mem>>
      tpu.enqueue_indirect_dma source(%dma_start3A_392 : memref<125x32xf32, #tpu.memory_space<vmem>>) target(%dma_start3A_398 : memref<10000x32xf32, #tpu.memory_space<vmem_shared>>) offsets(%dma_start3A_395 : memref<125xi32, #tpu.memory_space<vmem>>) semaphore(%dma_start3A_400 : memref<!tpu.dma_semaphore, #tpu.memory_space<semaphore_mem>>) {add = true}
      %add3A_401 = arith.constant 2 : i32
      %add3A_402 = arith.addi %mul3A_340, %add3A_401 : i32
      %dma_wait3A_403 = arith.constant 2 : i32
      %dma_wait3A_404 = arith.constant 2 : i32
      %dma_wait3A_405 = arith.constant 0 : i32
      %dma_wait3A_406 = arith.constant 0 : i32
      %dma_wait3A_407 = tpu.memref_slice %arg9[%dma_wait3A_403, %dma_wait3A_405, %dma_wait3A_406] : memref<10x125x32xf32, #tpu.memory_space<vmem>> -> memref<1x125x32xf32, #tpu.memory_space<vmem>>
      %dma_wait3A_408 = tpu.memref_squeeze %dma_wait3A_407 : memref<1x125x32xf32, #tpu.memory_space<vmem>> -> memref<125x32xf32, #tpu.memory_space<vmem>>
      %dma_wait3A_409 = arith.constant 0 : i32
      %dma_wait3A_410 = tpu.memref_slice %arg7[%add3A_402, %dma_wait3A_409] : memref<40x125xi32, #tpu.memory_space<vmem>> -> memref<1x125xi32, #tpu.memory_space<vmem>>
      %dma_wait3A_411 = tpu.memref_squeeze %dma_wait3A_410 : memref<1x125xi32, #tpu.memory_space<vmem>> -> memref<125xi32, #tpu.memory_space<vmem>>
      %dma_wait3A_412 = arith.constant 0 : i32
      %dma_wait3A_413 = arith.constant 0 : i32
      %dma_wait3A_414 = tpu.memref_slice %arg2[%dma_wait3A_412, %dma_wait3A_413] : memref<90000x32xf32, #tpu.memory_space<hbm>> -> memref<90000x32xf32, #tpu.memory_space<hbm>>
      %dma_wait3A_415 = tpu.memref_slice %arg12[%dma_wait3A_404] : memref<10x!tpu.dma_semaphore, #tpu.memory_space<semaphore_mem>> -> memref<1x!tpu.dma_semaphore, #tpu.memory_space<semaphore_mem>>
      %dma_wait3A_416 = tpu.memref_squeeze %dma_wait3A_415 : memref<1x!tpu.dma_semaphore, #tpu.memory_space<semaphore_mem>> -> memref<!tpu.dma_semaphore, #tpu.memory_space<semaphore_mem>>
      tpu.wait_indirect_dma semaphore(%dma_wait3A_416 : memref<!tpu.dma_semaphore, #tpu.memory_space<semaphore_mem>>) src(%dma_wait3A_414 : memref<90000x32xf32, #tpu.memory_space<hbm>>) dst(%dma_wait3A_408 : memref<125x32xf32, #tpu.memory_space<vmem>>)
      %dma_start3A_417 = arith.constant 2 : i32
      %dma_start3A_418 = arith.constant 2 : i32
      %dma_start3A_419 = arith.constant 0 : i32
      %dma_start3A_420 = arith.constant 0 : i32
      %dma_start3A_421 = tpu.memref_slice %arg9[%dma_start3A_417, %dma_start3A_419, %dma_start3A_420] : memref<10x125x32xf32, #tpu.memory_space<vmem>> -> memref<1x125x32xf32, #tpu.memory_space<vmem>>
      %dma_start3A_422 = tpu.memref_squeeze %dma_start3A_421 : memref<1x125x32xf32, #tpu.memory_space<vmem>> -> memref<125x32xf32, #tpu.memory_space<vmem>>
      %dma_start3A_423 = arith.constant 0 : i32
      %dma_start3A_424 = tpu.memref_slice %arg8[%add3A_402, %dma_start3A_423] : memref<40x125xi32, #tpu.memory_space<vmem>> -> memref<1x125xi32, #tpu.memory_space<vmem>>
      %dma_start3A_425 = tpu.memref_squeeze %dma_start3A_424 : memref<1x125xi32, #tpu.memory_space<vmem>> -> memref<125xi32, #tpu.memory_space<vmem>>
      %dma_start3A_426 = arith.constant 0 : i32
      %dma_start3A_427 = arith.constant 0 : i32
      %dma_start3A_428 = tpu.memref_slice %arg10[%dma_start3A_426, %dma_start3A_427] : memref<10000x32xf32, #tpu.memory_space<vmem_shared>> -> memref<10000x32xf32, #tpu.memory_space<vmem_shared>>
      %dma_start3A_429 = tpu.memref_slice %arg13[%dma_start3A_418] : memref<10x!tpu.dma_semaphore, #tpu.memory_space<semaphore_mem>> -> memref<1x!tpu.dma_semaphore, #tpu.memory_space<semaphore_mem>>
      %dma_start3A_430 = tpu.memref_squeeze %dma_start3A_429 : memref<1x!tpu.dma_semaphore, #tpu.memory_space<semaphore_mem>> -> memref<!tpu.dma_semaphore, #tpu.memory_space<semaphore_mem>>
      tpu.enqueue_indirect_dma source(%dma_start3A_422 : memref<125x32xf32, #tpu.memory_space<vmem>>) target(%dma_start3A_428 : memref<10000x32xf32, #tpu.memory_space<vmem_shared>>) offsets(%dma_start3A_425 : memref<125xi32, #tpu.memory_space<vmem>>) semaphore(%dma_start3A_430 : memref<!tpu.dma_semaphore, #tpu.memory_space<semaphore_mem>>) {add = true}
      %add3A_431 = arith.constant 3 : i32
      %add3A_432 = arith.addi %mul3A_340, %add3A_431 : i32
      %dma_wait3A_433 = arith.constant 3 : i32
      %dma_wait3A_434 = arith.constant 3 : i32
      %dma_wait3A_435 = arith.constant 0 : i32
      %dma_wait3A_436 = arith.constant 0 : i32
      %dma_wait3A_437 = tpu.memref_slice %arg9[%dma_wait3A_433, %dma_wait3A_435, %dma_wait3A_436] : memref<10x125x32xf32, #tpu.memory_space<vmem>> -> memref<1x125x32xf32, #tpu.memory_space<vmem>>
      %dma_wait3A_438 = tpu.memref_squeeze %dma_wait3A_437 : memref<1x125x32xf32, #tpu.memory_space<vmem>> -> memref<125x32xf32, #tpu.memory_space<vmem>>
      %dma_wait3A_439 = arith.constant 0 : i32
      %dma_wait3A_440 = tpu.memref_slice %arg7[%add3A_432, %dma_wait3A_439] : memref<40x125xi32, #tpu.memory_space<vmem>> -> memref<1x125xi32, #tpu.memory_space<vmem>>
      %dma_wait3A_441 = tpu.memref_squeeze %dma_wait3A_440 : memref<1x125xi32, #tpu.memory_space<vmem>> -> memref<125xi32, #tpu.memory_space<vmem>>
      %dma_wait3A_442 = arith.constant 0 : i32
      %dma_wait3A_443 = arith.constant 0 : i32
      %dma_wait3A_444 = tpu.memref_slice %arg2[%dma_wait3A_442, %dma_wait3A_443] : memref<90000x32xf32, #tpu.memory_space<hbm>> -> memref<90000x32xf32, #tpu.memory_space<hbm>>
      %dma_wait3A_445 = tpu.memref_slice %arg12[%dma_wait3A_434] : memref<10x!tpu.dma_semaphore, #tpu.memory_space<semaphore_mem>> -> memref<1x!tpu.dma_semaphore, #tpu.memory_space<semaphore_mem>>
      %dma_wait3A_446 = tpu.memref_squeeze %dma_wait3A_445 : memref<1x!tpu.dma_semaphore, #tpu.memory_space<semaphore_mem>> -> memref<!tpu.dma_semaphore, #tpu.memory_space<semaphore_mem>>
      tpu.wait_indirect_dma semaphore(%dma_wait3A_446 : memref<!tpu.dma_semaphore, #tpu.memory_space<semaphore_mem>>) src(%dma_wait3A_444 : memref<90000x32xf32, #tpu.memory_space<hbm>>) dst(%dma_wait3A_438 : memref<125x32xf32, #tpu.memory_space<vmem>>)
      %dma_start3A_447 = arith.constant 3 : i32
      %dma_start3A_448 = arith.constant 3 : i32
      %dma_start3A_449 = arith.constant 0 : i32
      %dma_start3A_450 = arith.constant 0 : i32
      %dma_start3A_451 = tpu.memref_slice %arg9[%dma_start3A_447, %dma_start3A_449, %dma_start3A_450] : memref<10x125x32xf32, #tpu.memory_space<vmem>> -> memref<1x125x32xf32, #tpu.memory_space<vmem>>
      %dma_start3A_452 = tpu.memref_squeeze %dma_start3A_451 : memref<1x125x32xf32, #tpu.memory_space<vmem>> -> memref<125x32xf32, #tpu.memory_space<vmem>>
      %dma_start3A_453 = arith.constant 0 : i32
      %dma_start3A_454 = tpu.memref_slice %arg8[%add3A_432, %dma_start3A_453] : memref<40x125xi32, #tpu.memory_space<vmem>> -> memref<1x125xi32, #tpu.memory_space<vmem>>
      %dma_start3A_455 = tpu.memref_squeeze %dma_start3A_454 : memref<1x125xi32, #tpu.memory_space<vmem>> -> memref<125xi32, #tpu.memory_space<vmem>>
      %dma_start3A_456 = arith.constant 0 : i32
      %dma_start3A_457 = arith.constant 0 : i32
      %dma_start3A_458 = tpu.memref_slice %arg10[%dma_start3A_456, %dma_start3A_457] : memref<10000x32xf32, #tpu.memory_space<vmem_shared>> -> memref<10000x32xf32, #tpu.memory_space<vmem_shared>>
      %dma_start3A_459 = tpu.memref_slice %arg13[%dma_start3A_448] : memref<10x!tpu.dma_semaphore, #tpu.memory_space<semaphore_mem>> -> memref<1x!tpu.dma_semaphore, #tpu.memory_space<semaphore_mem>>
      %dma_start3A_460 = tpu.memref_squeeze %dma_start3A_459 : memref<1x!tpu.dma_semaphore, #tpu.memory_space<semaphore_mem>> -> memref<!tpu.dma_semaphore, #tpu.memory_space<semaphore_mem>>
      tpu.enqueue_indirect_dma source(%dma_start3A_452 : memref<125x32xf32, #tpu.memory_space<vmem>>) target(%dma_start3A_458 : memref<10000x32xf32, #tpu.memory_space<vmem_shared>>) offsets(%dma_start3A_455 : memref<125xi32, #tpu.memory_space<vmem>>) semaphore(%dma_start3A_460 : memref<!tpu.dma_semaphore, #tpu.memory_space<semaphore_mem>>) {add = true}
      %add3A_461 = arith.constant 4 : i32
      %add3A_462 = arith.addi %mul3A_340, %add3A_461 : i32
      %dma_wait3A_463 = arith.constant 4 : i32
      %dma_wait3A_464 = arith.constant 4 : i32
      %dma_wait3A_465 = arith.constant 0 : i32
      %dma_wait3A_466 = arith.constant 0 : i32
      %dma_wait3A_467 = tpu.memref_slice %arg9[%dma_wait3A_463, %dma_wait3A_465, %dma_wait3A_466] : memref<10x125x32xf32, #tpu.memory_space<vmem>> -> memref<1x125x32xf32, #tpu.memory_space<vmem>>
      %dma_wait3A_468 = tpu.memref_squeeze %dma_wait3A_467 : memref<1x125x32xf32, #tpu.memory_space<vmem>> -> memref<125x32xf32, #tpu.memory_space<vmem>>
      %dma_wait3A_469 = arith.constant 0 : i32
      %dma_wait3A_470 = tpu.memref_slice %arg7[%add3A_462, %dma_wait3A_469] : memref<40x125xi32, #tpu.memory_space<vmem>> -> memref<1x125xi32, #tpu.memory_space<vmem>>
      %dma_wait3A_471 = tpu.memref_squeeze %dma_wait3A_470 : memref<1x125xi32, #tpu.memory_space<vmem>> -> memref<125xi32, #tpu.memory_space<vmem>>
      %dma_wait3A_472 = arith.constant 0 : i32
      %dma_wait3A_473 = arith.constant 0 : i32
      %dma_wait3A_474 = tpu.memref_slice %arg2[%dma_wait3A_472, %dma_wait3A_473] : memref<90000x32xf32, #tpu.memory_space<hbm>> -> memref<90000x32xf32, #tpu.memory_space<hbm>>
      %dma_wait3A_475 = tpu.memref_slice %arg12[%dma_wait3A_464] : memref<10x!tpu.dma_semaphore, #tpu.memory_space<semaphore_mem>> -> memref<1x!tpu.dma_semaphore, #tpu.memory_space<semaphore_mem>>
      %dma_wait3A_476 = tpu.memref_squeeze %dma_wait3A_475 : memref<1x!tpu.dma_semaphore, #tpu.memory_space<semaphore_mem>> -> memref<!tpu.dma_semaphore, #tpu.memory_space<semaphore_mem>>
      tpu.wait_indirect_dma semaphore(%dma_wait3A_476 : memref<!tpu.dma_semaphore, #tpu.memory_space<semaphore_mem>>) src(%dma_wait3A_474 : memref<90000x32xf32, #tpu.memory_space<hbm>>) dst(%dma_wait3A_468 : memref<125x32xf32, #tpu.memory_space<vmem>>)
      %dma_start3A_477 = arith.constant 4 : i32
      %dma_start3A_478 = arith.constant 4 : i32
      %dma_start3A_479 = arith.constant 0 : i32
      %dma_start3A_480 = arith.constant 0 : i32
      %dma_start3A_481 = tpu.memref_slice %arg9[%dma_start3A_477, %dma_start3A_479, %dma_start3A_480] : memref<10x125x32xf32, #tpu.memory_space<vmem>> -> memref<1x125x32xf32, #tpu.memory_space<vmem>>
      %dma_start3A_482 = tpu.memref_squeeze %dma_start3A_481 : memref<1x125x32xf32, #tpu.memory_space<vmem>> -> memref<125x32xf32, #tpu.memory_space<vmem>>
      %dma_start3A_483 = arith.constant 0 : i32
      %dma_start3A_484 = tpu.memref_slice %arg8[%add3A_462, %dma_start3A_483] : memref<40x125xi32, #tpu.memory_space<vmem>> -> memref<1x125xi32, #tpu.memory_space<vmem>>
      %dma_start3A_485 = tpu.memref_squeeze %dma_start3A_484 : memref<1x125xi32, #tpu.memory_space<vmem>> -> memref<125xi32, #tpu.memory_space<vmem>>
      %dma_start3A_486 = arith.constant 0 : i32
      %dma_start3A_487 = arith.constant 0 : i32
      %dma_start3A_488 = tpu.memref_slice %arg10[%dma_start3A_486, %dma_start3A_487] : memref<10000x32xf32, #tpu.memory_space<vmem_shared>> -> memref<10000x32xf32, #tpu.memory_space<vmem_shared>>
      %dma_start3A_489 = tpu.memref_slice %arg13[%dma_start3A_478] : memref<10x!tpu.dma_semaphore, #tpu.memory_space<semaphore_mem>> -> memref<1x!tpu.dma_semaphore, #tpu.memory_space<semaphore_mem>>
      %dma_start3A_490 = tpu.memref_squeeze %dma_start3A_489 : memref<1x!tpu.dma_semaphore, #tpu.memory_space<semaphore_mem>> -> memref<!tpu.dma_semaphore, #tpu.memory_space<semaphore_mem>>
      tpu.enqueue_indirect_dma source(%dma_start3A_482 : memref<125x32xf32, #tpu.memory_space<vmem>>) target(%dma_start3A_488 : memref<10000x32xf32, #tpu.memory_space<vmem_shared>>) offsets(%dma_start3A_485 : memref<125xi32, #tpu.memory_space<vmem>>) semaphore(%dma_start3A_490 : memref<!tpu.dma_semaphore, #tpu.memory_space<semaphore_mem>>) {add = true}
      %add3A_491 = arith.constant 5 : i32
      %add3A_492 = arith.addi %mul3A_340, %add3A_491 : i32
      %dma_wait3A_493 = arith.constant 5 : i32
      %dma_wait3A_494 = arith.constant 5 : i32
      %dma_wait3A_495 = arith.constant 0 : i32
      %dma_wait3A_496 = arith.constant 0 : i32
      %dma_wait3A_497 = tpu.memref_slice %arg9[%dma_wait3A_493, %dma_wait3A_495, %dma_wait3A_496] : memref<10x125x32xf32, #tpu.memory_space<vmem>> -> memref<1x125x32xf32, #tpu.memory_space<vmem>>
      %dma_wait3A_498 = tpu.memref_squeeze %dma_wait3A_497 : memref<1x125x32xf32, #tpu.memory_space<vmem>> -> memref<125x32xf32, #tpu.memory_space<vmem>>
      %dma_wait3A_499 = arith.constant 0 : i32
      %dma_wait3A_500 = tpu.memref_slice %arg7[%add3A_492, %dma_wait3A_499] : memref<40x125xi32, #tpu.memory_space<vmem>> -> memref<1x125xi32, #tpu.memory_space<vmem>>
      %dma_wait3A_501 = tpu.memref_squeeze %dma_wait3A_500 : memref<1x125xi32, #tpu.memory_space<vmem>> -> memref<125xi32, #tpu.memory_space<vmem>>
      %dma_wait3A_502 = arith.constant 0 : i32
      %dma_wait3A_503 = arith.constant 0 : i32
      %dma_wait3A_504 = tpu.memref_slice %arg2[%dma_wait3A_502, %dma_wait3A_503] : memref<90000x32xf32, #tpu.memory_space<hbm>> -> memref<90000x32xf32, #tpu.memory_space<hbm>>
      %dma_wait3A_505 = tpu.memref_slice %arg12[%dma_wait3A_494] : memref<10x!tpu.dma_semaphore, #tpu.memory_space<semaphore_mem>> -> memref<1x!tpu.dma_semaphore, #tpu.memory_space<semaphore_mem>>
      %dma_wait3A_506 = tpu.memref_squeeze %dma_wait3A_505 : memref<1x!tpu.dma_semaphore, #tpu.memory_space<semaphore_mem>> -> memref<!tpu.dma_semaphore, #tpu.memory_space<semaphore_mem>>
      tpu.wait_indirect_dma semaphore(%dma_wait3A_506 : memref<!tpu.dma_semaphore, #tpu.memory_space<semaphore_mem>>) src(%dma_wait3A_504 : memref<90000x32xf32, #tpu.memory_space<hbm>>) dst(%dma_wait3A_498 : memref<125x32xf32, #tpu.memory_space<vmem>>)
      %dma_start3A_507 = arith.constant 5 : i32
      %dma_start3A_508 = arith.constant 5 : i32
      %dma_start3A_509 = arith.constant 0 : i32
      %dma_start3A_510 = arith.constant 0 : i32
      %dma_start3A_511 = tpu.memref_slice %arg9[%dma_start3A_507, %dma_start3A_509, %dma_start3A_510] : memref<10x125x32xf32, #tpu.memory_space<vmem>> -> memref<1x125x32xf32, #tpu.memory_space<vmem>>
      %dma_start3A_512 = tpu.memref_squeeze %dma_start3A_511 : memref<1x125x32xf32, #tpu.memory_space<vmem>> -> memref<125x32xf32, #tpu.memory_space<vmem>>
      %dma_start3A_513 = arith.constant 0 : i32
      %dma_start3A_514 = tpu.memref_slice %arg8[%add3A_492, %dma_start3A_513] : memref<40x125xi32, #tpu.memory_space<vmem>> -> memref<1x125xi32, #tpu.memory_space<vmem>>
      %dma_start3A_515 = tpu.memref_squeeze %dma_start3A_514 : memref<1x125xi32, #tpu.memory_space<vmem>> -> memref<125xi32, #tpu.memory_space<vmem>>
      %dma_start3A_516 = arith.constant 0 : i32
      %dma_start3A_517 = arith.constant 0 : i32
      %dma_start3A_518 = tpu.memref_slice %arg10[%dma_start3A_516, %dma_start3A_517] : memref<10000x32xf32, #tpu.memory_space<vmem_shared>> -> memref<10000x32xf32, #tpu.memory_space<vmem_shared>>
      %dma_start3A_519 = tpu.memref_slice %arg13[%dma_start3A_508] : memref<10x!tpu.dma_semaphore, #tpu.memory_space<semaphore_mem>> -> memref<1x!tpu.dma_semaphore, #tpu.memory_space<semaphore_mem>>
      %dma_start3A_520 = tpu.memref_squeeze %dma_start3A_519 : memref<1x!tpu.dma_semaphore, #tpu.memory_space<semaphore_mem>> -> memref<!tpu.dma_semaphore, #tpu.memory_space<semaphore_mem>>
      tpu.enqueue_indirect_dma source(%dma_start3A_512 : memref<125x32xf32, #tpu.memory_space<vmem>>) target(%dma_start3A_518 : memref<10000x32xf32, #tpu.memory_space<vmem_shared>>) offsets(%dma_start3A_515 : memref<125xi32, #tpu.memory_space<vmem>>) semaphore(%dma_start3A_520 : memref<!tpu.dma_semaphore, #tpu.memory_space<semaphore_mem>>) {add = true}
      %add3A_521 = arith.constant 6 : i32
      %add3A_522 = arith.addi %mul3A_340, %add3A_521 : i32
      %dma_wait3A_523 = arith.constant 6 : i32
      %dma_wait3A_524 = arith.constant 6 : i32
      %dma_wait3A_525 = arith.constant 0 : i32
      %dma_wait3A_526 = arith.constant 0 : i32
      %dma_wait3A_527 = tpu.memref_slice %arg9[%dma_wait3A_523, %dma_wait3A_525, %dma_wait3A_526] : memref<10x125x32xf32, #tpu.memory_space<vmem>> -> memref<1x125x32xf32, #tpu.memory_space<vmem>>
      %dma_wait3A_528 = tpu.memref_squeeze %dma_wait3A_527 : memref<1x125x32xf32, #tpu.memory_space<vmem>> -> memref<125x32xf32, #tpu.memory_space<vmem>>
      %dma_wait3A_529 = arith.constant 0 : i32
      %dma_wait3A_530 = tpu.memref_slice %arg7[%add3A_522, %dma_wait3A_529] : memref<40x125xi32, #tpu.memory_space<vmem>> -> memref<1x125xi32, #tpu.memory_space<vmem>>
      %dma_wait3A_531 = tpu.memref_squeeze %dma_wait3A_530 : memref<1x125xi32, #tpu.memory_space<vmem>> -> memref<125xi32, #tpu.memory_space<vmem>>
      %dma_wait3A_532 = arith.constant 0 : i32
      %dma_wait3A_533 = arith.constant 0 : i32
      %dma_wait3A_534 = tpu.memref_slice %arg2[%dma_wait3A_532, %dma_wait3A_533] : memref<90000x32xf32, #tpu.memory_space<hbm>> -> memref<90000x32xf32, #tpu.memory_space<hbm>>
      %dma_wait3A_535 = tpu.memref_slice %arg12[%dma_wait3A_524] : memref<10x!tpu.dma_semaphore, #tpu.memory_space<semaphore_mem>> -> memref<1x!tpu.dma_semaphore, #tpu.memory_space<semaphore_mem>>
      %dma_wait3A_536 = tpu.memref_squeeze %dma_wait3A_535 : memref<1x!tpu.dma_semaphore, #tpu.memory_space<semaphore_mem>> -> memref<!tpu.dma_semaphore, #tpu.memory_space<semaphore_mem>>
      tpu.wait_indirect_dma semaphore(%dma_wait3A_536 : memref<!tpu.dma_semaphore, #tpu.memory_space<semaphore_mem>>) src(%dma_wait3A_534 : memref<90000x32xf32, #tpu.memory_space<hbm>>) dst(%dma_wait3A_528 : memref<125x32xf32, #tpu.memory_space<vmem>>)
      %dma_start3A_537 = arith.constant 6 : i32
      %dma_start3A_538 = arith.constant 6 : i32
      %dma_start3A_539 = arith.constant 0 : i32
      %dma_start3A_540 = arith.constant 0 : i32
      %dma_start3A_541 = tpu.memref_slice %arg9[%dma_start3A_537, %dma_start3A_539, %dma_start3A_540] : memref<10x125x32xf32, #tpu.memory_space<vmem>> -> memref<1x125x32xf32, #tpu.memory_space<vmem>>
      %dma_start3A_542 = tpu.memref_squeeze %dma_start3A_541 : memref<1x125x32xf32, #tpu.memory_space<vmem>> -> memref<125x32xf32, #tpu.memory_space<vmem>>
      %dma_start3A_543 = arith.constant 0 : i32
      %dma_start3A_544 = tpu.memref_slice %arg8[%add3A_522, %dma_start3A_543] : memref<40x125xi32, #tpu.memory_space<vmem>> -> memref<1x125xi32, #tpu.memory_space<vmem>>
      %dma_start3A_545 = tpu.memref_squeeze %dma_start3A_544 : memref<1x125xi32, #tpu.memory_space<vmem>> -> memref<125xi32, #tpu.memory_space<vmem>>
      %dma_start3A_546 = arith.constant 0 : i32
      %dma_start3A_547 = arith.constant 0 : i32
      %dma_start3A_548 = tpu.memref_slice %arg10[%dma_start3A_546, %dma_start3A_547] : memref<10000x32xf32, #tpu.memory_space<vmem_shared>> -> memref<10000x32xf32, #tpu.memory_space<vmem_shared>>
      %dma_start3A_549 = tpu.memref_slice %arg13[%dma_start3A_538] : memref<10x!tpu.dma_semaphore, #tpu.memory_space<semaphore_mem>> -> memref<1x!tpu.dma_semaphore, #tpu.memory_space<semaphore_mem>>
      %dma_start3A_550 = tpu.memref_squeeze %dma_start3A_549 : memref<1x!tpu.dma_semaphore, #tpu.memory_space<semaphore_mem>> -> memref<!tpu.dma_semaphore, #tpu.memory_space<semaphore_mem>>
      tpu.enqueue_indirect_dma source(%dma_start3A_542 : memref<125x32xf32, #tpu.memory_space<vmem>>) target(%dma_start3A_548 : memref<10000x32xf32, #tpu.memory_space<vmem_shared>>) offsets(%dma_start3A_545 : memref<125xi32, #tpu.memory_space<vmem>>) semaphore(%dma_start3A_550 : memref<!tpu.dma_semaphore, #tpu.memory_space<semaphore_mem>>) {add = true}
      %add3A_551 = arith.constant 7 : i32
      %add3A_552 = arith.addi %mul3A_340, %add3A_551 : i32
      %dma_wait3A_553 = arith.constant 7 : i32
      %dma_wait3A_554 = arith.constant 7 : i32
      %dma_wait3A_555 = arith.constant 0 : i32
      %dma_wait3A_556 = arith.constant 0 : i32
      %dma_wait3A_557 = tpu.memref_slice %arg9[%dma_wait3A_553, %dma_wait3A_555, %dma_wait3A_556] : memref<10x125x32xf32, #tpu.memory_space<vmem>> -> memref<1x125x32xf32, #tpu.memory_space<vmem>>
      %dma_wait3A_558 = tpu.memref_squeeze %dma_wait3A_557 : memref<1x125x32xf32, #tpu.memory_space<vmem>> -> memref<125x32xf32, #tpu.memory_space<vmem>>
      %dma_wait3A_559 = arith.constant 0 : i32
      %dma_wait3A_560 = tpu.memref_slice %arg7[%add3A_552, %dma_wait3A_559] : memref<40x125xi32, #tpu.memory_space<vmem>> -> memref<1x125xi32, #tpu.memory_space<vmem>>
      %dma_wait3A_561 = tpu.memref_squeeze %dma_wait3A_560 : memref<1x125xi32, #tpu.memory_space<vmem>> -> memref<125xi32, #tpu.memory_space<vmem>>
      %dma_wait3A_562 = arith.constant 0 : i32
      %dma_wait3A_563 = arith.constant 0 : i32
      %dma_wait3A_564 = tpu.memref_slice %arg2[%dma_wait3A_562, %dma_wait3A_563] : memref<90000x32xf32, #tpu.memory_space<hbm>> -> memref<90000x32xf32, #tpu.memory_space<hbm>>
      %dma_wait3A_565 = tpu.memref_slice %arg12[%dma_wait3A_554] : memref<10x!tpu.dma_semaphore, #tpu.memory_space<semaphore_mem>> -> memref<1x!tpu.dma_semaphore, #tpu.memory_space<semaphore_mem>>
      %dma_wait3A_566 = tpu.memref_squeeze %dma_wait3A_565 : memref<1x!tpu.dma_semaphore, #tpu.memory_space<semaphore_mem>> -> memref<!tpu.dma_semaphore, #tpu.memory_space<semaphore_mem>>
      tpu.wait_indirect_dma semaphore(%dma_wait3A_566 : memref<!tpu.dma_semaphore, #tpu.memory_space<semaphore_mem>>) src(%dma_wait3A_564 : memref<90000x32xf32, #tpu.memory_space<hbm>>) dst(%dma_wait3A_558 : memref<125x32xf32, #tpu.memory_space<vmem>>)
      %dma_start3A_567 = arith.constant 7 : i32
      %dma_start3A_568 = arith.constant 7 : i32
      %dma_start3A_569 = arith.constant 0 : i32
      %dma_start3A_570 = arith.constant 0 : i32
      %dma_start3A_571 = tpu.memref_slice %arg9[%dma_start3A_567, %dma_start3A_569, %dma_start3A_570] : memref<10x125x32xf32, #tpu.memory_space<vmem>> -> memref<1x125x32xf32, #tpu.memory_space<vmem>>
      %dma_start3A_572 = tpu.memref_squeeze %dma_start3A_571 : memref<1x125x32xf32, #tpu.memory_space<vmem>> -> memref<125x32xf32, #tpu.memory_space<vmem>>
      %dma_start3A_573 = arith.constant 0 : i32
      %dma_start3A_574 = tpu.memref_slice %arg8[%add3A_552, %dma_start3A_573] : memref<40x125xi32, #tpu.memory_space<vmem>> -> memref<1x125xi32, #tpu.memory_space<vmem>>
      %dma_start3A_575 = tpu.memref_squeeze %dma_start3A_574 : memref<1x125xi32, #tpu.memory_space<vmem>> -> memref<125xi32, #tpu.memory_space<vmem>>
      %dma_start3A_576 = arith.constant 0 : i32
      %dma_start3A_577 = arith.constant 0 : i32
      %dma_start3A_578 = tpu.memref_slice %arg10[%dma_start3A_576, %dma_start3A_577] : memref<10000x32xf32, #tpu.memory_space<vmem_shared>> -> memref<10000x32xf32, #tpu.memory_space<vmem_shared>>
      %dma_start3A_579 = tpu.memref_slice %arg13[%dma_start3A_568] : memref<10x!tpu.dma_semaphore, #tpu.memory_space<semaphore_mem>> -> memref<1x!tpu.dma_semaphore, #tpu.memory_space<semaphore_mem>>
      %dma_start3A_580 = tpu.memref_squeeze %dma_start3A_579 : memref<1x!tpu.dma_semaphore, #tpu.memory_space<semaphore_mem>> -> memref<!tpu.dma_semaphore, #tpu.memory_space<semaphore_mem>>
      tpu.enqueue_indirect_dma source(%dma_start3A_572 : memref<125x32xf32, #tpu.memory_space<vmem>>) target(%dma_start3A_578 : memref<10000x32xf32, #tpu.memory_space<vmem_shared>>) offsets(%dma_start3A_575 : memref<125xi32, #tpu.memory_space<vmem>>) semaphore(%dma_start3A_580 : memref<!tpu.dma_semaphore, #tpu.memory_space<semaphore_mem>>) {add = true}
      %add3A_581 = arith.constant 8 : i32
      %add3A_582 = arith.addi %mul3A_340, %add3A_581 : i32
      %dma_wait3A_583 = arith.constant 8 : i32
      %dma_wait3A_584 = arith.constant 8 : i32
      %dma_wait3A_585 = arith.constant 0 : i32
      %dma_wait3A_586 = arith.constant 0 : i32
      %dma_wait3A_587 = tpu.memref_slice %arg9[%dma_wait3A_583, %dma_wait3A_585, %dma_wait3A_586] : memref<10x125x32xf32, #tpu.memory_space<vmem>> -> memref<1x125x32xf32, #tpu.memory_space<vmem>>
      %dma_wait3A_588 = tpu.memref_squeeze %dma_wait3A_587 : memref<1x125x32xf32, #tpu.memory_space<vmem>> -> memref<125x32xf32, #tpu.memory_space<vmem>>
      %dma_wait3A_589 = arith.constant 0 : i32
      %dma_wait3A_590 = tpu.memref_slice %arg7[%add3A_582, %dma_wait3A_589] : memref<40x125xi32, #tpu.memory_space<vmem>> -> memref<1x125xi32, #tpu.memory_space<vmem>>
      %dma_wait3A_591 = tpu.memref_squeeze %dma_wait3A_590 : memref<1x125xi32, #tpu.memory_space<vmem>> -> memref<125xi32, #tpu.memory_space<vmem>>
      %dma_wait3A_592 = arith.constant 0 : i32
      %dma_wait3A_593 = arith.constant 0 : i32
      %dma_wait3A_594 = tpu.memref_slice %arg2[%dma_wait3A_592, %dma_wait3A_593] : memref<90000x32xf32, #tpu.memory_space<hbm>> -> memref<90000x32xf32, #tpu.memory_space<hbm>>
      %dma_wait3A_595 = tpu.memref_slice %arg12[%dma_wait3A_584] : memref<10x!tpu.dma_semaphore, #tpu.memory_space<semaphore_mem>> -> memref<1x!tpu.dma_semaphore, #tpu.memory_space<semaphore_mem>>
      %dma_wait3A_596 = tpu.memref_squeeze %dma_wait3A_595 : memref<1x!tpu.dma_semaphore, #tpu.memory_space<semaphore_mem>> -> memref<!tpu.dma_semaphore, #tpu.memory_space<semaphore_mem>>
      tpu.wait_indirect_dma semaphore(%dma_wait3A_596 : memref<!tpu.dma_semaphore, #tpu.memory_space<semaphore_mem>>) src(%dma_wait3A_594 : memref<90000x32xf32, #tpu.memory_space<hbm>>) dst(%dma_wait3A_588 : memref<125x32xf32, #tpu.memory_space<vmem>>)
      %dma_start3A_597 = arith.constant 8 : i32
      %dma_start3A_598 = arith.constant 8 : i32
      %dma_start3A_599 = arith.constant 0 : i32
      %dma_start3A_600 = arith.constant 0 : i32
      %dma_start3A_601 = tpu.memref_slice %arg9[%dma_start3A_597, %dma_start3A_599, %dma_start3A_600] : memref<10x125x32xf32, #tpu.memory_space<vmem>> -> memref<1x125x32xf32, #tpu.memory_space<vmem>>
      %dma_start3A_602 = tpu.memref_squeeze %dma_start3A_601 : memref<1x125x32xf32, #tpu.memory_space<vmem>> -> memref<125x32xf32, #tpu.memory_space<vmem>>
      %dma_start3A_603 = arith.constant 0 : i32
      %dma_start3A_604 = tpu.memref_slice %arg8[%add3A_582, %dma_start3A_603] : memref<40x125xi32, #tpu.memory_space<vmem>> -> memref<1x125xi32, #tpu.memory_space<vmem>>
      %dma_start3A_605 = tpu.memref_squeeze %dma_start3A_604 : memref<1x125xi32, #tpu.memory_space<vmem>> -> memref<125xi32, #tpu.memory_space<vmem>>
      %dma_start3A_606 = arith.constant 0 : i32
      %dma_start3A_607 = arith.constant 0 : i32
      %dma_start3A_608 = tpu.memref_slice %arg10[%dma_start3A_606, %dma_start3A_607] : memref<10000x32xf32, #tpu.memory_space<vmem_shared>> -> memref<10000x32xf32, #tpu.memory_space<vmem_shared>>
      %dma_start3A_609 = tpu.memref_slice %arg13[%dma_start3A_598] : memref<10x!tpu.dma_semaphore, #tpu.memory_space<semaphore_mem>> -> memref<1x!tpu.dma_semaphore, #tpu.memory_space<semaphore_mem>>
      %dma_start3A_610 = tpu.memref_squeeze %dma_start3A_609 : memref<1x!tpu.dma_semaphore, #tpu.memory_space<semaphore_mem>> -> memref<!tpu.dma_semaphore, #tpu.memory_space<semaphore_mem>>
      tpu.enqueue_indirect_dma source(%dma_start3A_602 : memref<125x32xf32, #tpu.memory_space<vmem>>) target(%dma_start3A_608 : memref<10000x32xf32, #tpu.memory_space<vmem_shared>>) offsets(%dma_start3A_605 : memref<125xi32, #tpu.memory_space<vmem>>) semaphore(%dma_start3A_610 : memref<!tpu.dma_semaphore, #tpu.memory_space<semaphore_mem>>) {add = true}
      %add3A_611 = arith.constant 9 : i32
      %add3A_612 = arith.addi %mul3A_340, %add3A_611 : i32
      %dma_wait3A_613 = arith.constant 9 : i32
      %dma_wait3A_614 = arith.constant 9 : i32
      %dma_wait3A_615 = arith.constant 0 : i32
      %dma_wait3A_616 = arith.constant 0 : i32
      %dma_wait3A_617 = tpu.memref_slice %arg9[%dma_wait3A_613, %dma_wait3A_615, %dma_wait3A_616] : memref<10x125x32xf32, #tpu.memory_space<vmem>> -> memref<1x125x32xf32, #tpu.memory_space<vmem>>
      %dma_wait3A_618 = tpu.memref_squeeze %dma_wait3A_617 : memref<1x125x32xf32, #tpu.memory_space<vmem>> -> memref<125x32xf32, #tpu.memory_space<vmem>>
      %dma_wait3A_619 = arith.constant 0 : i32
      %dma_wait3A_620 = tpu.memref_slice %arg7[%add3A_612, %dma_wait3A_619] : memref<40x125xi32, #tpu.memory_space<vmem>> -> memref<1x125xi32, #tpu.memory_space<vmem>>
      %dma_wait3A_621 = tpu.memref_squeeze %dma_wait3A_620 : memref<1x125xi32, #tpu.memory_space<vmem>> -> memref<125xi32, #tpu.memory_space<vmem>>
      %dma_wait3A_622 = arith.constant 0 : i32
      %dma_wait3A_623 = arith.constant 0 : i32
      %dma_wait3A_624 = tpu.memref_slice %arg2[%dma_wait3A_622, %dma_wait3A_623] : memref<90000x32xf32, #tpu.memory_space<hbm>> -> memref<90000x32xf32, #tpu.memory_space<hbm>>
      %dma_wait3A_625 = tpu.memref_slice %arg12[%dma_wait3A_614] : memref<10x!tpu.dma_semaphore, #tpu.memory_space<semaphore_mem>> -> memref<1x!tpu.dma_semaphore, #tpu.memory_space<semaphore_mem>>
      %dma_wait3A_626 = tpu.memref_squeeze %dma_wait3A_625 : memref<1x!tpu.dma_semaphore, #tpu.memory_space<semaphore_mem>> -> memref<!tpu.dma_semaphore, #tpu.memory_space<semaphore_mem>>
      tpu.wait_indirect_dma semaphore(%dma_wait3A_626 : memref<!tpu.dma_semaphore, #tpu.memory_space<semaphore_mem>>) src(%dma_wait3A_624 : memref<90000x32xf32, #tpu.memory_space<hbm>>) dst(%dma_wait3A_618 : memref<125x32xf32, #tpu.memory_space<vmem>>)
      %dma_start3A_627 = arith.constant 9 : i32
      %dma_start3A_628 = arith.constant 9 : i32
      %dma_start3A_629 = arith.constant 0 : i32
      %dma_start3A_630 = arith.constant 0 : i32
      %dma_start3A_631 = tpu.memref_slice %arg9[%dma_start3A_627, %dma_start3A_629, %dma_start3A_630] : memref<10x125x32xf32, #tpu.memory_space<vmem>> -> memref<1x125x32xf32, #tpu.memory_space<vmem>>
      %dma_start3A_632 = tpu.memref_squeeze %dma_start3A_631 : memref<1x125x32xf32, #tpu.memory_space<vmem>> -> memref<125x32xf32, #tpu.memory_space<vmem>>
      %dma_start3A_633 = arith.constant 0 : i32
      %dma_start3A_634 = tpu.memref_slice %arg8[%add3A_612, %dma_start3A_633] : memref<40x125xi32, #tpu.memory_space<vmem>> -> memref<1x125xi32, #tpu.memory_space<vmem>>
      %dma_start3A_635 = tpu.memref_squeeze %dma_start3A_634 : memref<1x125xi32, #tpu.memory_space<vmem>> -> memref<125xi32, #tpu.memory_space<vmem>>
      %dma_start3A_636 = arith.constant 0 : i32
      %dma_start3A_637 = arith.constant 0 : i32
      %dma_start3A_638 = tpu.memref_slice %arg10[%dma_start3A_636, %dma_start3A_637] : memref<10000x32xf32, #tpu.memory_space<vmem_shared>> -> memref<10000x32xf32, #tpu.memory_space<vmem_shared>>
      %dma_start3A_639 = tpu.memref_slice %arg13[%dma_start3A_628] : memref<10x!tpu.dma_semaphore, #tpu.memory_space<semaphore_mem>> -> memref<1x!tpu.dma_semaphore, #tpu.memory_space<semaphore_mem>>
      %dma_start3A_640 = tpu.memref_squeeze %dma_start3A_639 : memref<1x!tpu.dma_semaphore, #tpu.memory_space<semaphore_mem>> -> memref<!tpu.dma_semaphore, #tpu.memory_space<semaphore_mem>>
      tpu.enqueue_indirect_dma source(%dma_start3A_632 : memref<125x32xf32, #tpu.memory_space<vmem>>) target(%dma_start3A_638 : memref<10000x32xf32, #tpu.memory_space<vmem_shared>>) offsets(%dma_start3A_635 : memref<125xi32, #tpu.memory_space<vmem>>) semaphore(%dma_start3A_640 : memref<!tpu.dma_semaphore, #tpu.memory_space<semaphore_mem>>) {add = true}
      %add3A_641 = arith.constant 0 : i32
      %add3A_642 = arith.addi %mul3A_340, %add3A_641 : i32
      %add3A_643 = arith.constant 10 : i32
      %add3A_644 = arith.addi %add3A_642, %add3A_643 : i32
      %lt3A = arith.constant 40 : i32
      %lt3A_645 = arith.cmpi slt, %add3A_644, %lt3A : i32
      %convert_element_type3A = arith.extui %lt3A_645 : i1 to i32
      %cond3A = arith.constant 0 : i32
      %cond3A_646 = arith.cmpi ne, %convert_element_type3A, %cond3A : i32
      scf.if %cond3A_646 {
        %dma_wait3A_728 = arith.constant 0 : i32
        %dma_wait3A_729 = arith.constant 0 : i32
        %dma_wait3A_730 = arith.constant 0 : i32
        %dma_wait3A_731 = arith.constant 0 : i32
        %dma_wait3A_732 = tpu.memref_slice %arg9[%dma_wait3A_728, %dma_wait3A_730, %dma_wait3A_731] : memref<10x125x32xf32, #tpu.memory_space<vmem>> -> memref<1x125x32xf32, #tpu.memory_space<vmem>>
        %dma_wait3A_733 = tpu.memref_squeeze %dma_wait3A_732 : memref<1x125x32xf32, #tpu.memory_space<vmem>> -> memref<125x32xf32, #tpu.memory_space<vmem>>
        %dma_wait3A_734 = arith.constant 0 : i32
        %dma_wait3A_735 = tpu.memref_slice %arg8[%add3A_642, %dma_wait3A_734] : memref<40x125xi32, #tpu.memory_space<vmem>> -> memref<1x125xi32, #tpu.memory_space<vmem>>
        %dma_wait3A_736 = tpu.memref_squeeze %dma_wait3A_735 : memref<1x125xi32, #tpu.memory_space<vmem>> -> memref<125xi32, #tpu.memory_space<vmem>>
        %dma_wait3A_737 = arith.constant 0 : i32
        %dma_wait3A_738 = arith.constant 0 : i32
        %dma_wait3A_739 = tpu.memref_slice %arg10[%dma_wait3A_737, %dma_wait3A_738] : memref<10000x32xf32, #tpu.memory_space<vmem_shared>> -> memref<10000x32xf32, #tpu.memory_space<vmem_shared>>
        %dma_wait3A_740 = tpu.memref_slice %arg13[%dma_wait3A_729] : memref<10x!tpu.dma_semaphore, #tpu.memory_space<semaphore_mem>> -> memref<1x!tpu.dma_semaphore, #tpu.memory_space<semaphore_mem>>
        %dma_wait3A_741 = tpu.memref_squeeze %dma_wait3A_740 : memref<1x!tpu.dma_semaphore, #tpu.memory_space<semaphore_mem>> -> memref<!tpu.dma_semaphore, #tpu.memory_space<semaphore_mem>>
        tpu.wait_indirect_dma semaphore(%dma_wait3A_741 : memref<!tpu.dma_semaphore, #tpu.memory_space<semaphore_mem>>) src(%dma_wait3A_733 : memref<125x32xf32, #tpu.memory_space<vmem>>) dst(%dma_wait3A_739 : memref<10000x32xf32, #tpu.memory_space<vmem_shared>>)
        %add3A_742 = arith.constant 10 : i32
        %add3A_743 = arith.addi %add3A_642, %add3A_742 : i32
        %dma_start3A_744 = arith.constant 0 : i32
        %dma_start3A_745 = arith.constant 0 : i32
        %dma_start3A_746 = arith.constant 0 : i32
        %dma_start3A_747 = arith.constant 0 : i32
        %dma_start3A_748 = tpu.memref_slice %arg9[%dma_start3A_744, %dma_start3A_746, %dma_start3A_747] : memref<10x125x32xf32, #tpu.memory_space<vmem>> -> memref<1x125x32xf32, #tpu.memory_space<vmem>>
        %dma_start3A_749 = tpu.memref_squeeze %dma_start3A_748 : memref<1x125x32xf32, #tpu.memory_space<vmem>> -> memref<125x32xf32, #tpu.memory_space<vmem>>
        %dma_start3A_750 = arith.constant 0 : i32
        %dma_start3A_751 = tpu.memref_slice %arg7[%add3A_743, %dma_start3A_750] : memref<40x125xi32, #tpu.memory_space<vmem>> -> memref<1x125xi32, #tpu.memory_space<vmem>>
        %dma_start3A_752 = tpu.memref_squeeze %dma_start3A_751 : memref<1x125xi32, #tpu.memory_space<vmem>> -> memref<125xi32, #tpu.memory_space<vmem>>
        %dma_start3A_753 = arith.constant 0 : i32
        %dma_start3A_754 = arith.constant 0 : i32
        %dma_start3A_755 = tpu.memref_slice %arg2[%dma_start3A_753, %dma_start3A_754] : memref<90000x32xf32, #tpu.memory_space<hbm>> -> memref<90000x32xf32, #tpu.memory_space<hbm>>
        %dma_start3A_756 = tpu.memref_slice %arg12[%dma_start3A_745] : memref<10x!tpu.dma_semaphore, #tpu.memory_space<semaphore_mem>> -> memref<1x!tpu.dma_semaphore, #tpu.memory_space<semaphore_mem>>
        %dma_start3A_757 = tpu.memref_squeeze %dma_start3A_756 : memref<1x!tpu.dma_semaphore, #tpu.memory_space<semaphore_mem>> -> memref<!tpu.dma_semaphore, #tpu.memory_space<semaphore_mem>>
        tpu.enqueue_indirect_dma source(%dma_start3A_755 : memref<90000x32xf32, #tpu.memory_space<hbm>>) target(%dma_start3A_749 : memref<125x32xf32, #tpu.memory_space<vmem>>) offsets(%dma_start3A_752 : memref<125xi32, #tpu.memory_space<vmem>>) semaphore(%dma_start3A_757 : memref<!tpu.dma_semaphore, #tpu.memory_space<semaphore_mem>>)
      } else {
      }
      %add3A_647 = arith.constant 1 : i32
      %add3A_648 = arith.addi %mul3A_340, %add3A_647 : i32
      %add3A_649 = arith.constant 10 : i32
      %add3A_650 = arith.addi %add3A_648, %add3A_649 : i32
      %lt3A_651 = arith.constant 40 : i32
      %lt3A_652 = arith.cmpi slt, %add3A_650, %lt3A_651 : i32
      %convert_element_type3A_653 = arith.extui %lt3A_652 : i1 to i32
      %cond3A_654 = arith.constant 0 : i32
      %cond3A_655 = arith.cmpi ne, %convert_element_type3A_653, %cond3A_654 : i32
      scf.if %cond3A_655 {
        %dma_wait3A_728 = arith.constant 1 : i32
        %dma_wait3A_729 = arith.constant 1 : i32
        %dma_wait3A_730 = arith.constant 0 : i32
        %dma_wait3A_731 = arith.constant 0 : i32
        %dma_wait3A_732 = tpu.memref_slice %arg9[%dma_wait3A_728, %dma_wait3A_730, %dma_wait3A_731] : memref<10x125x32xf32, #tpu.memory_space<vmem>> -> memref<1x125x32xf32, #tpu.memory_space<vmem>>
        %dma_wait3A_733 = tpu.memref_squeeze %dma_wait3A_732 : memref<1x125x32xf32, #tpu.memory_space<vmem>> -> memref<125x32xf32, #tpu.memory_space<vmem>>
        %dma_wait3A_734 = arith.constant 0 : i32
        %dma_wait3A_735 = tpu.memref_slice %arg8[%add3A_648, %dma_wait3A_734] : memref<40x125xi32, #tpu.memory_space<vmem>> -> memref<1x125xi32, #tpu.memory_space<vmem>>
        %dma_wait3A_736 = tpu.memref_squeeze %dma_wait3A_735 : memref<1x125xi32, #tpu.memory_space<vmem>> -> memref<125xi32, #tpu.memory_space<vmem>>
        %dma_wait3A_737 = arith.constant 0 : i32
        %dma_wait3A_738 = arith.constant 0 : i32
        %dma_wait3A_739 = tpu.memref_slice %arg10[%dma_wait3A_737, %dma_wait3A_738] : memref<10000x32xf32, #tpu.memory_space<vmem_shared>> -> memref<10000x32xf32, #tpu.memory_space<vmem_shared>>
        %dma_wait3A_740 = tpu.memref_slice %arg13[%dma_wait3A_729] : memref<10x!tpu.dma_semaphore, #tpu.memory_space<semaphore_mem>> -> memref<1x!tpu.dma_semaphore, #tpu.memory_space<semaphore_mem>>
        %dma_wait3A_741 = tpu.memref_squeeze %dma_wait3A_740 : memref<1x!tpu.dma_semaphore, #tpu.memory_space<semaphore_mem>> -> memref<!tpu.dma_semaphore, #tpu.memory_space<semaphore_mem>>
        tpu.wait_indirect_dma semaphore(%dma_wait3A_741 : memref<!tpu.dma_semaphore, #tpu.memory_space<semaphore_mem>>) src(%dma_wait3A_733 : memref<125x32xf32, #tpu.memory_space<vmem>>) dst(%dma_wait3A_739 : memref<10000x32xf32, #tpu.memory_space<vmem_shared>>)
        %add3A_742 = arith.constant 10 : i32
        %add3A_743 = arith.addi %add3A_648, %add3A_742 : i32
        %dma_start3A_744 = arith.constant 1 : i32
        %dma_start3A_745 = arith.constant 1 : i32
        %dma_start3A_746 = arith.constant 0 : i32
        %dma_start3A_747 = arith.constant 0 : i32
        %dma_start3A_748 = tpu.memref_slice %arg9[%dma_start3A_744, %dma_start3A_746, %dma_start3A_747] : memref<10x125x32xf32, #tpu.memory_space<vmem>> -> memref<1x125x32xf32, #tpu.memory_space<vmem>>
        %dma_start3A_749 = tpu.memref_squeeze %dma_start3A_748 : memref<1x125x32xf32, #tpu.memory_space<vmem>> -> memref<125x32xf32, #tpu.memory_space<vmem>>
        %dma_start3A_750 = arith.constant 0 : i32
        %dma_start3A_751 = tpu.memref_slice %arg7[%add3A_743, %dma_start3A_750] : memref<40x125xi32, #tpu.memory_space<vmem>> -> memref<1x125xi32, #tpu.memory_space<vmem>>
        %dma_start3A_752 = tpu.memref_squeeze %dma_start3A_751 : memref<1x125xi32, #tpu.memory_space<vmem>> -> memref<125xi32, #tpu.memory_space<vmem>>
        %dma_start3A_753 = arith.constant 0 : i32
        %dma_start3A_754 = arith.constant 0 : i32
        %dma_start3A_755 = tpu.memref_slice %arg2[%dma_start3A_753, %dma_start3A_754] : memref<90000x32xf32, #tpu.memory_space<hbm>> -> memref<90000x32xf32, #tpu.memory_space<hbm>>
        %dma_start3A_756 = tpu.memref_slice %arg12[%dma_start3A_745] : memref<10x!tpu.dma_semaphore, #tpu.memory_space<semaphore_mem>> -> memref<1x!tpu.dma_semaphore, #tpu.memory_space<semaphore_mem>>
        %dma_start3A_757 = tpu.memref_squeeze %dma_start3A_756 : memref<1x!tpu.dma_semaphore, #tpu.memory_space<semaphore_mem>> -> memref<!tpu.dma_semaphore, #tpu.memory_space<semaphore_mem>>
        tpu.enqueue_indirect_dma source(%dma_start3A_755 : memref<90000x32xf32, #tpu.memory_space<hbm>>) target(%dma_start3A_749 : memref<125x32xf32, #tpu.memory_space<vmem>>) offsets(%dma_start3A_752 : memref<125xi32, #tpu.memory_space<vmem>>) semaphore(%dma_start3A_757 : memref<!tpu.dma_semaphore, #tpu.memory_space<semaphore_mem>>)
      } else {
      }
      %add3A_656 = arith.constant 2 : i32
      %add3A_657 = arith.addi %mul3A_340, %add3A_656 : i32
      %add3A_658 = arith.constant 10 : i32
      %add3A_659 = arith.addi %add3A_657, %add3A_658 : i32
      %lt3A_660 = arith.constant 40 : i32
      %lt3A_661 = arith.cmpi slt, %add3A_659, %lt3A_660 : i32
      %convert_element_type3A_662 = arith.extui %lt3A_661 : i1 to i32
      %cond3A_663 = arith.constant 0 : i32
      %cond3A_664 = arith.cmpi ne, %convert_element_type3A_662, %cond3A_663 : i32
      scf.if %cond3A_664 {
        %dma_wait3A_728 = arith.constant 2 : i32
        %dma_wait3A_729 = arith.constant 2 : i32
        %dma_wait3A_730 = arith.constant 0 : i32
        %dma_wait3A_731 = arith.constant 0 : i32
        %dma_wait3A_732 = tpu.memref_slice %arg9[%dma_wait3A_728, %dma_wait3A_730, %dma_wait3A_731] : memref<10x125x32xf32, #tpu.memory_space<vmem>> -> memref<1x125x32xf32, #tpu.memory_space<vmem>>
        %dma_wait3A_733 = tpu.memref_squeeze %dma_wait3A_732 : memref<1x125x32xf32, #tpu.memory_space<vmem>> -> memref<125x32xf32, #tpu.memory_space<vmem>>
        %dma_wait3A_734 = arith.constant 0 : i32
        %dma_wait3A_735 = tpu.memref_slice %arg8[%add3A_657, %dma_wait3A_734] : memref<40x125xi32, #tpu.memory_space<vmem>> -> memref<1x125xi32, #tpu.memory_space<vmem>>
        %dma_wait3A_736 = tpu.memref_squeeze %dma_wait3A_735 : memref<1x125xi32, #tpu.memory_space<vmem>> -> memref<125xi32, #tpu.memory_space<vmem>>
        %dma_wait3A_737 = arith.constant 0 : i32
        %dma_wait3A_738 = arith.constant 0 : i32
        %dma_wait3A_739 = tpu.memref_slice %arg10[%dma_wait3A_737, %dma_wait3A_738] : memref<10000x32xf32, #tpu.memory_space<vmem_shared>> -> memref<10000x32xf32, #tpu.memory_space<vmem_shared>>
        %dma_wait3A_740 = tpu.memref_slice %arg13[%dma_wait3A_729] : memref<10x!tpu.dma_semaphore, #tpu.memory_space<semaphore_mem>> -> memref<1x!tpu.dma_semaphore, #tpu.memory_space<semaphore_mem>>
        %dma_wait3A_741 = tpu.memref_squeeze %dma_wait3A_740 : memref<1x!tpu.dma_semaphore, #tpu.memory_space<semaphore_mem>> -> memref<!tpu.dma_semaphore, #tpu.memory_space<semaphore_mem>>
        tpu.wait_indirect_dma semaphore(%dma_wait3A_741 : memref<!tpu.dma_semaphore, #tpu.memory_space<semaphore_mem>>) src(%dma_wait3A_733 : memref<125x32xf32, #tpu.memory_space<vmem>>) dst(%dma_wait3A_739 : memref<10000x32xf32, #tpu.memory_space<vmem_shared>>)
        %add3A_742 = arith.constant 10 : i32
        %add3A_743 = arith.addi %add3A_657, %add3A_742 : i32
        %dma_start3A_744 = arith.constant 2 : i32
        %dma_start3A_745 = arith.constant 2 : i32
        %dma_start3A_746 = arith.constant 0 : i32
        %dma_start3A_747 = arith.constant 0 : i32
        %dma_start3A_748 = tpu.memref_slice %arg9[%dma_start3A_744, %dma_start3A_746, %dma_start3A_747] : memref<10x125x32xf32, #tpu.memory_space<vmem>> -> memref<1x125x32xf32, #tpu.memory_space<vmem>>
        %dma_start3A_749 = tpu.memref_squeeze %dma_start3A_748 : memref<1x125x32xf32, #tpu.memory_space<vmem>> -> memref<125x32xf32, #tpu.memory_space<vmem>>
        %dma_start3A_750 = arith.constant 0 : i32
        %dma_start3A_751 = tpu.memref_slice %arg7[%add3A_743, %dma_start3A_750] : memref<40x125xi32, #tpu.memory_space<vmem>> -> memref<1x125xi32, #tpu.memory_space<vmem>>
        %dma_start3A_752 = tpu.memref_squeeze %dma_start3A_751 : memref<1x125xi32, #tpu.memory_space<vmem>> -> memref<125xi32, #tpu.memory_space<vmem>>
        %dma_start3A_753 = arith.constant 0 : i32
        %dma_start3A_754 = arith.constant 0 : i32
        %dma_start3A_755 = tpu.memref_slice %arg2[%dma_start3A_753, %dma_start3A_754] : memref<90000x32xf32, #tpu.memory_space<hbm>> -> memref<90000x32xf32, #tpu.memory_space<hbm>>
        %dma_start3A_756 = tpu.memref_slice %arg12[%dma_start3A_745] : memref<10x!tpu.dma_semaphore, #tpu.memory_space<semaphore_mem>> -> memref<1x!tpu.dma_semaphore, #tpu.memory_space<semaphore_mem>>
        %dma_start3A_757 = tpu.memref_squeeze %dma_start3A_756 : memref<1x!tpu.dma_semaphore, #tpu.memory_space<semaphore_mem>> -> memref<!tpu.dma_semaphore, #tpu.memory_space<semaphore_mem>>
        tpu.enqueue_indirect_dma source(%dma_start3A_755 : memref<90000x32xf32, #tpu.memory_space<hbm>>) target(%dma_start3A_749 : memref<125x32xf32, #tpu.memory_space<vmem>>) offsets(%dma_start3A_752 : memref<125xi32, #tpu.memory_space<vmem>>) semaphore(%dma_start3A_757 : memref<!tpu.dma_semaphore, #tpu.memory_space<semaphore_mem>>)
      } else {
      }
      %add3A_665 = arith.constant 3 : i32
      %add3A_666 = arith.addi %mul3A_340, %add3A_665 : i32
      %add3A_667 = arith.constant 10 : i32
      %add3A_668 = arith.addi %add3A_666, %add3A_667 : i32
      %lt3A_669 = arith.constant 40 : i32
      %lt3A_670 = arith.cmpi slt, %add3A_668, %lt3A_669 : i32
      %convert_element_type3A_671 = arith.extui %lt3A_670 : i1 to i32
      %cond3A_672 = arith.constant 0 : i32
      %cond3A_673 = arith.cmpi ne, %convert_element_type3A_671, %cond3A_672 : i32
      scf.if %cond3A_673 {
        %dma_wait3A_728 = arith.constant 3 : i32
        %dma_wait3A_729 = arith.constant 3 : i32
        %dma_wait3A_730 = arith.constant 0 : i32
        %dma_wait3A_731 = arith.constant 0 : i32
        %dma_wait3A_732 = tpu.memref_slice %arg9[%dma_wait3A_728, %dma_wait3A_730, %dma_wait3A_731] : memref<10x125x32xf32, #tpu.memory_space<vmem>> -> memref<1x125x32xf32, #tpu.memory_space<vmem>>
        %dma_wait3A_733 = tpu.memref_squeeze %dma_wait3A_732 : memref<1x125x32xf32, #tpu.memory_space<vmem>> -> memref<125x32xf32, #tpu.memory_space<vmem>>
        %dma_wait3A_734 = arith.constant 0 : i32
        %dma_wait3A_735 = tpu.memref_slice %arg8[%add3A_666, %dma_wait3A_734] : memref<40x125xi32, #tpu.memory_space<vmem>> -> memref<1x125xi32, #tpu.memory_space<vmem>>
        %dma_wait3A_736 = tpu.memref_squeeze %dma_wait3A_735 : memref<1x125xi32, #tpu.memory_space<vmem>> -> memref<125xi32, #tpu.memory_space<vmem>>
        %dma_wait3A_737 = arith.constant 0 : i32
        %dma_wait3A_738 = arith.constant 0 : i32
        %dma_wait3A_739 = tpu.memref_slice %arg10[%dma_wait3A_737, %dma_wait3A_738] : memref<10000x32xf32, #tpu.memory_space<vmem_shared>> -> memref<10000x32xf32, #tpu.memory_space<vmem_shared>>
        %dma_wait3A_740 = tpu.memref_slice %arg13[%dma_wait3A_729] : memref<10x!tpu.dma_semaphore, #tpu.memory_space<semaphore_mem>> -> memref<1x!tpu.dma_semaphore, #tpu.memory_space<semaphore_mem>>
        %dma_wait3A_741 = tpu.memref_squeeze %dma_wait3A_740 : memref<1x!tpu.dma_semaphore, #tpu.memory_space<semaphore_mem>> -> memref<!tpu.dma_semaphore, #tpu.memory_space<semaphore_mem>>
        tpu.wait_indirect_dma semaphore(%dma_wait3A_741 : memref<!tpu.dma_semaphore, #tpu.memory_space<semaphore_mem>>) src(%dma_wait3A_733 : memref<125x32xf32, #tpu.memory_space<vmem>>) dst(%dma_wait3A_739 : memref<10000x32xf32, #tpu.memory_space<vmem_shared>>)
        %add3A_742 = arith.constant 10 : i32
        %add3A_743 = arith.addi %add3A_666, %add3A_742 : i32
        %dma_start3A_744 = arith.constant 3 : i32
        %dma_start3A_745 = arith.constant 3 : i32
        %dma_start3A_746 = arith.constant 0 : i32
        %dma_start3A_747 = arith.constant 0 : i32
        %dma_start3A_748 = tpu.memref_slice %arg9[%dma_start3A_744, %dma_start3A_746, %dma_start3A_747] : memref<10x125x32xf32, #tpu.memory_space<vmem>> -> memref<1x125x32xf32, #tpu.memory_space<vmem>>
        %dma_start3A_749 = tpu.memref_squeeze %dma_start3A_748 : memref<1x125x32xf32, #tpu.memory_space<vmem>> -> memref<125x32xf32, #tpu.memory_space<vmem>>
        %dma_start3A_750 = arith.constant 0 : i32
        %dma_start3A_751 = tpu.memref_slice %arg7[%add3A_743, %dma_start3A_750] : memref<40x125xi32, #tpu.memory_space<vmem>> -> memref<1x125xi32, #tpu.memory_space<vmem>>
        %dma_start3A_752 = tpu.memref_squeeze %dma_start3A_751 : memref<1x125xi32, #tpu.memory_space<vmem>> -> memref<125xi32, #tpu.memory_space<vmem>>
        %dma_start3A_753 = arith.constant 0 : i32
        %dma_start3A_754 = arith.constant 0 : i32
        %dma_start3A_755 = tpu.memref_slice %arg2[%dma_start3A_753, %dma_start3A_754] : memref<90000x32xf32, #tpu.memory_space<hbm>> -> memref<90000x32xf32, #tpu.memory_space<hbm>>
        %dma_start3A_756 = tpu.memref_slice %arg12[%dma_start3A_745] : memref<10x!tpu.dma_semaphore, #tpu.memory_space<semaphore_mem>> -> memref<1x!tpu.dma_semaphore, #tpu.memory_space<semaphore_mem>>
        %dma_start3A_757 = tpu.memref_squeeze %dma_start3A_756 : memref<1x!tpu.dma_semaphore, #tpu.memory_space<semaphore_mem>> -> memref<!tpu.dma_semaphore, #tpu.memory_space<semaphore_mem>>
        tpu.enqueue_indirect_dma source(%dma_start3A_755 : memref<90000x32xf32, #tpu.memory_space<hbm>>) target(%dma_start3A_749 : memref<125x32xf32, #tpu.memory_space<vmem>>) offsets(%dma_start3A_752 : memref<125xi32, #tpu.memory_space<vmem>>) semaphore(%dma_start3A_757 : memref<!tpu.dma_semaphore, #tpu.memory_space<semaphore_mem>>)
      } else {
      }
      %add3A_674 = arith.constant 4 : i32
      %add3A_675 = arith.addi %mul3A_340, %add3A_674 : i32
      %add3A_676 = arith.constant 10 : i32
      %add3A_677 = arith.addi %add3A_675, %add3A_676 : i32
      %lt3A_678 = arith.constant 40 : i32
      %lt3A_679 = arith.cmpi slt, %add3A_677, %lt3A_678 : i32
      %convert_element_type3A_680 = arith.extui %lt3A_679 : i1 to i32
      %cond3A_681 = arith.constant 0 : i32
      %cond3A_682 = arith.cmpi ne, %convert_element_type3A_680, %cond3A_681 : i32
      scf.if %cond3A_682 {
        %dma_wait3A_728 = arith.constant 4 : i32
        %dma_wait3A_729 = arith.constant 4 : i32
        %dma_wait3A_730 = arith.constant 0 : i32
        %dma_wait3A_731 = arith.constant 0 : i32
        %dma_wait3A_732 = tpu.memref_slice %arg9[%dma_wait3A_728, %dma_wait3A_730, %dma_wait3A_731] : memref<10x125x32xf32, #tpu.memory_space<vmem>> -> memref<1x125x32xf32, #tpu.memory_space<vmem>>
        %dma_wait3A_733 = tpu.memref_squeeze %dma_wait3A_732 : memref<1x125x32xf32, #tpu.memory_space<vmem>> -> memref<125x32xf32, #tpu.memory_space<vmem>>
        %dma_wait3A_734 = arith.constant 0 : i32
        %dma_wait3A_735 = tpu.memref_slice %arg8[%add3A_675, %dma_wait3A_734] : memref<40x125xi32, #tpu.memory_space<vmem>> -> memref<1x125xi32, #tpu.memory_space<vmem>>
        %dma_wait3A_736 = tpu.memref_squeeze %dma_wait3A_735 : memref<1x125xi32, #tpu.memory_space<vmem>> -> memref<125xi32, #tpu.memory_space<vmem>>
        %dma_wait3A_737 = arith.constant 0 : i32
        %dma_wait3A_738 = arith.constant 0 : i32
        %dma_wait3A_739 = tpu.memref_slice %arg10[%dma_wait3A_737, %dma_wait3A_738] : memref<10000x32xf32, #tpu.memory_space<vmem_shared>> -> memref<10000x32xf32, #tpu.memory_space<vmem_shared>>
        %dma_wait3A_740 = tpu.memref_slice %arg13[%dma_wait3A_729] : memref<10x!tpu.dma_semaphore, #tpu.memory_space<semaphore_mem>> -> memref<1x!tpu.dma_semaphore, #tpu.memory_space<semaphore_mem>>
        %dma_wait3A_741 = tpu.memref_squeeze %dma_wait3A_740 : memref<1x!tpu.dma_semaphore, #tpu.memory_space<semaphore_mem>> -> memref<!tpu.dma_semaphore, #tpu.memory_space<semaphore_mem>>
        tpu.wait_indirect_dma semaphore(%dma_wait3A_741 : memref<!tpu.dma_semaphore, #tpu.memory_space<semaphore_mem>>) src(%dma_wait3A_733 : memref<125x32xf32, #tpu.memory_space<vmem>>) dst(%dma_wait3A_739 : memref<10000x32xf32, #tpu.memory_space<vmem_shared>>)
        %add3A_742 = arith.constant 10 : i32
        %add3A_743 = arith.addi %add3A_675, %add3A_742 : i32
        %dma_start3A_744 = arith.constant 4 : i32
        %dma_start3A_745 = arith.constant 4 : i32
        %dma_start3A_746 = arith.constant 0 : i32
        %dma_start3A_747 = arith.constant 0 : i32
        %dma_start3A_748 = tpu.memref_slice %arg9[%dma_start3A_744, %dma_start3A_746, %dma_start3A_747] : memref<10x125x32xf32, #tpu.memory_space<vmem>> -> memref<1x125x32xf32, #tpu.memory_space<vmem>>
        %dma_start3A_749 = tpu.memref_squeeze %dma_start3A_748 : memref<1x125x32xf32, #tpu.memory_space<vmem>> -> memref<125x32xf32, #tpu.memory_space<vmem>>
        %dma_start3A_750 = arith.constant 0 : i32
        %dma_start3A_751 = tpu.memref_slice %arg7[%add3A_743, %dma_start3A_750] : memref<40x125xi32, #tpu.memory_space<vmem>> -> memref<1x125xi32, #tpu.memory_space<vmem>>
        %dma_start3A_752 = tpu.memref_squeeze %dma_start3A_751 : memref<1x125xi32, #tpu.memory_space<vmem>> -> memref<125xi32, #tpu.memory_space<vmem>>
        %dma_start3A_753 = arith.constant 0 : i32
        %dma_start3A_754 = arith.constant 0 : i32
        %dma_start3A_755 = tpu.memref_slice %arg2[%dma_start3A_753, %dma_start3A_754] : memref<90000x32xf32, #tpu.memory_space<hbm>> -> memref<90000x32xf32, #tpu.memory_space<hbm>>
        %dma_start3A_756 = tpu.memref_slice %arg12[%dma_start3A_745] : memref<10x!tpu.dma_semaphore, #tpu.memory_space<semaphore_mem>> -> memref<1x!tpu.dma_semaphore, #tpu.memory_space<semaphore_mem>>
        %dma_start3A_757 = tpu.memref_squeeze %dma_start3A_756 : memref<1x!tpu.dma_semaphore, #tpu.memory_space<semaphore_mem>> -> memref<!tpu.dma_semaphore, #tpu.memory_space<semaphore_mem>>
        tpu.enqueue_indirect_dma source(%dma_start3A_755 : memref<90000x32xf32, #tpu.memory_space<hbm>>) target(%dma_start3A_749 : memref<125x32xf32, #tpu.memory_space<vmem>>) offsets(%dma_start3A_752 : memref<125xi32, #tpu.memory_space<vmem>>) semaphore(%dma_start3A_757 : memref<!tpu.dma_semaphore, #tpu.memory_space<semaphore_mem>>)
      } else {
      }
      %add3A_683 = arith.constant 5 : i32
      %add3A_684 = arith.addi %mul3A_340, %add3A_683 : i32
      %add3A_685 = arith.constant 10 : i32
      %add3A_686 = arith.addi %add3A_684, %add3A_685 : i32
      %lt3A_687 = arith.constant 40 : i32
      %lt3A_688 = arith.cmpi slt, %add3A_686, %lt3A_687 : i32
      %convert_element_type3A_689 = arith.extui %lt3A_688 : i1 to i32
      %cond3A_690 = arith.constant 0 : i32
      %cond3A_691 = arith.cmpi ne, %convert_element_type3A_689, %cond3A_690 : i32
      scf.if %cond3A_691 {
        %dma_wait3A_728 = arith.constant 5 : i32
        %dma_wait3A_729 = arith.constant 5 : i32
        %dma_wait3A_730 = arith.constant 0 : i32
        %dma_wait3A_731 = arith.constant 0 : i32
        %dma_wait3A_732 = tpu.memref_slice %arg9[%dma_wait3A_728, %dma_wait3A_730, %dma_wait3A_731] : memref<10x125x32xf32, #tpu.memory_space<vmem>> -> memref<1x125x32xf32, #tpu.memory_space<vmem>>
        %dma_wait3A_733 = tpu.memref_squeeze %dma_wait3A_732 : memref<1x125x32xf32, #tpu.memory_space<vmem>> -> memref<125x32xf32, #tpu.memory_space<vmem>>
        %dma_wait3A_734 = arith.constant 0 : i32
        %dma_wait3A_735 = tpu.memref_slice %arg8[%add3A_684, %dma_wait3A_734] : memref<40x125xi32, #tpu.memory_space<vmem>> -> memref<1x125xi32, #tpu.memory_space<vmem>>
        %dma_wait3A_736 = tpu.memref_squeeze %dma_wait3A_735 : memref<1x125xi32, #tpu.memory_space<vmem>> -> memref<125xi32, #tpu.memory_space<vmem>>
        %dma_wait3A_737 = arith.constant 0 : i32
        %dma_wait3A_738 = arith.constant 0 : i32
        %dma_wait3A_739 = tpu.memref_slice %arg10[%dma_wait3A_737, %dma_wait3A_738] : memref<10000x32xf32, #tpu.memory_space<vmem_shared>> -> memref<10000x32xf32, #tpu.memory_space<vmem_shared>>
        %dma_wait3A_740 = tpu.memref_slice %arg13[%dma_wait3A_729] : memref<10x!tpu.dma_semaphore, #tpu.memory_space<semaphore_mem>> -> memref<1x!tpu.dma_semaphore, #tpu.memory_space<semaphore_mem>>
        %dma_wait3A_741 = tpu.memref_squeeze %dma_wait3A_740 : memref<1x!tpu.dma_semaphore, #tpu.memory_space<semaphore_mem>> -> memref<!tpu.dma_semaphore, #tpu.memory_space<semaphore_mem>>
        tpu.wait_indirect_dma semaphore(%dma_wait3A_741 : memref<!tpu.dma_semaphore, #tpu.memory_space<semaphore_mem>>) src(%dma_wait3A_733 : memref<125x32xf32, #tpu.memory_space<vmem>>) dst(%dma_wait3A_739 : memref<10000x32xf32, #tpu.memory_space<vmem_shared>>)
        %add3A_742 = arith.constant 10 : i32
        %add3A_743 = arith.addi %add3A_684, %add3A_742 : i32
        %dma_start3A_744 = arith.constant 5 : i32
        %dma_start3A_745 = arith.constant 5 : i32
        %dma_start3A_746 = arith.constant 0 : i32
        %dma_start3A_747 = arith.constant 0 : i32
        %dma_start3A_748 = tpu.memref_slice %arg9[%dma_start3A_744, %dma_start3A_746, %dma_start3A_747] : memref<10x125x32xf32, #tpu.memory_space<vmem>> -> memref<1x125x32xf32, #tpu.memory_space<vmem>>
        %dma_start3A_749 = tpu.memref_squeeze %dma_start3A_748 : memref<1x125x32xf32, #tpu.memory_space<vmem>> -> memref<125x32xf32, #tpu.memory_space<vmem>>
        %dma_start3A_750 = arith.constant 0 : i32
        %dma_start3A_751 = tpu.memref_slice %arg7[%add3A_743, %dma_start3A_750] : memref<40x125xi32, #tpu.memory_space<vmem>> -> memref<1x125xi32, #tpu.memory_space<vmem>>
        %dma_start3A_752 = tpu.memref_squeeze %dma_start3A_751 : memref<1x125xi32, #tpu.memory_space<vmem>> -> memref<125xi32, #tpu.memory_space<vmem>>
        %dma_start3A_753 = arith.constant 0 : i32
        %dma_start3A_754 = arith.constant 0 : i32
        %dma_start3A_755 = tpu.memref_slice %arg2[%dma_start3A_753, %dma_start3A_754] : memref<90000x32xf32, #tpu.memory_space<hbm>> -> memref<90000x32xf32, #tpu.memory_space<hbm>>
        %dma_start3A_756 = tpu.memref_slice %arg12[%dma_start3A_745] : memref<10x!tpu.dma_semaphore, #tpu.memory_space<semaphore_mem>> -> memref<1x!tpu.dma_semaphore, #tpu.memory_space<semaphore_mem>>
        %dma_start3A_757 = tpu.memref_squeeze %dma_start3A_756 : memref<1x!tpu.dma_semaphore, #tpu.memory_space<semaphore_mem>> -> memref<!tpu.dma_semaphore, #tpu.memory_space<semaphore_mem>>
        tpu.enqueue_indirect_dma source(%dma_start3A_755 : memref<90000x32xf32, #tpu.memory_space<hbm>>) target(%dma_start3A_749 : memref<125x32xf32, #tpu.memory_space<vmem>>) offsets(%dma_start3A_752 : memref<125xi32, #tpu.memory_space<vmem>>) semaphore(%dma_start3A_757 : memref<!tpu.dma_semaphore, #tpu.memory_space<semaphore_mem>>)
      } else {
      }
      %add3A_692 = arith.constant 6 : i32
      %add3A_693 = arith.addi %mul3A_340, %add3A_692 : i32
      %add3A_694 = arith.constant 10 : i32
      %add3A_695 = arith.addi %add3A_693, %add3A_694 : i32
      %lt3A_696 = arith.constant 40 : i32
      %lt3A_697 = arith.cmpi slt, %add3A_695, %lt3A_696 : i32
      %convert_element_type3A_698 = arith.extui %lt3A_697 : i1 to i32
      %cond3A_699 = arith.constant 0 : i32
      %cond3A_700 = arith.cmpi ne, %convert_element_type3A_698, %cond3A_699 : i32
      scf.if %cond3A_700 {
        %dma_wait3A_728 = arith.constant 6 : i32
        %dma_wait3A_729 = arith.constant 6 : i32
        %dma_wait3A_730 = arith.constant 0 : i32
        %dma_wait3A_731 = arith.constant 0 : i32
        %dma_wait3A_732 = tpu.memref_slice %arg9[%dma_wait3A_728, %dma_wait3A_730, %dma_wait3A_731] : memref<10x125x32xf32, #tpu.memory_space<vmem>> -> memref<1x125x32xf32, #tpu.memory_space<vmem>>
        %dma_wait3A_733 = tpu.memref_squeeze %dma_wait3A_732 : memref<1x125x32xf32, #tpu.memory_space<vmem>> -> memref<125x32xf32, #tpu.memory_space<vmem>>
        %dma_wait3A_734 = arith.constant 0 : i32
        %dma_wait3A_735 = tpu.memref_slice %arg8[%add3A_693, %dma_wait3A_734] : memref<40x125xi32, #tpu.memory_space<vmem>> -> memref<1x125xi32, #tpu.memory_space<vmem>>
        %dma_wait3A_736 = tpu.memref_squeeze %dma_wait3A_735 : memref<1x125xi32, #tpu.memory_space<vmem>> -> memref<125xi32, #tpu.memory_space<vmem>>
        %dma_wait3A_737 = arith.constant 0 : i32
        %dma_wait3A_738 = arith.constant 0 : i32
        %dma_wait3A_739 = tpu.memref_slice %arg10[%dma_wait3A_737, %dma_wait3A_738] : memref<10000x32xf32, #tpu.memory_space<vmem_shared>> -> memref<10000x32xf32, #tpu.memory_space<vmem_shared>>
        %dma_wait3A_740 = tpu.memref_slice %arg13[%dma_wait3A_729] : memref<10x!tpu.dma_semaphore, #tpu.memory_space<semaphore_mem>> -> memref<1x!tpu.dma_semaphore, #tpu.memory_space<semaphore_mem>>
        %dma_wait3A_741 = tpu.memref_squeeze %dma_wait3A_740 : memref<1x!tpu.dma_semaphore, #tpu.memory_space<semaphore_mem>> -> memref<!tpu.dma_semaphore, #tpu.memory_space<semaphore_mem>>
        tpu.wait_indirect_dma semaphore(%dma_wait3A_741 : memref<!tpu.dma_semaphore, #tpu.memory_space<semaphore_mem>>) src(%dma_wait3A_733 : memref<125x32xf32, #tpu.memory_space<vmem>>) dst(%dma_wait3A_739 : memref<10000x32xf32, #tpu.memory_space<vmem_shared>>)
        %add3A_742 = arith.constant 10 : i32
        %add3A_743 = arith.addi %add3A_693, %add3A_742 : i32
        %dma_start3A_744 = arith.constant 6 : i32
        %dma_start3A_745 = arith.constant 6 : i32
        %dma_start3A_746 = arith.constant 0 : i32
        %dma_start3A_747 = arith.constant 0 : i32
        %dma_start3A_748 = tpu.memref_slice %arg9[%dma_start3A_744, %dma_start3A_746, %dma_start3A_747] : memref<10x125x32xf32, #tpu.memory_space<vmem>> -> memref<1x125x32xf32, #tpu.memory_space<vmem>>
        %dma_start3A_749 = tpu.memref_squeeze %dma_start3A_748 : memref<1x125x32xf32, #tpu.memory_space<vmem>> -> memref<125x32xf32, #tpu.memory_space<vmem>>
        %dma_start3A_750 = arith.constant 0 : i32
        %dma_start3A_751 = tpu.memref_slice %arg7[%add3A_743, %dma_start3A_750] : memref<40x125xi32, #tpu.memory_space<vmem>> -> memref<1x125xi32, #tpu.memory_space<vmem>>
        %dma_start3A_752 = tpu.memref_squeeze %dma_start3A_751 : memref<1x125xi32, #tpu.memory_space<vmem>> -> memref<125xi32, #tpu.memory_space<vmem>>
        %dma_start3A_753 = arith.constant 0 : i32
        %dma_start3A_754 = arith.constant 0 : i32
        %dma_start3A_755 = tpu.memref_slice %arg2[%dma_start3A_753, %dma_start3A_754] : memref<90000x32xf32, #tpu.memory_space<hbm>> -> memref<90000x32xf32, #tpu.memory_space<hbm>>
        %dma_start3A_756 = tpu.memref_slice %arg12[%dma_start3A_745] : memref<10x!tpu.dma_semaphore, #tpu.memory_space<semaphore_mem>> -> memref<1x!tpu.dma_semaphore, #tpu.memory_space<semaphore_mem>>
        %dma_start3A_757 = tpu.memref_squeeze %dma_start3A_756 : memref<1x!tpu.dma_semaphore, #tpu.memory_space<semaphore_mem>> -> memref<!tpu.dma_semaphore, #tpu.memory_space<semaphore_mem>>
        tpu.enqueue_indirect_dma source(%dma_start3A_755 : memref<90000x32xf32, #tpu.memory_space<hbm>>) target(%dma_start3A_749 : memref<125x32xf32, #tpu.memory_space<vmem>>) offsets(%dma_start3A_752 : memref<125xi32, #tpu.memory_space<vmem>>) semaphore(%dma_start3A_757 : memref<!tpu.dma_semaphore, #tpu.memory_space<semaphore_mem>>)
      } else {
      }
      %add3A_701 = arith.constant 7 : i32
      %add3A_702 = arith.addi %mul3A_340, %add3A_701 : i32
      %add3A_703 = arith.constant 10 : i32
      %add3A_704 = arith.addi %add3A_702, %add3A_703 : i32
      %lt3A_705 = arith.constant 40 : i32
      %lt3A_706 = arith.cmpi slt, %add3A_704, %lt3A_705 : i32
      %convert_element_type3A_707 = arith.extui %lt3A_706 : i1 to i32
      %cond3A_708 = arith.constant 0 : i32
      %cond3A_709 = arith.cmpi ne, %convert_element_type3A_707, %cond3A_708 : i32
      scf.if %cond3A_709 {
        %dma_wait3A_728 = arith.constant 7 : i32
        %dma_wait3A_729 = arith.constant 7 : i32
        %dma_wait3A_730 = arith.constant 0 : i32
        %dma_wait3A_731 = arith.constant 0 : i32
        %dma_wait3A_732 = tpu.memref_slice %arg9[%dma_wait3A_728, %dma_wait3A_730, %dma_wait3A_731] : memref<10x125x32xf32, #tpu.memory_space<vmem>> -> memref<1x125x32xf32, #tpu.memory_space<vmem>>
        %dma_wait3A_733 = tpu.memref_squeeze %dma_wait3A_732 : memref<1x125x32xf32, #tpu.memory_space<vmem>> -> memref<125x32xf32, #tpu.memory_space<vmem>>
        %dma_wait3A_734 = arith.constant 0 : i32
        %dma_wait3A_735 = tpu.memref_slice %arg8[%add3A_702, %dma_wait3A_734] : memref<40x125xi32, #tpu.memory_space<vmem>> -> memref<1x125xi32, #tpu.memory_space<vmem>>
        %dma_wait3A_736 = tpu.memref_squeeze %dma_wait3A_735 : memref<1x125xi32, #tpu.memory_space<vmem>> -> memref<125xi32, #tpu.memory_space<vmem>>
        %dma_wait3A_737 = arith.constant 0 : i32
        %dma_wait3A_738 = arith.constant 0 : i32
        %dma_wait3A_739 = tpu.memref_slice %arg10[%dma_wait3A_737, %dma_wait3A_738] : memref<10000x32xf32, #tpu.memory_space<vmem_shared>> -> memref<10000x32xf32, #tpu.memory_space<vmem_shared>>
        %dma_wait3A_740 = tpu.memref_slice %arg13[%dma_wait3A_729] : memref<10x!tpu.dma_semaphore, #tpu.memory_space<semaphore_mem>> -> memref<1x!tpu.dma_semaphore, #tpu.memory_space<semaphore_mem>>
        %dma_wait3A_741 = tpu.memref_squeeze %dma_wait3A_740 : memref<1x!tpu.dma_semaphore, #tpu.memory_space<semaphore_mem>> -> memref<!tpu.dma_semaphore, #tpu.memory_space<semaphore_mem>>
        tpu.wait_indirect_dma semaphore(%dma_wait3A_741 : memref<!tpu.dma_semaphore, #tpu.memory_space<semaphore_mem>>) src(%dma_wait3A_733 : memref<125x32xf32, #tpu.memory_space<vmem>>) dst(%dma_wait3A_739 : memref<10000x32xf32, #tpu.memory_space<vmem_shared>>)
        %add3A_742 = arith.constant 10 : i32
        %add3A_743 = arith.addi %add3A_702, %add3A_742 : i32
        %dma_start3A_744 = arith.constant 7 : i32
        %dma_start3A_745 = arith.constant 7 : i32
        %dma_start3A_746 = arith.constant 0 : i32
        %dma_start3A_747 = arith.constant 0 : i32
        %dma_start3A_748 = tpu.memref_slice %arg9[%dma_start3A_744, %dma_start3A_746, %dma_start3A_747] : memref<10x125x32xf32, #tpu.memory_space<vmem>> -> memref<1x125x32xf32, #tpu.memory_space<vmem>>
        %dma_start3A_749 = tpu.memref_squeeze %dma_start3A_748 : memref<1x125x32xf32, #tpu.memory_space<vmem>> -> memref<125x32xf32, #tpu.memory_space<vmem>>
        %dma_start3A_750 = arith.constant 0 : i32
        %dma_start3A_751 = tpu.memref_slice %arg7[%add3A_743, %dma_start3A_750] : memref<40x125xi32, #tpu.memory_space<vmem>> -> memref<1x125xi32, #tpu.memory_space<vmem>>
        %dma_start3A_752 = tpu.memref_squeeze %dma_start3A_751 : memref<1x125xi32, #tpu.memory_space<vmem>> -> memref<125xi32, #tpu.memory_space<vmem>>
        %dma_start3A_753 = arith.constant 0 : i32
        %dma_start3A_754 = arith.constant 0 : i32
        %dma_start3A_755 = tpu.memref_slice %arg2[%dma_start3A_753, %dma_start3A_754] : memref<90000x32xf32, #tpu.memory_space<hbm>> -> memref<90000x32xf32, #tpu.memory_space<hbm>>
        %dma_start3A_756 = tpu.memref_slice %arg12[%dma_start3A_745] : memref<10x!tpu.dma_semaphore, #tpu.memory_space<semaphore_mem>> -> memref<1x!tpu.dma_semaphore, #tpu.memory_space<semaphore_mem>>
        %dma_start3A_757 = tpu.memref_squeeze %dma_start3A_756 : memref<1x!tpu.dma_semaphore, #tpu.memory_space<semaphore_mem>> -> memref<!tpu.dma_semaphore, #tpu.memory_space<semaphore_mem>>
        tpu.enqueue_indirect_dma source(%dma_start3A_755 : memref<90000x32xf32, #tpu.memory_space<hbm>>) target(%dma_start3A_749 : memref<125x32xf32, #tpu.memory_space<vmem>>) offsets(%dma_start3A_752 : memref<125xi32, #tpu.memory_space<vmem>>) semaphore(%dma_start3A_757 : memref<!tpu.dma_semaphore, #tpu.memory_space<semaphore_mem>>)
      } else {
      }
      %add3A_710 = arith.constant 8 : i32
      %add3A_711 = arith.addi %mul3A_340, %add3A_710 : i32
      %add3A_712 = arith.constant 10 : i32
      %add3A_713 = arith.addi %add3A_711, %add3A_712 : i32
      %lt3A_714 = arith.constant 40 : i32
      %lt3A_715 = arith.cmpi slt, %add3A_713, %lt3A_714 : i32
      %convert_element_type3A_716 = arith.extui %lt3A_715 : i1 to i32
      %cond3A_717 = arith.constant 0 : i32
      %cond3A_718 = arith.cmpi ne, %convert_element_type3A_716, %cond3A_717 : i32
      scf.if %cond3A_718 {
        %dma_wait3A_728 = arith.constant 8 : i32
        %dma_wait3A_729 = arith.constant 8 : i32
        %dma_wait3A_730 = arith.constant 0 : i32
        %dma_wait3A_731 = arith.constant 0 : i32
        %dma_wait3A_732 = tpu.memref_slice %arg9[%dma_wait3A_728, %dma_wait3A_730, %dma_wait3A_731] : memref<10x125x32xf32, #tpu.memory_space<vmem>> -> memref<1x125x32xf32, #tpu.memory_space<vmem>>
        %dma_wait3A_733 = tpu.memref_squeeze %dma_wait3A_732 : memref<1x125x32xf32, #tpu.memory_space<vmem>> -> memref<125x32xf32, #tpu.memory_space<vmem>>
        %dma_wait3A_734 = arith.constant 0 : i32
        %dma_wait3A_735 = tpu.memref_slice %arg8[%add3A_711, %dma_wait3A_734] : memref<40x125xi32, #tpu.memory_space<vmem>> -> memref<1x125xi32, #tpu.memory_space<vmem>>
        %dma_wait3A_736 = tpu.memref_squeeze %dma_wait3A_735 : memref<1x125xi32, #tpu.memory_space<vmem>> -> memref<125xi32, #tpu.memory_space<vmem>>
        %dma_wait3A_737 = arith.constant 0 : i32
        %dma_wait3A_738 = arith.constant 0 : i32
        %dma_wait3A_739 = tpu.memref_slice %arg10[%dma_wait3A_737, %dma_wait3A_738] : memref<10000x32xf32, #tpu.memory_space<vmem_shared>> -> memref<10000x32xf32, #tpu.memory_space<vmem_shared>>
        %dma_wait3A_740 = tpu.memref_slice %arg13[%dma_wait3A_729] : memref<10x!tpu.dma_semaphore, #tpu.memory_space<semaphore_mem>> -> memref<1x!tpu.dma_semaphore, #tpu.memory_space<semaphore_mem>>
        %dma_wait3A_741 = tpu.memref_squeeze %dma_wait3A_740 : memref<1x!tpu.dma_semaphore, #tpu.memory_space<semaphore_mem>> -> memref<!tpu.dma_semaphore, #tpu.memory_space<semaphore_mem>>
        tpu.wait_indirect_dma semaphore(%dma_wait3A_741 : memref<!tpu.dma_semaphore, #tpu.memory_space<semaphore_mem>>) src(%dma_wait3A_733 : memref<125x32xf32, #tpu.memory_space<vmem>>) dst(%dma_wait3A_739 : memref<10000x32xf32, #tpu.memory_space<vmem_shared>>)
        %add3A_742 = arith.constant 10 : i32
        %add3A_743 = arith.addi %add3A_711, %add3A_742 : i32
        %dma_start3A_744 = arith.constant 8 : i32
        %dma_start3A_745 = arith.constant 8 : i32
        %dma_start3A_746 = arith.constant 0 : i32
        %dma_start3A_747 = arith.constant 0 : i32
        %dma_start3A_748 = tpu.memref_slice %arg9[%dma_start3A_744, %dma_start3A_746, %dma_start3A_747] : memref<10x125x32xf32, #tpu.memory_space<vmem>> -> memref<1x125x32xf32, #tpu.memory_space<vmem>>
        %dma_start3A_749 = tpu.memref_squeeze %dma_start3A_748 : memref<1x125x32xf32, #tpu.memory_space<vmem>> -> memref<125x32xf32, #tpu.memory_space<vmem>>
        %dma_start3A_750 = arith.constant 0 : i32
        %dma_start3A_751 = tpu.memref_slice %arg7[%add3A_743, %dma_start3A_750] : memref<40x125xi32, #tpu.memory_space<vmem>> -> memref<1x125xi32, #tpu.memory_space<vmem>>
        %dma_start3A_752 = tpu.memref_squeeze %dma_start3A_751 : memref<1x125xi32, #tpu.memory_space<vmem>> -> memref<125xi32, #tpu.memory_space<vmem>>
        %dma_start3A_753 = arith.constant 0 : i32
        %dma_start3A_754 = arith.constant 0 : i32
        %dma_start3A_755 = tpu.memref_slice %arg2[%dma_start3A_753, %dma_start3A_754] : memref<90000x32xf32, #tpu.memory_space<hbm>> -> memref<90000x32xf32, #tpu.memory_space<hbm>>
        %dma_start3A_756 = tpu.memref_slice %arg12[%dma_start3A_745] : memref<10x!tpu.dma_semaphore, #tpu.memory_space<semaphore_mem>> -> memref<1x!tpu.dma_semaphore, #tpu.memory_space<semaphore_mem>>
        %dma_start3A_757 = tpu.memref_squeeze %dma_start3A_756 : memref<1x!tpu.dma_semaphore, #tpu.memory_space<semaphore_mem>> -> memref<!tpu.dma_semaphore, #tpu.memory_space<semaphore_mem>>
        tpu.enqueue_indirect_dma source(%dma_start3A_755 : memref<90000x32xf32, #tpu.memory_space<hbm>>) target(%dma_start3A_749 : memref<125x32xf32, #tpu.memory_space<vmem>>) offsets(%dma_start3A_752 : memref<125xi32, #tpu.memory_space<vmem>>) semaphore(%dma_start3A_757 : memref<!tpu.dma_semaphore, #tpu.memory_space<semaphore_mem>>)
      } else {
      }
      %add3A_719 = arith.constant 9 : i32
      %add3A_720 = arith.addi %mul3A_340, %add3A_719 : i32
      %add3A_721 = arith.constant 10 : i32
      %add3A_722 = arith.addi %add3A_720, %add3A_721 : i32
      %lt3A_723 = arith.constant 40 : i32
      %lt3A_724 = arith.cmpi slt, %add3A_722, %lt3A_723 : i32
      %convert_element_type3A_725 = arith.extui %lt3A_724 : i1 to i32
      %cond3A_726 = arith.constant 0 : i32
      %cond3A_727 = arith.cmpi ne, %convert_element_type3A_725, %cond3A_726 : i32
      scf.if %cond3A_727 {
        %dma_wait3A_728 = arith.constant 9 : i32
        %dma_wait3A_729 = arith.constant 9 : i32
        %dma_wait3A_730 = arith.constant 0 : i32
        %dma_wait3A_731 = arith.constant 0 : i32
        %dma_wait3A_732 = tpu.memref_slice %arg9[%dma_wait3A_728, %dma_wait3A_730, %dma_wait3A_731] : memref<10x125x32xf32, #tpu.memory_space<vmem>> -> memref<1x125x32xf32, #tpu.memory_space<vmem>>
        %dma_wait3A_733 = tpu.memref_squeeze %dma_wait3A_732 : memref<1x125x32xf32, #tpu.memory_space<vmem>> -> memref<125x32xf32, #tpu.memory_space<vmem>>
        %dma_wait3A_734 = arith.constant 0 : i32
        %dma_wait3A_735 = tpu.memref_slice %arg8[%add3A_720, %dma_wait3A_734] : memref<40x125xi32, #tpu.memory_space<vmem>> -> memref<1x125xi32, #tpu.memory_space<vmem>>
        %dma_wait3A_736 = tpu.memref_squeeze %dma_wait3A_735 : memref<1x125xi32, #tpu.memory_space<vmem>> -> memref<125xi32, #tpu.memory_space<vmem>>
        %dma_wait3A_737 = arith.constant 0 : i32
        %dma_wait3A_738 = arith.constant 0 : i32
        %dma_wait3A_739 = tpu.memref_slice %arg10[%dma_wait3A_737, %dma_wait3A_738] : memref<10000x32xf32, #tpu.memory_space<vmem_shared>> -> memref<10000x32xf32, #tpu.memory_space<vmem_shared>>
        %dma_wait3A_740 = tpu.memref_slice %arg13[%dma_wait3A_729] : memref<10x!tpu.dma_semaphore, #tpu.memory_space<semaphore_mem>> -> memref<1x!tpu.dma_semaphore, #tpu.memory_space<semaphore_mem>>
        %dma_wait3A_741 = tpu.memref_squeeze %dma_wait3A_740 : memref<1x!tpu.dma_semaphore, #tpu.memory_space<semaphore_mem>> -> memref<!tpu.dma_semaphore, #tpu.memory_space<semaphore_mem>>
        tpu.wait_indirect_dma semaphore(%dma_wait3A_741 : memref<!tpu.dma_semaphore, #tpu.memory_space<semaphore_mem>>) src(%dma_wait3A_733 : memref<125x32xf32, #tpu.memory_space<vmem>>) dst(%dma_wait3A_739 : memref<10000x32xf32, #tpu.memory_space<vmem_shared>>)
        %add3A_742 = arith.constant 10 : i32
        %add3A_743 = arith.addi %add3A_720, %add3A_742 : i32
        %dma_start3A_744 = arith.constant 9 : i32
        %dma_start3A_745 = arith.constant 9 : i32
        %dma_start3A_746 = arith.constant 0 : i32
        %dma_start3A_747 = arith.constant 0 : i32
        %dma_start3A_748 = tpu.memref_slice %arg9[%dma_start3A_744, %dma_start3A_746, %dma_start3A_747] : memref<10x125x32xf32, #tpu.memory_space<vmem>> -> memref<1x125x32xf32, #tpu.memory_space<vmem>>
        %dma_start3A_749 = tpu.memref_squeeze %dma_start3A_748 : memref<1x125x32xf32, #tpu.memory_space<vmem>> -> memref<125x32xf32, #tpu.memory_space<vmem>>
        %dma_start3A_750 = arith.constant 0 : i32
        %dma_start3A_751 = tpu.memref_slice %arg7[%add3A_743, %dma_start3A_750] : memref<40x125xi32, #tpu.memory_space<vmem>> -> memref<1x125xi32, #tpu.memory_space<vmem>>
        %dma_start3A_752 = tpu.memref_squeeze %dma_start3A_751 : memref<1x125xi32, #tpu.memory_space<vmem>> -> memref<125xi32, #tpu.memory_space<vmem>>
        %dma_start3A_753 = arith.constant 0 : i32
        %dma_start3A_754 = arith.constant 0 : i32
        %dma_start3A_755 = tpu.memref_slice %arg2[%dma_start3A_753, %dma_start3A_754] : memref<90000x32xf32, #tpu.memory_space<hbm>> -> memref<90000x32xf32, #tpu.memory_space<hbm>>
        %dma_start3A_756 = tpu.memref_slice %arg12[%dma_start3A_745] : memref<10x!tpu.dma_semaphore, #tpu.memory_space<semaphore_mem>> -> memref<1x!tpu.dma_semaphore, #tpu.memory_space<semaphore_mem>>
        %dma_start3A_757 = tpu.memref_squeeze %dma_start3A_756 : memref<1x!tpu.dma_semaphore, #tpu.memory_space<semaphore_mem>> -> memref<!tpu.dma_semaphore, #tpu.memory_space<semaphore_mem>>
        tpu.enqueue_indirect_dma source(%dma_start3A_755 : memref<90000x32xf32, #tpu.memory_space<hbm>>) target(%dma_start3A_749 : memref<125x32xf32, #tpu.memory_space<vmem>>) offsets(%dma_start3A_752 : memref<125xi32, #tpu.memory_space<vmem>>) semaphore(%dma_start3A_757 : memref<!tpu.dma_semaphore, #tpu.memory_space<semaphore_mem>>)
      } else {
      }
    }
    %scan3A_179 = arith.constant 4 : i32
    %dma_wait3A_180 = arith.constant 0 : i32
    %dma_wait3A_181 = arith.constant 30 : i32
    %dma_wait3A_182 = arith.constant 0 : i32
    %dma_wait3A_183 = arith.constant 0 : i32
    %dma_wait3A_184 = arith.constant 0 : i32
    %dma_wait3A_185 = tpu.memref_slice %arg9[%dma_wait3A_180, %dma_wait3A_183, %dma_wait3A_184] : memref<10x125x32xf32, #tpu.memory_space<vmem>> -> memref<1x125x32xf32, #tpu.memory_space<vmem>>
    %dma_wait3A_186 = tpu.memref_squeeze %dma_wait3A_185 : memref<1x125x32xf32, #tpu.memory_space<vmem>> -> memref<125x32xf32, #tpu.memory_space<vmem>>
    %dma_wait3A_187 = arith.constant 0 : i32
    %dma_wait3A_188 = tpu.memref_slice %arg8[%dma_wait3A_181, %dma_wait3A_187] : memref<40x125xi32, #tpu.memory_space<vmem>> -> memref<1x125xi32, #tpu.memory_space<vmem>>
    %dma_wait3A_189 = tpu.memref_squeeze %dma_wait3A_188 : memref<1x125xi32, #tpu.memory_space<vmem>> -> memref<125xi32, #tpu.memory_space<vmem>>
    %dma_wait3A_190 = arith.constant 0 : i32
    %dma_wait3A_191 = arith.constant 0 : i32
    %dma_wait3A_192 = tpu.memref_slice %arg10[%dma_wait3A_190, %dma_wait3A_191] : memref<10000x32xf32, #tpu.memory_space<vmem_shared>> -> memref<10000x32xf32, #tpu.memory_space<vmem_shared>>
    %dma_wait3A_193 = tpu.memref_slice %arg13[%dma_wait3A_182] : memref<10x!tpu.dma_semaphore, #tpu.memory_space<semaphore_mem>> -> memref<1x!tpu.dma_semaphore, #tpu.memory_space<semaphore_mem>>
    %dma_wait3A_194 = tpu.memref_squeeze %dma_wait3A_193 : memref<1x!tpu.dma_semaphore, #tpu.memory_space<semaphore_mem>> -> memref<!tpu.dma_semaphore, #tpu.memory_space<semaphore_mem>>
    tpu.wait_indirect_dma semaphore(%dma_wait3A_194 : memref<!tpu.dma_semaphore, #tpu.memory_space<semaphore_mem>>) src(%dma_wait3A_186 : memref<125x32xf32, #tpu.memory_space<vmem>>) dst(%dma_wait3A_192 : memref<10000x32xf32, #tpu.memory_space<vmem_shared>>)
    %dma_wait3A_195 = arith.constant 1 : i32
    %dma_wait3A_196 = arith.constant 31 : i32
    %dma_wait3A_197 = arith.constant 1 : i32
    %dma_wait3A_198 = arith.constant 0 : i32
    %dma_wait3A_199 = arith.constant 0 : i32
    %dma_wait3A_200 = tpu.memref_slice %arg9[%dma_wait3A_195, %dma_wait3A_198, %dma_wait3A_199] : memref<10x125x32xf32, #tpu.memory_space<vmem>> -> memref<1x125x32xf32, #tpu.memory_space<vmem>>
    %dma_wait3A_201 = tpu.memref_squeeze %dma_wait3A_200 : memref<1x125x32xf32, #tpu.memory_space<vmem>> -> memref<125x32xf32, #tpu.memory_space<vmem>>
    %dma_wait3A_202 = arith.constant 0 : i32
    %dma_wait3A_203 = tpu.memref_slice %arg8[%dma_wait3A_196, %dma_wait3A_202] : memref<40x125xi32, #tpu.memory_space<vmem>> -> memref<1x125xi32, #tpu.memory_space<vmem>>
    %dma_wait3A_204 = tpu.memref_squeeze %dma_wait3A_203 : memref<1x125xi32, #tpu.memory_space<vmem>> -> memref<125xi32, #tpu.memory_space<vmem>>
    %dma_wait3A_205 = arith.constant 0 : i32
    %dma_wait3A_206 = arith.constant 0 : i32
    %dma_wait3A_207 = tpu.memref_slice %arg10[%dma_wait3A_205, %dma_wait3A_206] : memref<10000x32xf32, #tpu.memory_space<vmem_shared>> -> memref<10000x32xf32, #tpu.memory_space<vmem_shared>>
    %dma_wait3A_208 = tpu.memref_slice %arg13[%dma_wait3A_197] : memref<10x!tpu.dma_semaphore, #tpu.memory_space<semaphore_mem>> -> memref<1x!tpu.dma_semaphore, #tpu.memory_space<semaphore_mem>>
    %dma_wait3A_209 = tpu.memref_squeeze %dma_wait3A_208 : memref<1x!tpu.dma_semaphore, #tpu.memory_space<semaphore_mem>> -> memref<!tpu.dma_semaphore, #tpu.memory_space<semaphore_mem>>
    tpu.wait_indirect_dma semaphore(%dma_wait3A_209 : memref<!tpu.dma_semaphore, #tpu.memory_space<semaphore_mem>>) src(%dma_wait3A_201 : memref<125x32xf32, #tpu.memory_space<vmem>>) dst(%dma_wait3A_207 : memref<10000x32xf32, #tpu.memory_space<vmem_shared>>)
    %dma_wait3A_210 = arith.constant 2 : i32
    %dma_wait3A_211 = arith.constant 32 : i32
    %dma_wait3A_212 = arith.constant 2 : i32
    %dma_wait3A_213 = arith.constant 0 : i32
    %dma_wait3A_214 = arith.constant 0 : i32
    %dma_wait3A_215 = tpu.memref_slice %arg9[%dma_wait3A_210, %dma_wait3A_213, %dma_wait3A_214] : memref<10x125x32xf32, #tpu.memory_space<vmem>> -> memref<1x125x32xf32, #tpu.memory_space<vmem>>
    %dma_wait3A_216 = tpu.memref_squeeze %dma_wait3A_215 : memref<1x125x32xf32, #tpu.memory_space<vmem>> -> memref<125x32xf32, #tpu.memory_space<vmem>>
    %dma_wait3A_217 = arith.constant 0 : i32
    %dma_wait3A_218 = tpu.memref_slice %arg8[%dma_wait3A_211, %dma_wait3A_217] : memref<40x125xi32, #tpu.memory_space<vmem>> -> memref<1x125xi32, #tpu.memory_space<vmem>>
    %dma_wait3A_219 = tpu.memref_squeeze %dma_wait3A_218 : memref<1x125xi32, #tpu.memory_space<vmem>> -> memref<125xi32, #tpu.memory_space<vmem>>
    %dma_wait3A_220 = arith.constant 0 : i32
    %dma_wait3A_221 = arith.constant 0 : i32
    %dma_wait3A_222 = tpu.memref_slice %arg10[%dma_wait3A_220, %dma_wait3A_221] : memref<10000x32xf32, #tpu.memory_space<vmem_shared>> -> memref<10000x32xf32, #tpu.memory_space<vmem_shared>>
    %dma_wait3A_223 = tpu.memref_slice %arg13[%dma_wait3A_212] : memref<10x!tpu.dma_semaphore, #tpu.memory_space<semaphore_mem>> -> memref<1x!tpu.dma_semaphore, #tpu.memory_space<semaphore_mem>>
    %dma_wait3A_224 = tpu.memref_squeeze %dma_wait3A_223 : memref<1x!tpu.dma_semaphore, #tpu.memory_space<semaphore_mem>> -> memref<!tpu.dma_semaphore, #tpu.memory_space<semaphore_mem>>
    tpu.wait_indirect_dma semaphore(%dma_wait3A_224 : memref<!tpu.dma_semaphore, #tpu.memory_space<semaphore_mem>>) src(%dma_wait3A_216 : memref<125x32xf32, #tpu.memory_space<vmem>>) dst(%dma_wait3A_222 : memref<10000x32xf32, #tpu.memory_space<vmem_shared>>)
    %dma_wait3A_225 = arith.constant 3 : i32
    %dma_wait3A_226 = arith.constant 33 : i32
    %dma_wait3A_227 = arith.constant 3 : i32
    %dma_wait3A_228 = arith.constant 0 : i32
    %dma_wait3A_229 = arith.constant 0 : i32
    %dma_wait3A_230 = tpu.memref_slice %arg9[%dma_wait3A_225, %dma_wait3A_228, %dma_wait3A_229] : memref<10x125x32xf32, #tpu.memory_space<vmem>> -> memref<1x125x32xf32, #tpu.memory_space<vmem>>
    %dma_wait3A_231 = tpu.memref_squeeze %dma_wait3A_230 : memref<1x125x32xf32, #tpu.memory_space<vmem>> -> memref<125x32xf32, #tpu.memory_space<vmem>>
    %dma_wait3A_232 = arith.constant 0 : i32
    %dma_wait3A_233 = tpu.memref_slice %arg8[%dma_wait3A_226, %dma_wait3A_232] : memref<40x125xi32, #tpu.memory_space<vmem>> -> memref<1x125xi32, #tpu.memory_space<vmem>>
    %dma_wait3A_234 = tpu.memref_squeeze %dma_wait3A_233 : memref<1x125xi32, #tpu.memory_space<vmem>> -> memref<125xi32, #tpu.memory_space<vmem>>
    %dma_wait3A_235 = arith.constant 0 : i32
    %dma_wait3A_236 = arith.constant 0 : i32
    %dma_wait3A_237 = tpu.memref_slice %arg10[%dma_wait3A_235, %dma_wait3A_236] : memref<10000x32xf32, #tpu.memory_space<vmem_shared>> -> memref<10000x32xf32, #tpu.memory_space<vmem_shared>>
    %dma_wait3A_238 = tpu.memref_slice %arg13[%dma_wait3A_227] : memref<10x!tpu.dma_semaphore, #tpu.memory_space<semaphore_mem>> -> memref<1x!tpu.dma_semaphore, #tpu.memory_space<semaphore_mem>>
    %dma_wait3A_239 = tpu.memref_squeeze %dma_wait3A_238 : memref<1x!tpu.dma_semaphore, #tpu.memory_space<semaphore_mem>> -> memref<!tpu.dma_semaphore, #tpu.memory_space<semaphore_mem>>
    tpu.wait_indirect_dma semaphore(%dma_wait3A_239 : memref<!tpu.dma_semaphore, #tpu.memory_space<semaphore_mem>>) src(%dma_wait3A_231 : memref<125x32xf32, #tpu.memory_space<vmem>>) dst(%dma_wait3A_237 : memref<10000x32xf32, #tpu.memory_space<vmem_shared>>)
    %dma_wait3A_240 = arith.constant 4 : i32
    %dma_wait3A_241 = arith.constant 34 : i32
    %dma_wait3A_242 = arith.constant 4 : i32
    %dma_wait3A_243 = arith.constant 0 : i32
    %dma_wait3A_244 = arith.constant 0 : i32
    %dma_wait3A_245 = tpu.memref_slice %arg9[%dma_wait3A_240, %dma_wait3A_243, %dma_wait3A_244] : memref<10x125x32xf32, #tpu.memory_space<vmem>> -> memref<1x125x32xf32, #tpu.memory_space<vmem>>
    %dma_wait3A_246 = tpu.memref_squeeze %dma_wait3A_245 : memref<1x125x32xf32, #tpu.memory_space<vmem>> -> memref<125x32xf32, #tpu.memory_space<vmem>>
    %dma_wait3A_247 = arith.constant 0 : i32
    %dma_wait3A_248 = tpu.memref_slice %arg8[%dma_wait3A_241, %dma_wait3A_247] : memref<40x125xi32, #tpu.memory_space<vmem>> -> memref<1x125xi32, #tpu.memory_space<vmem>>
    %dma_wait3A_249 = tpu.memref_squeeze %dma_wait3A_248 : memref<1x125xi32, #tpu.memory_space<vmem>> -> memref<125xi32, #tpu.memory_space<vmem>>
    %dma_wait3A_250 = arith.constant 0 : i32
    %dma_wait3A_251 = arith.constant 0 : i32
    %dma_wait3A_252 = tpu.memref_slice %arg10[%dma_wait3A_250, %dma_wait3A_251] : memref<10000x32xf32, #tpu.memory_space<vmem_shared>> -> memref<10000x32xf32, #tpu.memory_space<vmem_shared>>
    %dma_wait3A_253 = tpu.memref_slice %arg13[%dma_wait3A_242] : memref<10x!tpu.dma_semaphore, #tpu.memory_space<semaphore_mem>> -> memref<1x!tpu.dma_semaphore, #tpu.memory_space<semaphore_mem>>
    %dma_wait3A_254 = tpu.memref_squeeze %dma_wait3A_253 : memref<1x!tpu.dma_semaphore, #tpu.memory_space<semaphore_mem>> -> memref<!tpu.dma_semaphore, #tpu.memory_space<semaphore_mem>>
    tpu.wait_indirect_dma semaphore(%dma_wait3A_254 : memref<!tpu.dma_semaphore, #tpu.memory_space<semaphore_mem>>) src(%dma_wait3A_246 : memref<125x32xf32, #tpu.memory_space<vmem>>) dst(%dma_wait3A_252 : memref<10000x32xf32, #tpu.memory_space<vmem_shared>>)
    %dma_wait3A_255 = arith.constant 5 : i32
    %dma_wait3A_256 = arith.constant 35 : i32
    %dma_wait3A_257 = arith.constant 5 : i32
    %dma_wait3A_258 = arith.constant 0 : i32
    %dma_wait3A_259 = arith.constant 0 : i32
    %dma_wait3A_260 = tpu.memref_slice %arg9[%dma_wait3A_255, %dma_wait3A_258, %dma_wait3A_259] : memref<10x125x32xf32, #tpu.memory_space<vmem>> -> memref<1x125x32xf32, #tpu.memory_space<vmem>>
    %dma_wait3A_261 = tpu.memref_squeeze %dma_wait3A_260 : memref<1x125x32xf32, #tpu.memory_space<vmem>> -> memref<125x32xf32, #tpu.memory_space<vmem>>
    %dma_wait3A_262 = arith.constant 0 : i32
    %dma_wait3A_263 = tpu.memref_slice %arg8[%dma_wait3A_256, %dma_wait3A_262] : memref<40x125xi32, #tpu.memory_space<vmem>> -> memref<1x125xi32, #tpu.memory_space<vmem>>
    %dma_wait3A_264 = tpu.memref_squeeze %dma_wait3A_263 : memref<1x125xi32, #tpu.memory_space<vmem>> -> memref<125xi32, #tpu.memory_space<vmem>>
    %dma_wait3A_265 = arith.constant 0 : i32
    %dma_wait3A_266 = arith.constant 0 : i32
    %dma_wait3A_267 = tpu.memref_slice %arg10[%dma_wait3A_265, %dma_wait3A_266] : memref<10000x32xf32, #tpu.memory_space<vmem_shared>> -> memref<10000x32xf32, #tpu.memory_space<vmem_shared>>
    %dma_wait3A_268 = tpu.memref_slice %arg13[%dma_wait3A_257] : memref<10x!tpu.dma_semaphore, #tpu.memory_space<semaphore_mem>> -> memref<1x!tpu.dma_semaphore, #tpu.memory_space<semaphore_mem>>
    %dma_wait3A_269 = tpu.memref_squeeze %dma_wait3A_268 : memref<1x!tpu.dma_semaphore, #tpu.memory_space<semaphore_mem>> -> memref<!tpu.dma_semaphore, #tpu.memory_space<semaphore_mem>>
    tpu.wait_indirect_dma semaphore(%dma_wait3A_269 : memref<!tpu.dma_semaphore, #tpu.memory_space<semaphore_mem>>) src(%dma_wait3A_261 : memref<125x32xf32, #tpu.memory_space<vmem>>) dst(%dma_wait3A_267 : memref<10000x32xf32, #tpu.memory_space<vmem_shared>>)
    %dma_wait3A_270 = arith.constant 6 : i32
    %dma_wait3A_271 = arith.constant 36 : i32
    %dma_wait3A_272 = arith.constant 6 : i32
    %dma_wait3A_273 = arith.constant 0 : i32
    %dma_wait3A_274 = arith.constant 0 : i32
    %dma_wait3A_275 = tpu.memref_slice %arg9[%dma_wait3A_270, %dma_wait3A_273, %dma_wait3A_274] : memref<10x125x32xf32, #tpu.memory_space<vmem>> -> memref<1x125x32xf32, #tpu.memory_space<vmem>>
    %dma_wait3A_276 = tpu.memref_squeeze %dma_wait3A_275 : memref<1x125x32xf32, #tpu.memory_space<vmem>> -> memref<125x32xf32, #tpu.memory_space<vmem>>
    %dma_wait3A_277 = arith.constant 0 : i32
    %dma_wait3A_278 = tpu.memref_slice %arg8[%dma_wait3A_271, %dma_wait3A_277] : memref<40x125xi32, #tpu.memory_space<vmem>> -> memref<1x125xi32, #tpu.memory_space<vmem>>
    %dma_wait3A_279 = tpu.memref_squeeze %dma_wait3A_278 : memref<1x125xi32, #tpu.memory_space<vmem>> -> memref<125xi32, #tpu.memory_space<vmem>>
    %dma_wait3A_280 = arith.constant 0 : i32
    %dma_wait3A_281 = arith.constant 0 : i32
    %dma_wait3A_282 = tpu.memref_slice %arg10[%dma_wait3A_280, %dma_wait3A_281] : memref<10000x32xf32, #tpu.memory_space<vmem_shared>> -> memref<10000x32xf32, #tpu.memory_space<vmem_shared>>
    %dma_wait3A_283 = tpu.memref_slice %arg13[%dma_wait3A_272] : memref<10x!tpu.dma_semaphore, #tpu.memory_space<semaphore_mem>> -> memref<1x!tpu.dma_semaphore, #tpu.memory_space<semaphore_mem>>
    %dma_wait3A_284 = tpu.memref_squeeze %dma_wait3A_283 : memref<1x!tpu.dma_semaphore, #tpu.memory_space<semaphore_mem>> -> memref<!tpu.dma_semaphore, #tpu.memory_space<semaphore_mem>>
    tpu.wait_indirect_dma semaphore(%dma_wait3A_284 : memref<!tpu.dma_semaphore, #tpu.memory_space<semaphore_mem>>) src(%dma_wait3A_276 : memref<125x32xf32, #tpu.memory_space<vmem>>) dst(%dma_wait3A_282 : memref<10000x32xf32, #tpu.memory_space<vmem_shared>>)
    %dma_wait3A_285 = arith.constant 7 : i32
    %dma_wait3A_286 = arith.constant 37 : i32
    %dma_wait3A_287 = arith.constant 7 : i32
    %dma_wait3A_288 = arith.constant 0 : i32
    %dma_wait3A_289 = arith.constant 0 : i32
    %dma_wait3A_290 = tpu.memref_slice %arg9[%dma_wait3A_285, %dma_wait3A_288, %dma_wait3A_289] : memref<10x125x32xf32, #tpu.memory_space<vmem>> -> memref<1x125x32xf32, #tpu.memory_space<vmem>>
    %dma_wait3A_291 = tpu.memref_squeeze %dma_wait3A_290 : memref<1x125x32xf32, #tpu.memory_space<vmem>> -> memref<125x32xf32, #tpu.memory_space<vmem>>
    %dma_wait3A_292 = arith.constant 0 : i32
    %dma_wait3A_293 = tpu.memref_slice %arg8[%dma_wait3A_286, %dma_wait3A_292] : memref<40x125xi32, #tpu.memory_space<vmem>> -> memref<1x125xi32, #tpu.memory_space<vmem>>
    %dma_wait3A_294 = tpu.memref_squeeze %dma_wait3A_293 : memref<1x125xi32, #tpu.memory_space<vmem>> -> memref<125xi32, #tpu.memory_space<vmem>>
    %dma_wait3A_295 = arith.constant 0 : i32
    %dma_wait3A_296 = arith.constant 0 : i32
    %dma_wait3A_297 = tpu.memref_slice %arg10[%dma_wait3A_295, %dma_wait3A_296] : memref<10000x32xf32, #tpu.memory_space<vmem_shared>> -> memref<10000x32xf32, #tpu.memory_space<vmem_shared>>
    %dma_wait3A_298 = tpu.memref_slice %arg13[%dma_wait3A_287] : memref<10x!tpu.dma_semaphore, #tpu.memory_space<semaphore_mem>> -> memref<1x!tpu.dma_semaphore, #tpu.memory_space<semaphore_mem>>
    %dma_wait3A_299 = tpu.memref_squeeze %dma_wait3A_298 : memref<1x!tpu.dma_semaphore, #tpu.memory_space<semaphore_mem>> -> memref<!tpu.dma_semaphore, #tpu.memory_space<semaphore_mem>>
    tpu.wait_indirect_dma semaphore(%dma_wait3A_299 : memref<!tpu.dma_semaphore, #tpu.memory_space<semaphore_mem>>) src(%dma_wait3A_291 : memref<125x32xf32, #tpu.memory_space<vmem>>) dst(%dma_wait3A_297 : memref<10000x32xf32, #tpu.memory_space<vmem_shared>>)
    %dma_wait3A_300 = arith.constant 8 : i32
    %dma_wait3A_301 = arith.constant 38 : i32
    %dma_wait3A_302 = arith.constant 8 : i32
    %dma_wait3A_303 = arith.constant 0 : i32
    %dma_wait3A_304 = arith.constant 0 : i32
    %dma_wait3A_305 = tpu.memref_slice %arg9[%dma_wait3A_300, %dma_wait3A_303, %dma_wait3A_304] : memref<10x125x32xf32, #tpu.memory_space<vmem>> -> memref<1x125x32xf32, #tpu.memory_space<vmem>>
    %dma_wait3A_306 = tpu.memref_squeeze %dma_wait3A_305 : memref<1x125x32xf32, #tpu.memory_space<vmem>> -> memref<125x32xf32, #tpu.memory_space<vmem>>
    %dma_wait3A_307 = arith.constant 0 : i32
    %dma_wait3A_308 = tpu.memref_slice %arg8[%dma_wait3A_301, %dma_wait3A_307] : memref<40x125xi32, #tpu.memory_space<vmem>> -> memref<1x125xi32, #tpu.memory_space<vmem>>
    %dma_wait3A_309 = tpu.memref_squeeze %dma_wait3A_308 : memref<1x125xi32, #tpu.memory_space<vmem>> -> memref<125xi32, #tpu.memory_space<vmem>>
    %dma_wait3A_310 = arith.constant 0 : i32
    %dma_wait3A_311 = arith.constant 0 : i32
    %dma_wait3A_312 = tpu.memref_slice %arg10[%dma_wait3A_310, %dma_wait3A_311] : memref<10000x32xf32, #tpu.memory_space<vmem_shared>> -> memref<10000x32xf32, #tpu.memory_space<vmem_shared>>
    %dma_wait3A_313 = tpu.memref_slice %arg13[%dma_wait3A_302] : memref<10x!tpu.dma_semaphore, #tpu.memory_space<semaphore_mem>> -> memref<1x!tpu.dma_semaphore, #tpu.memory_space<semaphore_mem>>
    %dma_wait3A_314 = tpu.memref_squeeze %dma_wait3A_313 : memref<1x!tpu.dma_semaphore, #tpu.memory_space<semaphore_mem>> -> memref<!tpu.dma_semaphore, #tpu.memory_space<semaphore_mem>>
    tpu.wait_indirect_dma semaphore(%dma_wait3A_314 : memref<!tpu.dma_semaphore, #tpu.memory_space<semaphore_mem>>) src(%dma_wait3A_306 : memref<125x32xf32, #tpu.memory_space<vmem>>) dst(%dma_wait3A_312 : memref<10000x32xf32, #tpu.memory_space<vmem_shared>>)
    %dma_wait3A_315 = arith.constant 9 : i32
    %dma_wait3A_316 = arith.constant 39 : i32
    %dma_wait3A_317 = arith.constant 9 : i32
    %dma_wait3A_318 = arith.constant 0 : i32
    %dma_wait3A_319 = arith.constant 0 : i32
    %dma_wait3A_320 = tpu.memref_slice %arg9[%dma_wait3A_315, %dma_wait3A_318, %dma_wait3A_319] : memref<10x125x32xf32, #tpu.memory_space<vmem>> -> memref<1x125x32xf32, #tpu.memory_space<vmem>>
    %dma_wait3A_321 = tpu.memref_squeeze %dma_wait3A_320 : memref<1x125x32xf32, #tpu.memory_space<vmem>> -> memref<125x32xf32, #tpu.memory_space<vmem>>
    %dma_wait3A_322 = arith.constant 0 : i32
    %dma_wait3A_323 = tpu.memref_slice %arg8[%dma_wait3A_316, %dma_wait3A_322] : memref<40x125xi32, #tpu.memory_space<vmem>> -> memref<1x125xi32, #tpu.memory_space<vmem>>
    %dma_wait3A_324 = tpu.memref_squeeze %dma_wait3A_323 : memref<1x125xi32, #tpu.memory_space<vmem>> -> memref<125xi32, #tpu.memory_space<vmem>>
    %dma_wait3A_325 = arith.constant 0 : i32
    %dma_wait3A_326 = arith.constant 0 : i32
    %dma_wait3A_327 = tpu.memref_slice %arg10[%dma_wait3A_325, %dma_wait3A_326] : memref<10000x32xf32, #tpu.memory_space<vmem_shared>> -> memref<10000x32xf32, #tpu.memory_space<vmem_shared>>
    %dma_wait3A_328 = tpu.memref_slice %arg13[%dma_wait3A_317] : memref<10x!tpu.dma_semaphore, #tpu.memory_space<semaphore_mem>> -> memref<1x!tpu.dma_semaphore, #tpu.memory_space<semaphore_mem>>
    %dma_wait3A_329 = tpu.memref_squeeze %dma_wait3A_328 : memref<1x!tpu.dma_semaphore, #tpu.memory_space<semaphore_mem>> -> memref<!tpu.dma_semaphore, #tpu.memory_space<semaphore_mem>>
    tpu.wait_indirect_dma semaphore(%dma_wait3A_329 : memref<!tpu.dma_semaphore, #tpu.memory_space<semaphore_mem>>) src(%dma_wait3A_321 : memref<125x32xf32, #tpu.memory_space<vmem>>) dst(%dma_wait3A_327 : memref<10000x32xf32, #tpu.memory_space<vmem_shared>>)
    %barrier3A_330 = arith.constant 0 : index
    tpu.barrier barrier_id(%barrier3A_330)
    %mul3A_331 = arith.constant 625 : i32
    %mul3A_332 = arith.muli %arg1, %mul3A_331 : i32
    "tpu.region"() ({
      %run_scoped3A = tpu.sem_alloc : memref<!tpu.dma_semaphore, #tpu.memory_space<semaphore_mem>>
      %dma_start3A_338 = arith.constant 0 : i32
      %dma_start3A_339 = tpu.memref_slice %arg10[%mul3A_332, %dma_start3A_338] : memref<10000x32xf32, #tpu.memory_space<vmem_shared>> -> memref<625x32xf32, #tpu.memory_space<vmem_shared>>
      %dma_start3A_340 = arith.constant 0 : i32
      %dma_start3A_341 = tpu.memref_slice %arg10[%mul3A_332, %dma_start3A_340] : memref<10000x32xf32, #tpu.memory_space<vmem_shared>> -> memref<625x32xf32, #tpu.memory_space<vmem_shared>>
      tpu.enqueue_dma source(%dma_start3A_341 : memref<625x32xf32, #tpu.memory_space<vmem_shared>>) target(%arg6 : memref<625x32xf32, #tpu.memory_space<vmem>>) target_semaphore(%run_scoped3A : memref<!tpu.dma_semaphore, #tpu.memory_space<semaphore_mem>>)
      %dma_wait3A_342 = arith.constant 0 : i32
      %dma_wait3A_343 = tpu.memref_slice %arg10[%mul3A_332, %dma_wait3A_342] : memref<10000x32xf32, #tpu.memory_space<vmem_shared>> -> memref<625x32xf32, #tpu.memory_space<vmem_shared>>
      %dma_wait3A_344 = arith.constant 0 : i32
      %dma_wait3A_345 = tpu.memref_slice %arg10[%mul3A_332, %dma_wait3A_344] : memref<10000x32xf32, #tpu.memory_space<vmem_shared>> -> memref<625x32xf32, #tpu.memory_space<vmem_shared>>
      tpu.wait_dma2 semaphore(%run_scoped3A : memref<!tpu.dma_semaphore, #tpu.memory_space<semaphore_mem>>) src(%dma_wait3A_345 : memref<625x32xf32, #tpu.memory_space<vmem_shared>>) dst(%arg6 : memref<625x32xf32, #tpu.memory_space<vmem>>)
      tpu.yield
    }) : () -> ()
    %mul3A_333 = arith.constant 10000 : i32
    %mul3A_334 = arith.muli %arg0, %mul3A_333 : i32
    %mul3A_335 = arith.constant 625 : i32
    %mul3A_336 = arith.muli %arg1, %mul3A_335 : i32
    %add3A_337 = arith.addi %mul3A_334, %mul3A_336 : i32
    "tpu.region"() ({
      %run_scoped3A = tpu.sem_alloc : memref<!tpu.dma_semaphore, #tpu.memory_space<semaphore_mem>>
      %dma_start3A_338 = arith.constant 0 : i32
      %dma_start3A_339 = tpu.memref_slice %arg5[%add3A_337, %dma_start3A_338] : memref<20000x32xf32, #tpu.memory_space<hbm>> -> memref<625x32xf32, #tpu.memory_space<hbm>>
      %dma_start3A_340 = arith.constant 0 : i32
      %dma_start3A_341 = tpu.memref_slice %arg5[%add3A_337, %dma_start3A_340] : memref<20000x32xf32, #tpu.memory_space<hbm>> -> memref<625x32xf32, #tpu.memory_space<hbm>>
      tpu.enqueue_dma source(%arg6 : memref<625x32xf32, #tpu.memory_space<vmem>>) target(%dma_start3A_341 : memref<625x32xf32, #tpu.memory_space<hbm>>) target_semaphore(%run_scoped3A : memref<!tpu.dma_semaphore, #tpu.memory_space<semaphore_mem>>)
      %dma_wait3A_342 = arith.constant 0 : i32
      %dma_wait3A_343 = tpu.memref_slice %arg5[%add3A_337, %dma_wait3A_342] : memref<20000x32xf32, #tpu.memory_space<hbm>> -> memref<625x32xf32, #tpu.memory_space<hbm>>
      %dma_wait3A_344 = arith.constant 0 : i32
      %dma_wait3A_345 = tpu.memref_slice %arg5[%add3A_337, %dma_wait3A_344] : memref<20000x32xf32, #tpu.memory_space<hbm>> -> memref<625x32xf32, #tpu.memory_space<hbm>>
      tpu.wait_dma2 semaphore(%run_scoped3A : memref<!tpu.dma_semaphore, #tpu.memory_space<semaphore_mem>>) src(%arg6 : memref<625x32xf32, #tpu.memory_space<vmem>>) dst(%dma_wait3A_345 : memref<625x32xf32, #tpu.memory_space<hbm>>)
      tpu.yield
    }) : () -> ()
    return
  }
}

#map = affine_map<(d0, d1) -> (0, 0)>
module attributes {stable_mosaic.version = 14 : i64} {
  func.func @_mp_body(%arg0: i32, %arg1: i32, %arg2: memref<90000x32xf32, #tpu.memory_space<hbm>>, %arg3: memref<1280x125xi32, #tpu.memory_space<hbm>>, %arg4: memref<1280x125xi32, #tpu.memory_space<hbm>>, %arg5: memref<20000x32xf32, #tpu.memory_space<hbm>>, %arg6: memref<625x32xf32, #tpu.memory_space<vmem>>, %arg7: memref<40x125xi32, #tpu.memory_space<vmem>>, %arg8: memref<40x125xi32, #tpu.memory_space<vmem>>, %arg9: memref<10x125x32xf32, #tpu.memory_space<vmem>>, %arg10: memref<10000x32xf32, #tpu.memory_space<vmem_shared>>, %arg11: memref<!tpu.dma_semaphore, #tpu.memory_space<semaphore_mem>>, %arg12: memref<10x!tpu.dma_semaphore, #tpu.memory_space<semaphore_mem>>, %arg13: memref<10x!tpu.dma_semaphore, #tpu.memory_space<semaphore_mem>>) attributes {dimension_semantics = [#tpu.dimension_semantics<core_parallel>, #tpu.dimension_semantics<subcore_parallel>], iteration_bounds = array<i64: 2, 16>, scalar_prefetch = 0 : i64, scratch_operands = 8 : i64, tpu.core_type = #tpu.core_type<sc_vector_subcore>, window_params = [{transform_indices = #map}, {transform_indices = #map}, {transform_indices = #map}, {transform_indices = #map}]} {
    %mul3A = arith.constant 640 : i32
    %mul3A_0 = arith.muli %arg0, %mul3A : i32
    %mul3A_1 = arith.constant 40 : i32
    %mul3A_2 = arith.muli %arg1, %mul3A_1 : i32
    %add3A = arith.addi %mul3A_0, %mul3A_2 : i32
    %dma_start3A = arith.constant 0 : i32
    %dma_start3A_3 = tpu.memref_slice %arg3[%add3A, %dma_start3A] : memref<1280x125xi32, #tpu.memory_space<hbm>> -> memref<40x125xi32, #tpu.memory_space<hbm>>
    %dma_start3A_4 = arith.constant 0 : i32
    %dma_start3A_5 = tpu.memref_slice %arg3[%add3A, %dma_start3A_4] : memref<1280x125xi32, #tpu.memory_space<hbm>> -> memref<40x125xi32, #tpu.memory_space<hbm>>
    tpu.enqueue_dma source(%dma_start3A_5 : memref<40x125xi32, #tpu.memory_space<hbm>>) target(%arg7 : memref<40x125xi32, #tpu.memory_space<vmem>>) target_semaphore(%arg11 : memref<!tpu.dma_semaphore, #tpu.memory_space<semaphore_mem>>)
    %dma_start3A_6 = arith.constant 0 : i32
    %dma_start3A_7 = tpu.memref_slice %arg4[%add3A, %dma_start3A_6] : memref<1280x125xi32, #tpu.memory_space<hbm>> -> memref<40x125xi32, #tpu.memory_space<hbm>>
    %dma_start3A_8 = arith.constant 0 : i32
    %dma_start3A_9 = tpu.memref_slice %arg4[%add3A, %dma_start3A_8] : memref<1280x125xi32, #tpu.memory_space<hbm>> -> memref<40x125xi32, #tpu.memory_space<hbm>>
    tpu.enqueue_dma source(%dma_start3A_9 : memref<40x125xi32, #tpu.memory_space<hbm>>) target(%arg8 : memref<40x125xi32, #tpu.memory_space<vmem>>) target_semaphore(%arg11 : memref<!tpu.dma_semaphore, #tpu.memory_space<semaphore_mem>>)
    %scan3A = arith.constant 0 : i32
    %scan3A_10 = arith.constant 0 : i32
    %scan3A_11 = arith.constant 625 : i32
    %scan3A_12 = arith.addi %scan3A_10, %scan3A_11 : i32
    %scan3A_13 = arith.constant 1 : i32
    scf.for %scan3A_338 = %scan3A_10 to %scan3A_12 step %scan3A_13  : i32 {
      %broadcast_in_dim3A = arith.constant 0.000000e+00 : f32
      %broadcast_in_dim3A_339 = vector.broadcast %broadcast_in_dim3A : f32 to vector<16xf32>
      %swap3A = arith.index_cast %scan3A_338 : i32 to index
      %swap3A_340 = arith.constant 0 : index
      %swap3A_341 = tpu.vector_load %arg6[%swap3A, %swap3A_340] {strides = array<i32>} : memref<625x32xf32, #tpu.memory_space<vmem>>, vector<1x16xf32>,
      %swap3A_342 = vector.shape_cast %swap3A_341 : vector<1x16xf32> to vector<16xf32>
      %swap3A_343 = vector.shape_cast %broadcast_in_dim3A_339 : vector<16xf32> to vector<1x16xf32>
      tpu.vector_store %arg6[%swap3A, %swap3A_340], %swap3A_343 {strides = array<i32>} : memref<625x32xf32, #tpu.memory_space<vmem>>, vector<1x16xf32>,
      %broadcast_in_dim3A_344 = arith.constant 0.000000e+00 : f32
      %broadcast_in_dim3A_345 = vector.broadcast %broadcast_in_dim3A_344 : f32 to vector<16xf32>
      %swap3A_346 = arith.index_cast %scan3A_338 : i32 to index
      %swap3A_347 = arith.constant 16 : index
      %swap3A_348 = tpu.vector_load %arg6[%swap3A_346, %swap3A_347] {strides = array<i32>} : memref<625x32xf32, #tpu.memory_space<vmem>>, vector<1x16xf32>,
      %swap3A_349 = vector.shape_cast %swap3A_348 : vector<1x16xf32> to vector<16xf32>
      %swap3A_350 = vector.shape_cast %broadcast_in_dim3A_345 : vector<16xf32> to vector<1x16xf32>
      tpu.vector_store %arg6[%swap3A_346, %swap3A_347], %swap3A_350 {strides = array<i32>} : memref<625x32xf32, #tpu.memory_space<vmem>>, vector<1x16xf32>,
    }
    %scan3A_14 = arith.constant 625 : i32
    %dma_wait3A = arith.constant 0 : i32
    %dma_wait3A_15 = tpu.memref_slice %arg3[%add3A, %dma_wait3A] : memref<1280x125xi32, #tpu.memory_space<hbm>> -> memref<40x125xi32, #tpu.memory_space<hbm>>
    %dma_wait3A_16 = arith.constant 0 : i32
    %dma_wait3A_17 = tpu.memref_slice %arg3[%add3A, %dma_wait3A_16] : memref<1280x125xi32, #tpu.memory_space<hbm>> -> memref<40x125xi32, #tpu.memory_space<hbm>>
    tpu.wait_dma2 semaphore(%arg11 : memref<!tpu.dma_semaphore, #tpu.memory_space<semaphore_mem>>) src(%dma_wait3A_17 : memref<40x125xi32, #tpu.memory_space<hbm>>) dst(%arg7 : memref<40x125xi32, #tpu.memory_space<vmem>>)
    %dma_wait3A_18 = arith.constant 0 : i32
    %dma_wait3A_19 = tpu.memref_slice %arg4[%add3A, %dma_wait3A_18] : memref<1280x125xi32, #tpu.memory_space<hbm>> -> memref<40x125xi32, #tpu.memory_space<hbm>>
    %dma_wait3A_20 = arith.constant 0 : i32
    %dma_wait3A_21 = tpu.memref_slice %arg4[%add3A, %dma_wait3A_20] : memref<1280x125xi32, #tpu.memory_space<hbm>> -> memref<40x125xi32, #tpu.memory_space<hbm>>
    tpu.wait_dma2 semaphore(%arg11 : memref<!tpu.dma_semaphore, #tpu.memory_space<semaphore_mem>>) src(%dma_wait3A_21 : memref<40x125xi32, #tpu.memory_space<hbm>>) dst(%arg8 : memref<40x125xi32, #tpu.memory_space<vmem>>)
    %dma_start3A_22 = arith.constant 0 : i32
    %dma_start3A_23 = arith.constant 0 : i32
    %dma_start3A_24 = arith.constant 0 : i32
    %dma_start3A_25 = arith.constant 0 : i32
    %dma_start3A_26 = arith.constant 0 : i32
    %dma_start3A_27 = tpu.memref_slice %arg9[%dma_start3A_23, %dma_start3A_25, %dma_start3A_26] : memref<10x125x32xf32, #tpu.memory_space<vmem>> -> memref<1x125x32xf32, #tpu.memory_space<vmem>>
    %dma_start3A_28 = tpu.memref_squeeze %dma_start3A_27 : memref<1x125x32xf32, #tpu.memory_space<vmem>> -> memref<125x32xf32, #tpu.memory_space<vmem>>
    %dma_start3A_29 = arith.constant 0 : i32
    %dma_start3A_30 = tpu.memref_slice %arg7[%dma_start3A_22, %dma_start3A_29] : memref<40x125xi32, #tpu.memory_space<vmem>> -> memref<1x125xi32, #tpu.memory_space<vmem>>
    %dma_start3A_31 = tpu.memref_squeeze %dma_start3A_30 : memref<1x125xi32, #tpu.memory_space<vmem>> -> memref<125xi32, #tpu.memory_space<vmem>>
    %dma_start3A_32 = arith.constant 0 : i32
    %dma_start3A_33 = arith.constant 0 : i32
    %dma_start3A_34 = tpu.memref_slice %arg2[%dma_start3A_32, %dma_start3A_33] : memref<90000x32xf32, #tpu.memory_space<hbm>> -> memref<90000x32xf32, #tpu.memory_space<hbm>>
    %dma_start3A_35 = tpu.memref_slice %arg12[%dma_start3A_24] : memref<10x!tpu.dma_semaphore, #tpu.memory_space<semaphore_mem>> -> memref<1x!tpu.dma_semaphore, #tpu.memory_space<semaphore_mem>>
    %dma_start3A_36 = tpu.memref_squeeze %dma_start3A_35 : memref<1x!tpu.dma_semaphore, #tpu.memory_space<semaphore_mem>> -> memref<!tpu.dma_semaphore, #tpu.memory_space<semaphore_mem>>
    tpu.enqueue_indirect_dma source(%dma_start3A_34 : memref<90000x32xf32, #tpu.memory_space<hbm>>) target(%dma_start3A_28 : memref<125x32xf32, #tpu.memory_space<vmem>>) offsets(%dma_start3A_31 : memref<125xi32, #tpu.memory_space<vmem>>) semaphore(%dma_start3A_36 : memref<!tpu.dma_semaphore, #tpu.memory_space<semaphore_mem>>)
    %dma_start3A_37 = arith.constant 1 : i32
    %dma_start3A_38 = arith.constant 1 : i32
    %dma_start3A_39 = arith.constant 1 : i32
    %dma_start3A_40 = arith.constant 0 : i32
    %dma_start3A_41 = arith.constant 0 : i32
    %dma_start3A_42 = tpu.memref_slice %arg9[%dma_start3A_38, %dma_start3A_40, %dma_start3A_41] : memref<10x125x32xf32, #tpu.memory_space<vmem>> -> memref<1x125x32xf32, #tpu.memory_space<vmem>>
    %dma_start3A_43 = tpu.memref_squeeze %dma_start3A_42 : memref<1x125x32xf32, #tpu.memory_space<vmem>> -> memref<125x32xf32, #tpu.memory_space<vmem>>
    %dma_start3A_44 = arith.constant 0 : i32
    %dma_start3A_45 = tpu.memref_slice %arg7[%dma_start3A_37, %dma_start3A_44] : memref<40x125xi32, #tpu.memory_space<vmem>> -> memref<1x125xi32, #tpu.memory_space<vmem>>
    %dma_start3A_46 = tpu.memref_squeeze %dma_start3A_45 : memref<1x125xi32, #tpu.memory_space<vmem>> -> memref<125xi32, #tpu.memory_space<vmem>>
    %dma_start3A_47 = arith.constant 0 : i32
    %dma_start3A_48 = arith.constant 0 : i32
    %dma_start3A_49 = tpu.memref_slice %arg2[%dma_start3A_47, %dma_start3A_48] : memref<90000x32xf32, #tpu.memory_space<hbm>> -> memref<90000x32xf32, #tpu.memory_space<hbm>>
    %dma_start3A_50 = tpu.memref_slice %arg12[%dma_start3A_39] : memref<10x!tpu.dma_semaphore, #tpu.memory_space<semaphore_mem>> -> memref<1x!tpu.dma_semaphore, #tpu.memory_space<semaphore_mem>>
    %dma_start3A_51 = tpu.memref_squeeze %dma_start3A_50 : memref<1x!tpu.dma_semaphore, #tpu.memory_space<semaphore_mem>> -> memref<!tpu.dma_semaphore, #tpu.memory_space<semaphore_mem>>
    tpu.enqueue_indirect_dma source(%dma_start3A_49 : memref<90000x32xf32, #tpu.memory_space<hbm>>) target(%dma_start3A_43 : memref<125x32xf32, #tpu.memory_space<vmem>>) offsets(%dma_start3A_46 : memref<125xi32, #tpu.memory_space<vmem>>) semaphore(%dma_start3A_51 : memref<!tpu.dma_semaphore, #tpu.memory_space<semaphore_mem>>)
    %dma_start3A_52 = arith.constant 2 : i32
    %dma_start3A_53 = arith.constant 2 : i32
    %dma_start3A_54 = arith.constant 2 : i32
    %dma_start3A_55 = arith.constant 0 : i32
    %dma_start3A_56 = arith.constant 0 : i32
    %dma_start3A_57 = tpu.memref_slice %arg9[%dma_start3A_53, %dma_start3A_55, %dma_start3A_56] : memref<10x125x32xf32, #tpu.memory_space<vmem>> -> memref<1x125x32xf32, #tpu.memory_space<vmem>>
    %dma_start3A_58 = tpu.memref_squeeze %dma_start3A_57 : memref<1x125x32xf32, #tpu.memory_space<vmem>> -> memref<125x32xf32, #tpu.memory_space<vmem>>
    %dma_start3A_59 = arith.constant 0 : i32
    %dma_start3A_60 = tpu.memref_slice %arg7[%dma_start3A_52, %dma_start3A_59] : memref<40x125xi32, #tpu.memory_space<vmem>> -> memref<1x125xi32, #tpu.memory_space<vmem>>
    %dma_start3A_61 = tpu.memref_squeeze %dma_start3A_60 : memref<1x125xi32, #tpu.memory_space<vmem>> -> memref<125xi32, #tpu.memory_space<vmem>>
    %dma_start3A_62 = arith.constant 0 : i32
    %dma_start3A_63 = arith.constant 0 : i32
    %dma_start3A_64 = tpu.memref_slice %arg2[%dma_start3A_62, %dma_start3A_63] : memref<90000x32xf32, #tpu.memory_space<hbm>> -> memref<90000x32xf32, #tpu.memory_space<hbm>>
    %dma_start3A_65 = tpu.memref_slice %arg12[%dma_start3A_54] : memref<10x!tpu.dma_semaphore, #tpu.memory_space<semaphore_mem>> -> memref<1x!tpu.dma_semaphore, #tpu.memory_space<semaphore_mem>>
    %dma_start3A_66 = tpu.memref_squeeze %dma_start3A_65 : memref<1x!tpu.dma_semaphore, #tpu.memory_space<semaphore_mem>> -> memref<!tpu.dma_semaphore, #tpu.memory_space<semaphore_mem>>
    tpu.enqueue_indirect_dma source(%dma_start3A_64 : memref<90000x32xf32, #tpu.memory_space<hbm>>) target(%dma_start3A_58 : memref<125x32xf32, #tpu.memory_space<vmem>>) offsets(%dma_start3A_61 : memref<125xi32, #tpu.memory_space<vmem>>) semaphore(%dma_start3A_66 : memref<!tpu.dma_semaphore, #tpu.memory_space<semaphore_mem>>)
    %dma_start3A_67 = arith.constant 3 : i32
    %dma_start3A_68 = arith.constant 3 : i32
    %dma_start3A_69 = arith.constant 3 : i32
    %dma_start3A_70 = arith.constant 0 : i32
    %dma_start3A_71 = arith.constant 0 : i32
    %dma_start3A_72 = tpu.memref_slice %arg9[%dma_start3A_68, %dma_start3A_70, %dma_start3A_71] : memref<10x125x32xf32, #tpu.memory_space<vmem>> -> memref<1x125x32xf32, #tpu.memory_space<vmem>>
    %dma_start3A_73 = tpu.memref_squeeze %dma_start3A_72 : memref<1x125x32xf32, #tpu.memory_space<vmem>> -> memref<125x32xf32, #tpu.memory_space<vmem>>
    %dma_start3A_74 = arith.constant 0 : i32
    %dma_start3A_75 = tpu.memref_slice %arg7[%dma_start3A_67, %dma_start3A_74] : memref<40x125xi32, #tpu.memory_space<vmem>> -> memref<1x125xi32, #tpu.memory_space<vmem>>
    %dma_start3A_76 = tpu.memref_squeeze %dma_start3A_75 : memref<1x125xi32, #tpu.memory_space<vmem>> -> memref<125xi32, #tpu.memory_space<vmem>>
    %dma_start3A_77 = arith.constant 0 : i32
    %dma_start3A_78 = arith.constant 0 : i32
    %dma_start3A_79 = tpu.memref_slice %arg2[%dma_start3A_77, %dma_start3A_78] : memref<90000x32xf32, #tpu.memory_space<hbm>> -> memref<90000x32xf32, #tpu.memory_space<hbm>>
    %dma_start3A_80 = tpu.memref_slice %arg12[%dma_start3A_69] : memref<10x!tpu.dma_semaphore, #tpu.memory_space<semaphore_mem>> -> memref<1x!tpu.dma_semaphore, #tpu.memory_space<semaphore_mem>>
    %dma_start3A_81 = tpu.memref_squeeze %dma_start3A_80 : memref<1x!tpu.dma_semaphore, #tpu.memory_space<semaphore_mem>> -> memref<!tpu.dma_semaphore, #tpu.memory_space<semaphore_mem>>
    tpu.enqueue_indirect_dma source(%dma_start3A_79 : memref<90000x32xf32, #tpu.memory_space<hbm>>) target(%dma_start3A_73 : memref<125x32xf32, #tpu.memory_space<vmem>>) offsets(%dma_start3A_76 : memref<125xi32, #tpu.memory_space<vmem>>) semaphore(%dma_start3A_81 : memref<!tpu.dma_semaphore, #tpu.memory_space<semaphore_mem>>)
    %dma_start3A_82 = arith.constant 4 : i32
    %dma_start3A_83 = arith.constant 4 : i32
    %dma_start3A_84 = arith.constant 4 : i32
    %dma_start3A_85 = arith.constant 0 : i32
    %dma_start3A_86 = arith.constant 0 : i32
    %dma_start3A_87 = tpu.memref_slice %arg9[%dma_start3A_83, %dma_start3A_85, %dma_start3A_86] : memref<10x125x32xf32, #tpu.memory_space<vmem>> -> memref<1x125x32xf32, #tpu.memory_space<vmem>>
    %dma_start3A_88 = tpu.memref_squeeze %dma_start3A_87 : memref<1x125x32xf32, #tpu.memory_space<vmem>> -> memref<125x32xf32, #tpu.memory_space<vmem>>
    %dma_start3A_89 = arith.constant 0 : i32
    %dma_start3A_90 = tpu.memref_slice %arg7[%dma_start3A_82, %dma_start3A_89] : memref<40x125xi32, #tpu.memory_space<vmem>> -> memref<1x125xi32, #tpu.memory_space<vmem>>
    %dma_start3A_91 = tpu.memref_squeeze %dma_start3A_90 : memref<1x125xi32, #tpu.memory_space<vmem>> -> memref<125xi32, #tpu.memory_space<vmem>>
    %dma_start3A_92 = arith.constant 0 : i32
    %dma_start3A_93 = arith.constant 0 : i32
    %dma_start3A_94 = tpu.memref_slice %arg2[%dma_start3A_92, %dma_start3A_93] : memref<90000x32xf32, #tpu.memory_space<hbm>> -> memref<90000x32xf32, #tpu.memory_space<hbm>>
    %dma_start3A_95 = tpu.memref_slice %arg12[%dma_start3A_84] : memref<10x!tpu.dma_semaphore, #tpu.memory_space<semaphore_mem>> -> memref<1x!tpu.dma_semaphore, #tpu.memory_space<semaphore_mem>>
    %dma_start3A_96 = tpu.memref_squeeze %dma_start3A_95 : memref<1x!tpu.dma_semaphore, #tpu.memory_space<semaphore_mem>> -> memref<!tpu.dma_semaphore, #tpu.memory_space<semaphore_mem>>
    tpu.enqueue_indirect_dma source(%dma_start3A_94 : memref<90000x32xf32, #tpu.memory_space<hbm>>) target(%dma_start3A_88 : memref<125x32xf32, #tpu.memory_space<vmem>>) offsets(%dma_start3A_91 : memref<125xi32, #tpu.memory_space<vmem>>) semaphore(%dma_start3A_96 : memref<!tpu.dma_semaphore, #tpu.memory_space<semaphore_mem>>)
    %dma_start3A_97 = arith.constant 5 : i32
    %dma_start3A_98 = arith.constant 5 : i32
    %dma_start3A_99 = arith.constant 5 : i32
    %dma_start3A_100 = arith.constant 0 : i32
    %dma_start3A_101 = arith.constant 0 : i32
    %dma_start3A_102 = tpu.memref_slice %arg9[%dma_start3A_98, %dma_start3A_100, %dma_start3A_101] : memref<10x125x32xf32, #tpu.memory_space<vmem>> -> memref<1x125x32xf32, #tpu.memory_space<vmem>>
    %dma_start3A_103 = tpu.memref_squeeze %dma_start3A_102 : memref<1x125x32xf32, #tpu.memory_space<vmem>> -> memref<125x32xf32, #tpu.memory_space<vmem>>
    %dma_start3A_104 = arith.constant 0 : i32
    %dma_start3A_105 = tpu.memref_slice %arg7[%dma_start3A_97, %dma_start3A_104] : memref<40x125xi32, #tpu.memory_space<vmem>> -> memref<1x125xi32, #tpu.memory_space<vmem>>
    %dma_start3A_106 = tpu.memref_squeeze %dma_start3A_105 : memref<1x125xi32, #tpu.memory_space<vmem>> -> memref<125xi32, #tpu.memory_space<vmem>>
    %dma_start3A_107 = arith.constant 0 : i32
    %dma_start3A_108 = arith.constant 0 : i32
    %dma_start3A_109 = tpu.memref_slice %arg2[%dma_start3A_107, %dma_start3A_108] : memref<90000x32xf32, #tpu.memory_space<hbm>> -> memref<90000x32xf32, #tpu.memory_space<hbm>>
    %dma_start3A_110 = tpu.memref_slice %arg12[%dma_start3A_99] : memref<10x!tpu.dma_semaphore, #tpu.memory_space<semaphore_mem>> -> memref<1x!tpu.dma_semaphore, #tpu.memory_space<semaphore_mem>>
    %dma_start3A_111 = tpu.memref_squeeze %dma_start3A_110 : memref<1x!tpu.dma_semaphore, #tpu.memory_space<semaphore_mem>> -> memref<!tpu.dma_semaphore, #tpu.memory_space<semaphore_mem>>
    tpu.enqueue_indirect_dma source(%dma_start3A_109 : memref<90000x32xf32, #tpu.memory_space<hbm>>) target(%dma_start3A_103 : memref<125x32xf32, #tpu.memory_space<vmem>>) offsets(%dma_start3A_106 : memref<125xi32, #tpu.memory_space<vmem>>) semaphore(%dma_start3A_111 : memref<!tpu.dma_semaphore, #tpu.memory_space<semaphore_mem>>)
    %dma_start3A_112 = arith.constant 6 : i32
    %dma_start3A_113 = arith.constant 6 : i32
    %dma_start3A_114 = arith.constant 6 : i32
    %dma_start3A_115 = arith.constant 0 : i32
    %dma_start3A_116 = arith.constant 0 : i32
    %dma_start3A_117 = tpu.memref_slice %arg9[%dma_start3A_113, %dma_start3A_115, %dma_start3A_116] : memref<10x125x32xf32, #tpu.memory_space<vmem>> -> memref<1x125x32xf32, #tpu.memory_space<vmem>>
    %dma_start3A_118 = tpu.memref_squeeze %dma_start3A_117 : memref<1x125x32xf32, #tpu.memory_space<vmem>> -> memref<125x32xf32, #tpu.memory_space<vmem>>
    %dma_start3A_119 = arith.constant 0 : i32
    %dma_start3A_120 = tpu.memref_slice %arg7[%dma_start3A_112, %dma_start3A_119] : memref<40x125xi32, #tpu.memory_space<vmem>> -> memref<1x125xi32, #tpu.memory_space<vmem>>
    %dma_start3A_121 = tpu.memref_squeeze %dma_start3A_120 : memref<1x125xi32, #tpu.memory_space<vmem>> -> memref<125xi32, #tpu.memory_space<vmem>>
    %dma_start3A_122 = arith.constant 0 : i32
    %dma_start3A_123 = arith.constant 0 : i32
    %dma_start3A_124 = tpu.memref_slice %arg2[%dma_start3A_122, %dma_start3A_123] : memref<90000x32xf32, #tpu.memory_space<hbm>> -> memref<90000x32xf32, #tpu.memory_space<hbm>>
    %dma_start3A_125 = tpu.memref_slice %arg12[%dma_start3A_114] : memref<10x!tpu.dma_semaphore, #tpu.memory_space<semaphore_mem>> -> memref<1x!tpu.dma_semaphore, #tpu.memory_space<semaphore_mem>>
    %dma_start3A_126 = tpu.memref_squeeze %dma_start3A_125 : memref<1x!tpu.dma_semaphore, #tpu.memory_space<semaphore_mem>> -> memref<!tpu.dma_semaphore, #tpu.memory_space<semaphore_mem>>
    tpu.enqueue_indirect_dma source(%dma_start3A_124 : memref<90000x32xf32, #tpu.memory_space<hbm>>) target(%dma_start3A_118 : memref<125x32xf32, #tpu.memory_space<vmem>>) offsets(%dma_start3A_121 : memref<125xi32, #tpu.memory_space<vmem>>) semaphore(%dma_start3A_126 : memref<!tpu.dma_semaphore, #tpu.memory_space<semaphore_mem>>)
    %dma_start3A_127 = arith.constant 7 : i32
    %dma_start3A_128 = arith.constant 7 : i32
    %dma_start3A_129 = arith.constant 7 : i32
    %dma_start3A_130 = arith.constant 0 : i32
    %dma_start3A_131 = arith.constant 0 : i32
    %dma_start3A_132 = tpu.memref_slice %arg9[%dma_start3A_128, %dma_start3A_130, %dma_start3A_131] : memref<10x125x32xf32, #tpu.memory_space<vmem>> -> memref<1x125x32xf32, #tpu.memory_space<vmem>>
    %dma_start3A_133 = tpu.memref_squeeze %dma_start3A_132 : memref<1x125x32xf32, #tpu.memory_space<vmem>> -> memref<125x32xf32, #tpu.memory_space<vmem>>
    %dma_start3A_134 = arith.constant 0 : i32
    %dma_start3A_135 = tpu.memref_slice %arg7[%dma_start3A_127, %dma_start3A_134] : memref<40x125xi32, #tpu.memory_space<vmem>> -> memref<1x125xi32, #tpu.memory_space<vmem>>
    %dma_start3A_136 = tpu.memref_squeeze %dma_start3A_135 : memref<1x125xi32, #tpu.memory_space<vmem>> -> memref<125xi32, #tpu.memory_space<vmem>>
    %dma_start3A_137 = arith.constant 0 : i32
    %dma_start3A_138 = arith.constant 0 : i32
    %dma_start3A_139 = tpu.memref_slice %arg2[%dma_start3A_137, %dma_start3A_138] : memref<90000x32xf32, #tpu.memory_space<hbm>> -> memref<90000x32xf32, #tpu.memory_space<hbm>>
    %dma_start3A_140 = tpu.memref_slice %arg12[%dma_start3A_129] : memref<10x!tpu.dma_semaphore, #tpu.memory_space<semaphore_mem>> -> memref<1x!tpu.dma_semaphore, #tpu.memory_space<semaphore_mem>>
    %dma_start3A_141 = tpu.memref_squeeze %dma_start3A_140 : memref<1x!tpu.dma_semaphore, #tpu.memory_space<semaphore_mem>> -> memref<!tpu.dma_semaphore, #tpu.memory_space<semaphore_mem>>
    tpu.enqueue_indirect_dma source(%dma_start3A_139 : memref<90000x32xf32, #tpu.memory_space<hbm>>) target(%dma_start3A_133 : memref<125x32xf32, #tpu.memory_space<vmem>>) offsets(%dma_start3A_136 : memref<125xi32, #tpu.memory_space<vmem>>) semaphore(%dma_start3A_141 : memref<!tpu.dma_semaphore, #tpu.memory_space<semaphore_mem>>)
    %dma_start3A_142 = arith.constant 8 : i32
    %dma_start3A_143 = arith.constant 8 : i32
    %dma_start3A_144 = arith.constant 8 : i32
    %dma_start3A_145 = arith.constant 0 : i32
    %dma_start3A_146 = arith.constant 0 : i32
    %dma_start3A_147 = tpu.memref_slice %arg9[%dma_start3A_143, %dma_start3A_145, %dma_start3A_146] : memref<10x125x32xf32, #tpu.memory_space<vmem>> -> memref<1x125x32xf32, #tpu.memory_space<vmem>>
    %dma_start3A_148 = tpu.memref_squeeze %dma_start3A_147 : memref<1x125x32xf32, #tpu.memory_space<vmem>> -> memref<125x32xf32, #tpu.memory_space<vmem>>
    %dma_start3A_149 = arith.constant 0 : i32
    %dma_start3A_150 = tpu.memref_slice %arg7[%dma_start3A_142, %dma_start3A_149] : memref<40x125xi32, #tpu.memory_space<vmem>> -> memref<1x125xi32, #tpu.memory_space<vmem>>
    %dma_start3A_151 = tpu.memref_squeeze %dma_start3A_150 : memref<1x125xi32, #tpu.memory_space<vmem>> -> memref<125xi32, #tpu.memory_space<vmem>>
    %dma_start3A_152 = arith.constant 0 : i32
    %dma_start3A_153 = arith.constant 0 : i32
    %dma_start3A_154 = tpu.memref_slice %arg2[%dma_start3A_152, %dma_start3A_153] : memref<90000x32xf32, #tpu.memory_space<hbm>> -> memref<90000x32xf32, #tpu.memory_space<hbm>>
    %dma_start3A_155 = tpu.memref_slice %arg12[%dma_start3A_144] : memref<10x!tpu.dma_semaphore, #tpu.memory_space<semaphore_mem>> -> memref<1x!tpu.dma_semaphore, #tpu.memory_space<semaphore_mem>>
    %dma_start3A_156 = tpu.memref_squeeze %dma_start3A_155 : memref<1x!tpu.dma_semaphore, #tpu.memory_space<semaphore_mem>> -> memref<!tpu.dma_semaphore, #tpu.memory_space<semaphore_mem>>
    tpu.enqueue_indirect_dma source(%dma_start3A_154 : memref<90000x32xf32, #tpu.memory_space<hbm>>) target(%dma_start3A_148 : memref<125x32xf32, #tpu.memory_space<vmem>>) offsets(%dma_start3A_151 : memref<125xi32, #tpu.memory_space<vmem>>) semaphore(%dma_start3A_156 : memref<!tpu.dma_semaphore, #tpu.memory_space<semaphore_mem>>)
    %dma_start3A_157 = arith.constant 9 : i32
    %dma_start3A_158 = arith.constant 9 : i32
    %dma_start3A_159 = arith.constant 9 : i32
    %dma_start3A_160 = arith.constant 0 : i32
    %dma_start3A_161 = arith.constant 0 : i32
    %dma_start3A_162 = tpu.memref_slice %arg9[%dma_start3A_158, %dma_start3A_160, %dma_start3A_161] : memref<10x125x32xf32, #tpu.memory_space<vmem>> -> memref<1x125x32xf32, #tpu.memory_space<vmem>>
    %dma_start3A_163 = tpu.memref_squeeze %dma_start3A_162 : memref<1x125x32xf32, #tpu.memory_space<vmem>> -> memref<125x32xf32, #tpu.memory_space<vmem>>
    %dma_start3A_164 = arith.constant 0 : i32
    %dma_start3A_165 = tpu.memref_slice %arg7[%dma_start3A_157, %dma_start3A_164] : memref<40x125xi32, #tpu.memory_space<vmem>> -> memref<1x125xi32, #tpu.memory_space<vmem>>
    %dma_start3A_166 = tpu.memref_squeeze %dma_start3A_165 : memref<1x125xi32, #tpu.memory_space<vmem>> -> memref<125xi32, #tpu.memory_space<vmem>>
    %dma_start3A_167 = arith.constant 0 : i32
    %dma_start3A_168 = arith.constant 0 : i32
    %dma_start3A_169 = tpu.memref_slice %arg2[%dma_start3A_167, %dma_start3A_168] : memref<90000x32xf32, #tpu.memory_space<hbm>> -> memref<90000x32xf32, #tpu.memory_space<hbm>>
    %dma_start3A_170 = tpu.memref_slice %arg12[%dma_start3A_159] : memref<10x!tpu.dma_semaphore, #tpu.memory_space<semaphore_mem>> -> memref<1x!tpu.dma_semaphore, #tpu.memory_space<semaphore_mem>>
    %dma_start3A_171 = tpu.memref_squeeze %dma_start3A_170 : memref<1x!tpu.dma_semaphore, #tpu.memory_space<semaphore_mem>> -> memref<!tpu.dma_semaphore, #tpu.memory_space<semaphore_mem>>
    tpu.enqueue_indirect_dma source(%dma_start3A_169 : memref<90000x32xf32, #tpu.memory_space<hbm>>) target(%dma_start3A_163 : memref<125x32xf32, #tpu.memory_space<vmem>>) offsets(%dma_start3A_166 : memref<125xi32, #tpu.memory_space<vmem>>) semaphore(%dma_start3A_171 : memref<!tpu.dma_semaphore, #tpu.memory_space<semaphore_mem>>)
    %mul3A_172 = arith.constant 625 : i32
    %mul3A_173 = arith.muli %arg1, %mul3A_172 : i32
    "tpu.region"() ({
      %run_scoped3A = tpu.sem_alloc : memref<!tpu.dma_semaphore, #tpu.memory_space<semaphore_mem>>
      %dma_start3A_338 = arith.constant 0 : i32
      %dma_start3A_339 = tpu.memref_slice %arg10[%mul3A_173, %dma_start3A_338] : memref<10000x32xf32, #tpu.memory_space<vmem_shared>> -> memref<625x32xf32, #tpu.memory_space<vmem_shared>>
      %dma_start3A_340 = arith.constant 0 : i32
      %dma_start3A_341 = tpu.memref_slice %arg10[%mul3A_173, %dma_start3A_340] : memref<10000x32xf32, #tpu.memory_space<vmem_shared>> -> memref<625x32xf32, #tpu.memory_space<vmem_shared>>
      tpu.enqueue_dma source(%arg6 : memref<625x32xf32, #tpu.memory_space<vmem>>) target(%dma_start3A_341 : memref<625x32xf32, #tpu.memory_space<vmem_shared>>) target_semaphore(%run_scoped3A : memref<!tpu.dma_semaphore, #tpu.memory_space<semaphore_mem>>)
      %dma_wait3A_342 = arith.constant 0 : i32
      %dma_wait3A_343 = tpu.memref_slice %arg10[%mul3A_173, %dma_wait3A_342] : memref<10000x32xf32, #tpu.memory_space<vmem_shared>> -> memref<625x32xf32, #tpu.memory_space<vmem_shared>>
      %dma_wait3A_344 = arith.constant 0 : i32
      %dma_wait3A_345 = tpu.memref_slice %arg10[%mul3A_173, %dma_wait3A_344] : memref<10000x32xf32, #tpu.memory_space<vmem_shared>> -> memref<625x32xf32, #tpu.memory_space<vmem_shared>>
      tpu.wait_dma2 semaphore(%run_scoped3A : memref<!tpu.dma_semaphore, #tpu.memory_space<semaphore_mem>>) src(%arg6 : memref<625x32xf32, #tpu.memory_space<vmem>>) dst(%dma_wait3A_345 : memref<625x32xf32, #tpu.memory_space<vmem_shared>>)
      tpu.yield
    }) : () -> ()
    %barrier3A = arith.constant 0 : index
    tpu.barrier barrier_id(%barrier3A)
    %scan3A_174 = arith.constant 0 : i32
    %scan3A_175 = arith.constant 0 : i32
    %scan3A_176 = arith.constant 4 : i32
    %scan3A_177 = arith.addi %scan3A_175, %scan3A_176 : i32
    %scan3A_178 = arith.constant 1 : i32
    scf.for %scan3A_338 = %scan3A_175 to %scan3A_177 step %scan3A_178  : i32 {
      %mul3A_339 = arith.constant 10 : i32
      %mul3A_340 = arith.muli %scan3A_338, %mul3A_339 : i32
      %add3A_341 = arith.constant 0 : i32
      %add3A_342 = arith.addi %mul3A_340, %add3A_341 : i32
      %dma_wait3A_343 = arith.constant 0 : i32
      %dma_wait3A_344 = arith.constant 0 : i32
      %dma_wait3A_345 = arith.constant 0 : i32
      %dma_wait3A_346 = arith.constant 0 : i32
      %dma_wait3A_347 = tpu.memref_slice %arg9[%dma_wait3A_343, %dma_wait3A_345, %dma_wait3A_346] : memref<10x125x32xf32, #tpu.memory_space<vmem>> -> memref<1x125x32xf32, #tpu.memory_space<vmem>>
      %dma_wait3A_348 = tpu.memref_squeeze %dma_wait3A_347 : memref<1x125x32xf32, #tpu.memory_space<vmem>> -> memref<125x32xf32, #tpu.memory_space<vmem>>
      %dma_wait3A_349 = arith.constant 0 : i32
      %dma_wait3A_350 = tpu.memref_slice %arg7[%add3A_342, %dma_wait3A_349] : memref<40x125xi32, #tpu.memory_space<vmem>> -> memref<1x125xi32, #tpu.memory_space<vmem>>
      %dma_wait3A_351 = tpu.memref_squeeze %dma_wait3A_350 : memref<1x125xi32, #tpu.memory_space<vmem>> -> memref<125xi32, #tpu.memory_space<vmem>>
      %dma_wait3A_352 = arith.constant 0 : i32
      %dma_wait3A_353 = arith.constant 0 : i32
      %dma_wait3A_354 = tpu.memref_slice %arg2[%dma_wait3A_352, %dma_wait3A_353] : memref<90000x32xf32, #tpu.memory_space<hbm>> -> memref<90000x32xf32, #tpu.memory_space<hbm>>
      %dma_wait3A_355 = tpu.memref_slice %arg12[%dma_wait3A_344] : memref<10x!tpu.dma_semaphore, #tpu.memory_space<semaphore_mem>> -> memref<1x!tpu.dma_semaphore, #tpu.memory_space<semaphore_mem>>
      %dma_wait3A_356 = tpu.memref_squeeze %dma_wait3A_355 : memref<1x!tpu.dma_semaphore, #tpu.memory_space<semaphore_mem>> -> memref<!tpu.dma_semaphore, #tpu.memory_space<semaphore_mem>>
      tpu.wait_indirect_dma semaphore(%dma_wait3A_356 : memref<!tpu.dma_semaphore, #tpu.memory_space<semaphore_mem>>) src(%dma_wait3A_354 : memref<90000x32xf32, #tpu.memory_space<hbm>>) dst(%dma_wait3A_348 : memref<125x32xf32, #tpu.memory_space<vmem>>)
      %dma_start3A_357 = arith.constant 0 : i32
      %dma_start3A_358 = arith.constant 0 : i32
      %dma_start3A_359 = arith.constant 0 : i32
      %dma_start3A_360 = arith.constant 0 : i32
      %dma_start3A_361 = tpu.memref_slice %arg9[%dma_start3A_357, %dma_start3A_359, %dma_start3A_360] : memref<10x125x32xf32, #tpu.memory_space<vmem>> -> memref<1x125x32xf32, #tpu.memory_space<vmem>>
      %dma_start3A_362 = tpu.memref_squeeze %dma_start3A_361 : memref<1x125x32xf32, #tpu.memory_space<vmem>> -> memref<125x32xf32, #tpu.memory_space<vmem>>
      %dma_start3A_363 = arith.constant 0 : i32
      %dma_start3A_364 = tpu.memref_slice %arg8[%add3A_342, %dma_start3A_363] : memref<40x125xi32, #tpu.memory_space<vmem>> -> memref<1x125xi32, #tpu.memory_space<vmem>>
      %dma_start3A_365 = tpu.memref_squeeze %dma_start3A_364 : memref<1x125xi32, #tpu.memory_space<vmem>> -> memref<125xi32, #tpu.memory_space<vmem>>
      %dma_start3A_366 = arith.constant 0 : i32
      %dma_start3A_367 = arith.constant 0 : i32
      %dma_start3A_368 = tpu.memref_slice %arg10[%dma_start3A_366, %dma_start3A_367] : memref<10000x32xf32, #tpu.memory_space<vmem_shared>> -> memref<10000x32xf32, #tpu.memory_space<vmem_shared>>
      %dma_start3A_369 = tpu.memref_slice %arg13[%dma_start3A_358] : memref<10x!tpu.dma_semaphore, #tpu.memory_space<semaphore_mem>> -> memref<1x!tpu.dma_semaphore, #tpu.memory_space<semaphore_mem>>
      %dma_start3A_370 = tpu.memref_squeeze %dma_start3A_369 : memref<1x!tpu.dma_semaphore, #tpu.memory_space<semaphore_mem>> -> memref<!tpu.dma_semaphore, #tpu.memory_space<semaphore_mem>>
      tpu.enqueue_indirect_dma source(%dma_start3A_362 : memref<125x32xf32, #tpu.memory_space<vmem>>) target(%dma_start3A_368 : memref<10000x32xf32, #tpu.memory_space<vmem_shared>>) offsets(%dma_start3A_365 : memref<125xi32, #tpu.memory_space<vmem>>) semaphore(%dma_start3A_370 : memref<!tpu.dma_semaphore, #tpu.memory_space<semaphore_mem>>) {add = true}
      %add3A_371 = arith.constant 1 : i32
      %add3A_372 = arith.addi %mul3A_340, %add3A_371 : i32
      %dma_wait3A_373 = arith.constant 1 : i32
      %dma_wait3A_374 = arith.constant 1 : i32
      %dma_wait3A_375 = arith.constant 0 : i32
      %dma_wait3A_376 = arith.constant 0 : i32
      %dma_wait3A_377 = tpu.memref_slice %arg9[%dma_wait3A_373, %dma_wait3A_375, %dma_wait3A_376] : memref<10x125x32xf32, #tpu.memory_space<vmem>> -> memref<1x125x32xf32, #tpu.memory_space<vmem>>
      %dma_wait3A_378 = tpu.memref_squeeze %dma_wait3A_377 : memref<1x125x32xf32, #tpu.memory_space<vmem>> -> memref<125x32xf32, #tpu.memory_space<vmem>>
      %dma_wait3A_379 = arith.constant 0 : i32
      %dma_wait3A_380 = tpu.memref_slice %arg7[%add3A_372, %dma_wait3A_379] : memref<40x125xi32, #tpu.memory_space<vmem>> -> memref<1x125xi32, #tpu.memory_space<vmem>>
      %dma_wait3A_381 = tpu.memref_squeeze %dma_wait3A_380 : memref<1x125xi32, #tpu.memory_space<vmem>> -> memref<125xi32, #tpu.memory_space<vmem>>
      %dma_wait3A_382 = arith.constant 0 : i32
      %dma_wait3A_383 = arith.constant 0 : i32
      %dma_wait3A_384 = tpu.memref_slice %arg2[%dma_wait3A_382, %dma_wait3A_383] : memref<90000x32xf32, #tpu.memory_space<hbm>> -> memref<90000x32xf32, #tpu.memory_space<hbm>>
      %dma_wait3A_385 = tpu.memref_slice %arg12[%dma_wait3A_374] : memref<10x!tpu.dma_semaphore, #tpu.memory_space<semaphore_mem>> -> memref<1x!tpu.dma_semaphore, #tpu.memory_space<semaphore_mem>>
      %dma_wait3A_386 = tpu.memref_squeeze %dma_wait3A_385 : memref<1x!tpu.dma_semaphore, #tpu.memory_space<semaphore_mem>> -> memref<!tpu.dma_semaphore, #tpu.memory_space<semaphore_mem>>
      tpu.wait_indirect_dma semaphore(%dma_wait3A_386 : memref<!tpu.dma_semaphore, #tpu.memory_space<semaphore_mem>>) src(%dma_wait3A_384 : memref<90000x32xf32, #tpu.memory_space<hbm>>) dst(%dma_wait3A_378 : memref<125x32xf32, #tpu.memory_space<vmem>>)
      %dma_start3A_387 = arith.constant 1 : i32
      %dma_start3A_388 = arith.constant 1 : i32
      %dma_start3A_389 = arith.constant 0 : i32
      %dma_start3A_390 = arith.constant 0 : i32
      %dma_start3A_391 = tpu.memref_slice %arg9[%dma_start3A_387, %dma_start3A_389, %dma_start3A_390] : memref<10x125x32xf32, #tpu.memory_space<vmem>> -> memref<1x125x32xf32, #tpu.memory_space<vmem>>
      %dma_start3A_392 = tpu.memref_squeeze %dma_start3A_391 : memref<1x125x32xf32, #tpu.memory_space<vmem>> -> memref<125x32xf32, #tpu.memory_space<vmem>>
      %dma_start3A_393 = arith.constant 0 : i32
      %dma_start3A_394 = tpu.memref_slice %arg8[%add3A_372, %dma_start3A_393] : memref<40x125xi32, #tpu.memory_space<vmem>> -> memref<1x125xi32, #tpu.memory_space<vmem>>
      %dma_start3A_395 = tpu.memref_squeeze %dma_start3A_394 : memref<1x125xi32, #tpu.memory_space<vmem>> -> memref<125xi32, #tpu.memory_space<vmem>>
      %dma_start3A_396 = arith.constant 0 : i32
      %dma_start3A_397 = arith.constant 0 : i32
      %dma_start3A_398 = tpu.memref_slice %arg10[%dma_start3A_396, %dma_start3A_397] : memref<10000x32xf32, #tpu.memory_space<vmem_shared>> -> memref<10000x32xf32, #tpu.memory_space<vmem_shared>>
      %dma_start3A_399 = tpu.memref_slice %arg13[%dma_start3A_388] : memref<10x!tpu.dma_semaphore, #tpu.memory_space<semaphore_mem>> -> memref<1x!tpu.dma_semaphore, #tpu.memory_space<semaphore_mem>>
      %dma_start3A_400 = tpu.memref_squeeze %dma_start3A_399 : memref<1x!tpu.dma_semaphore, #tpu.memory_space<semaphore_mem>> -> memref<!tpu.dma_semaphore, #tpu.memory_space<semaphore_mem>>
      tpu.enqueue_indirect_dma source(%dma_start3A_392 : memref<125x32xf32, #tpu.memory_space<vmem>>) target(%dma_start3A_398 : memref<10000x32xf32, #tpu.memory_space<vmem_shared>>) offsets(%dma_start3A_395 : memref<125xi32, #tpu.memory_space<vmem>>) semaphore(%dma_start3A_400 : memref<!tpu.dma_semaphore, #tpu.memory_space<semaphore_mem>>) {add = true}
      %add3A_401 = arith.constant 2 : i32
      %add3A_402 = arith.addi %mul3A_340, %add3A_401 : i32
      %dma_wait3A_403 = arith.constant 2 : i32
      %dma_wait3A_404 = arith.constant 2 : i32
      %dma_wait3A_405 = arith.constant 0 : i32
      %dma_wait3A_406 = arith.constant 0 : i32
      %dma_wait3A_407 = tpu.memref_slice %arg9[%dma_wait3A_403, %dma_wait3A_405, %dma_wait3A_406] : memref<10x125x32xf32, #tpu.memory_space<vmem>> -> memref<1x125x32xf32, #tpu.memory_space<vmem>>
      %dma_wait3A_408 = tpu.memref_squeeze %dma_wait3A_407 : memref<1x125x32xf32, #tpu.memory_space<vmem>> -> memref<125x32xf32, #tpu.memory_space<vmem>>
      %dma_wait3A_409 = arith.constant 0 : i32
      %dma_wait3A_410 = tpu.memref_slice %arg7[%add3A_402, %dma_wait3A_409] : memref<40x125xi32, #tpu.memory_space<vmem>> -> memref<1x125xi32, #tpu.memory_space<vmem>>
      %dma_wait3A_411 = tpu.memref_squeeze %dma_wait3A_410 : memref<1x125xi32, #tpu.memory_space<vmem>> -> memref<125xi32, #tpu.memory_space<vmem>>
      %dma_wait3A_412 = arith.constant 0 : i32
      %dma_wait3A_413 = arith.constant 0 : i32
      %dma_wait3A_414 = tpu.memref_slice %arg2[%dma_wait3A_412, %dma_wait3A_413] : memref<90000x32xf32, #tpu.memory_space<hbm>> -> memref<90000x32xf32, #tpu.memory_space<hbm>>
      %dma_wait3A_415 = tpu.memref_slice %arg12[%dma_wait3A_404] : memref<10x!tpu.dma_semaphore, #tpu.memory_space<semaphore_mem>> -> memref<1x!tpu.dma_semaphore, #tpu.memory_space<semaphore_mem>>
      %dma_wait3A_416 = tpu.memref_squeeze %dma_wait3A_415 : memref<1x!tpu.dma_semaphore, #tpu.memory_space<semaphore_mem>> -> memref<!tpu.dma_semaphore, #tpu.memory_space<semaphore_mem>>
      tpu.wait_indirect_dma semaphore(%dma_wait3A_416 : memref<!tpu.dma_semaphore, #tpu.memory_space<semaphore_mem>>) src(%dma_wait3A_414 : memref<90000x32xf32, #tpu.memory_space<hbm>>) dst(%dma_wait3A_408 : memref<125x32xf32, #tpu.memory_space<vmem>>)
      %dma_start3A_417 = arith.constant 2 : i32
      %dma_start3A_418 = arith.constant 2 : i32
      %dma_start3A_419 = arith.constant 0 : i32
      %dma_start3A_420 = arith.constant 0 : i32
      %dma_start3A_421 = tpu.memref_slice %arg9[%dma_start3A_417, %dma_start3A_419, %dma_start3A_420] : memref<10x125x32xf32, #tpu.memory_space<vmem>> -> memref<1x125x32xf32, #tpu.memory_space<vmem>>
      %dma_start3A_422 = tpu.memref_squeeze %dma_start3A_421 : memref<1x125x32xf32, #tpu.memory_space<vmem>> -> memref<125x32xf32, #tpu.memory_space<vmem>>
      %dma_start3A_423 = arith.constant 0 : i32
      %dma_start3A_424 = tpu.memref_slice %arg8[%add3A_402, %dma_start3A_423] : memref<40x125xi32, #tpu.memory_space<vmem>> -> memref<1x125xi32, #tpu.memory_space<vmem>>
      %dma_start3A_425 = tpu.memref_squeeze %dma_start3A_424 : memref<1x125xi32, #tpu.memory_space<vmem>> -> memref<125xi32, #tpu.memory_space<vmem>>
      %dma_start3A_426 = arith.constant 0 : i32
      %dma_start3A_427 = arith.constant 0 : i32
      %dma_start3A_428 = tpu.memref_slice %arg10[%dma_start3A_426, %dma_start3A_427] : memref<10000x32xf32, #tpu.memory_space<vmem_shared>> -> memref<10000x32xf32, #tpu.memory_space<vmem_shared>>
      %dma_start3A_429 = tpu.memref_slice %arg13[%dma_start3A_418] : memref<10x!tpu.dma_semaphore, #tpu.memory_space<semaphore_mem>> -> memref<1x!tpu.dma_semaphore, #tpu.memory_space<semaphore_mem>>
      %dma_start3A_430 = tpu.memref_squeeze %dma_start3A_429 : memref<1x!tpu.dma_semaphore, #tpu.memory_space<semaphore_mem>> -> memref<!tpu.dma_semaphore, #tpu.memory_space<semaphore_mem>>
      tpu.enqueue_indirect_dma source(%dma_start3A_422 : memref<125x32xf32, #tpu.memory_space<vmem>>) target(%dma_start3A_428 : memref<10000x32xf32, #tpu.memory_space<vmem_shared>>) offsets(%dma_start3A_425 : memref<125xi32, #tpu.memory_space<vmem>>) semaphore(%dma_start3A_430 : memref<!tpu.dma_semaphore, #tpu.memory_space<semaphore_mem>>) {add = true}
      %add3A_431 = arith.constant 3 : i32
      %add3A_432 = arith.addi %mul3A_340, %add3A_431 : i32
      %dma_wait3A_433 = arith.constant 3 : i32
      %dma_wait3A_434 = arith.constant 3 : i32
      %dma_wait3A_435 = arith.constant 0 : i32
      %dma_wait3A_436 = arith.constant 0 : i32
      %dma_wait3A_437 = tpu.memref_slice %arg9[%dma_wait3A_433, %dma_wait3A_435, %dma_wait3A_436] : memref<10x125x32xf32, #tpu.memory_space<vmem>> -> memref<1x125x32xf32, #tpu.memory_space<vmem>>
      %dma_wait3A_438 = tpu.memref_squeeze %dma_wait3A_437 : memref<1x125x32xf32, #tpu.memory_space<vmem>> -> memref<125x32xf32, #tpu.memory_space<vmem>>
      %dma_wait3A_439 = arith.constant 0 : i32
      %dma_wait3A_440 = tpu.memref_slice %arg7[%add3A_432, %dma_wait3A_439] : memref<40x125xi32, #tpu.memory_space<vmem>> -> memref<1x125xi32, #tpu.memory_space<vmem>>
      %dma_wait3A_441 = tpu.memref_squeeze %dma_wait3A_440 : memref<1x125xi32, #tpu.memory_space<vmem>> -> memref<125xi32, #tpu.memory_space<vmem>>
      %dma_wait3A_442 = arith.constant 0 : i32
      %dma_wait3A_443 = arith.constant 0 : i32
      %dma_wait3A_444 = tpu.memref_slice %arg2[%dma_wait3A_442, %dma_wait3A_443] : memref<90000x32xf32, #tpu.memory_space<hbm>> -> memref<90000x32xf32, #tpu.memory_space<hbm>>
      %dma_wait3A_445 = tpu.memref_slice %arg12[%dma_wait3A_434] : memref<10x!tpu.dma_semaphore, #tpu.memory_space<semaphore_mem>> -> memref<1x!tpu.dma_semaphore, #tpu.memory_space<semaphore_mem>>
      %dma_wait3A_446 = tpu.memref_squeeze %dma_wait3A_445 : memref<1x!tpu.dma_semaphore, #tpu.memory_space<semaphore_mem>> -> memref<!tpu.dma_semaphore, #tpu.memory_space<semaphore_mem>>
      tpu.wait_indirect_dma semaphore(%dma_wait3A_446 : memref<!tpu.dma_semaphore, #tpu.memory_space<semaphore_mem>>) src(%dma_wait3A_444 : memref<90000x32xf32, #tpu.memory_space<hbm>>) dst(%dma_wait3A_438 : memref<125x32xf32, #tpu.memory_space<vmem>>)
      %dma_start3A_447 = arith.constant 3 : i32
      %dma_start3A_448 = arith.constant 3 : i32
      %dma_start3A_449 = arith.constant 0 : i32
      %dma_start3A_450 = arith.constant 0 : i32
      %dma_start3A_451 = tpu.memref_slice %arg9[%dma_start3A_447, %dma_start3A_449, %dma_start3A_450] : memref<10x125x32xf32, #tpu.memory_space<vmem>> -> memref<1x125x32xf32, #tpu.memory_space<vmem>>
      %dma_start3A_452 = tpu.memref_squeeze %dma_start3A_451 : memref<1x125x32xf32, #tpu.memory_space<vmem>> -> memref<125x32xf32, #tpu.memory_space<vmem>>
      %dma_start3A_453 = arith.constant 0 : i32
      %dma_start3A_454 = tpu.memref_slice %arg8[%add3A_432, %dma_start3A_453] : memref<40x125xi32, #tpu.memory_space<vmem>> -> memref<1x125xi32, #tpu.memory_space<vmem>>
      %dma_start3A_455 = tpu.memref_squeeze %dma_start3A_454 : memref<1x125xi32, #tpu.memory_space<vmem>> -> memref<125xi32, #tpu.memory_space<vmem>>
      %dma_start3A_456 = arith.constant 0 : i32
      %dma_start3A_457 = arith.constant 0 : i32
      %dma_start3A_458 = tpu.memref_slice %arg10[%dma_start3A_456, %dma_start3A_457] : memref<10000x32xf32, #tpu.memory_space<vmem_shared>> -> memref<10000x32xf32, #tpu.memory_space<vmem_shared>>
      %dma_start3A_459 = tpu.memref_slice %arg13[%dma_start3A_448] : memref<10x!tpu.dma_semaphore, #tpu.memory_space<semaphore_mem>> -> memref<1x!tpu.dma_semaphore, #tpu.memory_space<semaphore_mem>>
      %dma_start3A_460 = tpu.memref_squeeze %dma_start3A_459 : memref<1x!tpu.dma_semaphore, #tpu.memory_space<semaphore_mem>> -> memref<!tpu.dma_semaphore, #tpu.memory_space<semaphore_mem>>
      tpu.enqueue_indirect_dma source(%dma_start3A_452 : memref<125x32xf32, #tpu.memory_space<vmem>>) target(%dma_start3A_458 : memref<10000x32xf32, #tpu.memory_space<vmem_shared>>) offsets(%dma_start3A_455 : memref<125xi32, #tpu.memory_space<vmem>>) semaphore(%dma_start3A_460 : memref<!tpu.dma_semaphore, #tpu.memory_space<semaphore_mem>>) {add = true}
      %add3A_461 = arith.constant 4 : i32
      %add3A_462 = arith.addi %mul3A_340, %add3A_461 : i32
      %dma_wait3A_463 = arith.constant 4 : i32
      %dma_wait3A_464 = arith.constant 4 : i32
      %dma_wait3A_465 = arith.constant 0 : i32
      %dma_wait3A_466 = arith.constant 0 : i32
      %dma_wait3A_467 = tpu.memref_slice %arg9[%dma_wait3A_463, %dma_wait3A_465, %dma_wait3A_466] : memref<10x125x32xf32, #tpu.memory_space<vmem>> -> memref<1x125x32xf32, #tpu.memory_space<vmem>>
      %dma_wait3A_468 = tpu.memref_squeeze %dma_wait3A_467 : memref<1x125x32xf32, #tpu.memory_space<vmem>> -> memref<125x32xf32, #tpu.memory_space<vmem>>
      %dma_wait3A_469 = arith.constant 0 : i32
      %dma_wait3A_470 = tpu.memref_slice %arg7[%add3A_462, %dma_wait3A_469] : memref<40x125xi32, #tpu.memory_space<vmem>> -> memref<1x125xi32, #tpu.memory_space<vmem>>
      %dma_wait3A_471 = tpu.memref_squeeze %dma_wait3A_470 : memref<1x125xi32, #tpu.memory_space<vmem>> -> memref<125xi32, #tpu.memory_space<vmem>>
      %dma_wait3A_472 = arith.constant 0 : i32
      %dma_wait3A_473 = arith.constant 0 : i32
      %dma_wait3A_474 = tpu.memref_slice %arg2[%dma_wait3A_472, %dma_wait3A_473] : memref<90000x32xf32, #tpu.memory_space<hbm>> -> memref<90000x32xf32, #tpu.memory_space<hbm>>
      %dma_wait3A_475 = tpu.memref_slice %arg12[%dma_wait3A_464] : memref<10x!tpu.dma_semaphore, #tpu.memory_space<semaphore_mem>> -> memref<1x!tpu.dma_semaphore, #tpu.memory_space<semaphore_mem>>
      %dma_wait3A_476 = tpu.memref_squeeze %dma_wait3A_475 : memref<1x!tpu.dma_semaphore, #tpu.memory_space<semaphore_mem>> -> memref<!tpu.dma_semaphore, #tpu.memory_space<semaphore_mem>>
      tpu.wait_indirect_dma semaphore(%dma_wait3A_476 : memref<!tpu.dma_semaphore, #tpu.memory_space<semaphore_mem>>) src(%dma_wait3A_474 : memref<90000x32xf32, #tpu.memory_space<hbm>>) dst(%dma_wait3A_468 : memref<125x32xf32, #tpu.memory_space<vmem>>)
      %dma_start3A_477 = arith.constant 4 : i32
      %dma_start3A_478 = arith.constant 4 : i32
      %dma_start3A_479 = arith.constant 0 : i32
      %dma_start3A_480 = arith.constant 0 : i32
      %dma_start3A_481 = tpu.memref_slice %arg9[%dma_start3A_477, %dma_start3A_479, %dma_start3A_480] : memref<10x125x32xf32, #tpu.memory_space<vmem>> -> memref<1x125x32xf32, #tpu.memory_space<vmem>>
      %dma_start3A_482 = tpu.memref_squeeze %dma_start3A_481 : memref<1x125x32xf32, #tpu.memory_space<vmem>> -> memref<125x32xf32, #tpu.memory_space<vmem>>
      %dma_start3A_483 = arith.constant 0 : i32
      %dma_start3A_484 = tpu.memref_slice %arg8[%add3A_462, %dma_start3A_483] : memref<40x125xi32, #tpu.memory_space<vmem>> -> memref<1x125xi32, #tpu.memory_space<vmem>>
      %dma_start3A_485 = tpu.memref_squeeze %dma_start3A_484 : memref<1x125xi32, #tpu.memory_space<vmem>> -> memref<125xi32, #tpu.memory_space<vmem>>
      %dma_start3A_486 = arith.constant 0 : i32
      %dma_start3A_487 = arith.constant 0 : i32
      %dma_start3A_488 = tpu.memref_slice %arg10[%dma_start3A_486, %dma_start3A_487] : memref<10000x32xf32, #tpu.memory_space<vmem_shared>> -> memref<10000x32xf32, #tpu.memory_space<vmem_shared>>
      %dma_start3A_489 = tpu.memref_slice %arg13[%dma_start3A_478] : memref<10x!tpu.dma_semaphore, #tpu.memory_space<semaphore_mem>> -> memref<1x!tpu.dma_semaphore, #tpu.memory_space<semaphore_mem>>
      %dma_start3A_490 = tpu.memref_squeeze %dma_start3A_489 : memref<1x!tpu.dma_semaphore, #tpu.memory_space<semaphore_mem>> -> memref<!tpu.dma_semaphore, #tpu.memory_space<semaphore_mem>>
      tpu.enqueue_indirect_dma source(%dma_start3A_482 : memref<125x32xf32, #tpu.memory_space<vmem>>) target(%dma_start3A_488 : memref<10000x32xf32, #tpu.memory_space<vmem_shared>>) offsets(%dma_start3A_485 : memref<125xi32, #tpu.memory_space<vmem>>) semaphore(%dma_start3A_490 : memref<!tpu.dma_semaphore, #tpu.memory_space<semaphore_mem>>) {add = true}
      %add3A_491 = arith.constant 5 : i32
      %add3A_492 = arith.addi %mul3A_340, %add3A_491 : i32
      %dma_wait3A_493 = arith.constant 5 : i32
      %dma_wait3A_494 = arith.constant 5 : i32
      %dma_wait3A_495 = arith.constant 0 : i32
      %dma_wait3A_496 = arith.constant 0 : i32
      %dma_wait3A_497 = tpu.memref_slice %arg9[%dma_wait3A_493, %dma_wait3A_495, %dma_wait3A_496] : memref<10x125x32xf32, #tpu.memory_space<vmem>> -> memref<1x125x32xf32, #tpu.memory_space<vmem>>
      %dma_wait3A_498 = tpu.memref_squeeze %dma_wait3A_497 : memref<1x125x32xf32, #tpu.memory_space<vmem>> -> memref<125x32xf32, #tpu.memory_space<vmem>>
      %dma_wait3A_499 = arith.constant 0 : i32
      %dma_wait3A_500 = tpu.memref_slice %arg7[%add3A_492, %dma_wait3A_499] : memref<40x125xi32, #tpu.memory_space<vmem>> -> memref<1x125xi32, #tpu.memory_space<vmem>>
      %dma_wait3A_501 = tpu.memref_squeeze %dma_wait3A_500 : memref<1x125xi32, #tpu.memory_space<vmem>> -> memref<125xi32, #tpu.memory_space<vmem>>
      %dma_wait3A_502 = arith.constant 0 : i32
      %dma_wait3A_503 = arith.constant 0 : i32
      %dma_wait3A_504 = tpu.memref_slice %arg2[%dma_wait3A_502, %dma_wait3A_503] : memref<90000x32xf32, #tpu.memory_space<hbm>> -> memref<90000x32xf32, #tpu.memory_space<hbm>>
      %dma_wait3A_505 = tpu.memref_slice %arg12[%dma_wait3A_494] : memref<10x!tpu.dma_semaphore, #tpu.memory_space<semaphore_mem>> -> memref<1x!tpu.dma_semaphore, #tpu.memory_space<semaphore_mem>>
      %dma_wait3A_506 = tpu.memref_squeeze %dma_wait3A_505 : memref<1x!tpu.dma_semaphore, #tpu.memory_space<semaphore_mem>> -> memref<!tpu.dma_semaphore, #tpu.memory_space<semaphore_mem>>
      tpu.wait_indirect_dma semaphore(%dma_wait3A_506 : memref<!tpu.dma_semaphore, #tpu.memory_space<semaphore_mem>>) src(%dma_wait3A_504 : memref<90000x32xf32, #tpu.memory_space<hbm>>) dst(%dma_wait3A_498 : memref<125x32xf32, #tpu.memory_space<vmem>>)
      %dma_start3A_507 = arith.constant 5 : i32
      %dma_start3A_508 = arith.constant 5 : i32
      %dma_start3A_509 = arith.constant 0 : i32
      %dma_start3A_510 = arith.constant 0 : i32
      %dma_start3A_511 = tpu.memref_slice %arg9[%dma_start3A_507, %dma_start3A_509, %dma_start3A_510] : memref<10x125x32xf32, #tpu.memory_space<vmem>> -> memref<1x125x32xf32, #tpu.memory_space<vmem>>
      %dma_start3A_512 = tpu.memref_squeeze %dma_start3A_511 : memref<1x125x32xf32, #tpu.memory_space<vmem>> -> memref<125x32xf32, #tpu.memory_space<vmem>>
      %dma_start3A_513 = arith.constant 0 : i32
      %dma_start3A_514 = tpu.memref_slice %arg8[%add3A_492, %dma_start3A_513] : memref<40x125xi32, #tpu.memory_space<vmem>> -> memref<1x125xi32, #tpu.memory_space<vmem>>
      %dma_start3A_515 = tpu.memref_squeeze %dma_start3A_514 : memref<1x125xi32, #tpu.memory_space<vmem>> -> memref<125xi32, #tpu.memory_space<vmem>>
      %dma_start3A_516 = arith.constant 0 : i32
      %dma_start3A_517 = arith.constant 0 : i32
      %dma_start3A_518 = tpu.memref_slice %arg10[%dma_start3A_516, %dma_start3A_517] : memref<10000x32xf32, #tpu.memory_space<vmem_shared>> -> memref<10000x32xf32, #tpu.memory_space<vmem_shared>>
      %dma_start3A_519 = tpu.memref_slice %arg13[%dma_start3A_508] : memref<10x!tpu.dma_semaphore, #tpu.memory_space<semaphore_mem>> -> memref<1x!tpu.dma_semaphore, #tpu.memory_space<semaphore_mem>>
      %dma_start3A_520 = tpu.memref_squeeze %dma_start3A_519 : memref<1x!tpu.dma_semaphore, #tpu.memory_space<semaphore_mem>> -> memref<!tpu.dma_semaphore, #tpu.memory_space<semaphore_mem>>
      tpu.enqueue_indirect_dma source(%dma_start3A_512 : memref<125x32xf32, #tpu.memory_space<vmem>>) target(%dma_start3A_518 : memref<10000x32xf32, #tpu.memory_space<vmem_shared>>) offsets(%dma_start3A_515 : memref<125xi32, #tpu.memory_space<vmem>>) semaphore(%dma_start3A_520 : memref<!tpu.dma_semaphore, #tpu.memory_space<semaphore_mem>>) {add = true}
      %add3A_521 = arith.constant 6 : i32
      %add3A_522 = arith.addi %mul3A_340, %add3A_521 : i32
      %dma_wait3A_523 = arith.constant 6 : i32
      %dma_wait3A_524 = arith.constant 6 : i32
      %dma_wait3A_525 = arith.constant 0 : i32
      %dma_wait3A_526 = arith.constant 0 : i32
      %dma_wait3A_527 = tpu.memref_slice %arg9[%dma_wait3A_523, %dma_wait3A_525, %dma_wait3A_526] : memref<10x125x32xf32, #tpu.memory_space<vmem>> -> memref<1x125x32xf32, #tpu.memory_space<vmem>>
      %dma_wait3A_528 = tpu.memref_squeeze %dma_wait3A_527 : memref<1x125x32xf32, #tpu.memory_space<vmem>> -> memref<125x32xf32, #tpu.memory_space<vmem>>
      %dma_wait3A_529 = arith.constant 0 : i32
      %dma_wait3A_530 = tpu.memref_slice %arg7[%add3A_522, %dma_wait3A_529] : memref<40x125xi32, #tpu.memory_space<vmem>> -> memref<1x125xi32, #tpu.memory_space<vmem>>
      %dma_wait3A_531 = tpu.memref_squeeze %dma_wait3A_530 : memref<1x125xi32, #tpu.memory_space<vmem>> -> memref<125xi32, #tpu.memory_space<vmem>>
      %dma_wait3A_532 = arith.constant 0 : i32
      %dma_wait3A_533 = arith.constant 0 : i32
      %dma_wait3A_534 = tpu.memref_slice %arg2[%dma_wait3A_532, %dma_wait3A_533] : memref<90000x32xf32, #tpu.memory_space<hbm>> -> memref<90000x32xf32, #tpu.memory_space<hbm>>
      %dma_wait3A_535 = tpu.memref_slice %arg12[%dma_wait3A_524] : memref<10x!tpu.dma_semaphore, #tpu.memory_space<semaphore_mem>> -> memref<1x!tpu.dma_semaphore, #tpu.memory_space<semaphore_mem>>
      %dma_wait3A_536 = tpu.memref_squeeze %dma_wait3A_535 : memref<1x!tpu.dma_semaphore, #tpu.memory_space<semaphore_mem>> -> memref<!tpu.dma_semaphore, #tpu.memory_space<semaphore_mem>>
      tpu.wait_indirect_dma semaphore(%dma_wait3A_536 : memref<!tpu.dma_semaphore, #tpu.memory_space<semaphore_mem>>) src(%dma_wait3A_534 : memref<90000x32xf32, #tpu.memory_space<hbm>>) dst(%dma_wait3A_528 : memref<125x32xf32, #tpu.memory_space<vmem>>)
      %dma_start3A_537 = arith.constant 6 : i32
      %dma_start3A_538 = arith.constant 6 : i32
      %dma_start3A_539 = arith.constant 0 : i32
      %dma_start3A_540 = arith.constant 0 : i32
      %dma_start3A_541 = tpu.memref_slice %arg9[%dma_start3A_537, %dma_start3A_539, %dma_start3A_540] : memref<10x125x32xf32, #tpu.memory_space<vmem>> -> memref<1x125x32xf32, #tpu.memory_space<vmem>>
      %dma_start3A_542 = tpu.memref_squeeze %dma_start3A_541 : memref<1x125x32xf32, #tpu.memory_space<vmem>> -> memref<125x32xf32, #tpu.memory_space<vmem>>
      %dma_start3A_543 = arith.constant 0 : i32
      %dma_start3A_544 = tpu.memref_slice %arg8[%add3A_522, %dma_start3A_543] : memref<40x125xi32, #tpu.memory_space<vmem>> -> memref<1x125xi32, #tpu.memory_space<vmem>>
      %dma_start3A_545 = tpu.memref_squeeze %dma_start3A_544 : memref<1x125xi32, #tpu.memory_space<vmem>> -> memref<125xi32, #tpu.memory_space<vmem>>
      %dma_start3A_546 = arith.constant 0 : i32
      %dma_start3A_547 = arith.constant 0 : i32
      %dma_start3A_548 = tpu.memref_slice %arg10[%dma_start3A_546, %dma_start3A_547] : memref<10000x32xf32, #tpu.memory_space<vmem_shared>> -> memref<10000x32xf32, #tpu.memory_space<vmem_shared>>
      %dma_start3A_549 = tpu.memref_slice %arg13[%dma_start3A_538] : memref<10x!tpu.dma_semaphore, #tpu.memory_space<semaphore_mem>> -> memref<1x!tpu.dma_semaphore, #tpu.memory_space<semaphore_mem>>
      %dma_start3A_550 = tpu.memref_squeeze %dma_start3A_549 : memref<1x!tpu.dma_semaphore, #tpu.memory_space<semaphore_mem>> -> memref<!tpu.dma_semaphore, #tpu.memory_space<semaphore_mem>>
      tpu.enqueue_indirect_dma source(%dma_start3A_542 : memref<125x32xf32, #tpu.memory_space<vmem>>) target(%dma_start3A_548 : memref<10000x32xf32, #tpu.memory_space<vmem_shared>>) offsets(%dma_start3A_545 : memref<125xi32, #tpu.memory_space<vmem>>) semaphore(%dma_start3A_550 : memref<!tpu.dma_semaphore, #tpu.memory_space<semaphore_mem>>) {add = true}
      %add3A_551 = arith.constant 7 : i32
      %add3A_552 = arith.addi %mul3A_340, %add3A_551 : i32
      %dma_wait3A_553 = arith.constant 7 : i32
      %dma_wait3A_554 = arith.constant 7 : i32
      %dma_wait3A_555 = arith.constant 0 : i32
      %dma_wait3A_556 = arith.constant 0 : i32
      %dma_wait3A_557 = tpu.memref_slice %arg9[%dma_wait3A_553, %dma_wait3A_555, %dma_wait3A_556] : memref<10x125x32xf32, #tpu.memory_space<vmem>> -> memref<1x125x32xf32, #tpu.memory_space<vmem>>
      %dma_wait3A_558 = tpu.memref_squeeze %dma_wait3A_557 : memref<1x125x32xf32, #tpu.memory_space<vmem>> -> memref<125x32xf32, #tpu.memory_space<vmem>>
      %dma_wait3A_559 = arith.constant 0 : i32
      %dma_wait3A_560 = tpu.memref_slice %arg7[%add3A_552, %dma_wait3A_559] : memref<40x125xi32, #tpu.memory_space<vmem>> -> memref<1x125xi32, #tpu.memory_space<vmem>>
      %dma_wait3A_561 = tpu.memref_squeeze %dma_wait3A_560 : memref<1x125xi32, #tpu.memory_space<vmem>> -> memref<125xi32, #tpu.memory_space<vmem>>
      %dma_wait3A_562 = arith.constant 0 : i32
      %dma_wait3A_563 = arith.constant 0 : i32
      %dma_wait3A_564 = tpu.memref_slice %arg2[%dma_wait3A_562, %dma_wait3A_563] : memref<90000x32xf32, #tpu.memory_space<hbm>> -> memref<90000x32xf32, #tpu.memory_space<hbm>>
      %dma_wait3A_565 = tpu.memref_slice %arg12[%dma_wait3A_554] : memref<10x!tpu.dma_semaphore, #tpu.memory_space<semaphore_mem>> -> memref<1x!tpu.dma_semaphore, #tpu.memory_space<semaphore_mem>>
      %dma_wait3A_566 = tpu.memref_squeeze %dma_wait3A_565 : memref<1x!tpu.dma_semaphore, #tpu.memory_space<semaphore_mem>> -> memref<!tpu.dma_semaphore, #tpu.memory_space<semaphore_mem>>
      tpu.wait_indirect_dma semaphore(%dma_wait3A_566 : memref<!tpu.dma_semaphore, #tpu.memory_space<semaphore_mem>>) src(%dma_wait3A_564 : memref<90000x32xf32, #tpu.memory_space<hbm>>) dst(%dma_wait3A_558 : memref<125x32xf32, #tpu.memory_space<vmem>>)
      %dma_start3A_567 = arith.constant 7 : i32
      %dma_start3A_568 = arith.constant 7 : i32
      %dma_start3A_569 = arith.constant 0 : i32
      %dma_start3A_570 = arith.constant 0 : i32
      %dma_start3A_571 = tpu.memref_slice %arg9[%dma_start3A_567, %dma_start3A_569, %dma_start3A_570] : memref<10x125x32xf32, #tpu.memory_space<vmem>> -> memref<1x125x32xf32, #tpu.memory_space<vmem>>
      %dma_start3A_572 = tpu.memref_squeeze %dma_start3A_571 : memref<1x125x32xf32, #tpu.memory_space<vmem>> -> memref<125x32xf32, #tpu.memory_space<vmem>>
      %dma_start3A_573 = arith.constant 0 : i32
      %dma_start3A_574 = tpu.memref_slice %arg8[%add3A_552, %dma_start3A_573] : memref<40x125xi32, #tpu.memory_space<vmem>> -> memref<1x125xi32, #tpu.memory_space<vmem>>
      %dma_start3A_575 = tpu.memref_squeeze %dma_start3A_574 : memref<1x125xi32, #tpu.memory_space<vmem>> -> memref<125xi32, #tpu.memory_space<vmem>>
      %dma_start3A_576 = arith.constant 0 : i32
      %dma_start3A_577 = arith.constant 0 : i32
      %dma_start3A_578 = tpu.memref_slice %arg10[%dma_start3A_576, %dma_start3A_577] : memref<10000x32xf32, #tpu.memory_space<vmem_shared>> -> memref<10000x32xf32, #tpu.memory_space<vmem_shared>>
      %dma_start3A_579 = tpu.memref_slice %arg13[%dma_start3A_568] : memref<10x!tpu.dma_semaphore, #tpu.memory_space<semaphore_mem>> -> memref<1x!tpu.dma_semaphore, #tpu.memory_space<semaphore_mem>>
      %dma_start3A_580 = tpu.memref_squeeze %dma_start3A_579 : memref<1x!tpu.dma_semaphore, #tpu.memory_space<semaphore_mem>> -> memref<!tpu.dma_semaphore, #tpu.memory_space<semaphore_mem>>
      tpu.enqueue_indirect_dma source(%dma_start3A_572 : memref<125x32xf32, #tpu.memory_space<vmem>>) target(%dma_start3A_578 : memref<10000x32xf32, #tpu.memory_space<vmem_shared>>) offsets(%dma_start3A_575 : memref<125xi32, #tpu.memory_space<vmem>>) semaphore(%dma_start3A_580 : memref<!tpu.dma_semaphore, #tpu.memory_space<semaphore_mem>>) {add = true}
      %add3A_581 = arith.constant 8 : i32
      %add3A_582 = arith.addi %mul3A_340, %add3A_581 : i32
      %dma_wait3A_583 = arith.constant 8 : i32
      %dma_wait3A_584 = arith.constant 8 : i32
      %dma_wait3A_585 = arith.constant 0 : i32
      %dma_wait3A_586 = arith.constant 0 : i32
      %dma_wait3A_587 = tpu.memref_slice %arg9[%dma_wait3A_583, %dma_wait3A_585, %dma_wait3A_586] : memref<10x125x32xf32, #tpu.memory_space<vmem>> -> memref<1x125x32xf32, #tpu.memory_space<vmem>>
      %dma_wait3A_588 = tpu.memref_squeeze %dma_wait3A_587 : memref<1x125x32xf32, #tpu.memory_space<vmem>> -> memref<125x32xf32, #tpu.memory_space<vmem>>
      %dma_wait3A_589 = arith.constant 0 : i32
      %dma_wait3A_590 = tpu.memref_slice %arg7[%add3A_582, %dma_wait3A_589] : memref<40x125xi32, #tpu.memory_space<vmem>> -> memref<1x125xi32, #tpu.memory_space<vmem>>
      %dma_wait3A_591 = tpu.memref_squeeze %dma_wait3A_590 : memref<1x125xi32, #tpu.memory_space<vmem>> -> memref<125xi32, #tpu.memory_space<vmem>>
      %dma_wait3A_592 = arith.constant 0 : i32
      %dma_wait3A_593 = arith.constant 0 : i32
      %dma_wait3A_594 = tpu.memref_slice %arg2[%dma_wait3A_592, %dma_wait3A_593] : memref<90000x32xf32, #tpu.memory_space<hbm>> -> memref<90000x32xf32, #tpu.memory_space<hbm>>
      %dma_wait3A_595 = tpu.memref_slice %arg12[%dma_wait3A_584] : memref<10x!tpu.dma_semaphore, #tpu.memory_space<semaphore_mem>> -> memref<1x!tpu.dma_semaphore, #tpu.memory_space<semaphore_mem>>
      %dma_wait3A_596 = tpu.memref_squeeze %dma_wait3A_595 : memref<1x!tpu.dma_semaphore, #tpu.memory_space<semaphore_mem>> -> memref<!tpu.dma_semaphore, #tpu.memory_space<semaphore_mem>>
      tpu.wait_indirect_dma semaphore(%dma_wait3A_596 : memref<!tpu.dma_semaphore, #tpu.memory_space<semaphore_mem>>) src(%dma_wait3A_594 : memref<90000x32xf32, #tpu.memory_space<hbm>>) dst(%dma_wait3A_588 : memref<125x32xf32, #tpu.memory_space<vmem>>)
      %dma_start3A_597 = arith.constant 8 : i32
      %dma_start3A_598 = arith.constant 8 : i32
      %dma_start3A_599 = arith.constant 0 : i32
      %dma_start3A_600 = arith.constant 0 : i32
      %dma_start3A_601 = tpu.memref_slice %arg9[%dma_start3A_597, %dma_start3A_599, %dma_start3A_600] : memref<10x125x32xf32, #tpu.memory_space<vmem>> -> memref<1x125x32xf32, #tpu.memory_space<vmem>>
      %dma_start3A_602 = tpu.memref_squeeze %dma_start3A_601 : memref<1x125x32xf32, #tpu.memory_space<vmem>> -> memref<125x32xf32, #tpu.memory_space<vmem>>
      %dma_start3A_603 = arith.constant 0 : i32
      %dma_start3A_604 = tpu.memref_slice %arg8[%add3A_582, %dma_start3A_603] : memref<40x125xi32, #tpu.memory_space<vmem>> -> memref<1x125xi32, #tpu.memory_space<vmem>>
      %dma_start3A_605 = tpu.memref_squeeze %dma_start3A_604 : memref<1x125xi32, #tpu.memory_space<vmem>> -> memref<125xi32, #tpu.memory_space<vmem>>
      %dma_start3A_606 = arith.constant 0 : i32
      %dma_start3A_607 = arith.constant 0 : i32
      %dma_start3A_608 = tpu.memref_slice %arg10[%dma_start3A_606, %dma_start3A_607] : memref<10000x32xf32, #tpu.memory_space<vmem_shared>> -> memref<10000x32xf32, #tpu.memory_space<vmem_shared>>
      %dma_start3A_609 = tpu.memref_slice %arg13[%dma_start3A_598] : memref<10x!tpu.dma_semaphore, #tpu.memory_space<semaphore_mem>> -> memref<1x!tpu.dma_semaphore, #tpu.memory_space<semaphore_mem>>
      %dma_start3A_610 = tpu.memref_squeeze %dma_start3A_609 : memref<1x!tpu.dma_semaphore, #tpu.memory_space<semaphore_mem>> -> memref<!tpu.dma_semaphore, #tpu.memory_space<semaphore_mem>>
      tpu.enqueue_indirect_dma source(%dma_start3A_602 : memref<125x32xf32, #tpu.memory_space<vmem>>) target(%dma_start3A_608 : memref<10000x32xf32, #tpu.memory_space<vmem_shared>>) offsets(%dma_start3A_605 : memref<125xi32, #tpu.memory_space<vmem>>) semaphore(%dma_start3A_610 : memref<!tpu.dma_semaphore, #tpu.memory_space<semaphore_mem>>) {add = true}
      %add3A_611 = arith.constant 9 : i32
      %add3A_612 = arith.addi %mul3A_340, %add3A_611 : i32
      %dma_wait3A_613 = arith.constant 9 : i32
      %dma_wait3A_614 = arith.constant 9 : i32
      %dma_wait3A_615 = arith.constant 0 : i32
      %dma_wait3A_616 = arith.constant 0 : i32
      %dma_wait3A_617 = tpu.memref_slice %arg9[%dma_wait3A_613, %dma_wait3A_615, %dma_wait3A_616] : memref<10x125x32xf32, #tpu.memory_space<vmem>> -> memref<1x125x32xf32, #tpu.memory_space<vmem>>
      %dma_wait3A_618 = tpu.memref_squeeze %dma_wait3A_617 : memref<1x125x32xf32, #tpu.memory_space<vmem>> -> memref<125x32xf32, #tpu.memory_space<vmem>>
      %dma_wait3A_619 = arith.constant 0 : i32
      %dma_wait3A_620 = tpu.memref_slice %arg7[%add3A_612, %dma_wait3A_619] : memref<40x125xi32, #tpu.memory_space<vmem>> -> memref<1x125xi32, #tpu.memory_space<vmem>>
      %dma_wait3A_621 = tpu.memref_squeeze %dma_wait3A_620 : memref<1x125xi32, #tpu.memory_space<vmem>> -> memref<125xi32, #tpu.memory_space<vmem>>
      %dma_wait3A_622 = arith.constant 0 : i32
      %dma_wait3A_623 = arith.constant 0 : i32
      %dma_wait3A_624 = tpu.memref_slice %arg2[%dma_wait3A_622, %dma_wait3A_623] : memref<90000x32xf32, #tpu.memory_space<hbm>> -> memref<90000x32xf32, #tpu.memory_space<hbm>>
      %dma_wait3A_625 = tpu.memref_slice %arg12[%dma_wait3A_614] : memref<10x!tpu.dma_semaphore, #tpu.memory_space<semaphore_mem>> -> memref<1x!tpu.dma_semaphore, #tpu.memory_space<semaphore_mem>>
      %dma_wait3A_626 = tpu.memref_squeeze %dma_wait3A_625 : memref<1x!tpu.dma_semaphore, #tpu.memory_space<semaphore_mem>> -> memref<!tpu.dma_semaphore, #tpu.memory_space<semaphore_mem>>
      tpu.wait_indirect_dma semaphore(%dma_wait3A_626 : memref<!tpu.dma_semaphore, #tpu.memory_space<semaphore_mem>>) src(%dma_wait3A_624 : memref<90000x32xf32, #tpu.memory_space<hbm>>) dst(%dma_wait3A_618 : memref<125x32xf32, #tpu.memory_space<vmem>>)
      %dma_start3A_627 = arith.constant 9 : i32
      %dma_start3A_628 = arith.constant 9 : i32
      %dma_start3A_629 = arith.constant 0 : i32
      %dma_start3A_630 = arith.constant 0 : i32
      %dma_start3A_631 = tpu.memref_slice %arg9[%dma_start3A_627, %dma_start3A_629, %dma_start3A_630] : memref<10x125x32xf32, #tpu.memory_space<vmem>> -> memref<1x125x32xf32, #tpu.memory_space<vmem>>
      %dma_start3A_632 = tpu.memref_squeeze %dma_start3A_631 : memref<1x125x32xf32, #tpu.memory_space<vmem>> -> memref<125x32xf32, #tpu.memory_space<vmem>>
      %dma_start3A_633 = arith.constant 0 : i32
      %dma_start3A_634 = tpu.memref_slice %arg8[%add3A_612, %dma_start3A_633] : memref<40x125xi32, #tpu.memory_space<vmem>> -> memref<1x125xi32, #tpu.memory_space<vmem>>
      %dma_start3A_635 = tpu.memref_squeeze %dma_start3A_634 : memref<1x125xi32, #tpu.memory_space<vmem>> -> memref<125xi32, #tpu.memory_space<vmem>>
      %dma_start3A_636 = arith.constant 0 : i32
      %dma_start3A_637 = arith.constant 0 : i32
      %dma_start3A_638 = tpu.memref_slice %arg10[%dma_start3A_636, %dma_start3A_637] : memref<10000x32xf32, #tpu.memory_space<vmem_shared>> -> memref<10000x32xf32, #tpu.memory_space<vmem_shared>>
      %dma_start3A_639 = tpu.memref_slice %arg13[%dma_start3A_628] : memref<10x!tpu.dma_semaphore, #tpu.memory_space<semaphore_mem>> -> memref<1x!tpu.dma_semaphore, #tpu.memory_space<semaphore_mem>>
      %dma_start3A_640 = tpu.memref_squeeze %dma_start3A_639 : memref<1x!tpu.dma_semaphore, #tpu.memory_space<semaphore_mem>> -> memref<!tpu.dma_semaphore, #tpu.memory_space<semaphore_mem>>
      tpu.enqueue_indirect_dma source(%dma_start3A_632 : memref<125x32xf32, #tpu.memory_space<vmem>>) target(%dma_start3A_638 : memref<10000x32xf32, #tpu.memory_space<vmem_shared>>) offsets(%dma_start3A_635 : memref<125xi32, #tpu.memory_space<vmem>>) semaphore(%dma_start3A_640 : memref<!tpu.dma_semaphore, #tpu.memory_space<semaphore_mem>>) {add = true}
      %add3A_641 = arith.constant 0 : i32
      %add3A_642 = arith.addi %mul3A_340, %add3A_641 : i32
      %add3A_643 = arith.constant 10 : i32
      %add3A_644 = arith.addi %add3A_642, %add3A_643 : i32
      %lt3A = arith.constant 40 : i32
      %lt3A_645 = arith.cmpi slt, %add3A_644, %lt3A : i32
      %convert_element_type3A = arith.extui %lt3A_645 : i1 to i32
      %cond3A = arith.constant 0 : i32
      %cond3A_646 = arith.cmpi ne, %convert_element_type3A, %cond3A : i32
      scf.if %cond3A_646 {
        %dma_wait3A_728 = arith.constant 0 : i32
        %dma_wait3A_729 = arith.constant 0 : i32
        %dma_wait3A_730 = arith.constant 0 : i32
        %dma_wait3A_731 = arith.constant 0 : i32
        %dma_wait3A_732 = tpu.memref_slice %arg9[%dma_wait3A_728, %dma_wait3A_730, %dma_wait3A_731] : memref<10x125x32xf32, #tpu.memory_space<vmem>> -> memref<1x125x32xf32, #tpu.memory_space<vmem>>
        %dma_wait3A_733 = tpu.memref_squeeze %dma_wait3A_732 : memref<1x125x32xf32, #tpu.memory_space<vmem>> -> memref<125x32xf32, #tpu.memory_space<vmem>>
        %dma_wait3A_734 = arith.constant 0 : i32
        %dma_wait3A_735 = tpu.memref_slice %arg8[%add3A_642, %dma_wait3A_734] : memref<40x125xi32, #tpu.memory_space<vmem>> -> memref<1x125xi32, #tpu.memory_space<vmem>>
        %dma_wait3A_736 = tpu.memref_squeeze %dma_wait3A_735 : memref<1x125xi32, #tpu.memory_space<vmem>> -> memref<125xi32, #tpu.memory_space<vmem>>
        %dma_wait3A_737 = arith.constant 0 : i32
        %dma_wait3A_738 = arith.constant 0 : i32
        %dma_wait3A_739 = tpu.memref_slice %arg10[%dma_wait3A_737, %dma_wait3A_738] : memref<10000x32xf32, #tpu.memory_space<vmem_shared>> -> memref<10000x32xf32, #tpu.memory_space<vmem_shared>>
        %dma_wait3A_740 = tpu.memref_slice %arg13[%dma_wait3A_729] : memref<10x!tpu.dma_semaphore, #tpu.memory_space<semaphore_mem>> -> memref<1x!tpu.dma_semaphore, #tpu.memory_space<semaphore_mem>>
        %dma_wait3A_741 = tpu.memref_squeeze %dma_wait3A_740 : memref<1x!tpu.dma_semaphore, #tpu.memory_space<semaphore_mem>> -> memref<!tpu.dma_semaphore, #tpu.memory_space<semaphore_mem>>
        tpu.wait_indirect_dma semaphore(%dma_wait3A_741 : memref<!tpu.dma_semaphore, #tpu.memory_space<semaphore_mem>>) src(%dma_wait3A_733 : memref<125x32xf32, #tpu.memory_space<vmem>>) dst(%dma_wait3A_739 : memref<10000x32xf32, #tpu.memory_space<vmem_shared>>)
        %add3A_742 = arith.constant 10 : i32
        %add3A_743 = arith.addi %add3A_642, %add3A_742 : i32
        %dma_start3A_744 = arith.constant 0 : i32
        %dma_start3A_745 = arith.constant 0 : i32
        %dma_start3A_746 = arith.constant 0 : i32
        %dma_start3A_747 = arith.constant 0 : i32
        %dma_start3A_748 = tpu.memref_slice %arg9[%dma_start3A_744, %dma_start3A_746, %dma_start3A_747] : memref<10x125x32xf32, #tpu.memory_space<vmem>> -> memref<1x125x32xf32, #tpu.memory_space<vmem>>
        %dma_start3A_749 = tpu.memref_squeeze %dma_start3A_748 : memref<1x125x32xf32, #tpu.memory_space<vmem>> -> memref<125x32xf32, #tpu.memory_space<vmem>>
        %dma_start3A_750 = arith.constant 0 : i32
        %dma_start3A_751 = tpu.memref_slice %arg7[%add3A_743, %dma_start3A_750] : memref<40x125xi32, #tpu.memory_space<vmem>> -> memref<1x125xi32, #tpu.memory_space<vmem>>
        %dma_start3A_752 = tpu.memref_squeeze %dma_start3A_751 : memref<1x125xi32, #tpu.memory_space<vmem>> -> memref<125xi32, #tpu.memory_space<vmem>>
        %dma_start3A_753 = arith.constant 0 : i32
        %dma_start3A_754 = arith.constant 0 : i32
        %dma_start3A_755 = tpu.memref_slice %arg2[%dma_start3A_753, %dma_start3A_754] : memref<90000x32xf32, #tpu.memory_space<hbm>> -> memref<90000x32xf32, #tpu.memory_space<hbm>>
        %dma_start3A_756 = tpu.memref_slice %arg12[%dma_start3A_745] : memref<10x!tpu.dma_semaphore, #tpu.memory_space<semaphore_mem>> -> memref<1x!tpu.dma_semaphore, #tpu.memory_space<semaphore_mem>>
        %dma_start3A_757 = tpu.memref_squeeze %dma_start3A_756 : memref<1x!tpu.dma_semaphore, #tpu.memory_space<semaphore_mem>> -> memref<!tpu.dma_semaphore, #tpu.memory_space<semaphore_mem>>
        tpu.enqueue_indirect_dma source(%dma_start3A_755 : memref<90000x32xf32, #tpu.memory_space<hbm>>) target(%dma_start3A_749 : memref<125x32xf32, #tpu.memory_space<vmem>>) offsets(%dma_start3A_752 : memref<125xi32, #tpu.memory_space<vmem>>) semaphore(%dma_start3A_757 : memref<!tpu.dma_semaphore, #tpu.memory_space<semaphore_mem>>)
      } else {
      }
      %add3A_647 = arith.constant 1 : i32
      %add3A_648 = arith.addi %mul3A_340, %add3A_647 : i32
      %add3A_649 = arith.constant 10 : i32
      %add3A_650 = arith.addi %add3A_648, %add3A_649 : i32
      %lt3A_651 = arith.constant 40 : i32
      %lt3A_652 = arith.cmpi slt, %add3A_650, %lt3A_651 : i32
      %convert_element_type3A_653 = arith.extui %lt3A_652 : i1 to i32
      %cond3A_654 = arith.constant 0 : i32
      %cond3A_655 = arith.cmpi ne, %convert_element_type3A_653, %cond3A_654 : i32
      scf.if %cond3A_655 {
        %dma_wait3A_728 = arith.constant 1 : i32
        %dma_wait3A_729 = arith.constant 1 : i32
        %dma_wait3A_730 = arith.constant 0 : i32
        %dma_wait3A_731 = arith.constant 0 : i32
        %dma_wait3A_732 = tpu.memref_slice %arg9[%dma_wait3A_728, %dma_wait3A_730, %dma_wait3A_731] : memref<10x125x32xf32, #tpu.memory_space<vmem>> -> memref<1x125x32xf32, #tpu.memory_space<vmem>>
        %dma_wait3A_733 = tpu.memref_squeeze %dma_wait3A_732 : memref<1x125x32xf32, #tpu.memory_space<vmem>> -> memref<125x32xf32, #tpu.memory_space<vmem>>
        %dma_wait3A_734 = arith.constant 0 : i32
        %dma_wait3A_735 = tpu.memref_slice %arg8[%add3A_648, %dma_wait3A_734] : memref<40x125xi32, #tpu.memory_space<vmem>> -> memref<1x125xi32, #tpu.memory_space<vmem>>
        %dma_wait3A_736 = tpu.memref_squeeze %dma_wait3A_735 : memref<1x125xi32, #tpu.memory_space<vmem>> -> memref<125xi32, #tpu.memory_space<vmem>>
        %dma_wait3A_737 = arith.constant 0 : i32
        %dma_wait3A_738 = arith.constant 0 : i32
        %dma_wait3A_739 = tpu.memref_slice %arg10[%dma_wait3A_737, %dma_wait3A_738] : memref<10000x32xf32, #tpu.memory_space<vmem_shared>> -> memref<10000x32xf32, #tpu.memory_space<vmem_shared>>
        %dma_wait3A_740 = tpu.memref_slice %arg13[%dma_wait3A_729] : memref<10x!tpu.dma_semaphore, #tpu.memory_space<semaphore_mem>> -> memref<1x!tpu.dma_semaphore, #tpu.memory_space<semaphore_mem>>
        %dma_wait3A_741 = tpu.memref_squeeze %dma_wait3A_740 : memref<1x!tpu.dma_semaphore, #tpu.memory_space<semaphore_mem>> -> memref<!tpu.dma_semaphore, #tpu.memory_space<semaphore_mem>>
        tpu.wait_indirect_dma semaphore(%dma_wait3A_741 : memref<!tpu.dma_semaphore, #tpu.memory_space<semaphore_mem>>) src(%dma_wait3A_733 : memref<125x32xf32, #tpu.memory_space<vmem>>) dst(%dma_wait3A_739 : memref<10000x32xf32, #tpu.memory_space<vmem_shared>>)
        %add3A_742 = arith.constant 10 : i32
        %add3A_743 = arith.addi %add3A_648, %add3A_742 : i32
        %dma_start3A_744 = arith.constant 1 : i32
        %dma_start3A_745 = arith.constant 1 : i32
        %dma_start3A_746 = arith.constant 0 : i32
        %dma_start3A_747 = arith.constant 0 : i32
        %dma_start3A_748 = tpu.memref_slice %arg9[%dma_start3A_744, %dma_start3A_746, %dma_start3A_747] : memref<10x125x32xf32, #tpu.memory_space<vmem>> -> memref<1x125x32xf32, #tpu.memory_space<vmem>>
        %dma_start3A_749 = tpu.memref_squeeze %dma_start3A_748 : memref<1x125x32xf32, #tpu.memory_space<vmem>> -> memref<125x32xf32, #tpu.memory_space<vmem>>
        %dma_start3A_750 = arith.constant 0 : i32
        %dma_start3A_751 = tpu.memref_slice %arg7[%add3A_743, %dma_start3A_750] : memref<40x125xi32, #tpu.memory_space<vmem>> -> memref<1x125xi32, #tpu.memory_space<vmem>>
        %dma_start3A_752 = tpu.memref_squeeze %dma_start3A_751 : memref<1x125xi32, #tpu.memory_space<vmem>> -> memref<125xi32, #tpu.memory_space<vmem>>
        %dma_start3A_753 = arith.constant 0 : i32
        %dma_start3A_754 = arith.constant 0 : i32
        %dma_start3A_755 = tpu.memref_slice %arg2[%dma_start3A_753, %dma_start3A_754] : memref<90000x32xf32, #tpu.memory_space<hbm>> -> memref<90000x32xf32, #tpu.memory_space<hbm>>
        %dma_start3A_756 = tpu.memref_slice %arg12[%dma_start3A_745] : memref<10x!tpu.dma_semaphore, #tpu.memory_space<semaphore_mem>> -> memref<1x!tpu.dma_semaphore, #tpu.memory_space<semaphore_mem>>
        %dma_start3A_757 = tpu.memref_squeeze %dma_start3A_756 : memref<1x!tpu.dma_semaphore, #tpu.memory_space<semaphore_mem>> -> memref<!tpu.dma_semaphore, #tpu.memory_space<semaphore_mem>>
        tpu.enqueue_indirect_dma source(%dma_start3A_755 : memref<90000x32xf32, #tpu.memory_space<hbm>>) target(%dma_start3A_749 : memref<125x32xf32, #tpu.memory_space<vmem>>) offsets(%dma_start3A_752 : memref<125xi32, #tpu.memory_space<vmem>>) semaphore(%dma_start3A_757 : memref<!tpu.dma_semaphore, #tpu.memory_space<semaphore_mem>>)
      } else {
      }
      %add3A_656 = arith.constant 2 : i32
      %add3A_657 = arith.addi %mul3A_340, %add3A_656 : i32
      %add3A_658 = arith.constant 10 : i32
      %add3A_659 = arith.addi %add3A_657, %add3A_658 : i32
      %lt3A_660 = arith.constant 40 : i32
      %lt3A_661 = arith.cmpi slt, %add3A_659, %lt3A_660 : i32
      %convert_element_type3A_662 = arith.extui %lt3A_661 : i1 to i32
      %cond3A_663 = arith.constant 0 : i32
      %cond3A_664 = arith.cmpi ne, %convert_element_type3A_662, %cond3A_663 : i32
      scf.if %cond3A_664 {
        %dma_wait3A_728 = arith.constant 2 : i32
        %dma_wait3A_729 = arith.constant 2 : i32
        %dma_wait3A_730 = arith.constant 0 : i32
        %dma_wait3A_731 = arith.constant 0 : i32
        %dma_wait3A_732 = tpu.memref_slice %arg9[%dma_wait3A_728, %dma_wait3A_730, %dma_wait3A_731] : memref<10x125x32xf32, #tpu.memory_space<vmem>> -> memref<1x125x32xf32, #tpu.memory_space<vmem>>
        %dma_wait3A_733 = tpu.memref_squeeze %dma_wait3A_732 : memref<1x125x32xf32, #tpu.memory_space<vmem>> -> memref<125x32xf32, #tpu.memory_space<vmem>>
        %dma_wait3A_734 = arith.constant 0 : i32
        %dma_wait3A_735 = tpu.memref_slice %arg8[%add3A_657, %dma_wait3A_734] : memref<40x125xi32, #tpu.memory_space<vmem>> -> memref<1x125xi32, #tpu.memory_space<vmem>>
        %dma_wait3A_736 = tpu.memref_squeeze %dma_wait3A_735 : memref<1x125xi32, #tpu.memory_space<vmem>> -> memref<125xi32, #tpu.memory_space<vmem>>
        %dma_wait3A_737 = arith.constant 0 : i32
        %dma_wait3A_738 = arith.constant 0 : i32
        %dma_wait3A_739 = tpu.memref_slice %arg10[%dma_wait3A_737, %dma_wait3A_738] : memref<10000x32xf32, #tpu.memory_space<vmem_shared>> -> memref<10000x32xf32, #tpu.memory_space<vmem_shared>>
        %dma_wait3A_740 = tpu.memref_slice %arg13[%dma_wait3A_729] : memref<10x!tpu.dma_semaphore, #tpu.memory_space<semaphore_mem>> -> memref<1x!tpu.dma_semaphore, #tpu.memory_space<semaphore_mem>>
        %dma_wait3A_741 = tpu.memref_squeeze %dma_wait3A_740 : memref<1x!tpu.dma_semaphore, #tpu.memory_space<semaphore_mem>> -> memref<!tpu.dma_semaphore, #tpu.memory_space<semaphore_mem>>
        tpu.wait_indirect_dma semaphore(%dma_wait3A_741 : memref<!tpu.dma_semaphore, #tpu.memory_space<semaphore_mem>>) src(%dma_wait3A_733 : memref<125x32xf32, #tpu.memory_space<vmem>>) dst(%dma_wait3A_739 : memref<10000x32xf32, #tpu.memory_space<vmem_shared>>)
        %add3A_742 = arith.constant 10 : i32
        %add3A_743 = arith.addi %add3A_657, %add3A_742 : i32
        %dma_start3A_744 = arith.constant 2 : i32
        %dma_start3A_745 = arith.constant 2 : i32
        %dma_start3A_746 = arith.constant 0 : i32
        %dma_start3A_747 = arith.constant 0 : i32
        %dma_start3A_748 = tpu.memref_slice %arg9[%dma_start3A_744, %dma_start3A_746, %dma_start3A_747] : memref<10x125x32xf32, #tpu.memory_space<vmem>> -> memref<1x125x32xf32, #tpu.memory_space<vmem>>
        %dma_start3A_749 = tpu.memref_squeeze %dma_start3A_748 : memref<1x125x32xf32, #tpu.memory_space<vmem>> -> memref<125x32xf32, #tpu.memory_space<vmem>>
        %dma_start3A_750 = arith.constant 0 : i32
        %dma_start3A_751 = tpu.memref_slice %arg7[%add3A_743, %dma_start3A_750] : memref<40x125xi32, #tpu.memory_space<vmem>> -> memref<1x125xi32, #tpu.memory_space<vmem>>
        %dma_start3A_752 = tpu.memref_squeeze %dma_start3A_751 : memref<1x125xi32, #tpu.memory_space<vmem>> -> memref<125xi32, #tpu.memory_space<vmem>>
        %dma_start3A_753 = arith.constant 0 : i32
        %dma_start3A_754 = arith.constant 0 : i32
        %dma_start3A_755 = tpu.memref_slice %arg2[%dma_start3A_753, %dma_start3A_754] : memref<90000x32xf32, #tpu.memory_space<hbm>> -> memref<90000x32xf32, #tpu.memory_space<hbm>>
        %dma_start3A_756 = tpu.memref_slice %arg12[%dma_start3A_745] : memref<10x!tpu.dma_semaphore, #tpu.memory_space<semaphore_mem>> -> memref<1x!tpu.dma_semaphore, #tpu.memory_space<semaphore_mem>>
        %dma_start3A_757 = tpu.memref_squeeze %dma_start3A_756 : memref<1x!tpu.dma_semaphore, #tpu.memory_space<semaphore_mem>> -> memref<!tpu.dma_semaphore, #tpu.memory_space<semaphore_mem>>
        tpu.enqueue_indirect_dma source(%dma_start3A_755 : memref<90000x32xf32, #tpu.memory_space<hbm>>) target(%dma_start3A_749 : memref<125x32xf32, #tpu.memory_space<vmem>>) offsets(%dma_start3A_752 : memref<125xi32, #tpu.memory_space<vmem>>) semaphore(%dma_start3A_757 : memref<!tpu.dma_semaphore, #tpu.memory_space<semaphore_mem>>)
      } else {
      }
      %add3A_665 = arith.constant 3 : i32
      %add3A_666 = arith.addi %mul3A_340, %add3A_665 : i32
      %add3A_667 = arith.constant 10 : i32
      %add3A_668 = arith.addi %add3A_666, %add3A_667 : i32
      %lt3A_669 = arith.constant 40 : i32
      %lt3A_670 = arith.cmpi slt, %add3A_668, %lt3A_669 : i32
      %convert_element_type3A_671 = arith.extui %lt3A_670 : i1 to i32
      %cond3A_672 = arith.constant 0 : i32
      %cond3A_673 = arith.cmpi ne, %convert_element_type3A_671, %cond3A_672 : i32
      scf.if %cond3A_673 {
        %dma_wait3A_728 = arith.constant 3 : i32
        %dma_wait3A_729 = arith.constant 3 : i32
        %dma_wait3A_730 = arith.constant 0 : i32
        %dma_wait3A_731 = arith.constant 0 : i32
        %dma_wait3A_732 = tpu.memref_slice %arg9[%dma_wait3A_728, %dma_wait3A_730, %dma_wait3A_731] : memref<10x125x32xf32, #tpu.memory_space<vmem>> -> memref<1x125x32xf32, #tpu.memory_space<vmem>>
        %dma_wait3A_733 = tpu.memref_squeeze %dma_wait3A_732 : memref<1x125x32xf32, #tpu.memory_space<vmem>> -> memref<125x32xf32, #tpu.memory_space<vmem>>
        %dma_wait3A_734 = arith.constant 0 : i32
        %dma_wait3A_735 = tpu.memref_slice %arg8[%add3A_666, %dma_wait3A_734] : memref<40x125xi32, #tpu.memory_space<vmem>> -> memref<1x125xi32, #tpu.memory_space<vmem>>
        %dma_wait3A_736 = tpu.memref_squeeze %dma_wait3A_735 : memref<1x125xi32, #tpu.memory_space<vmem>> -> memref<125xi32, #tpu.memory_space<vmem>>
        %dma_wait3A_737 = arith.constant 0 : i32
        %dma_wait3A_738 = arith.constant 0 : i32
        %dma_wait3A_739 = tpu.memref_slice %arg10[%dma_wait3A_737, %dma_wait3A_738] : memref<10000x32xf32, #tpu.memory_space<vmem_shared>> -> memref<10000x32xf32, #tpu.memory_space<vmem_shared>>
        %dma_wait3A_740 = tpu.memref_slice %arg13[%dma_wait3A_729] : memref<10x!tpu.dma_semaphore, #tpu.memory_space<semaphore_mem>> -> memref<1x!tpu.dma_semaphore, #tpu.memory_space<semaphore_mem>>
        %dma_wait3A_741 = tpu.memref_squeeze %dma_wait3A_740 : memref<1x!tpu.dma_semaphore, #tpu.memory_space<semaphore_mem>> -> memref<!tpu.dma_semaphore, #tpu.memory_space<semaphore_mem>>
        tpu.wait_indirect_dma semaphore(%dma_wait3A_741 : memref<!tpu.dma_semaphore, #tpu.memory_space<semaphore_mem>>) src(%dma_wait3A_733 : memref<125x32xf32, #tpu.memory_space<vmem>>) dst(%dma_wait3A_739 : memref<10000x32xf32, #tpu.memory_space<vmem_shared>>)
        %add3A_742 = arith.constant 10 : i32
        %add3A_743 = arith.addi %add3A_666, %add3A_742 : i32
        %dma_start3A_744 = arith.constant 3 : i32
        %dma_start3A_745 = arith.constant 3 : i32
        %dma_start3A_746 = arith.constant 0 : i32
        %dma_start3A_747 = arith.constant 0 : i32
        %dma_start3A_748 = tpu.memref_slice %arg9[%dma_start3A_744, %dma_start3A_746, %dma_start3A_747] : memref<10x125x32xf32, #tpu.memory_space<vmem>> -> memref<1x125x32xf32, #tpu.memory_space<vmem>>
        %dma_start3A_749 = tpu.memref_squeeze %dma_start3A_748 : memref<1x125x32xf32, #tpu.memory_space<vmem>> -> memref<125x32xf32, #tpu.memory_space<vmem>>
        %dma_start3A_750 = arith.constant 0 : i32
        %dma_start3A_751 = tpu.memref_slice %arg7[%add3A_743, %dma_start3A_750] : memref<40x125xi32, #tpu.memory_space<vmem>> -> memref<1x125xi32, #tpu.memory_space<vmem>>
        %dma_start3A_752 = tpu.memref_squeeze %dma_start3A_751 : memref<1x125xi32, #tpu.memory_space<vmem>> -> memref<125xi32, #tpu.memory_space<vmem>>
        %dma_start3A_753 = arith.constant 0 : i32
        %dma_start3A_754 = arith.constant 0 : i32
        %dma_start3A_755 = tpu.memref_slice %arg2[%dma_start3A_753, %dma_start3A_754] : memref<90000x32xf32, #tpu.memory_space<hbm>> -> memref<90000x32xf32, #tpu.memory_space<hbm>>
        %dma_start3A_756 = tpu.memref_slice %arg12[%dma_start3A_745] : memref<10x!tpu.dma_semaphore, #tpu.memory_space<semaphore_mem>> -> memref<1x!tpu.dma_semaphore, #tpu.memory_space<semaphore_mem>>
        %dma_start3A_757 = tpu.memref_squeeze %dma_start3A_756 : memref<1x!tpu.dma_semaphore, #tpu.memory_space<semaphore_mem>> -> memref<!tpu.dma_semaphore, #tpu.memory_space<semaphore_mem>>
        tpu.enqueue_indirect_dma source(%dma_start3A_755 : memref<90000x32xf32, #tpu.memory_space<hbm>>) target(%dma_start3A_749 : memref<125x32xf32, #tpu.memory_space<vmem>>) offsets(%dma_start3A_752 : memref<125xi32, #tpu.memory_space<vmem>>) semaphore(%dma_start3A_757 : memref<!tpu.dma_semaphore, #tpu.memory_space<semaphore_mem>>)
      } else {
      }
      %add3A_674 = arith.constant 4 : i32
      %add3A_675 = arith.addi %mul3A_340, %add3A_674 : i32
      %add3A_676 = arith.constant 10 : i32
      %add3A_677 = arith.addi %add3A_675, %add3A_676 : i32
      %lt3A_678 = arith.constant 40 : i32
      %lt3A_679 = arith.cmpi slt, %add3A_677, %lt3A_678 : i32
      %convert_element_type3A_680 = arith.extui %lt3A_679 : i1 to i32
      %cond3A_681 = arith.constant 0 : i32
      %cond3A_682 = arith.cmpi ne, %convert_element_type3A_680, %cond3A_681 : i32
      scf.if %cond3A_682 {
        %dma_wait3A_728 = arith.constant 4 : i32
        %dma_wait3A_729 = arith.constant 4 : i32
        %dma_wait3A_730 = arith.constant 0 : i32
        %dma_wait3A_731 = arith.constant 0 : i32
        %dma_wait3A_732 = tpu.memref_slice %arg9[%dma_wait3A_728, %dma_wait3A_730, %dma_wait3A_731] : memref<10x125x32xf32, #tpu.memory_space<vmem>> -> memref<1x125x32xf32, #tpu.memory_space<vmem>>
        %dma_wait3A_733 = tpu.memref_squeeze %dma_wait3A_732 : memref<1x125x32xf32, #tpu.memory_space<vmem>> -> memref<125x32xf32, #tpu.memory_space<vmem>>
        %dma_wait3A_734 = arith.constant 0 : i32
        %dma_wait3A_735 = tpu.memref_slice %arg8[%add3A_675, %dma_wait3A_734] : memref<40x125xi32, #tpu.memory_space<vmem>> -> memref<1x125xi32, #tpu.memory_space<vmem>>
        %dma_wait3A_736 = tpu.memref_squeeze %dma_wait3A_735 : memref<1x125xi32, #tpu.memory_space<vmem>> -> memref<125xi32, #tpu.memory_space<vmem>>
        %dma_wait3A_737 = arith.constant 0 : i32
        %dma_wait3A_738 = arith.constant 0 : i32
        %dma_wait3A_739 = tpu.memref_slice %arg10[%dma_wait3A_737, %dma_wait3A_738] : memref<10000x32xf32, #tpu.memory_space<vmem_shared>> -> memref<10000x32xf32, #tpu.memory_space<vmem_shared>>
        %dma_wait3A_740 = tpu.memref_slice %arg13[%dma_wait3A_729] : memref<10x!tpu.dma_semaphore, #tpu.memory_space<semaphore_mem>> -> memref<1x!tpu.dma_semaphore, #tpu.memory_space<semaphore_mem>>
        %dma_wait3A_741 = tpu.memref_squeeze %dma_wait3A_740 : memref<1x!tpu.dma_semaphore, #tpu.memory_space<semaphore_mem>> -> memref<!tpu.dma_semaphore, #tpu.memory_space<semaphore_mem>>
        tpu.wait_indirect_dma semaphore(%dma_wait3A_741 : memref<!tpu.dma_semaphore, #tpu.memory_space<semaphore_mem>>) src(%dma_wait3A_733 : memref<125x32xf32, #tpu.memory_space<vmem>>) dst(%dma_wait3A_739 : memref<10000x32xf32, #tpu.memory_space<vmem_shared>>)
        %add3A_742 = arith.constant 10 : i32
        %add3A_743 = arith.addi %add3A_675, %add3A_742 : i32
        %dma_start3A_744 = arith.constant 4 : i32
        %dma_start3A_745 = arith.constant 4 : i32
        %dma_start3A_746 = arith.constant 0 : i32
        %dma_start3A_747 = arith.constant 0 : i32
        %dma_start3A_748 = tpu.memref_slice %arg9[%dma_start3A_744, %dma_start3A_746, %dma_start3A_747] : memref<10x125x32xf32, #tpu.memory_space<vmem>> -> memref<1x125x32xf32, #tpu.memory_space<vmem>>
        %dma_start3A_749 = tpu.memref_squeeze %dma_start3A_748 : memref<1x125x32xf32, #tpu.memory_space<vmem>> -> memref<125x32xf32, #tpu.memory_space<vmem>>
        %dma_start3A_750 = arith.constant 0 : i32
        %dma_start3A_751 = tpu.memref_slice %arg7[%add3A_743, %dma_start3A_750] : memref<40x125xi32, #tpu.memory_space<vmem>> -> memref<1x125xi32, #tpu.memory_space<vmem>>
        %dma_start3A_752 = tpu.memref_squeeze %dma_start3A_751 : memref<1x125xi32, #tpu.memory_space<vmem>> -> memref<125xi32, #tpu.memory_space<vmem>>
        %dma_start3A_753 = arith.constant 0 : i32
        %dma_start3A_754 = arith.constant 0 : i32
        %dma_start3A_755 = tpu.memref_slice %arg2[%dma_start3A_753, %dma_start3A_754] : memref<90000x32xf32, #tpu.memory_space<hbm>> -> memref<90000x32xf32, #tpu.memory_space<hbm>>
        %dma_start3A_756 = tpu.memref_slice %arg12[%dma_start3A_745] : memref<10x!tpu.dma_semaphore, #tpu.memory_space<semaphore_mem>> -> memref<1x!tpu.dma_semaphore, #tpu.memory_space<semaphore_mem>>
        %dma_start3A_757 = tpu.memref_squeeze %dma_start3A_756 : memref<1x!tpu.dma_semaphore, #tpu.memory_space<semaphore_mem>> -> memref<!tpu.dma_semaphore, #tpu.memory_space<semaphore_mem>>
        tpu.enqueue_indirect_dma source(%dma_start3A_755 : memref<90000x32xf32, #tpu.memory_space<hbm>>) target(%dma_start3A_749 : memref<125x32xf32, #tpu.memory_space<vmem>>) offsets(%dma_start3A_752 : memref<125xi32, #tpu.memory_space<vmem>>) semaphore(%dma_start3A_757 : memref<!tpu.dma_semaphore, #tpu.memory_space<semaphore_mem>>)
      } else {
      }
      %add3A_683 = arith.constant 5 : i32
      %add3A_684 = arith.addi %mul3A_340, %add3A_683 : i32
      %add3A_685 = arith.constant 10 : i32
      %add3A_686 = arith.addi %add3A_684, %add3A_685 : i32
      %lt3A_687 = arith.constant 40 : i32
      %lt3A_688 = arith.cmpi slt, %add3A_686, %lt3A_687 : i32
      %convert_element_type3A_689 = arith.extui %lt3A_688 : i1 to i32
      %cond3A_690 = arith.constant 0 : i32
      %cond3A_691 = arith.cmpi ne, %convert_element_type3A_689, %cond3A_690 : i32
      scf.if %cond3A_691 {
        %dma_wait3A_728 = arith.constant 5 : i32
        %dma_wait3A_729 = arith.constant 5 : i32
        %dma_wait3A_730 = arith.constant 0 : i32
        %dma_wait3A_731 = arith.constant 0 : i32
        %dma_wait3A_732 = tpu.memref_slice %arg9[%dma_wait3A_728, %dma_wait3A_730, %dma_wait3A_731] : memref<10x125x32xf32, #tpu.memory_space<vmem>> -> memref<1x125x32xf32, #tpu.memory_space<vmem>>
        %dma_wait3A_733 = tpu.memref_squeeze %dma_wait3A_732 : memref<1x125x32xf32, #tpu.memory_space<vmem>> -> memref<125x32xf32, #tpu.memory_space<vmem>>
        %dma_wait3A_734 = arith.constant 0 : i32
        %dma_wait3A_735 = tpu.memref_slice %arg8[%add3A_684, %dma_wait3A_734] : memref<40x125xi32, #tpu.memory_space<vmem>> -> memref<1x125xi32, #tpu.memory_space<vmem>>
        %dma_wait3A_736 = tpu.memref_squeeze %dma_wait3A_735 : memref<1x125xi32, #tpu.memory_space<vmem>> -> memref<125xi32, #tpu.memory_space<vmem>>
        %dma_wait3A_737 = arith.constant 0 : i32
        %dma_wait3A_738 = arith.constant 0 : i32
        %dma_wait3A_739 = tpu.memref_slice %arg10[%dma_wait3A_737, %dma_wait3A_738] : memref<10000x32xf32, #tpu.memory_space<vmem_shared>> -> memref<10000x32xf32, #tpu.memory_space<vmem_shared>>
        %dma_wait3A_740 = tpu.memref_slice %arg13[%dma_wait3A_729] : memref<10x!tpu.dma_semaphore, #tpu.memory_space<semaphore_mem>> -> memref<1x!tpu.dma_semaphore, #tpu.memory_space<semaphore_mem>>
        %dma_wait3A_741 = tpu.memref_squeeze %dma_wait3A_740 : memref<1x!tpu.dma_semaphore, #tpu.memory_space<semaphore_mem>> -> memref<!tpu.dma_semaphore, #tpu.memory_space<semaphore_mem>>
        tpu.wait_indirect_dma semaphore(%dma_wait3A_741 : memref<!tpu.dma_semaphore, #tpu.memory_space<semaphore_mem>>) src(%dma_wait3A_733 : memref<125x32xf32, #tpu.memory_space<vmem>>) dst(%dma_wait3A_739 : memref<10000x32xf32, #tpu.memory_space<vmem_shared>>)
        %add3A_742 = arith.constant 10 : i32
        %add3A_743 = arith.addi %add3A_684, %add3A_742 : i32
        %dma_start3A_744 = arith.constant 5 : i32
        %dma_start3A_745 = arith.constant 5 : i32
        %dma_start3A_746 = arith.constant 0 : i32
        %dma_start3A_747 = arith.constant 0 : i32
        %dma_start3A_748 = tpu.memref_slice %arg9[%dma_start3A_744, %dma_start3A_746, %dma_start3A_747] : memref<10x125x32xf32, #tpu.memory_space<vmem>> -> memref<1x125x32xf32, #tpu.memory_space<vmem>>
        %dma_start3A_749 = tpu.memref_squeeze %dma_start3A_748 : memref<1x125x32xf32, #tpu.memory_space<vmem>> -> memref<125x32xf32, #tpu.memory_space<vmem>>
        %dma_start3A_750 = arith.constant 0 : i32
        %dma_start3A_751 = tpu.memref_slice %arg7[%add3A_743, %dma_start3A_750] : memref<40x125xi32, #tpu.memory_space<vmem>> -> memref<1x125xi32, #tpu.memory_space<vmem>>
        %dma_start3A_752 = tpu.memref_squeeze %dma_start3A_751 : memref<1x125xi32, #tpu.memory_space<vmem>> -> memref<125xi32, #tpu.memory_space<vmem>>
        %dma_start3A_753 = arith.constant 0 : i32
        %dma_start3A_754 = arith.constant 0 : i32
        %dma_start3A_755 = tpu.memref_slice %arg2[%dma_start3A_753, %dma_start3A_754] : memref<90000x32xf32, #tpu.memory_space<hbm>> -> memref<90000x32xf32, #tpu.memory_space<hbm>>
        %dma_start3A_756 = tpu.memref_slice %arg12[%dma_start3A_745] : memref<10x!tpu.dma_semaphore, #tpu.memory_space<semaphore_mem>> -> memref<1x!tpu.dma_semaphore, #tpu.memory_space<semaphore_mem>>
        %dma_start3A_757 = tpu.memref_squeeze %dma_start3A_756 : memref<1x!tpu.dma_semaphore, #tpu.memory_space<semaphore_mem>> -> memref<!tpu.dma_semaphore, #tpu.memory_space<semaphore_mem>>
        tpu.enqueue_indirect_dma source(%dma_start3A_755 : memref<90000x32xf32, #tpu.memory_space<hbm>>) target(%dma_start3A_749 : memref<125x32xf32, #tpu.memory_space<vmem>>) offsets(%dma_start3A_752 : memref<125xi32, #tpu.memory_space<vmem>>) semaphore(%dma_start3A_757 : memref<!tpu.dma_semaphore, #tpu.memory_space<semaphore_mem>>)
      } else {
      }
      %add3A_692 = arith.constant 6 : i32
      %add3A_693 = arith.addi %mul3A_340, %add3A_692 : i32
      %add3A_694 = arith.constant 10 : i32
      %add3A_695 = arith.addi %add3A_693, %add3A_694 : i32
      %lt3A_696 = arith.constant 40 : i32
      %lt3A_697 = arith.cmpi slt, %add3A_695, %lt3A_696 : i32
      %convert_element_type3A_698 = arith.extui %lt3A_697 : i1 to i32
      %cond3A_699 = arith.constant 0 : i32
      %cond3A_700 = arith.cmpi ne, %convert_element_type3A_698, %cond3A_699 : i32
      scf.if %cond3A_700 {
        %dma_wait3A_728 = arith.constant 6 : i32
        %dma_wait3A_729 = arith.constant 6 : i32
        %dma_wait3A_730 = arith.constant 0 : i32
        %dma_wait3A_731 = arith.constant 0 : i32
        %dma_wait3A_732 = tpu.memref_slice %arg9[%dma_wait3A_728, %dma_wait3A_730, %dma_wait3A_731] : memref<10x125x32xf32, #tpu.memory_space<vmem>> -> memref<1x125x32xf32, #tpu.memory_space<vmem>>
        %dma_wait3A_733 = tpu.memref_squeeze %dma_wait3A_732 : memref<1x125x32xf32, #tpu.memory_space<vmem>> -> memref<125x32xf32, #tpu.memory_space<vmem>>
        %dma_wait3A_734 = arith.constant 0 : i32
        %dma_wait3A_735 = tpu.memref_slice %arg8[%add3A_693, %dma_wait3A_734] : memref<40x125xi32, #tpu.memory_space<vmem>> -> memref<1x125xi32, #tpu.memory_space<vmem>>
        %dma_wait3A_736 = tpu.memref_squeeze %dma_wait3A_735 : memref<1x125xi32, #tpu.memory_space<vmem>> -> memref<125xi32, #tpu.memory_space<vmem>>
        %dma_wait3A_737 = arith.constant 0 : i32
        %dma_wait3A_738 = arith.constant 0 : i32
        %dma_wait3A_739 = tpu.memref_slice %arg10[%dma_wait3A_737, %dma_wait3A_738] : memref<10000x32xf32, #tpu.memory_space<vmem_shared>> -> memref<10000x32xf32, #tpu.memory_space<vmem_shared>>
        %dma_wait3A_740 = tpu.memref_slice %arg13[%dma_wait3A_729] : memref<10x!tpu.dma_semaphore, #tpu.memory_space<semaphore_mem>> -> memref<1x!tpu.dma_semaphore, #tpu.memory_space<semaphore_mem>>
        %dma_wait3A_741 = tpu.memref_squeeze %dma_wait3A_740 : memref<1x!tpu.dma_semaphore, #tpu.memory_space<semaphore_mem>> -> memref<!tpu.dma_semaphore, #tpu.memory_space<semaphore_mem>>
        tpu.wait_indirect_dma semaphore(%dma_wait3A_741 : memref<!tpu.dma_semaphore, #tpu.memory_space<semaphore_mem>>) src(%dma_wait3A_733 : memref<125x32xf32, #tpu.memory_space<vmem>>) dst(%dma_wait3A_739 : memref<10000x32xf32, #tpu.memory_space<vmem_shared>>)
        %add3A_742 = arith.constant 10 : i32
        %add3A_743 = arith.addi %add3A_693, %add3A_742 : i32
        %dma_start3A_744 = arith.constant 6 : i32
        %dma_start3A_745 = arith.constant 6 : i32
        %dma_start3A_746 = arith.constant 0 : i32
        %dma_start3A_747 = arith.constant 0 : i32
        %dma_start3A_748 = tpu.memref_slice %arg9[%dma_start3A_744, %dma_start3A_746, %dma_start3A_747] : memref<10x125x32xf32, #tpu.memory_space<vmem>> -> memref<1x125x32xf32, #tpu.memory_space<vmem>>
        %dma_start3A_749 = tpu.memref_squeeze %dma_start3A_748 : memref<1x125x32xf32, #tpu.memory_space<vmem>> -> memref<125x32xf32, #tpu.memory_space<vmem>>
        %dma_start3A_750 = arith.constant 0 : i32
        %dma_start3A_751 = tpu.memref_slice %arg7[%add3A_743, %dma_start3A_750] : memref<40x125xi32, #tpu.memory_space<vmem>> -> memref<1x125xi32, #tpu.memory_space<vmem>>
        %dma_start3A_752 = tpu.memref_squeeze %dma_start3A_751 : memref<1x125xi32, #tpu.memory_space<vmem>> -> memref<125xi32, #tpu.memory_space<vmem>>
        %dma_start3A_753 = arith.constant 0 : i32
        %dma_start3A_754 = arith.constant 0 : i32
        %dma_start3A_755 = tpu.memref_slice %arg2[%dma_start3A_753, %dma_start3A_754] : memref<90000x32xf32, #tpu.memory_space<hbm>> -> memref<90000x32xf32, #tpu.memory_space<hbm>>
        %dma_start3A_756 = tpu.memref_slice %arg12[%dma_start3A_745] : memref<10x!tpu.dma_semaphore, #tpu.memory_space<semaphore_mem>> -> memref<1x!tpu.dma_semaphore, #tpu.memory_space<semaphore_mem>>
        %dma_start3A_757 = tpu.memref_squeeze %dma_start3A_756 : memref<1x!tpu.dma_semaphore, #tpu.memory_space<semaphore_mem>> -> memref<!tpu.dma_semaphore, #tpu.memory_space<semaphore_mem>>
        tpu.enqueue_indirect_dma source(%dma_start3A_755 : memref<90000x32xf32, #tpu.memory_space<hbm>>) target(%dma_start3A_749 : memref<125x32xf32, #tpu.memory_space<vmem>>) offsets(%dma_start3A_752 : memref<125xi32, #tpu.memory_space<vmem>>) semaphore(%dma_start3A_757 : memref<!tpu.dma_semaphore, #tpu.memory_space<semaphore_mem>>)
      } else {
      }
      %add3A_701 = arith.constant 7 : i32
      %add3A_702 = arith.addi %mul3A_340, %add3A_701 : i32
      %add3A_703 = arith.constant 10 : i32
      %add3A_704 = arith.addi %add3A_702, %add3A_703 : i32
      %lt3A_705 = arith.constant 40 : i32
      %lt3A_706 = arith.cmpi slt, %add3A_704, %lt3A_705 : i32
      %convert_element_type3A_707 = arith.extui %lt3A_706 : i1 to i32
      %cond3A_708 = arith.constant 0 : i32
      %cond3A_709 = arith.cmpi ne, %convert_element_type3A_707, %cond3A_708 : i32
      scf.if %cond3A_709 {
        %dma_wait3A_728 = arith.constant 7 : i32
        %dma_wait3A_729 = arith.constant 7 : i32
        %dma_wait3A_730 = arith.constant 0 : i32
        %dma_wait3A_731 = arith.constant 0 : i32
        %dma_wait3A_732 = tpu.memref_slice %arg9[%dma_wait3A_728, %dma_wait3A_730, %dma_wait3A_731] : memref<10x125x32xf32, #tpu.memory_space<vmem>> -> memref<1x125x32xf32, #tpu.memory_space<vmem>>
        %dma_wait3A_733 = tpu.memref_squeeze %dma_wait3A_732 : memref<1x125x32xf32, #tpu.memory_space<vmem>> -> memref<125x32xf32, #tpu.memory_space<vmem>>
        %dma_wait3A_734 = arith.constant 0 : i32
        %dma_wait3A_735 = tpu.memref_slice %arg8[%add3A_702, %dma_wait3A_734] : memref<40x125xi32, #tpu.memory_space<vmem>> -> memref<1x125xi32, #tpu.memory_space<vmem>>
        %dma_wait3A_736 = tpu.memref_squeeze %dma_wait3A_735 : memref<1x125xi32, #tpu.memory_space<vmem>> -> memref<125xi32, #tpu.memory_space<vmem>>
        %dma_wait3A_737 = arith.constant 0 : i32
        %dma_wait3A_738 = arith.constant 0 : i32
        %dma_wait3A_739 = tpu.memref_slice %arg10[%dma_wait3A_737, %dma_wait3A_738] : memref<10000x32xf32, #tpu.memory_space<vmem_shared>> -> memref<10000x32xf32, #tpu.memory_space<vmem_shared>>
        %dma_wait3A_740 = tpu.memref_slice %arg13[%dma_wait3A_729] : memref<10x!tpu.dma_semaphore, #tpu.memory_space<semaphore_mem>> -> memref<1x!tpu.dma_semaphore, #tpu.memory_space<semaphore_mem>>
        %dma_wait3A_741 = tpu.memref_squeeze %dma_wait3A_740 : memref<1x!tpu.dma_semaphore, #tpu.memory_space<semaphore_mem>> -> memref<!tpu.dma_semaphore, #tpu.memory_space<semaphore_mem>>
        tpu.wait_indirect_dma semaphore(%dma_wait3A_741 : memref<!tpu.dma_semaphore, #tpu.memory_space<semaphore_mem>>) src(%dma_wait3A_733 : memref<125x32xf32, #tpu.memory_space<vmem>>) dst(%dma_wait3A_739 : memref<10000x32xf32, #tpu.memory_space<vmem_shared>>)
        %add3A_742 = arith.constant 10 : i32
        %add3A_743 = arith.addi %add3A_702, %add3A_742 : i32
        %dma_start3A_744 = arith.constant 7 : i32
        %dma_start3A_745 = arith.constant 7 : i32
        %dma_start3A_746 = arith.constant 0 : i32
        %dma_start3A_747 = arith.constant 0 : i32
        %dma_start3A_748 = tpu.memref_slice %arg9[%dma_start3A_744, %dma_start3A_746, %dma_start3A_747] : memref<10x125x32xf32, #tpu.memory_space<vmem>> -> memref<1x125x32xf32, #tpu.memory_space<vmem>>
        %dma_start3A_749 = tpu.memref_squeeze %dma_start3A_748 : memref<1x125x32xf32, #tpu.memory_space<vmem>> -> memref<125x32xf32, #tpu.memory_space<vmem>>
        %dma_start3A_750 = arith.constant 0 : i32
        %dma_start3A_751 = tpu.memref_slice %arg7[%add3A_743, %dma_start3A_750] : memref<40x125xi32, #tpu.memory_space<vmem>> -> memref<1x125xi32, #tpu.memory_space<vmem>>
        %dma_start3A_752 = tpu.memref_squeeze %dma_start3A_751 : memref<1x125xi32, #tpu.memory_space<vmem>> -> memref<125xi32, #tpu.memory_space<vmem>>
        %dma_start3A_753 = arith.constant 0 : i32
        %dma_start3A_754 = arith.constant 0 : i32
        %dma_start3A_755 = tpu.memref_slice %arg2[%dma_start3A_753, %dma_start3A_754] : memref<90000x32xf32, #tpu.memory_space<hbm>> -> memref<90000x32xf32, #tpu.memory_space<hbm>>
        %dma_start3A_756 = tpu.memref_slice %arg12[%dma_start3A_745] : memref<10x!tpu.dma_semaphore, #tpu.memory_space<semaphore_mem>> -> memref<1x!tpu.dma_semaphore, #tpu.memory_space<semaphore_mem>>
        %dma_start3A_757 = tpu.memref_squeeze %dma_start3A_756 : memref<1x!tpu.dma_semaphore, #tpu.memory_space<semaphore_mem>> -> memref<!tpu.dma_semaphore, #tpu.memory_space<semaphore_mem>>
        tpu.enqueue_indirect_dma source(%dma_start3A_755 : memref<90000x32xf32, #tpu.memory_space<hbm>>) target(%dma_start3A_749 : memref<125x32xf32, #tpu.memory_space<vmem>>) offsets(%dma_start3A_752 : memref<125xi32, #tpu.memory_space<vmem>>) semaphore(%dma_start3A_757 : memref<!tpu.dma_semaphore, #tpu.memory_space<semaphore_mem>>)
      } else {
      }
      %add3A_710 = arith.constant 8 : i32
      %add3A_711 = arith.addi %mul3A_340, %add3A_710 : i32
      %add3A_712 = arith.constant 10 : i32
      %add3A_713 = arith.addi %add3A_711, %add3A_712 : i32
      %lt3A_714 = arith.constant 40 : i32
      %lt3A_715 = arith.cmpi slt, %add3A_713, %lt3A_714 : i32
      %convert_element_type3A_716 = arith.extui %lt3A_715 : i1 to i32
      %cond3A_717 = arith.constant 0 : i32
      %cond3A_718 = arith.cmpi ne, %convert_element_type3A_716, %cond3A_717 : i32
      scf.if %cond3A_718 {
        %dma_wait3A_728 = arith.constant 8 : i32
        %dma_wait3A_729 = arith.constant 8 : i32
        %dma_wait3A_730 = arith.constant 0 : i32
        %dma_wait3A_731 = arith.constant 0 : i32
        %dma_wait3A_732 = tpu.memref_slice %arg9[%dma_wait3A_728, %dma_wait3A_730, %dma_wait3A_731] : memref<10x125x32xf32, #tpu.memory_space<vmem>> -> memref<1x125x32xf32, #tpu.memory_space<vmem>>
        %dma_wait3A_733 = tpu.memref_squeeze %dma_wait3A_732 : memref<1x125x32xf32, #tpu.memory_space<vmem>> -> memref<125x32xf32, #tpu.memory_space<vmem>>
        %dma_wait3A_734 = arith.constant 0 : i32
        %dma_wait3A_735 = tpu.memref_slice %arg8[%add3A_711, %dma_wait3A_734] : memref<40x125xi32, #tpu.memory_space<vmem>> -> memref<1x125xi32, #tpu.memory_space<vmem>>
        %dma_wait3A_736 = tpu.memref_squeeze %dma_wait3A_735 : memref<1x125xi32, #tpu.memory_space<vmem>> -> memref<125xi32, #tpu.memory_space<vmem>>
        %dma_wait3A_737 = arith.constant 0 : i32
        %dma_wait3A_738 = arith.constant 0 : i32
        %dma_wait3A_739 = tpu.memref_slice %arg10[%dma_wait3A_737, %dma_wait3A_738] : memref<10000x32xf32, #tpu.memory_space<vmem_shared>> -> memref<10000x32xf32, #tpu.memory_space<vmem_shared>>
        %dma_wait3A_740 = tpu.memref_slice %arg13[%dma_wait3A_729] : memref<10x!tpu.dma_semaphore, #tpu.memory_space<semaphore_mem>> -> memref<1x!tpu.dma_semaphore, #tpu.memory_space<semaphore_mem>>
        %dma_wait3A_741 = tpu.memref_squeeze %dma_wait3A_740 : memref<1x!tpu.dma_semaphore, #tpu.memory_space<semaphore_mem>> -> memref<!tpu.dma_semaphore, #tpu.memory_space<semaphore_mem>>
        tpu.wait_indirect_dma semaphore(%dma_wait3A_741 : memref<!tpu.dma_semaphore, #tpu.memory_space<semaphore_mem>>) src(%dma_wait3A_733 : memref<125x32xf32, #tpu.memory_space<vmem>>) dst(%dma_wait3A_739 : memref<10000x32xf32, #tpu.memory_space<vmem_shared>>)
        %add3A_742 = arith.constant 10 : i32
        %add3A_743 = arith.addi %add3A_711, %add3A_742 : i32
        %dma_start3A_744 = arith.constant 8 : i32
        %dma_start3A_745 = arith.constant 8 : i32
        %dma_start3A_746 = arith.constant 0 : i32
        %dma_start3A_747 = arith.constant 0 : i32
        %dma_start3A_748 = tpu.memref_slice %arg9[%dma_start3A_744, %dma_start3A_746, %dma_start3A_747] : memref<10x125x32xf32, #tpu.memory_space<vmem>> -> memref<1x125x32xf32, #tpu.memory_space<vmem>>
        %dma_start3A_749 = tpu.memref_squeeze %dma_start3A_748 : memref<1x125x32xf32, #tpu.memory_space<vmem>> -> memref<125x32xf32, #tpu.memory_space<vmem>>
        %dma_start3A_750 = arith.constant 0 : i32
        %dma_start3A_751 = tpu.memref_slice %arg7[%add3A_743, %dma_start3A_750] : memref<40x125xi32, #tpu.memory_space<vmem>> -> memref<1x125xi32, #tpu.memory_space<vmem>>
        %dma_start3A_752 = tpu.memref_squeeze %dma_start3A_751 : memref<1x125xi32, #tpu.memory_space<vmem>> -> memref<125xi32, #tpu.memory_space<vmem>>
        %dma_start3A_753 = arith.constant 0 : i32
        %dma_start3A_754 = arith.constant 0 : i32
        %dma_start3A_755 = tpu.memref_slice %arg2[%dma_start3A_753, %dma_start3A_754] : memref<90000x32xf32, #tpu.memory_space<hbm>> -> memref<90000x32xf32, #tpu.memory_space<hbm>>
        %dma_start3A_756 = tpu.memref_slice %arg12[%dma_start3A_745] : memref<10x!tpu.dma_semaphore, #tpu.memory_space<semaphore_mem>> -> memref<1x!tpu.dma_semaphore, #tpu.memory_space<semaphore_mem>>
        %dma_start3A_757 = tpu.memref_squeeze %dma_start3A_756 : memref<1x!tpu.dma_semaphore, #tpu.memory_space<semaphore_mem>> -> memref<!tpu.dma_semaphore, #tpu.memory_space<semaphore_mem>>
        tpu.enqueue_indirect_dma source(%dma_start3A_755 : memref<90000x32xf32, #tpu.memory_space<hbm>>) target(%dma_start3A_749 : memref<125x32xf32, #tpu.memory_space<vmem>>) offsets(%dma_start3A_752 : memref<125xi32, #tpu.memory_space<vmem>>) semaphore(%dma_start3A_757 : memref<!tpu.dma_semaphore, #tpu.memory_space<semaphore_mem>>)
      } else {
      }
      %add3A_719 = arith.constant 9 : i32
      %add3A_720 = arith.addi %mul3A_340, %add3A_719 : i32
      %add3A_721 = arith.constant 10 : i32
      %add3A_722 = arith.addi %add3A_720, %add3A_721 : i32
      %lt3A_723 = arith.constant 40 : i32
      %lt3A_724 = arith.cmpi slt, %add3A_722, %lt3A_723 : i32
      %convert_element_type3A_725 = arith.extui %lt3A_724 : i1 to i32
      %cond3A_726 = arith.constant 0 : i32
      %cond3A_727 = arith.cmpi ne, %convert_element_type3A_725, %cond3A_726 : i32
      scf.if %cond3A_727 {
        %dma_wait3A_728 = arith.constant 9 : i32
        %dma_wait3A_729 = arith.constant 9 : i32
        %dma_wait3A_730 = arith.constant 0 : i32
        %dma_wait3A_731 = arith.constant 0 : i32
        %dma_wait3A_732 = tpu.memref_slice %arg9[%dma_wait3A_728, %dma_wait3A_730, %dma_wait3A_731] : memref<10x125x32xf32, #tpu.memory_space<vmem>> -> memref<1x125x32xf32, #tpu.memory_space<vmem>>
        %dma_wait3A_733 = tpu.memref_squeeze %dma_wait3A_732 : memref<1x125x32xf32, #tpu.memory_space<vmem>> -> memref<125x32xf32, #tpu.memory_space<vmem>>
        %dma_wait3A_734 = arith.constant 0 : i32
        %dma_wait3A_735 = tpu.memref_slice %arg8[%add3A_720, %dma_wait3A_734] : memref<40x125xi32, #tpu.memory_space<vmem>> -> memref<1x125xi32, #tpu.memory_space<vmem>>
        %dma_wait3A_736 = tpu.memref_squeeze %dma_wait3A_735 : memref<1x125xi32, #tpu.memory_space<vmem>> -> memref<125xi32, #tpu.memory_space<vmem>>
        %dma_wait3A_737 = arith.constant 0 : i32
        %dma_wait3A_738 = arith.constant 0 : i32
        %dma_wait3A_739 = tpu.memref_slice %arg10[%dma_wait3A_737, %dma_wait3A_738] : memref<10000x32xf32, #tpu.memory_space<vmem_shared>> -> memref<10000x32xf32, #tpu.memory_space<vmem_shared>>
        %dma_wait3A_740 = tpu.memref_slice %arg13[%dma_wait3A_729] : memref<10x!tpu.dma_semaphore, #tpu.memory_space<semaphore_mem>> -> memref<1x!tpu.dma_semaphore, #tpu.memory_space<semaphore_mem>>
        %dma_wait3A_741 = tpu.memref_squeeze %dma_wait3A_740 : memref<1x!tpu.dma_semaphore, #tpu.memory_space<semaphore_mem>> -> memref<!tpu.dma_semaphore, #tpu.memory_space<semaphore_mem>>
        tpu.wait_indirect_dma semaphore(%dma_wait3A_741 : memref<!tpu.dma_semaphore, #tpu.memory_space<semaphore_mem>>) src(%dma_wait3A_733 : memref<125x32xf32, #tpu.memory_space<vmem>>) dst(%dma_wait3A_739 : memref<10000x32xf32, #tpu.memory_space<vmem_shared>>)
        %add3A_742 = arith.constant 10 : i32
        %add3A_743 = arith.addi %add3A_720, %add3A_742 : i32
        %dma_start3A_744 = arith.constant 9 : i32
        %dma_start3A_745 = arith.constant 9 : i32
        %dma_start3A_746 = arith.constant 0 : i32
        %dma_start3A_747 = arith.constant 0 : i32
        %dma_start3A_748 = tpu.memref_slice %arg9[%dma_start3A_744, %dma_start3A_746, %dma_start3A_747] : memref<10x125x32xf32, #tpu.memory_space<vmem>> -> memref<1x125x32xf32, #tpu.memory_space<vmem>>
        %dma_start3A_749 = tpu.memref_squeeze %dma_start3A_748 : memref<1x125x32xf32, #tpu.memory_space<vmem>> -> memref<125x32xf32, #tpu.memory_space<vmem>>
        %dma_start3A_750 = arith.constant 0 : i32
        %dma_start3A_751 = tpu.memref_slice %arg7[%add3A_743, %dma_start3A_750] : memref<40x125xi32, #tpu.memory_space<vmem>> -> memref<1x125xi32, #tpu.memory_space<vmem>>
        %dma_start3A_752 = tpu.memref_squeeze %dma_start3A_751 : memref<1x125xi32, #tpu.memory_space<vmem>> -> memref<125xi32, #tpu.memory_space<vmem>>
        %dma_start3A_753 = arith.constant 0 : i32
        %dma_start3A_754 = arith.constant 0 : i32
        %dma_start3A_755 = tpu.memref_slice %arg2[%dma_start3A_753, %dma_start3A_754] : memref<90000x32xf32, #tpu.memory_space<hbm>> -> memref<90000x32xf32, #tpu.memory_space<hbm>>
        %dma_start3A_756 = tpu.memref_slice %arg12[%dma_start3A_745] : memref<10x!tpu.dma_semaphore, #tpu.memory_space<semaphore_mem>> -> memref<1x!tpu.dma_semaphore, #tpu.memory_space<semaphore_mem>>
        %dma_start3A_757 = tpu.memref_squeeze %dma_start3A_756 : memref<1x!tpu.dma_semaphore, #tpu.memory_space<semaphore_mem>> -> memref<!tpu.dma_semaphore, #tpu.memory_space<semaphore_mem>>
        tpu.enqueue_indirect_dma source(%dma_start3A_755 : memref<90000x32xf32, #tpu.memory_space<hbm>>) target(%dma_start3A_749 : memref<125x32xf32, #tpu.memory_space<vmem>>) offsets(%dma_start3A_752 : memref<125xi32, #tpu.memory_space<vmem>>) semaphore(%dma_start3A_757 : memref<!tpu.dma_semaphore, #tpu.memory_space<semaphore_mem>>)
      } else {
      }
    }
    %scan3A_179 = arith.constant 4 : i32
    %dma_wait3A_180 = arith.constant 0 : i32
    %dma_wait3A_181 = arith.constant 30 : i32
    %dma_wait3A_182 = arith.constant 0 : i32
    %dma_wait3A_183 = arith.constant 0 : i32
    %dma_wait3A_184 = arith.constant 0 : i32
    %dma_wait3A_185 = tpu.memref_slice %arg9[%dma_wait3A_180, %dma_wait3A_183, %dma_wait3A_184] : memref<10x125x32xf32, #tpu.memory_space<vmem>> -> memref<1x125x32xf32, #tpu.memory_space<vmem>>
    %dma_wait3A_186 = tpu.memref_squeeze %dma_wait3A_185 : memref<1x125x32xf32, #tpu.memory_space<vmem>> -> memref<125x32xf32, #tpu.memory_space<vmem>>
    %dma_wait3A_187 = arith.constant 0 : i32
    %dma_wait3A_188 = tpu.memref_slice %arg8[%dma_wait3A_181, %dma_wait3A_187] : memref<40x125xi32, #tpu.memory_space<vmem>> -> memref<1x125xi32, #tpu.memory_space<vmem>>
    %dma_wait3A_189 = tpu.memref_squeeze %dma_wait3A_188 : memref<1x125xi32, #tpu.memory_space<vmem>> -> memref<125xi32, #tpu.memory_space<vmem>>
    %dma_wait3A_190 = arith.constant 0 : i32
    %dma_wait3A_191 = arith.constant 0 : i32
    %dma_wait3A_192 = tpu.memref_slice %arg10[%dma_wait3A_190, %dma_wait3A_191] : memref<10000x32xf32, #tpu.memory_space<vmem_shared>> -> memref<10000x32xf32, #tpu.memory_space<vmem_shared>>
    %dma_wait3A_193 = tpu.memref_slice %arg13[%dma_wait3A_182] : memref<10x!tpu.dma_semaphore, #tpu.memory_space<semaphore_mem>> -> memref<1x!tpu.dma_semaphore, #tpu.memory_space<semaphore_mem>>
    %dma_wait3A_194 = tpu.memref_squeeze %dma_wait3A_193 : memref<1x!tpu.dma_semaphore, #tpu.memory_space<semaphore_mem>> -> memref<!tpu.dma_semaphore, #tpu.memory_space<semaphore_mem>>
    tpu.wait_indirect_dma semaphore(%dma_wait3A_194 : memref<!tpu.dma_semaphore, #tpu.memory_space<semaphore_mem>>) src(%dma_wait3A_186 : memref<125x32xf32, #tpu.memory_space<vmem>>) dst(%dma_wait3A_192 : memref<10000x32xf32, #tpu.memory_space<vmem_shared>>)
    %dma_wait3A_195 = arith.constant 1 : i32
    %dma_wait3A_196 = arith.constant 31 : i32
    %dma_wait3A_197 = arith.constant 1 : i32
    %dma_wait3A_198 = arith.constant 0 : i32
    %dma_wait3A_199 = arith.constant 0 : i32
    %dma_wait3A_200 = tpu.memref_slice %arg9[%dma_wait3A_195, %dma_wait3A_198, %dma_wait3A_199] : memref<10x125x32xf32, #tpu.memory_space<vmem>> -> memref<1x125x32xf32, #tpu.memory_space<vmem>>
    %dma_wait3A_201 = tpu.memref_squeeze %dma_wait3A_200 : memref<1x125x32xf32, #tpu.memory_space<vmem>> -> memref<125x32xf32, #tpu.memory_space<vmem>>
    %dma_wait3A_202 = arith.constant 0 : i32
    %dma_wait3A_203 = tpu.memref_slice %arg8[%dma_wait3A_196, %dma_wait3A_202] : memref<40x125xi32, #tpu.memory_space<vmem>> -> memref<1x125xi32, #tpu.memory_space<vmem>>
    %dma_wait3A_204 = tpu.memref_squeeze %dma_wait3A_203 : memref<1x125xi32, #tpu.memory_space<vmem>> -> memref<125xi32, #tpu.memory_space<vmem>>
    %dma_wait3A_205 = arith.constant 0 : i32
    %dma_wait3A_206 = arith.constant 0 : i32
    %dma_wait3A_207 = tpu.memref_slice %arg10[%dma_wait3A_205, %dma_wait3A_206] : memref<10000x32xf32, #tpu.memory_space<vmem_shared>> -> memref<10000x32xf32, #tpu.memory_space<vmem_shared>>
    %dma_wait3A_208 = tpu.memref_slice %arg13[%dma_wait3A_197] : memref<10x!tpu.dma_semaphore, #tpu.memory_space<semaphore_mem>> -> memref<1x!tpu.dma_semaphore, #tpu.memory_space<semaphore_mem>>
    %dma_wait3A_209 = tpu.memref_squeeze %dma_wait3A_208 : memref<1x!tpu.dma_semaphore, #tpu.memory_space<semaphore_mem>> -> memref<!tpu.dma_semaphore, #tpu.memory_space<semaphore_mem>>
    tpu.wait_indirect_dma semaphore(%dma_wait3A_209 : memref<!tpu.dma_semaphore, #tpu.memory_space<semaphore_mem>>) src(%dma_wait3A_201 : memref<125x32xf32, #tpu.memory_space<vmem>>) dst(%dma_wait3A_207 : memref<10000x32xf32, #tpu.memory_space<vmem_shared>>)
    %dma_wait3A_210 = arith.constant 2 : i32
    %dma_wait3A_211 = arith.constant 32 : i32
    %dma_wait3A_212 = arith.constant 2 : i32
    %dma_wait3A_213 = arith.constant 0 : i32
    %dma_wait3A_214 = arith.constant 0 : i32
    %dma_wait3A_215 = tpu.memref_slice %arg9[%dma_wait3A_210, %dma_wait3A_213, %dma_wait3A_214] : memref<10x125x32xf32, #tpu.memory_space<vmem>> -> memref<1x125x32xf32, #tpu.memory_space<vmem>>
    %dma_wait3A_216 = tpu.memref_squeeze %dma_wait3A_215 : memref<1x125x32xf32, #tpu.memory_space<vmem>> -> memref<125x32xf32, #tpu.memory_space<vmem>>
    %dma_wait3A_217 = arith.constant 0 : i32
    %dma_wait3A_218 = tpu.memref_slice %arg8[%dma_wait3A_211, %dma_wait3A_217] : memref<40x125xi32, #tpu.memory_space<vmem>> -> memref<1x125xi32, #tpu.memory_space<vmem>>
    %dma_wait3A_219 = tpu.memref_squeeze %dma_wait3A_218 : memref<1x125xi32, #tpu.memory_space<vmem>> -> memref<125xi32, #tpu.memory_space<vmem>>
    %dma_wait3A_220 = arith.constant 0 : i32
    %dma_wait3A_221 = arith.constant 0 : i32
    %dma_wait3A_222 = tpu.memref_slice %arg10[%dma_wait3A_220, %dma_wait3A_221] : memref<10000x32xf32, #tpu.memory_space<vmem_shared>> -> memref<10000x32xf32, #tpu.memory_space<vmem_shared>>
    %dma_wait3A_223 = tpu.memref_slice %arg13[%dma_wait3A_212] : memref<10x!tpu.dma_semaphore, #tpu.memory_space<semaphore_mem>> -> memref<1x!tpu.dma_semaphore, #tpu.memory_space<semaphore_mem>>
    %dma_wait3A_224 = tpu.memref_squeeze %dma_wait3A_223 : memref<1x!tpu.dma_semaphore, #tpu.memory_space<semaphore_mem>> -> memref<!tpu.dma_semaphore, #tpu.memory_space<semaphore_mem>>
    tpu.wait_indirect_dma semaphore(%dma_wait3A_224 : memref<!tpu.dma_semaphore, #tpu.memory_space<semaphore_mem>>) src(%dma_wait3A_216 : memref<125x32xf32, #tpu.memory_space<vmem>>) dst(%dma_wait3A_222 : memref<10000x32xf32, #tpu.memory_space<vmem_shared>>)
    %dma_wait3A_225 = arith.constant 3 : i32
    %dma_wait3A_226 = arith.constant 33 : i32
    %dma_wait3A_227 = arith.constant 3 : i32
    %dma_wait3A_228 = arith.constant 0 : i32
    %dma_wait3A_229 = arith.constant 0 : i32
    %dma_wait3A_230 = tpu.memref_slice %arg9[%dma_wait3A_225, %dma_wait3A_228, %dma_wait3A_229] : memref<10x125x32xf32, #tpu.memory_space<vmem>> -> memref<1x125x32xf32, #tpu.memory_space<vmem>>
    %dma_wait3A_231 = tpu.memref_squeeze %dma_wait3A_230 : memref<1x125x32xf32, #tpu.memory_space<vmem>> -> memref<125x32xf32, #tpu.memory_space<vmem>>
    %dma_wait3A_232 = arith.constant 0 : i32
    %dma_wait3A_233 = tpu.memref_slice %arg8[%dma_wait3A_226, %dma_wait3A_232] : memref<40x125xi32, #tpu.memory_space<vmem>> -> memref<1x125xi32, #tpu.memory_space<vmem>>
    %dma_wait3A_234 = tpu.memref_squeeze %dma_wait3A_233 : memref<1x125xi32, #tpu.memory_space<vmem>> -> memref<125xi32, #tpu.memory_space<vmem>>
    %dma_wait3A_235 = arith.constant 0 : i32
    %dma_wait3A_236 = arith.constant 0 : i32
    %dma_wait3A_237 = tpu.memref_slice %arg10[%dma_wait3A_235, %dma_wait3A_236] : memref<10000x32xf32, #tpu.memory_space<vmem_shared>> -> memref<10000x32xf32, #tpu.memory_space<vmem_shared>>
    %dma_wait3A_238 = tpu.memref_slice %arg13[%dma_wait3A_227] : memref<10x!tpu.dma_semaphore, #tpu.memory_space<semaphore_mem>> -> memref<1x!tpu.dma_semaphore, #tpu.memory_space<semaphore_mem>>
    %dma_wait3A_239 = tpu.memref_squeeze %dma_wait3A_238 : memref<1x!tpu.dma_semaphore, #tpu.memory_space<semaphore_mem>> -> memref<!tpu.dma_semaphore, #tpu.memory_space<semaphore_mem>>
    tpu.wait_indirect_dma semaphore(%dma_wait3A_239 : memref<!tpu.dma_semaphore, #tpu.memory_space<semaphore_mem>>) src(%dma_wait3A_231 : memref<125x32xf32, #tpu.memory_space<vmem>>) dst(%dma_wait3A_237 : memref<10000x32xf32, #tpu.memory_space<vmem_shared>>)
    %dma_wait3A_240 = arith.constant 4 : i32
    %dma_wait3A_241 = arith.constant 34 : i32
    %dma_wait3A_242 = arith.constant 4 : i32
    %dma_wait3A_243 = arith.constant 0 : i32
    %dma_wait3A_244 = arith.constant 0 : i32
    %dma_wait3A_245 = tpu.memref_slice %arg9[%dma_wait3A_240, %dma_wait3A_243, %dma_wait3A_244] : memref<10x125x32xf32, #tpu.memory_space<vmem>> -> memref<1x125x32xf32, #tpu.memory_space<vmem>>
    %dma_wait3A_246 = tpu.memref_squeeze %dma_wait3A_245 : memref<1x125x32xf32, #tpu.memory_space<vmem>> -> memref<125x32xf32, #tpu.memory_space<vmem>>
    %dma_wait3A_247 = arith.constant 0 : i32
    %dma_wait3A_248 = tpu.memref_slice %arg8[%dma_wait3A_241, %dma_wait3A_247] : memref<40x125xi32, #tpu.memory_space<vmem>> -> memref<1x125xi32, #tpu.memory_space<vmem>>
    %dma_wait3A_249 = tpu.memref_squeeze %dma_wait3A_248 : memref<1x125xi32, #tpu.memory_space<vmem>> -> memref<125xi32, #tpu.memory_space<vmem>>
    %dma_wait3A_250 = arith.constant 0 : i32
    %dma_wait3A_251 = arith.constant 0 : i32
    %dma_wait3A_252 = tpu.memref_slice %arg10[%dma_wait3A_250, %dma_wait3A_251] : memref<10000x32xf32, #tpu.memory_space<vmem_shared>> -> memref<10000x32xf32, #tpu.memory_space<vmem_shared>>
    %dma_wait3A_253 = tpu.memref_slice %arg13[%dma_wait3A_242] : memref<10x!tpu.dma_semaphore, #tpu.memory_space<semaphore_mem>> -> memref<1x!tpu.dma_semaphore, #tpu.memory_space<semaphore_mem>>
    %dma_wait3A_254 = tpu.memref_squeeze %dma_wait3A_253 : memref<1x!tpu.dma_semaphore, #tpu.memory_space<semaphore_mem>> -> memref<!tpu.dma_semaphore, #tpu.memory_space<semaphore_mem>>
    tpu.wait_indirect_dma semaphore(%dma_wait3A_254 : memref<!tpu.dma_semaphore, #tpu.memory_space<semaphore_mem>>) src(%dma_wait3A_246 : memref<125x32xf32, #tpu.memory_space<vmem>>) dst(%dma_wait3A_252 : memref<10000x32xf32, #tpu.memory_space<vmem_shared>>)
    %dma_wait3A_255 = arith.constant 5 : i32
    %dma_wait3A_256 = arith.constant 35 : i32
    %dma_wait3A_257 = arith.constant 5 : i32
    %dma_wait3A_258 = arith.constant 0 : i32
    %dma_wait3A_259 = arith.constant 0 : i32
    %dma_wait3A_260 = tpu.memref_slice %arg9[%dma_wait3A_255, %dma_wait3A_258, %dma_wait3A_259] : memref<10x125x32xf32, #tpu.memory_space<vmem>> -> memref<1x125x32xf32, #tpu.memory_space<vmem>>
    %dma_wait3A_261 = tpu.memref_squeeze %dma_wait3A_260 : memref<1x125x32xf32, #tpu.memory_space<vmem>> -> memref<125x32xf32, #tpu.memory_space<vmem>>
    %dma_wait3A_262 = arith.constant 0 : i32
    %dma_wait3A_263 = tpu.memref_slice %arg8[%dma_wait3A_256, %dma_wait3A_262] : memref<40x125xi32, #tpu.memory_space<vmem>> -> memref<1x125xi32, #tpu.memory_space<vmem>>
    %dma_wait3A_264 = tpu.memref_squeeze %dma_wait3A_263 : memref<1x125xi32, #tpu.memory_space<vmem>> -> memref<125xi32, #tpu.memory_space<vmem>>
    %dma_wait3A_265 = arith.constant 0 : i32
    %dma_wait3A_266 = arith.constant 0 : i32
    %dma_wait3A_267 = tpu.memref_slice %arg10[%dma_wait3A_265, %dma_wait3A_266] : memref<10000x32xf32, #tpu.memory_space<vmem_shared>> -> memref<10000x32xf32, #tpu.memory_space<vmem_shared>>
    %dma_wait3A_268 = tpu.memref_slice %arg13[%dma_wait3A_257] : memref<10x!tpu.dma_semaphore, #tpu.memory_space<semaphore_mem>> -> memref<1x!tpu.dma_semaphore, #tpu.memory_space<semaphore_mem>>
    %dma_wait3A_269 = tpu.memref_squeeze %dma_wait3A_268 : memref<1x!tpu.dma_semaphore, #tpu.memory_space<semaphore_mem>> -> memref<!tpu.dma_semaphore, #tpu.memory_space<semaphore_mem>>
    tpu.wait_indirect_dma semaphore(%dma_wait3A_269 : memref<!tpu.dma_semaphore, #tpu.memory_space<semaphore_mem>>) src(%dma_wait3A_261 : memref<125x32xf32, #tpu.memory_space<vmem>>) dst(%dma_wait3A_267 : memref<10000x32xf32, #tpu.memory_space<vmem_shared>>)
    %dma_wait3A_270 = arith.constant 6 : i32
    %dma_wait3A_271 = arith.constant 36 : i32
    %dma_wait3A_272 = arith.constant 6 : i32
    %dma_wait3A_273 = arith.constant 0 : i32
    %dma_wait3A_274 = arith.constant 0 : i32
    %dma_wait3A_275 = tpu.memref_slice %arg9[%dma_wait3A_270, %dma_wait3A_273, %dma_wait3A_274] : memref<10x125x32xf32, #tpu.memory_space<vmem>> -> memref<1x125x32xf32, #tpu.memory_space<vmem>>
    %dma_wait3A_276 = tpu.memref_squeeze %dma_wait3A_275 : memref<1x125x32xf32, #tpu.memory_space<vmem>> -> memref<125x32xf32, #tpu.memory_space<vmem>>
    %dma_wait3A_277 = arith.constant 0 : i32
    %dma_wait3A_278 = tpu.memref_slice %arg8[%dma_wait3A_271, %dma_wait3A_277] : memref<40x125xi32, #tpu.memory_space<vmem>> -> memref<1x125xi32, #tpu.memory_space<vmem>>
    %dma_wait3A_279 = tpu.memref_squeeze %dma_wait3A_278 : memref<1x125xi32, #tpu.memory_space<vmem>> -> memref<125xi32, #tpu.memory_space<vmem>>
    %dma_wait3A_280 = arith.constant 0 : i32
    %dma_wait3A_281 = arith.constant 0 : i32
    %dma_wait3A_282 = tpu.memref_slice %arg10[%dma_wait3A_280, %dma_wait3A_281] : memref<10000x32xf32, #tpu.memory_space<vmem_shared>> -> memref<10000x32xf32, #tpu.memory_space<vmem_shared>>
    %dma_wait3A_283 = tpu.memref_slice %arg13[%dma_wait3A_272] : memref<10x!tpu.dma_semaphore, #tpu.memory_space<semaphore_mem>> -> memref<1x!tpu.dma_semaphore, #tpu.memory_space<semaphore_mem>>
    %dma_wait3A_284 = tpu.memref_squeeze %dma_wait3A_283 : memref<1x!tpu.dma_semaphore, #tpu.memory_space<semaphore_mem>> -> memref<!tpu.dma_semaphore, #tpu.memory_space<semaphore_mem>>
    tpu.wait_indirect_dma semaphore(%dma_wait3A_284 : memref<!tpu.dma_semaphore, #tpu.memory_space<semaphore_mem>>) src(%dma_wait3A_276 : memref<125x32xf32, #tpu.memory_space<vmem>>) dst(%dma_wait3A_282 : memref<10000x32xf32, #tpu.memory_space<vmem_shared>>)
    %dma_wait3A_285 = arith.constant 7 : i32
    %dma_wait3A_286 = arith.constant 37 : i32
    %dma_wait3A_287 = arith.constant 7 : i32
    %dma_wait3A_288 = arith.constant 0 : i32
    %dma_wait3A_289 = arith.constant 0 : i32
    %dma_wait3A_290 = tpu.memref_slice %arg9[%dma_wait3A_285, %dma_wait3A_288, %dma_wait3A_289] : memref<10x125x32xf32, #tpu.memory_space<vmem>> -> memref<1x125x32xf32, #tpu.memory_space<vmem>>
    %dma_wait3A_291 = tpu.memref_squeeze %dma_wait3A_290 : memref<1x125x32xf32, #tpu.memory_space<vmem>> -> memref<125x32xf32, #tpu.memory_space<vmem>>
    %dma_wait3A_292 = arith.constant 0 : i32
    %dma_wait3A_293 = tpu.memref_slice %arg8[%dma_wait3A_286, %dma_wait3A_292] : memref<40x125xi32, #tpu.memory_space<vmem>> -> memref<1x125xi32, #tpu.memory_space<vmem>>
    %dma_wait3A_294 = tpu.memref_squeeze %dma_wait3A_293 : memref<1x125xi32, #tpu.memory_space<vmem>> -> memref<125xi32, #tpu.memory_space<vmem>>
    %dma_wait3A_295 = arith.constant 0 : i32
    %dma_wait3A_296 = arith.constant 0 : i32
    %dma_wait3A_297 = tpu.memref_slice %arg10[%dma_wait3A_295, %dma_wait3A_296] : memref<10000x32xf32, #tpu.memory_space<vmem_shared>> -> memref<10000x32xf32, #tpu.memory_space<vmem_shared>>
    %dma_wait3A_298 = tpu.memref_slice %arg13[%dma_wait3A_287] : memref<10x!tpu.dma_semaphore, #tpu.memory_space<semaphore_mem>> -> memref<1x!tpu.dma_semaphore, #tpu.memory_space<semaphore_mem>>
    %dma_wait3A_299 = tpu.memref_squeeze %dma_wait3A_298 : memref<1x!tpu.dma_semaphore, #tpu.memory_space<semaphore_mem>> -> memref<!tpu.dma_semaphore, #tpu.memory_space<semaphore_mem>>
    tpu.wait_indirect_dma semaphore(%dma_wait3A_299 : memref<!tpu.dma_semaphore, #tpu.memory_space<semaphore_mem>>) src(%dma_wait3A_291 : memref<125x32xf32, #tpu.memory_space<vmem>>) dst(%dma_wait3A_297 : memref<10000x32xf32, #tpu.memory_space<vmem_shared>>)
    %dma_wait3A_300 = arith.constant 8 : i32
    %dma_wait3A_301 = arith.constant 38 : i32
    %dma_wait3A_302 = arith.constant 8 : i32
    %dma_wait3A_303 = arith.constant 0 : i32
    %dma_wait3A_304 = arith.constant 0 : i32
    %dma_wait3A_305 = tpu.memref_slice %arg9[%dma_wait3A_300, %dma_wait3A_303, %dma_wait3A_304] : memref<10x125x32xf32, #tpu.memory_space<vmem>> -> memref<1x125x32xf32, #tpu.memory_space<vmem>>
    %dma_wait3A_306 = tpu.memref_squeeze %dma_wait3A_305 : memref<1x125x32xf32, #tpu.memory_space<vmem>> -> memref<125x32xf32, #tpu.memory_space<vmem>>
    %dma_wait3A_307 = arith.constant 0 : i32
    %dma_wait3A_308 = tpu.memref_slice %arg8[%dma_wait3A_301, %dma_wait3A_307] : memref<40x125xi32, #tpu.memory_space<vmem>> -> memref<1x125xi32, #tpu.memory_space<vmem>>
    %dma_wait3A_309 = tpu.memref_squeeze %dma_wait3A_308 : memref<1x125xi32, #tpu.memory_space<vmem>> -> memref<125xi32, #tpu.memory_space<vmem>>
    %dma_wait3A_310 = arith.constant 0 : i32
    %dma_wait3A_311 = arith.constant 0 : i32
    %dma_wait3A_312 = tpu.memref_slice %arg10[%dma_wait3A_310, %dma_wait3A_311] : memref<10000x32xf32, #tpu.memory_space<vmem_shared>> -> memref<10000x32xf32, #tpu.memory_space<vmem_shared>>
    %dma_wait3A_313 = tpu.memref_slice %arg13[%dma_wait3A_302] : memref<10x!tpu.dma_semaphore, #tpu.memory_space<semaphore_mem>> -> memref<1x!tpu.dma_semaphore, #tpu.memory_space<semaphore_mem>>
    %dma_wait3A_314 = tpu.memref_squeeze %dma_wait3A_313 : memref<1x!tpu.dma_semaphore, #tpu.memory_space<semaphore_mem>> -> memref<!tpu.dma_semaphore, #tpu.memory_space<semaphore_mem>>
    tpu.wait_indirect_dma semaphore(%dma_wait3A_314 : memref<!tpu.dma_semaphore, #tpu.memory_space<semaphore_mem>>) src(%dma_wait3A_306 : memref<125x32xf32, #tpu.memory_space<vmem>>) dst(%dma_wait3A_312 : memref<10000x32xf32, #tpu.memory_space<vmem_shared>>)
    %dma_wait3A_315 = arith.constant 9 : i32
    %dma_wait3A_316 = arith.constant 39 : i32
    %dma_wait3A_317 = arith.constant 9 : i32
    %dma_wait3A_318 = arith.constant 0 : i32
    %dma_wait3A_319 = arith.constant 0 : i32
    %dma_wait3A_320 = tpu.memref_slice %arg9[%dma_wait3A_315, %dma_wait3A_318, %dma_wait3A_319] : memref<10x125x32xf32, #tpu.memory_space<vmem>> -> memref<1x125x32xf32, #tpu.memory_space<vmem>>
    %dma_wait3A_321 = tpu.memref_squeeze %dma_wait3A_320 : memref<1x125x32xf32, #tpu.memory_space<vmem>> -> memref<125x32xf32, #tpu.memory_space<vmem>>
    %dma_wait3A_322 = arith.constant 0 : i32
    %dma_wait3A_323 = tpu.memref_slice %arg8[%dma_wait3A_316, %dma_wait3A_322] : memref<40x125xi32, #tpu.memory_space<vmem>> -> memref<1x125xi32, #tpu.memory_space<vmem>>
    %dma_wait3A_324 = tpu.memref_squeeze %dma_wait3A_323 : memref<1x125xi32, #tpu.memory_space<vmem>> -> memref<125xi32, #tpu.memory_space<vmem>>
    %dma_wait3A_325 = arith.constant 0 : i32
    %dma_wait3A_326 = arith.constant 0 : i32
    %dma_wait3A_327 = tpu.memref_slice %arg10[%dma_wait3A_325, %dma_wait3A_326] : memref<10000x32xf32, #tpu.memory_space<vmem_shared>> -> memref<10000x32xf32, #tpu.memory_space<vmem_shared>>
    %dma_wait3A_328 = tpu.memref_slice %arg13[%dma_wait3A_317] : memref<10x!tpu.dma_semaphore, #tpu.memory_space<semaphore_mem>> -> memref<1x!tpu.dma_semaphore, #tpu.memory_space<semaphore_mem>>
    %dma_wait3A_329 = tpu.memref_squeeze %dma_wait3A_328 : memref<1x!tpu.dma_semaphore, #tpu.memory_space<semaphore_mem>> -> memref<!tpu.dma_semaphore, #tpu.memory_space<semaphore_mem>>
    tpu.wait_indirect_dma semaphore(%dma_wait3A_329 : memref<!tpu.dma_semaphore, #tpu.memory_space<semaphore_mem>>) src(%dma_wait3A_321 : memref<125x32xf32, #tpu.memory_space<vmem>>) dst(%dma_wait3A_327 : memref<10000x32xf32, #tpu.memory_space<vmem_shared>>)
    %barrier3A_330 = arith.constant 0 : index
    tpu.barrier barrier_id(%barrier3A_330)
    %mul3A_331 = arith.constant 625 : i32
    %mul3A_332 = arith.muli %arg1, %mul3A_331 : i32
    "tpu.region"() ({
      %run_scoped3A = tpu.sem_alloc : memref<!tpu.dma_semaphore, #tpu.memory_space<semaphore_mem>>
      %dma_start3A_338 = arith.constant 0 : i32
      %dma_start3A_339 = tpu.memref_slice %arg10[%mul3A_332, %dma_start3A_338] : memref<10000x32xf32, #tpu.memory_space<vmem_shared>> -> memref<625x32xf32, #tpu.memory_space<vmem_shared>>
      %dma_start3A_340 = arith.constant 0 : i32
      %dma_start3A_341 = tpu.memref_slice %arg10[%mul3A_332, %dma_start3A_340] : memref<10000x32xf32, #tpu.memory_space<vmem_shared>> -> memref<625x32xf32, #tpu.memory_space<vmem_shared>>
      tpu.enqueue_dma source(%dma_start3A_341 : memref<625x32xf32, #tpu.memory_space<vmem_shared>>) target(%arg6 : memref<625x32xf32, #tpu.memory_space<vmem>>) target_semaphore(%run_scoped3A : memref<!tpu.dma_semaphore, #tpu.memory_space<semaphore_mem>>)
      %dma_wait3A_342 = arith.constant 0 : i32
      %dma_wait3A_343 = tpu.memref_slice %arg10[%mul3A_332, %dma_wait3A_342] : memref<10000x32xf32, #tpu.memory_space<vmem_shared>> -> memref<625x32xf32, #tpu.memory_space<vmem_shared>>
      %dma_wait3A_344 = arith.constant 0 : i32
      %dma_wait3A_345 = tpu.memref_slice %arg10[%mul3A_332, %dma_wait3A_344] : memref<10000x32xf32, #tpu.memory_space<vmem_shared>> -> memref<625x32xf32, #tpu.memory_space<vmem_shared>>
      tpu.wait_dma2 semaphore(%run_scoped3A : memref<!tpu.dma_semaphore, #tpu.memory_space<semaphore_mem>>) src(%dma_wait3A_345 : memref<625x32xf32, #tpu.memory_space<vmem_shared>>) dst(%arg6 : memref<625x32xf32, #tpu.memory_space<vmem>>)
      tpu.yield
    }) : () -> ()
    %mul3A_333 = arith.constant 10000 : i32
    %mul3A_334 = arith.muli %arg0, %mul3A_333 : i32
    %mul3A_335 = arith.constant 625 : i32
    %mul3A_336 = arith.muli %arg1, %mul3A_335 : i32
    %add3A_337 = arith.addi %mul3A_334, %mul3A_336 : i32
    "tpu.region"() ({
      %run_scoped3A = tpu.sem_alloc : memref<!tpu.dma_semaphore, #tpu.memory_space<semaphore_mem>>
      %dma_start3A_338 = arith.constant 0 : i32
      %dma_start3A_339 = tpu.memref_slice %arg5[%add3A_337, %dma_start3A_338] : memref<20000x32xf32, #tpu.memory_space<hbm>> -> memref<625x32xf32, #tpu.memory_space<hbm>>
      %dma_start3A_340 = arith.constant 0 : i32
      %dma_start3A_341 = tpu.memref_slice %arg5[%add3A_337, %dma_start3A_340] : memref<20000x32xf32, #tpu.memory_space<hbm>> -> memref<625x32xf32, #tpu.memory_space<hbm>>
      tpu.enqueue_dma source(%arg6 : memref<625x32xf32, #tpu.memory_space<vmem>>) target(%dma_start3A_341 : memref<625x32xf32, #tpu.memory_space<hbm>>) target_semaphore(%run_scoped3A : memref<!tpu.dma_semaphore, #tpu.memory_space<semaphore_mem>>)
      %dma_wait3A_342 = arith.constant 0 : i32
      %dma_wait3A_343 = tpu.memref_slice %arg5[%add3A_337, %dma_wait3A_342] : memref<20000x32xf32, #tpu.memory_space<hbm>> -> memref<625x32xf32, #tpu.memory_space<hbm>>
      %dma_wait3A_344 = arith.constant 0 : i32
      %dma_wait3A_345 = tpu.memref_slice %arg5[%add3A_337, %dma_wait3A_344] : memref<20000x32xf32, #tpu.memory_space<hbm>> -> memref<625x32xf32, #tpu.memory_space<hbm>>
      tpu.wait_dma2 semaphore(%run_scoped3A : memref<!tpu.dma_semaphore, #tpu.memory_space<semaphore_mem>>) src(%arg6 : memref<625x32xf32, #tpu.memory_space<vmem>>) dst(%dma_wait3A_345 : memref<625x32xf32, #tpu.memory_space<hbm>>)
      tpu.yield
    }) : () -> ()
    return
  }
}

#map = affine_map<(d0, d1) -> (0, 0)>
module attributes {stable_mosaic.version = 14 : i64} {
  func.func @_mp_body(%arg0: i32, %arg1: i32, %arg2: memref<90000x32xf32, #tpu.memory_space<hbm>>, %arg3: memref<1280x125xi32, #tpu.memory_space<hbm>>, %arg4: memref<1280x125xi32, #tpu.memory_space<hbm>>, %arg5: memref<20000x32xf32, #tpu.memory_space<hbm>>, %arg6: memref<625x32xf32, #tpu.memory_space<vmem>>, %arg7: memref<40x125xi32, #tpu.memory_space<vmem>>, %arg8: memref<40x125xi32, #tpu.memory_space<vmem>>, %arg9: memref<10x125x32xf32, #tpu.memory_space<vmem>>, %arg10: memref<10000x32xf32, #tpu.memory_space<vmem_shared>>, %arg11: memref<!tpu.dma_semaphore, #tpu.memory_space<semaphore_mem>>, %arg12: memref<10x!tpu.dma_semaphore, #tpu.memory_space<semaphore_mem>>, %arg13: memref<10x!tpu.dma_semaphore, #tpu.memory_space<semaphore_mem>>) attributes {dimension_semantics = [#tpu.dimension_semantics<core_parallel>, #tpu.dimension_semantics<subcore_parallel>], iteration_bounds = array<i64: 2, 16>, scalar_prefetch = 0 : i64, scratch_operands = 8 : i64, tpu.core_type = #tpu.core_type<sc_vector_subcore>, window_params = [{transform_indices = #map}, {transform_indices = #map}, {transform_indices = #map}, {transform_indices = #map}]} {
    %mul3A = arith.constant 640 : i32
    %mul3A_0 = arith.muli %arg0, %mul3A : i32
    %mul3A_1 = arith.constant 40 : i32
    %mul3A_2 = arith.muli %arg1, %mul3A_1 : i32
    %add3A = arith.addi %mul3A_0, %mul3A_2 : i32
    %dma_start3A = arith.constant 0 : i32
    %dma_start3A_3 = tpu.memref_slice %arg3[%add3A, %dma_start3A] : memref<1280x125xi32, #tpu.memory_space<hbm>> -> memref<40x125xi32, #tpu.memory_space<hbm>>
    %dma_start3A_4 = arith.constant 0 : i32
    %dma_start3A_5 = tpu.memref_slice %arg3[%add3A, %dma_start3A_4] : memref<1280x125xi32, #tpu.memory_space<hbm>> -> memref<40x125xi32, #tpu.memory_space<hbm>>
    tpu.enqueue_dma source(%dma_start3A_5 : memref<40x125xi32, #tpu.memory_space<hbm>>) target(%arg7 : memref<40x125xi32, #tpu.memory_space<vmem>>) target_semaphore(%arg11 : memref<!tpu.dma_semaphore, #tpu.memory_space<semaphore_mem>>)
    %dma_start3A_6 = arith.constant 0 : i32
    %dma_start3A_7 = tpu.memref_slice %arg4[%add3A, %dma_start3A_6] : memref<1280x125xi32, #tpu.memory_space<hbm>> -> memref<40x125xi32, #tpu.memory_space<hbm>>
    %dma_start3A_8 = arith.constant 0 : i32
    %dma_start3A_9 = tpu.memref_slice %arg4[%add3A, %dma_start3A_8] : memref<1280x125xi32, #tpu.memory_space<hbm>> -> memref<40x125xi32, #tpu.memory_space<hbm>>
    tpu.enqueue_dma source(%dma_start3A_9 : memref<40x125xi32, #tpu.memory_space<hbm>>) target(%arg8 : memref<40x125xi32, #tpu.memory_space<vmem>>) target_semaphore(%arg11 : memref<!tpu.dma_semaphore, #tpu.memory_space<semaphore_mem>>)
    %scan3A = arith.constant 0 : i32
    %scan3A_10 = arith.constant 0 : i32
    %scan3A_11 = arith.constant 625 : i32
    %scan3A_12 = arith.addi %scan3A_10, %scan3A_11 : i32
    %scan3A_13 = arith.constant 1 : i32
    scf.for %scan3A_338 = %scan3A_10 to %scan3A_12 step %scan3A_13  : i32 {
      %broadcast_in_dim3A = arith.constant 0.000000e+00 : f32
      %broadcast_in_dim3A_339 = vector.broadcast %broadcast_in_dim3A : f32 to vector<16xf32>
      %swap3A = arith.index_cast %scan3A_338 : i32 to index
      %swap3A_340 = arith.constant 0 : index
      %swap3A_341 = tpu.vector_load %arg6[%swap3A, %swap3A_340] {strides = array<i32>} : memref<625x32xf32, #tpu.memory_space<vmem>>, vector<1x16xf32>,
      %swap3A_342 = vector.shape_cast %swap3A_341 : vector<1x16xf32> to vector<16xf32>
      %swap3A_343 = vector.shape_cast %broadcast_in_dim3A_339 : vector<16xf32> to vector<1x16xf32>
      tpu.vector_store %arg6[%swap3A, %swap3A_340], %swap3A_343 {strides = array<i32>} : memref<625x32xf32, #tpu.memory_space<vmem>>, vector<1x16xf32>,
      %broadcast_in_dim3A_344 = arith.constant 0.000000e+00 : f32
      %broadcast_in_dim3A_345 = vector.broadcast %broadcast_in_dim3A_344 : f32 to vector<16xf32>
      %swap3A_346 = arith.index_cast %scan3A_338 : i32 to index
      %swap3A_347 = arith.constant 16 : index
      %swap3A_348 = tpu.vector_load %arg6[%swap3A_346, %swap3A_347] {strides = array<i32>} : memref<625x32xf32, #tpu.memory_space<vmem>>, vector<1x16xf32>,
      %swap3A_349 = vector.shape_cast %swap3A_348 : vector<1x16xf32> to vector<16xf32>
      %swap3A_350 = vector.shape_cast %broadcast_in_dim3A_345 : vector<16xf32> to vector<1x16xf32>
      tpu.vector_store %arg6[%swap3A_346, %swap3A_347], %swap3A_350 {strides = array<i32>} : memref<625x32xf32, #tpu.memory_space<vmem>>, vector<1x16xf32>,
    }
    %scan3A_14 = arith.constant 625 : i32
    %dma_wait3A = arith.constant 0 : i32
    %dma_wait3A_15 = tpu.memref_slice %arg3[%add3A, %dma_wait3A] : memref<1280x125xi32, #tpu.memory_space<hbm>> -> memref<40x125xi32, #tpu.memory_space<hbm>>
    %dma_wait3A_16 = arith.constant 0 : i32
    %dma_wait3A_17 = tpu.memref_slice %arg3[%add3A, %dma_wait3A_16] : memref<1280x125xi32, #tpu.memory_space<hbm>> -> memref<40x125xi32, #tpu.memory_space<hbm>>
    tpu.wait_dma2 semaphore(%arg11 : memref<!tpu.dma_semaphore, #tpu.memory_space<semaphore_mem>>) src(%dma_wait3A_17 : memref<40x125xi32, #tpu.memory_space<hbm>>) dst(%arg7 : memref<40x125xi32, #tpu.memory_space<vmem>>)
    %dma_wait3A_18 = arith.constant 0 : i32
    %dma_wait3A_19 = tpu.memref_slice %arg4[%add3A, %dma_wait3A_18] : memref<1280x125xi32, #tpu.memory_space<hbm>> -> memref<40x125xi32, #tpu.memory_space<hbm>>
    %dma_wait3A_20 = arith.constant 0 : i32
    %dma_wait3A_21 = tpu.memref_slice %arg4[%add3A, %dma_wait3A_20] : memref<1280x125xi32, #tpu.memory_space<hbm>> -> memref<40x125xi32, #tpu.memory_space<hbm>>
    tpu.wait_dma2 semaphore(%arg11 : memref<!tpu.dma_semaphore, #tpu.memory_space<semaphore_mem>>) src(%dma_wait3A_21 : memref<40x125xi32, #tpu.memory_space<hbm>>) dst(%arg8 : memref<40x125xi32, #tpu.memory_space<vmem>>)
    %dma_start3A_22 = arith.constant 0 : i32
    %dma_start3A_23 = arith.constant 0 : i32
    %dma_start3A_24 = arith.constant 0 : i32
    %dma_start3A_25 = arith.constant 0 : i32
    %dma_start3A_26 = arith.constant 0 : i32
    %dma_start3A_27 = tpu.memref_slice %arg9[%dma_start3A_23, %dma_start3A_25, %dma_start3A_26] : memref<10x125x32xf32, #tpu.memory_space<vmem>> -> memref<1x125x32xf32, #tpu.memory_space<vmem>>
    %dma_start3A_28 = tpu.memref_squeeze %dma_start3A_27 : memref<1x125x32xf32, #tpu.memory_space<vmem>> -> memref<125x32xf32, #tpu.memory_space<vmem>>
    %dma_start3A_29 = arith.constant 0 : i32
    %dma_start3A_30 = tpu.memref_slice %arg7[%dma_start3A_22, %dma_start3A_29] : memref<40x125xi32, #tpu.memory_space<vmem>> -> memref<1x125xi32, #tpu.memory_space<vmem>>
    %dma_start3A_31 = tpu.memref_squeeze %dma_start3A_30 : memref<1x125xi32, #tpu.memory_space<vmem>> -> memref<125xi32, #tpu.memory_space<vmem>>
    %dma_start3A_32 = arith.constant 0 : i32
    %dma_start3A_33 = arith.constant 0 : i32
    %dma_start3A_34 = tpu.memref_slice %arg2[%dma_start3A_32, %dma_start3A_33] : memref<90000x32xf32, #tpu.memory_space<hbm>> -> memref<90000x32xf32, #tpu.memory_space<hbm>>
    %dma_start3A_35 = tpu.memref_slice %arg12[%dma_start3A_24] : memref<10x!tpu.dma_semaphore, #tpu.memory_space<semaphore_mem>> -> memref<1x!tpu.dma_semaphore, #tpu.memory_space<semaphore_mem>>
    %dma_start3A_36 = tpu.memref_squeeze %dma_start3A_35 : memref<1x!tpu.dma_semaphore, #tpu.memory_space<semaphore_mem>> -> memref<!tpu.dma_semaphore, #tpu.memory_space<semaphore_mem>>
    tpu.enqueue_indirect_dma source(%dma_start3A_34 : memref<90000x32xf32, #tpu.memory_space<hbm>>) target(%dma_start3A_28 : memref<125x32xf32, #tpu.memory_space<vmem>>) offsets(%dma_start3A_31 : memref<125xi32, #tpu.memory_space<vmem>>) semaphore(%dma_start3A_36 : memref<!tpu.dma_semaphore, #tpu.memory_space<semaphore_mem>>)
    %dma_start3A_37 = arith.constant 1 : i32
    %dma_start3A_38 = arith.constant 1 : i32
    %dma_start3A_39 = arith.constant 1 : i32
    %dma_start3A_40 = arith.constant 0 : i32
    %dma_start3A_41 = arith.constant 0 : i32
    %dma_start3A_42 = tpu.memref_slice %arg9[%dma_start3A_38, %dma_start3A_40, %dma_start3A_41] : memref<10x125x32xf32, #tpu.memory_space<vmem>> -> memref<1x125x32xf32, #tpu.memory_space<vmem>>
    %dma_start3A_43 = tpu.memref_squeeze %dma_start3A_42 : memref<1x125x32xf32, #tpu.memory_space<vmem>> -> memref<125x32xf32, #tpu.memory_space<vmem>>
    %dma_start3A_44 = arith.constant 0 : i32
    %dma_start3A_45 = tpu.memref_slice %arg7[%dma_start3A_37, %dma_start3A_44] : memref<40x125xi32, #tpu.memory_space<vmem>> -> memref<1x125xi32, #tpu.memory_space<vmem>>
    %dma_start3A_46 = tpu.memref_squeeze %dma_start3A_45 : memref<1x125xi32, #tpu.memory_space<vmem>> -> memref<125xi32, #tpu.memory_space<vmem>>
    %dma_start3A_47 = arith.constant 0 : i32
    %dma_start3A_48 = arith.constant 0 : i32
    %dma_start3A_49 = tpu.memref_slice %arg2[%dma_start3A_47, %dma_start3A_48] : memref<90000x32xf32, #tpu.memory_space<hbm>> -> memref<90000x32xf32, #tpu.memory_space<hbm>>
    %dma_start3A_50 = tpu.memref_slice %arg12[%dma_start3A_39] : memref<10x!tpu.dma_semaphore, #tpu.memory_space<semaphore_mem>> -> memref<1x!tpu.dma_semaphore, #tpu.memory_space<semaphore_mem>>
    %dma_start3A_51 = tpu.memref_squeeze %dma_start3A_50 : memref<1x!tpu.dma_semaphore, #tpu.memory_space<semaphore_mem>> -> memref<!tpu.dma_semaphore, #tpu.memory_space<semaphore_mem>>
    tpu.enqueue_indirect_dma source(%dma_start3A_49 : memref<90000x32xf32, #tpu.memory_space<hbm>>) target(%dma_start3A_43 : memref<125x32xf32, #tpu.memory_space<vmem>>) offsets(%dma_start3A_46 : memref<125xi32, #tpu.memory_space<vmem>>) semaphore(%dma_start3A_51 : memref<!tpu.dma_semaphore, #tpu.memory_space<semaphore_mem>>)
    %dma_start3A_52 = arith.constant 2 : i32
    %dma_start3A_53 = arith.constant 2 : i32
    %dma_start3A_54 = arith.constant 2 : i32
    %dma_start3A_55 = arith.constant 0 : i32
    %dma_start3A_56 = arith.constant 0 : i32
    %dma_start3A_57 = tpu.memref_slice %arg9[%dma_start3A_53, %dma_start3A_55, %dma_start3A_56] : memref<10x125x32xf32, #tpu.memory_space<vmem>> -> memref<1x125x32xf32, #tpu.memory_space<vmem>>
    %dma_start3A_58 = tpu.memref_squeeze %dma_start3A_57 : memref<1x125x32xf32, #tpu.memory_space<vmem>> -> memref<125x32xf32, #tpu.memory_space<vmem>>
    %dma_start3A_59 = arith.constant 0 : i32
    %dma_start3A_60 = tpu.memref_slice %arg7[%dma_start3A_52, %dma_start3A_59] : memref<40x125xi32, #tpu.memory_space<vmem>> -> memref<1x125xi32, #tpu.memory_space<vmem>>
    %dma_start3A_61 = tpu.memref_squeeze %dma_start3A_60 : memref<1x125xi32, #tpu.memory_space<vmem>> -> memref<125xi32, #tpu.memory_space<vmem>>
    %dma_start3A_62 = arith.constant 0 : i32
    %dma_start3A_63 = arith.constant 0 : i32
    %dma_start3A_64 = tpu.memref_slice %arg2[%dma_start3A_62, %dma_start3A_63] : memref<90000x32xf32, #tpu.memory_space<hbm>> -> memref<90000x32xf32, #tpu.memory_space<hbm>>
    %dma_start3A_65 = tpu.memref_slice %arg12[%dma_start3A_54] : memref<10x!tpu.dma_semaphore, #tpu.memory_space<semaphore_mem>> -> memref<1x!tpu.dma_semaphore, #tpu.memory_space<semaphore_mem>>
    %dma_start3A_66 = tpu.memref_squeeze %dma_start3A_65 : memref<1x!tpu.dma_semaphore, #tpu.memory_space<semaphore_mem>> -> memref<!tpu.dma_semaphore, #tpu.memory_space<semaphore_mem>>
    tpu.enqueue_indirect_dma source(%dma_start3A_64 : memref<90000x32xf32, #tpu.memory_space<hbm>>) target(%dma_start3A_58 : memref<125x32xf32, #tpu.memory_space<vmem>>) offsets(%dma_start3A_61 : memref<125xi32, #tpu.memory_space<vmem>>) semaphore(%dma_start3A_66 : memref<!tpu.dma_semaphore, #tpu.memory_space<semaphore_mem>>)
    %dma_start3A_67 = arith.constant 3 : i32
    %dma_start3A_68 = arith.constant 3 : i32
    %dma_start3A_69 = arith.constant 3 : i32
    %dma_start3A_70 = arith.constant 0 : i32
    %dma_start3A_71 = arith.constant 0 : i32
    %dma_start3A_72 = tpu.memref_slice %arg9[%dma_start3A_68, %dma_start3A_70, %dma_start3A_71] : memref<10x125x32xf32, #tpu.memory_space<vmem>> -> memref<1x125x32xf32, #tpu.memory_space<vmem>>
    %dma_start3A_73 = tpu.memref_squeeze %dma_start3A_72 : memref<1x125x32xf32, #tpu.memory_space<vmem>> -> memref<125x32xf32, #tpu.memory_space<vmem>>
    %dma_start3A_74 = arith.constant 0 : i32
    %dma_start3A_75 = tpu.memref_slice %arg7[%dma_start3A_67, %dma_start3A_74] : memref<40x125xi32, #tpu.memory_space<vmem>> -> memref<1x125xi32, #tpu.memory_space<vmem>>
    %dma_start3A_76 = tpu.memref_squeeze %dma_start3A_75 : memref<1x125xi32, #tpu.memory_space<vmem>> -> memref<125xi32, #tpu.memory_space<vmem>>
    %dma_start3A_77 = arith.constant 0 : i32
    %dma_start3A_78 = arith.constant 0 : i32
    %dma_start3A_79 = tpu.memref_slice %arg2[%dma_start3A_77, %dma_start3A_78] : memref<90000x32xf32, #tpu.memory_space<hbm>> -> memref<90000x32xf32, #tpu.memory_space<hbm>>
    %dma_start3A_80 = tpu.memref_slice %arg12[%dma_start3A_69] : memref<10x!tpu.dma_semaphore, #tpu.memory_space<semaphore_mem>> -> memref<1x!tpu.dma_semaphore, #tpu.memory_space<semaphore_mem>>
    %dma_start3A_81 = tpu.memref_squeeze %dma_start3A_80 : memref<1x!tpu.dma_semaphore, #tpu.memory_space<semaphore_mem>> -> memref<!tpu.dma_semaphore, #tpu.memory_space<semaphore_mem>>
    tpu.enqueue_indirect_dma source(%dma_start3A_79 : memref<90000x32xf32, #tpu.memory_space<hbm>>) target(%dma_start3A_73 : memref<125x32xf32, #tpu.memory_space<vmem>>) offsets(%dma_start3A_76 : memref<125xi32, #tpu.memory_space<vmem>>) semaphore(%dma_start3A_81 : memref<!tpu.dma_semaphore, #tpu.memory_space<semaphore_mem>>)
    %dma_start3A_82 = arith.constant 4 : i32
    %dma_start3A_83 = arith.constant 4 : i32
    %dma_start3A_84 = arith.constant 4 : i32
    %dma_start3A_85 = arith.constant 0 : i32
    %dma_start3A_86 = arith.constant 0 : i32
    %dma_start3A_87 = tpu.memref_slice %arg9[%dma_start3A_83, %dma_start3A_85, %dma_start3A_86] : memref<10x125x32xf32, #tpu.memory_space<vmem>> -> memref<1x125x32xf32, #tpu.memory_space<vmem>>
    %dma_start3A_88 = tpu.memref_squeeze %dma_start3A_87 : memref<1x125x32xf32, #tpu.memory_space<vmem>> -> memref<125x32xf32, #tpu.memory_space<vmem>>
    %dma_start3A_89 = arith.constant 0 : i32
    %dma_start3A_90 = tpu.memref_slice %arg7[%dma_start3A_82, %dma_start3A_89] : memref<40x125xi32, #tpu.memory_space<vmem>> -> memref<1x125xi32, #tpu.memory_space<vmem>>
    %dma_start3A_91 = tpu.memref_squeeze %dma_start3A_90 : memref<1x125xi32, #tpu.memory_space<vmem>> -> memref<125xi32, #tpu.memory_space<vmem>>
    %dma_start3A_92 = arith.constant 0 : i32
    %dma_start3A_93 = arith.constant 0 : i32
    %dma_start3A_94 = tpu.memref_slice %arg2[%dma_start3A_92, %dma_start3A_93] : memref<90000x32xf32, #tpu.memory_space<hbm>> -> memref<90000x32xf32, #tpu.memory_space<hbm>>
    %dma_start3A_95 = tpu.memref_slice %arg12[%dma_start3A_84] : memref<10x!tpu.dma_semaphore, #tpu.memory_space<semaphore_mem>> -> memref<1x!tpu.dma_semaphore, #tpu.memory_space<semaphore_mem>>
    %dma_start3A_96 = tpu.memref_squeeze %dma_start3A_95 : memref<1x!tpu.dma_semaphore, #tpu.memory_space<semaphore_mem>> -> memref<!tpu.dma_semaphore, #tpu.memory_space<semaphore_mem>>
    tpu.enqueue_indirect_dma source(%dma_start3A_94 : memref<90000x32xf32, #tpu.memory_space<hbm>>) target(%dma_start3A_88 : memref<125x32xf32, #tpu.memory_space<vmem>>) offsets(%dma_start3A_91 : memref<125xi32, #tpu.memory_space<vmem>>) semaphore(%dma_start3A_96 : memref<!tpu.dma_semaphore, #tpu.memory_space<semaphore_mem>>)
    %dma_start3A_97 = arith.constant 5 : i32
    %dma_start3A_98 = arith.constant 5 : i32
    %dma_start3A_99 = arith.constant 5 : i32
    %dma_start3A_100 = arith.constant 0 : i32
    %dma_start3A_101 = arith.constant 0 : i32
    %dma_start3A_102 = tpu.memref_slice %arg9[%dma_start3A_98, %dma_start3A_100, %dma_start3A_101] : memref<10x125x32xf32, #tpu.memory_space<vmem>> -> memref<1x125x32xf32, #tpu.memory_space<vmem>>
    %dma_start3A_103 = tpu.memref_squeeze %dma_start3A_102 : memref<1x125x32xf32, #tpu.memory_space<vmem>> -> memref<125x32xf32, #tpu.memory_space<vmem>>
    %dma_start3A_104 = arith.constant 0 : i32
    %dma_start3A_105 = tpu.memref_slice %arg7[%dma_start3A_97, %dma_start3A_104] : memref<40x125xi32, #tpu.memory_space<vmem>> -> memref<1x125xi32, #tpu.memory_space<vmem>>
    %dma_start3A_106 = tpu.memref_squeeze %dma_start3A_105 : memref<1x125xi32, #tpu.memory_space<vmem>> -> memref<125xi32, #tpu.memory_space<vmem>>
    %dma_start3A_107 = arith.constant 0 : i32
    %dma_start3A_108 = arith.constant 0 : i32
    %dma_start3A_109 = tpu.memref_slice %arg2[%dma_start3A_107, %dma_start3A_108] : memref<90000x32xf32, #tpu.memory_space<hbm>> -> memref<90000x32xf32, #tpu.memory_space<hbm>>
    %dma_start3A_110 = tpu.memref_slice %arg12[%dma_start3A_99] : memref<10x!tpu.dma_semaphore, #tpu.memory_space<semaphore_mem>> -> memref<1x!tpu.dma_semaphore, #tpu.memory_space<semaphore_mem>>
    %dma_start3A_111 = tpu.memref_squeeze %dma_start3A_110 : memref<1x!tpu.dma_semaphore, #tpu.memory_space<semaphore_mem>> -> memref<!tpu.dma_semaphore, #tpu.memory_space<semaphore_mem>>
    tpu.enqueue_indirect_dma source(%dma_start3A_109 : memref<90000x32xf32, #tpu.memory_space<hbm>>) target(%dma_start3A_103 : memref<125x32xf32, #tpu.memory_space<vmem>>) offsets(%dma_start3A_106 : memref<125xi32, #tpu.memory_space<vmem>>) semaphore(%dma_start3A_111 : memref<!tpu.dma_semaphore, #tpu.memory_space<semaphore_mem>>)
    %dma_start3A_112 = arith.constant 6 : i32
    %dma_start3A_113 = arith.constant 6 : i32
    %dma_start3A_114 = arith.constant 6 : i32
    %dma_start3A_115 = arith.constant 0 : i32
    %dma_start3A_116 = arith.constant 0 : i32
    %dma_start3A_117 = tpu.memref_slice %arg9[%dma_start3A_113, %dma_start3A_115, %dma_start3A_116] : memref<10x125x32xf32, #tpu.memory_space<vmem>> -> memref<1x125x32xf32, #tpu.memory_space<vmem>>
    %dma_start3A_118 = tpu.memref_squeeze %dma_start3A_117 : memref<1x125x32xf32, #tpu.memory_space<vmem>> -> memref<125x32xf32, #tpu.memory_space<vmem>>
    %dma_start3A_119 = arith.constant 0 : i32
    %dma_start3A_120 = tpu.memref_slice %arg7[%dma_start3A_112, %dma_start3A_119] : memref<40x125xi32, #tpu.memory_space<vmem>> -> memref<1x125xi32, #tpu.memory_space<vmem>>
    %dma_start3A_121 = tpu.memref_squeeze %dma_start3A_120 : memref<1x125xi32, #tpu.memory_space<vmem>> -> memref<125xi32, #tpu.memory_space<vmem>>
    %dma_start3A_122 = arith.constant 0 : i32
    %dma_start3A_123 = arith.constant 0 : i32
    %dma_start3A_124 = tpu.memref_slice %arg2[%dma_start3A_122, %dma_start3A_123] : memref<90000x32xf32, #tpu.memory_space<hbm>> -> memref<90000x32xf32, #tpu.memory_space<hbm>>
    %dma_start3A_125 = tpu.memref_slice %arg12[%dma_start3A_114] : memref<10x!tpu.dma_semaphore, #tpu.memory_space<semaphore_mem>> -> memref<1x!tpu.dma_semaphore, #tpu.memory_space<semaphore_mem>>
    %dma_start3A_126 = tpu.memref_squeeze %dma_start3A_125 : memref<1x!tpu.dma_semaphore, #tpu.memory_space<semaphore_mem>> -> memref<!tpu.dma_semaphore, #tpu.memory_space<semaphore_mem>>
    tpu.enqueue_indirect_dma source(%dma_start3A_124 : memref<90000x32xf32, #tpu.memory_space<hbm>>) target(%dma_start3A_118 : memref<125x32xf32, #tpu.memory_space<vmem>>) offsets(%dma_start3A_121 : memref<125xi32, #tpu.memory_space<vmem>>) semaphore(%dma_start3A_126 : memref<!tpu.dma_semaphore, #tpu.memory_space<semaphore_mem>>)
    %dma_start3A_127 = arith.constant 7 : i32
    %dma_start3A_128 = arith.constant 7 : i32
    %dma_start3A_129 = arith.constant 7 : i32
    %dma_start3A_130 = arith.constant 0 : i32
    %dma_start3A_131 = arith.constant 0 : i32
    %dma_start3A_132 = tpu.memref_slice %arg9[%dma_start3A_128, %dma_start3A_130, %dma_start3A_131] : memref<10x125x32xf32, #tpu.memory_space<vmem>> -> memref<1x125x32xf32, #tpu.memory_space<vmem>>
    %dma_start3A_133 = tpu.memref_squeeze %dma_start3A_132 : memref<1x125x32xf32, #tpu.memory_space<vmem>> -> memref<125x32xf32, #tpu.memory_space<vmem>>
    %dma_start3A_134 = arith.constant 0 : i32
    %dma_start3A_135 = tpu.memref_slice %arg7[%dma_start3A_127, %dma_start3A_134] : memref<40x125xi32, #tpu.memory_space<vmem>> -> memref<1x125xi32, #tpu.memory_space<vmem>>
    %dma_start3A_136 = tpu.memref_squeeze %dma_start3A_135 : memref<1x125xi32, #tpu.memory_space<vmem>> -> memref<125xi32, #tpu.memory_space<vmem>>
    %dma_start3A_137 = arith.constant 0 : i32
    %dma_start3A_138 = arith.constant 0 : i32
    %dma_start3A_139 = tpu.memref_slice %arg2[%dma_start3A_137, %dma_start3A_138] : memref<90000x32xf32, #tpu.memory_space<hbm>> -> memref<90000x32xf32, #tpu.memory_space<hbm>>
    %dma_start3A_140 = tpu.memref_slice %arg12[%dma_start3A_129] : memref<10x!tpu.dma_semaphore, #tpu.memory_space<semaphore_mem>> -> memref<1x!tpu.dma_semaphore, #tpu.memory_space<semaphore_mem>>
    %dma_start3A_141 = tpu.memref_squeeze %dma_start3A_140 : memref<1x!tpu.dma_semaphore, #tpu.memory_space<semaphore_mem>> -> memref<!tpu.dma_semaphore, #tpu.memory_space<semaphore_mem>>
    tpu.enqueue_indirect_dma source(%dma_start3A_139 : memref<90000x32xf32, #tpu.memory_space<hbm>>) target(%dma_start3A_133 : memref<125x32xf32, #tpu.memory_space<vmem>>) offsets(%dma_start3A_136 : memref<125xi32, #tpu.memory_space<vmem>>) semaphore(%dma_start3A_141 : memref<!tpu.dma_semaphore, #tpu.memory_space<semaphore_mem>>)
    %dma_start3A_142 = arith.constant 8 : i32
    %dma_start3A_143 = arith.constant 8 : i32
    %dma_start3A_144 = arith.constant 8 : i32
    %dma_start3A_145 = arith.constant 0 : i32
    %dma_start3A_146 = arith.constant 0 : i32
    %dma_start3A_147 = tpu.memref_slice %arg9[%dma_start3A_143, %dma_start3A_145, %dma_start3A_146] : memref<10x125x32xf32, #tpu.memory_space<vmem>> -> memref<1x125x32xf32, #tpu.memory_space<vmem>>
    %dma_start3A_148 = tpu.memref_squeeze %dma_start3A_147 : memref<1x125x32xf32, #tpu.memory_space<vmem>> -> memref<125x32xf32, #tpu.memory_space<vmem>>
    %dma_start3A_149 = arith.constant 0 : i32
    %dma_start3A_150 = tpu.memref_slice %arg7[%dma_start3A_142, %dma_start3A_149] : memref<40x125xi32, #tpu.memory_space<vmem>> -> memref<1x125xi32, #tpu.memory_space<vmem>>
    %dma_start3A_151 = tpu.memref_squeeze %dma_start3A_150 : memref<1x125xi32, #tpu.memory_space<vmem>> -> memref<125xi32, #tpu.memory_space<vmem>>
    %dma_start3A_152 = arith.constant 0 : i32
    %dma_start3A_153 = arith.constant 0 : i32
    %dma_start3A_154 = tpu.memref_slice %arg2[%dma_start3A_152, %dma_start3A_153] : memref<90000x32xf32, #tpu.memory_space<hbm>> -> memref<90000x32xf32, #tpu.memory_space<hbm>>
    %dma_start3A_155 = tpu.memref_slice %arg12[%dma_start3A_144] : memref<10x!tpu.dma_semaphore, #tpu.memory_space<semaphore_mem>> -> memref<1x!tpu.dma_semaphore, #tpu.memory_space<semaphore_mem>>
    %dma_start3A_156 = tpu.memref_squeeze %dma_start3A_155 : memref<1x!tpu.dma_semaphore, #tpu.memory_space<semaphore_mem>> -> memref<!tpu.dma_semaphore, #tpu.memory_space<semaphore_mem>>
    tpu.enqueue_indirect_dma source(%dma_start3A_154 : memref<90000x32xf32, #tpu.memory_space<hbm>>) target(%dma_start3A_148 : memref<125x32xf32, #tpu.memory_space<vmem>>) offsets(%dma_start3A_151 : memref<125xi32, #tpu.memory_space<vmem>>) semaphore(%dma_start3A_156 : memref<!tpu.dma_semaphore, #tpu.memory_space<semaphore_mem>>)
    %dma_start3A_157 = arith.constant 9 : i32
    %dma_start3A_158 = arith.constant 9 : i32
    %dma_start3A_159 = arith.constant 9 : i32
    %dma_start3A_160 = arith.constant 0 : i32
    %dma_start3A_161 = arith.constant 0 : i32
    %dma_start3A_162 = tpu.memref_slice %arg9[%dma_start3A_158, %dma_start3A_160, %dma_start3A_161] : memref<10x125x32xf32, #tpu.memory_space<vmem>> -> memref<1x125x32xf32, #tpu.memory_space<vmem>>
    %dma_start3A_163 = tpu.memref_squeeze %dma_start3A_162 : memref<1x125x32xf32, #tpu.memory_space<vmem>> -> memref<125x32xf32, #tpu.memory_space<vmem>>
    %dma_start3A_164 = arith.constant 0 : i32
    %dma_start3A_165 = tpu.memref_slice %arg7[%dma_start3A_157, %dma_start3A_164] : memref<40x125xi32, #tpu.memory_space<vmem>> -> memref<1x125xi32, #tpu.memory_space<vmem>>
    %dma_start3A_166 = tpu.memref_squeeze %dma_start3A_165 : memref<1x125xi32, #tpu.memory_space<vmem>> -> memref<125xi32, #tpu.memory_space<vmem>>
    %dma_start3A_167 = arith.constant 0 : i32
    %dma_start3A_168 = arith.constant 0 : i32
    %dma_start3A_169 = tpu.memref_slice %arg2[%dma_start3A_167, %dma_start3A_168] : memref<90000x32xf32, #tpu.memory_space<hbm>> -> memref<90000x32xf32, #tpu.memory_space<hbm>>
    %dma_start3A_170 = tpu.memref_slice %arg12[%dma_start3A_159] : memref<10x!tpu.dma_semaphore, #tpu.memory_space<semaphore_mem>> -> memref<1x!tpu.dma_semaphore, #tpu.memory_space<semaphore_mem>>
    %dma_start3A_171 = tpu.memref_squeeze %dma_start3A_170 : memref<1x!tpu.dma_semaphore, #tpu.memory_space<semaphore_mem>> -> memref<!tpu.dma_semaphore, #tpu.memory_space<semaphore_mem>>
    tpu.enqueue_indirect_dma source(%dma_start3A_169 : memref<90000x32xf32, #tpu.memory_space<hbm>>) target(%dma_start3A_163 : memref<125x32xf32, #tpu.memory_space<vmem>>) offsets(%dma_start3A_166 : memref<125xi32, #tpu.memory_space<vmem>>) semaphore(%dma_start3A_171 : memref<!tpu.dma_semaphore, #tpu.memory_space<semaphore_mem>>)
    %mul3A_172 = arith.constant 625 : i32
    %mul3A_173 = arith.muli %arg1, %mul3A_172 : i32
    "tpu.region"() ({
      %run_scoped3A = tpu.sem_alloc : memref<!tpu.dma_semaphore, #tpu.memory_space<semaphore_mem>>
      %dma_start3A_338 = arith.constant 0 : i32
      %dma_start3A_339 = tpu.memref_slice %arg10[%mul3A_173, %dma_start3A_338] : memref<10000x32xf32, #tpu.memory_space<vmem_shared>> -> memref<625x32xf32, #tpu.memory_space<vmem_shared>>
      %dma_start3A_340 = arith.constant 0 : i32
      %dma_start3A_341 = tpu.memref_slice %arg10[%mul3A_173, %dma_start3A_340] : memref<10000x32xf32, #tpu.memory_space<vmem_shared>> -> memref<625x32xf32, #tpu.memory_space<vmem_shared>>
      tpu.enqueue_dma source(%arg6 : memref<625x32xf32, #tpu.memory_space<vmem>>) target(%dma_start3A_341 : memref<625x32xf32, #tpu.memory_space<vmem_shared>>) target_semaphore(%run_scoped3A : memref<!tpu.dma_semaphore, #tpu.memory_space<semaphore_mem>>)
      %dma_wait3A_342 = arith.constant 0 : i32
      %dma_wait3A_343 = tpu.memref_slice %arg10[%mul3A_173, %dma_wait3A_342] : memref<10000x32xf32, #tpu.memory_space<vmem_shared>> -> memref<625x32xf32, #tpu.memory_space<vmem_shared>>
      %dma_wait3A_344 = arith.constant 0 : i32
      %dma_wait3A_345 = tpu.memref_slice %arg10[%mul3A_173, %dma_wait3A_344] : memref<10000x32xf32, #tpu.memory_space<vmem_shared>> -> memref<625x32xf32, #tpu.memory_space<vmem_shared>>
      tpu.wait_dma2 semaphore(%run_scoped3A : memref<!tpu.dma_semaphore, #tpu.memory_space<semaphore_mem>>) src(%arg6 : memref<625x32xf32, #tpu.memory_space<vmem>>) dst(%dma_wait3A_345 : memref<625x32xf32, #tpu.memory_space<vmem_shared>>)
      tpu.yield
    }) : () -> ()
    %barrier3A = arith.constant 0 : index
    tpu.barrier barrier_id(%barrier3A)
    %scan3A_174 = arith.constant 0 : i32
    %scan3A_175 = arith.constant 0 : i32
    %scan3A_176 = arith.constant 4 : i32
    %scan3A_177 = arith.addi %scan3A_175, %scan3A_176 : i32
    %scan3A_178 = arith.constant 1 : i32
    scf.for %scan3A_338 = %scan3A_175 to %scan3A_177 step %scan3A_178  : i32 {
      %mul3A_339 = arith.constant 10 : i32
      %mul3A_340 = arith.muli %scan3A_338, %mul3A_339 : i32
      %add3A_341 = arith.constant 0 : i32
      %add3A_342 = arith.addi %mul3A_340, %add3A_341 : i32
      %dma_wait3A_343 = arith.constant 0 : i32
      %dma_wait3A_344 = arith.constant 0 : i32
      %dma_wait3A_345 = arith.constant 0 : i32
      %dma_wait3A_346 = arith.constant 0 : i32
      %dma_wait3A_347 = tpu.memref_slice %arg9[%dma_wait3A_343, %dma_wait3A_345, %dma_wait3A_346] : memref<10x125x32xf32, #tpu.memory_space<vmem>> -> memref<1x125x32xf32, #tpu.memory_space<vmem>>
      %dma_wait3A_348 = tpu.memref_squeeze %dma_wait3A_347 : memref<1x125x32xf32, #tpu.memory_space<vmem>> -> memref<125x32xf32, #tpu.memory_space<vmem>>
      %dma_wait3A_349 = arith.constant 0 : i32
      %dma_wait3A_350 = tpu.memref_slice %arg7[%add3A_342, %dma_wait3A_349] : memref<40x125xi32, #tpu.memory_space<vmem>> -> memref<1x125xi32, #tpu.memory_space<vmem>>
      %dma_wait3A_351 = tpu.memref_squeeze %dma_wait3A_350 : memref<1x125xi32, #tpu.memory_space<vmem>> -> memref<125xi32, #tpu.memory_space<vmem>>
      %dma_wait3A_352 = arith.constant 0 : i32
      %dma_wait3A_353 = arith.constant 0 : i32
      %dma_wait3A_354 = tpu.memref_slice %arg2[%dma_wait3A_352, %dma_wait3A_353] : memref<90000x32xf32, #tpu.memory_space<hbm>> -> memref<90000x32xf32, #tpu.memory_space<hbm>>
      %dma_wait3A_355 = tpu.memref_slice %arg12[%dma_wait3A_344] : memref<10x!tpu.dma_semaphore, #tpu.memory_space<semaphore_mem>> -> memref<1x!tpu.dma_semaphore, #tpu.memory_space<semaphore_mem>>
      %dma_wait3A_356 = tpu.memref_squeeze %dma_wait3A_355 : memref<1x!tpu.dma_semaphore, #tpu.memory_space<semaphore_mem>> -> memref<!tpu.dma_semaphore, #tpu.memory_space<semaphore_mem>>
      tpu.wait_indirect_dma semaphore(%dma_wait3A_356 : memref<!tpu.dma_semaphore, #tpu.memory_space<semaphore_mem>>) src(%dma_wait3A_354 : memref<90000x32xf32, #tpu.memory_space<hbm>>) dst(%dma_wait3A_348 : memref<125x32xf32, #tpu.memory_space<vmem>>)
      %dma_start3A_357 = arith.constant 0 : i32
      %dma_start3A_358 = arith.constant 0 : i32
      %dma_start3A_359 = arith.constant 0 : i32
      %dma_start3A_360 = arith.constant 0 : i32
      %dma_start3A_361 = tpu.memref_slice %arg9[%dma_start3A_357, %dma_start3A_359, %dma_start3A_360] : memref<10x125x32xf32, #tpu.memory_space<vmem>> -> memref<1x125x32xf32, #tpu.memory_space<vmem>>
      %dma_start3A_362 = tpu.memref_squeeze %dma_start3A_361 : memref<1x125x32xf32, #tpu.memory_space<vmem>> -> memref<125x32xf32, #tpu.memory_space<vmem>>
      %dma_start3A_363 = arith.constant 0 : i32
      %dma_start3A_364 = tpu.memref_slice %arg8[%add3A_342, %dma_start3A_363] : memref<40x125xi32, #tpu.memory_space<vmem>> -> memref<1x125xi32, #tpu.memory_space<vmem>>
      %dma_start3A_365 = tpu.memref_squeeze %dma_start3A_364 : memref<1x125xi32, #tpu.memory_space<vmem>> -> memref<125xi32, #tpu.memory_space<vmem>>
      %dma_start3A_366 = arith.constant 0 : i32
      %dma_start3A_367 = arith.constant 0 : i32
      %dma_start3A_368 = tpu.memref_slice %arg10[%dma_start3A_366, %dma_start3A_367] : memref<10000x32xf32, #tpu.memory_space<vmem_shared>> -> memref<10000x32xf32, #tpu.memory_space<vmem_shared>>
      %dma_start3A_369 = tpu.memref_slice %arg13[%dma_start3A_358] : memref<10x!tpu.dma_semaphore, #tpu.memory_space<semaphore_mem>> -> memref<1x!tpu.dma_semaphore, #tpu.memory_space<semaphore_mem>>
      %dma_start3A_370 = tpu.memref_squeeze %dma_start3A_369 : memref<1x!tpu.dma_semaphore, #tpu.memory_space<semaphore_mem>> -> memref<!tpu.dma_semaphore, #tpu.memory_space<semaphore_mem>>
      tpu.enqueue_indirect_dma source(%dma_start3A_362 : memref<125x32xf32, #tpu.memory_space<vmem>>) target(%dma_start3A_368 : memref<10000x32xf32, #tpu.memory_space<vmem_shared>>) offsets(%dma_start3A_365 : memref<125xi32, #tpu.memory_space<vmem>>) semaphore(%dma_start3A_370 : memref<!tpu.dma_semaphore, #tpu.memory_space<semaphore_mem>>) {add = true}
      %add3A_371 = arith.constant 1 : i32
      %add3A_372 = arith.addi %mul3A_340, %add3A_371 : i32
      %dma_wait3A_373 = arith.constant 1 : i32
      %dma_wait3A_374 = arith.constant 1 : i32
      %dma_wait3A_375 = arith.constant 0 : i32
      %dma_wait3A_376 = arith.constant 0 : i32
      %dma_wait3A_377 = tpu.memref_slice %arg9[%dma_wait3A_373, %dma_wait3A_375, %dma_wait3A_376] : memref<10x125x32xf32, #tpu.memory_space<vmem>> -> memref<1x125x32xf32, #tpu.memory_space<vmem>>
      %dma_wait3A_378 = tpu.memref_squeeze %dma_wait3A_377 : memref<1x125x32xf32, #tpu.memory_space<vmem>> -> memref<125x32xf32, #tpu.memory_space<vmem>>
      %dma_wait3A_379 = arith.constant 0 : i32
      %dma_wait3A_380 = tpu.memref_slice %arg7[%add3A_372, %dma_wait3A_379] : memref<40x125xi32, #tpu.memory_space<vmem>> -> memref<1x125xi32, #tpu.memory_space<vmem>>
      %dma_wait3A_381 = tpu.memref_squeeze %dma_wait3A_380 : memref<1x125xi32, #tpu.memory_space<vmem>> -> memref<125xi32, #tpu.memory_space<vmem>>
      %dma_wait3A_382 = arith.constant 0 : i32
      %dma_wait3A_383 = arith.constant 0 : i32
      %dma_wait3A_384 = tpu.memref_slice %arg2[%dma_wait3A_382, %dma_wait3A_383] : memref<90000x32xf32, #tpu.memory_space<hbm>> -> memref<90000x32xf32, #tpu.memory_space<hbm>>
      %dma_wait3A_385 = tpu.memref_slice %arg12[%dma_wait3A_374] : memref<10x!tpu.dma_semaphore, #tpu.memory_space<semaphore_mem>> -> memref<1x!tpu.dma_semaphore, #tpu.memory_space<semaphore_mem>>
      %dma_wait3A_386 = tpu.memref_squeeze %dma_wait3A_385 : memref<1x!tpu.dma_semaphore, #tpu.memory_space<semaphore_mem>> -> memref<!tpu.dma_semaphore, #tpu.memory_space<semaphore_mem>>
      tpu.wait_indirect_dma semaphore(%dma_wait3A_386 : memref<!tpu.dma_semaphore, #tpu.memory_space<semaphore_mem>>) src(%dma_wait3A_384 : memref<90000x32xf32, #tpu.memory_space<hbm>>) dst(%dma_wait3A_378 : memref<125x32xf32, #tpu.memory_space<vmem>>)
      %dma_start3A_387 = arith.constant 1 : i32
      %dma_start3A_388 = arith.constant 1 : i32
      %dma_start3A_389 = arith.constant 0 : i32
      %dma_start3A_390 = arith.constant 0 : i32
      %dma_start3A_391 = tpu.memref_slice %arg9[%dma_start3A_387, %dma_start3A_389, %dma_start3A_390] : memref<10x125x32xf32, #tpu.memory_space<vmem>> -> memref<1x125x32xf32, #tpu.memory_space<vmem>>
      %dma_start3A_392 = tpu.memref_squeeze %dma_start3A_391 : memref<1x125x32xf32, #tpu.memory_space<vmem>> -> memref<125x32xf32, #tpu.memory_space<vmem>>
      %dma_start3A_393 = arith.constant 0 : i32
      %dma_start3A_394 = tpu.memref_slice %arg8[%add3A_372, %dma_start3A_393] : memref<40x125xi32, #tpu.memory_space<vmem>> -> memref<1x125xi32, #tpu.memory_space<vmem>>
      %dma_start3A_395 = tpu.memref_squeeze %dma_start3A_394 : memref<1x125xi32, #tpu.memory_space<vmem>> -> memref<125xi32, #tpu.memory_space<vmem>>
      %dma_start3A_396 = arith.constant 0 : i32
      %dma_start3A_397 = arith.constant 0 : i32
      %dma_start3A_398 = tpu.memref_slice %arg10[%dma_start3A_396, %dma_start3A_397] : memref<10000x32xf32, #tpu.memory_space<vmem_shared>> -> memref<10000x32xf32, #tpu.memory_space<vmem_shared>>
      %dma_start3A_399 = tpu.memref_slice %arg13[%dma_start3A_388] : memref<10x!tpu.dma_semaphore, #tpu.memory_space<semaphore_mem>> -> memref<1x!tpu.dma_semaphore, #tpu.memory_space<semaphore_mem>>
      %dma_start3A_400 = tpu.memref_squeeze %dma_start3A_399 : memref<1x!tpu.dma_semaphore, #tpu.memory_space<semaphore_mem>> -> memref<!tpu.dma_semaphore, #tpu.memory_space<semaphore_mem>>
      tpu.enqueue_indirect_dma source(%dma_start3A_392 : memref<125x32xf32, #tpu.memory_space<vmem>>) target(%dma_start3A_398 : memref<10000x32xf32, #tpu.memory_space<vmem_shared>>) offsets(%dma_start3A_395 : memref<125xi32, #tpu.memory_space<vmem>>) semaphore(%dma_start3A_400 : memref<!tpu.dma_semaphore, #tpu.memory_space<semaphore_mem>>) {add = true}
      %add3A_401 = arith.constant 2 : i32
      %add3A_402 = arith.addi %mul3A_340, %add3A_401 : i32
      %dma_wait3A_403 = arith.constant 2 : i32
      %dma_wait3A_404 = arith.constant 2 : i32
      %dma_wait3A_405 = arith.constant 0 : i32
      %dma_wait3A_406 = arith.constant 0 : i32
      %dma_wait3A_407 = tpu.memref_slice %arg9[%dma_wait3A_403, %dma_wait3A_405, %dma_wait3A_406] : memref<10x125x32xf32, #tpu.memory_space<vmem>> -> memref<1x125x32xf32, #tpu.memory_space<vmem>>
      %dma_wait3A_408 = tpu.memref_squeeze %dma_wait3A_407 : memref<1x125x32xf32, #tpu.memory_space<vmem>> -> memref<125x32xf32, #tpu.memory_space<vmem>>
      %dma_wait3A_409 = arith.constant 0 : i32
      %dma_wait3A_410 = tpu.memref_slice %arg7[%add3A_402, %dma_wait3A_409] : memref<40x125xi32, #tpu.memory_space<vmem>> -> memref<1x125xi32, #tpu.memory_space<vmem>>
      %dma_wait3A_411 = tpu.memref_squeeze %dma_wait3A_410 : memref<1x125xi32, #tpu.memory_space<vmem>> -> memref<125xi32, #tpu.memory_space<vmem>>
      %dma_wait3A_412 = arith.constant 0 : i32
      %dma_wait3A_413 = arith.constant 0 : i32
      %dma_wait3A_414 = tpu.memref_slice %arg2[%dma_wait3A_412, %dma_wait3A_413] : memref<90000x32xf32, #tpu.memory_space<hbm>> -> memref<90000x32xf32, #tpu.memory_space<hbm>>
      %dma_wait3A_415 = tpu.memref_slice %arg12[%dma_wait3A_404] : memref<10x!tpu.dma_semaphore, #tpu.memory_space<semaphore_mem>> -> memref<1x!tpu.dma_semaphore, #tpu.memory_space<semaphore_mem>>
      %dma_wait3A_416 = tpu.memref_squeeze %dma_wait3A_415 : memref<1x!tpu.dma_semaphore, #tpu.memory_space<semaphore_mem>> -> memref<!tpu.dma_semaphore, #tpu.memory_space<semaphore_mem>>
      tpu.wait_indirect_dma semaphore(%dma_wait3A_416 : memref<!tpu.dma_semaphore, #tpu.memory_space<semaphore_mem>>) src(%dma_wait3A_414 : memref<90000x32xf32, #tpu.memory_space<hbm>>) dst(%dma_wait3A_408 : memref<125x32xf32, #tpu.memory_space<vmem>>)
      %dma_start3A_417 = arith.constant 2 : i32
      %dma_start3A_418 = arith.constant 2 : i32
      %dma_start3A_419 = arith.constant 0 : i32
      %dma_start3A_420 = arith.constant 0 : i32
      %dma_start3A_421 = tpu.memref_slice %arg9[%dma_start3A_417, %dma_start3A_419, %dma_start3A_420] : memref<10x125x32xf32, #tpu.memory_space<vmem>> -> memref<1x125x32xf32, #tpu.memory_space<vmem>>
      %dma_start3A_422 = tpu.memref_squeeze %dma_start3A_421 : memref<1x125x32xf32, #tpu.memory_space<vmem>> -> memref<125x32xf32, #tpu.memory_space<vmem>>
      %dma_start3A_423 = arith.constant 0 : i32
      %dma_start3A_424 = tpu.memref_slice %arg8[%add3A_402, %dma_start3A_423] : memref<40x125xi32, #tpu.memory_space<vmem>> -> memref<1x125xi32, #tpu.memory_space<vmem>>
      %dma_start3A_425 = tpu.memref_squeeze %dma_start3A_424 : memref<1x125xi32, #tpu.memory_space<vmem>> -> memref<125xi32, #tpu.memory_space<vmem>>
      %dma_start3A_426 = arith.constant 0 : i32
      %dma_start3A_427 = arith.constant 0 : i32
      %dma_start3A_428 = tpu.memref_slice %arg10[%dma_start3A_426, %dma_start3A_427] : memref<10000x32xf32, #tpu.memory_space<vmem_shared>> -> memref<10000x32xf32, #tpu.memory_space<vmem_shared>>
      %dma_start3A_429 = tpu.memref_slice %arg13[%dma_start3A_418] : memref<10x!tpu.dma_semaphore, #tpu.memory_space<semaphore_mem>> -> memref<1x!tpu.dma_semaphore, #tpu.memory_space<semaphore_mem>>
      %dma_start3A_430 = tpu.memref_squeeze %dma_start3A_429 : memref<1x!tpu.dma_semaphore, #tpu.memory_space<semaphore_mem>> -> memref<!tpu.dma_semaphore, #tpu.memory_space<semaphore_mem>>
      tpu.enqueue_indirect_dma source(%dma_start3A_422 : memref<125x32xf32, #tpu.memory_space<vmem>>) target(%dma_start3A_428 : memref<10000x32xf32, #tpu.memory_space<vmem_shared>>) offsets(%dma_start3A_425 : memref<125xi32, #tpu.memory_space<vmem>>) semaphore(%dma_start3A_430 : memref<!tpu.dma_semaphore, #tpu.memory_space<semaphore_mem>>) {add = true}
      %add3A_431 = arith.constant 3 : i32
      %add3A_432 = arith.addi %mul3A_340, %add3A_431 : i32
      %dma_wait3A_433 = arith.constant 3 : i32
      %dma_wait3A_434 = arith.constant 3 : i32
      %dma_wait3A_435 = arith.constant 0 : i32
      %dma_wait3A_436 = arith.constant 0 : i32
      %dma_wait3A_437 = tpu.memref_slice %arg9[%dma_wait3A_433, %dma_wait3A_435, %dma_wait3A_436] : memref<10x125x32xf32, #tpu.memory_space<vmem>> -> memref<1x125x32xf32, #tpu.memory_space<vmem>>
      %dma_wait3A_438 = tpu.memref_squeeze %dma_wait3A_437 : memref<1x125x32xf32, #tpu.memory_space<vmem>> -> memref<125x32xf32, #tpu.memory_space<vmem>>
      %dma_wait3A_439 = arith.constant 0 : i32
      %dma_wait3A_440 = tpu.memref_slice %arg7[%add3A_432, %dma_wait3A_439] : memref<40x125xi32, #tpu.memory_space<vmem>> -> memref<1x125xi32, #tpu.memory_space<vmem>>
      %dma_wait3A_441 = tpu.memref_squeeze %dma_wait3A_440 : memref<1x125xi32, #tpu.memory_space<vmem>> -> memref<125xi32, #tpu.memory_space<vmem>>
      %dma_wait3A_442 = arith.constant 0 : i32
      %dma_wait3A_443 = arith.constant 0 : i32
      %dma_wait3A_444 = tpu.memref_slice %arg2[%dma_wait3A_442, %dma_wait3A_443] : memref<90000x32xf32, #tpu.memory_space<hbm>> -> memref<90000x32xf32, #tpu.memory_space<hbm>>
      %dma_wait3A_445 = tpu.memref_slice %arg12[%dma_wait3A_434] : memref<10x!tpu.dma_semaphore, #tpu.memory_space<semaphore_mem>> -> memref<1x!tpu.dma_semaphore, #tpu.memory_space<semaphore_mem>>
      %dma_wait3A_446 = tpu.memref_squeeze %dma_wait3A_445 : memref<1x!tpu.dma_semaphore, #tpu.memory_space<semaphore_mem>> -> memref<!tpu.dma_semaphore, #tpu.memory_space<semaphore_mem>>
      tpu.wait_indirect_dma semaphore(%dma_wait3A_446 : memref<!tpu.dma_semaphore, #tpu.memory_space<semaphore_mem>>) src(%dma_wait3A_444 : memref<90000x32xf32, #tpu.memory_space<hbm>>) dst(%dma_wait3A_438 : memref<125x32xf32, #tpu.memory_space<vmem>>)
      %dma_start3A_447 = arith.constant 3 : i32
      %dma_start3A_448 = arith.constant 3 : i32
      %dma_start3A_449 = arith.constant 0 : i32
      %dma_start3A_450 = arith.constant 0 : i32
      %dma_start3A_451 = tpu.memref_slice %arg9[%dma_start3A_447, %dma_start3A_449, %dma_start3A_450] : memref<10x125x32xf32, #tpu.memory_space<vmem>> -> memref<1x125x32xf32, #tpu.memory_space<vmem>>
      %dma_start3A_452 = tpu.memref_squeeze %dma_start3A_451 : memref<1x125x32xf32, #tpu.memory_space<vmem>> -> memref<125x32xf32, #tpu.memory_space<vmem>>
      %dma_start3A_453 = arith.constant 0 : i32
      %dma_start3A_454 = tpu.memref_slice %arg8[%add3A_432, %dma_start3A_453] : memref<40x125xi32, #tpu.memory_space<vmem>> -> memref<1x125xi32, #tpu.memory_space<vmem>>
      %dma_start3A_455 = tpu.memref_squeeze %dma_start3A_454 : memref<1x125xi32, #tpu.memory_space<vmem>> -> memref<125xi32, #tpu.memory_space<vmem>>
      %dma_start3A_456 = arith.constant 0 : i32
      %dma_start3A_457 = arith.constant 0 : i32
      %dma_start3A_458 = tpu.memref_slice %arg10[%dma_start3A_456, %dma_start3A_457] : memref<10000x32xf32, #tpu.memory_space<vmem_shared>> -> memref<10000x32xf32, #tpu.memory_space<vmem_shared>>
      %dma_start3A_459 = tpu.memref_slice %arg13[%dma_start3A_448] : memref<10x!tpu.dma_semaphore, #tpu.memory_space<semaphore_mem>> -> memref<1x!tpu.dma_semaphore, #tpu.memory_space<semaphore_mem>>
      %dma_start3A_460 = tpu.memref_squeeze %dma_start3A_459 : memref<1x!tpu.dma_semaphore, #tpu.memory_space<semaphore_mem>> -> memref<!tpu.dma_semaphore, #tpu.memory_space<semaphore_mem>>
      tpu.enqueue_indirect_dma source(%dma_start3A_452 : memref<125x32xf32, #tpu.memory_space<vmem>>) target(%dma_start3A_458 : memref<10000x32xf32, #tpu.memory_space<vmem_shared>>) offsets(%dma_start3A_455 : memref<125xi32, #tpu.memory_space<vmem>>) semaphore(%dma_start3A_460 : memref<!tpu.dma_semaphore, #tpu.memory_space<semaphore_mem>>) {add = true}
      %add3A_461 = arith.constant 4 : i32
      %add3A_462 = arith.addi %mul3A_340, %add3A_461 : i32
      %dma_wait3A_463 = arith.constant 4 : i32
      %dma_wait3A_464 = arith.constant 4 : i32
      %dma_wait3A_465 = arith.constant 0 : i32
      %dma_wait3A_466 = arith.constant 0 : i32
      %dma_wait3A_467 = tpu.memref_slice %arg9[%dma_wait3A_463, %dma_wait3A_465, %dma_wait3A_466] : memref<10x125x32xf32, #tpu.memory_space<vmem>> -> memref<1x125x32xf32, #tpu.memory_space<vmem>>
      %dma_wait3A_468 = tpu.memref_squeeze %dma_wait3A_467 : memref<1x125x32xf32, #tpu.memory_space<vmem>> -> memref<125x32xf32, #tpu.memory_space<vmem>>
      %dma_wait3A_469 = arith.constant 0 : i32
      %dma_wait3A_470 = tpu.memref_slice %arg7[%add3A_462, %dma_wait3A_469] : memref<40x125xi32, #tpu.memory_space<vmem>> -> memref<1x125xi32, #tpu.memory_space<vmem>>
      %dma_wait3A_471 = tpu.memref_squeeze %dma_wait3A_470 : memref<1x125xi32, #tpu.memory_space<vmem>> -> memref<125xi32, #tpu.memory_space<vmem>>
      %dma_wait3A_472 = arith.constant 0 : i32
      %dma_wait3A_473 = arith.constant 0 : i32
      %dma_wait3A_474 = tpu.memref_slice %arg2[%dma_wait3A_472, %dma_wait3A_473] : memref<90000x32xf32, #tpu.memory_space<hbm>> -> memref<90000x32xf32, #tpu.memory_space<hbm>>
      %dma_wait3A_475 = tpu.memref_slice %arg12[%dma_wait3A_464] : memref<10x!tpu.dma_semaphore, #tpu.memory_space<semaphore_mem>> -> memref<1x!tpu.dma_semaphore, #tpu.memory_space<semaphore_mem>>
      %dma_wait3A_476 = tpu.memref_squeeze %dma_wait3A_475 : memref<1x!tpu.dma_semaphore, #tpu.memory_space<semaphore_mem>> -> memref<!tpu.dma_semaphore, #tpu.memory_space<semaphore_mem>>
      tpu.wait_indirect_dma semaphore(%dma_wait3A_476 : memref<!tpu.dma_semaphore, #tpu.memory_space<semaphore_mem>>) src(%dma_wait3A_474 : memref<90000x32xf32, #tpu.memory_space<hbm>>) dst(%dma_wait3A_468 : memref<125x32xf32, #tpu.memory_space<vmem>>)
      %dma_start3A_477 = arith.constant 4 : i32
      %dma_start3A_478 = arith.constant 4 : i32
      %dma_start3A_479 = arith.constant 0 : i32
      %dma_start3A_480 = arith.constant 0 : i32
      %dma_start3A_481 = tpu.memref_slice %arg9[%dma_start3A_477, %dma_start3A_479, %dma_start3A_480] : memref<10x125x32xf32, #tpu.memory_space<vmem>> -> memref<1x125x32xf32, #tpu.memory_space<vmem>>
      %dma_start3A_482 = tpu.memref_squeeze %dma_start3A_481 : memref<1x125x32xf32, #tpu.memory_space<vmem>> -> memref<125x32xf32, #tpu.memory_space<vmem>>
      %dma_start3A_483 = arith.constant 0 : i32
      %dma_start3A_484 = tpu.memref_slice %arg8[%add3A_462, %dma_start3A_483] : memref<40x125xi32, #tpu.memory_space<vmem>> -> memref<1x125xi32, #tpu.memory_space<vmem>>
      %dma_start3A_485 = tpu.memref_squeeze %dma_start3A_484 : memref<1x125xi32, #tpu.memory_space<vmem>> -> memref<125xi32, #tpu.memory_space<vmem>>
      %dma_start3A_486 = arith.constant 0 : i32
      %dma_start3A_487 = arith.constant 0 : i32
      %dma_start3A_488 = tpu.memref_slice %arg10[%dma_start3A_486, %dma_start3A_487] : memref<10000x32xf32, #tpu.memory_space<vmem_shared>> -> memref<10000x32xf32, #tpu.memory_space<vmem_shared>>
      %dma_start3A_489 = tpu.memref_slice %arg13[%dma_start3A_478] : memref<10x!tpu.dma_semaphore, #tpu.memory_space<semaphore_mem>> -> memref<1x!tpu.dma_semaphore, #tpu.memory_space<semaphore_mem>>
      %dma_start3A_490 = tpu.memref_squeeze %dma_start3A_489 : memref<1x!tpu.dma_semaphore, #tpu.memory_space<semaphore_mem>> -> memref<!tpu.dma_semaphore, #tpu.memory_space<semaphore_mem>>
      tpu.enqueue_indirect_dma source(%dma_start3A_482 : memref<125x32xf32, #tpu.memory_space<vmem>>) target(%dma_start3A_488 : memref<10000x32xf32, #tpu.memory_space<vmem_shared>>) offsets(%dma_start3A_485 : memref<125xi32, #tpu.memory_space<vmem>>) semaphore(%dma_start3A_490 : memref<!tpu.dma_semaphore, #tpu.memory_space<semaphore_mem>>) {add = true}
      %add3A_491 = arith.constant 5 : i32
      %add3A_492 = arith.addi %mul3A_340, %add3A_491 : i32
      %dma_wait3A_493 = arith.constant 5 : i32
      %dma_wait3A_494 = arith.constant 5 : i32
      %dma_wait3A_495 = arith.constant 0 : i32
      %dma_wait3A_496 = arith.constant 0 : i32
      %dma_wait3A_497 = tpu.memref_slice %arg9[%dma_wait3A_493, %dma_wait3A_495, %dma_wait3A_496] : memref<10x125x32xf32, #tpu.memory_space<vmem>> -> memref<1x125x32xf32, #tpu.memory_space<vmem>>
      %dma_wait3A_498 = tpu.memref_squeeze %dma_wait3A_497 : memref<1x125x32xf32, #tpu.memory_space<vmem>> -> memref<125x32xf32, #tpu.memory_space<vmem>>
      %dma_wait3A_499 = arith.constant 0 : i32
      %dma_wait3A_500 = tpu.memref_slice %arg7[%add3A_492, %dma_wait3A_499] : memref<40x125xi32, #tpu.memory_space<vmem>> -> memref<1x125xi32, #tpu.memory_space<vmem>>
      %dma_wait3A_501 = tpu.memref_squeeze %dma_wait3A_500 : memref<1x125xi32, #tpu.memory_space<vmem>> -> memref<125xi32, #tpu.memory_space<vmem>>
      %dma_wait3A_502 = arith.constant 0 : i32
      %dma_wait3A_503 = arith.constant 0 : i32
      %dma_wait3A_504 = tpu.memref_slice %arg2[%dma_wait3A_502, %dma_wait3A_503] : memref<90000x32xf32, #tpu.memory_space<hbm>> -> memref<90000x32xf32, #tpu.memory_space<hbm>>
      %dma_wait3A_505 = tpu.memref_slice %arg12[%dma_wait3A_494] : memref<10x!tpu.dma_semaphore, #tpu.memory_space<semaphore_mem>> -> memref<1x!tpu.dma_semaphore, #tpu.memory_space<semaphore_mem>>
      %dma_wait3A_506 = tpu.memref_squeeze %dma_wait3A_505 : memref<1x!tpu.dma_semaphore, #tpu.memory_space<semaphore_mem>> -> memref<!tpu.dma_semaphore, #tpu.memory_space<semaphore_mem>>
      tpu.wait_indirect_dma semaphore(%dma_wait3A_506 : memref<!tpu.dma_semaphore, #tpu.memory_space<semaphore_mem>>) src(%dma_wait3A_504 : memref<90000x32xf32, #tpu.memory_space<hbm>>) dst(%dma_wait3A_498 : memref<125x32xf32, #tpu.memory_space<vmem>>)
      %dma_start3A_507 = arith.constant 5 : i32
      %dma_start3A_508 = arith.constant 5 : i32
      %dma_start3A_509 = arith.constant 0 : i32
      %dma_start3A_510 = arith.constant 0 : i32
      %dma_start3A_511 = tpu.memref_slice %arg9[%dma_start3A_507, %dma_start3A_509, %dma_start3A_510] : memref<10x125x32xf32, #tpu.memory_space<vmem>> -> memref<1x125x32xf32, #tpu.memory_space<vmem>>
      %dma_start3A_512 = tpu.memref_squeeze %dma_start3A_511 : memref<1x125x32xf32, #tpu.memory_space<vmem>> -> memref<125x32xf32, #tpu.memory_space<vmem>>
      %dma_start3A_513 = arith.constant 0 : i32
      %dma_start3A_514 = tpu.memref_slice %arg8[%add3A_492, %dma_start3A_513] : memref<40x125xi32, #tpu.memory_space<vmem>> -> memref<1x125xi32, #tpu.memory_space<vmem>>
      %dma_start3A_515 = tpu.memref_squeeze %dma_start3A_514 : memref<1x125xi32, #tpu.memory_space<vmem>> -> memref<125xi32, #tpu.memory_space<vmem>>
      %dma_start3A_516 = arith.constant 0 : i32
      %dma_start3A_517 = arith.constant 0 : i32
      %dma_start3A_518 = tpu.memref_slice %arg10[%dma_start3A_516, %dma_start3A_517] : memref<10000x32xf32, #tpu.memory_space<vmem_shared>> -> memref<10000x32xf32, #tpu.memory_space<vmem_shared>>
      %dma_start3A_519 = tpu.memref_slice %arg13[%dma_start3A_508] : memref<10x!tpu.dma_semaphore, #tpu.memory_space<semaphore_mem>> -> memref<1x!tpu.dma_semaphore, #tpu.memory_space<semaphore_mem>>
      %dma_start3A_520 = tpu.memref_squeeze %dma_start3A_519 : memref<1x!tpu.dma_semaphore, #tpu.memory_space<semaphore_mem>> -> memref<!tpu.dma_semaphore, #tpu.memory_space<semaphore_mem>>
      tpu.enqueue_indirect_dma source(%dma_start3A_512 : memref<125x32xf32, #tpu.memory_space<vmem>>) target(%dma_start3A_518 : memref<10000x32xf32, #tpu.memory_space<vmem_shared>>) offsets(%dma_start3A_515 : memref<125xi32, #tpu.memory_space<vmem>>) semaphore(%dma_start3A_520 : memref<!tpu.dma_semaphore, #tpu.memory_space<semaphore_mem>>) {add = true}
      %add3A_521 = arith.constant 6 : i32
      %add3A_522 = arith.addi %mul3A_340, %add3A_521 : i32
      %dma_wait3A_523 = arith.constant 6 : i32
      %dma_wait3A_524 = arith.constant 6 : i32
      %dma_wait3A_525 = arith.constant 0 : i32
      %dma_wait3A_526 = arith.constant 0 : i32
      %dma_wait3A_527 = tpu.memref_slice %arg9[%dma_wait3A_523, %dma_wait3A_525, %dma_wait3A_526] : memref<10x125x32xf32, #tpu.memory_space<vmem>> -> memref<1x125x32xf32, #tpu.memory_space<vmem>>
      %dma_wait3A_528 = tpu.memref_squeeze %dma_wait3A_527 : memref<1x125x32xf32, #tpu.memory_space<vmem>> -> memref<125x32xf32, #tpu.memory_space<vmem>>
      %dma_wait3A_529 = arith.constant 0 : i32
      %dma_wait3A_530 = tpu.memref_slice %arg7[%add3A_522, %dma_wait3A_529] : memref<40x125xi32, #tpu.memory_space<vmem>> -> memref<1x125xi32, #tpu.memory_space<vmem>>
      %dma_wait3A_531 = tpu.memref_squeeze %dma_wait3A_530 : memref<1x125xi32, #tpu.memory_space<vmem>> -> memref<125xi32, #tpu.memory_space<vmem>>
      %dma_wait3A_532 = arith.constant 0 : i32
      %dma_wait3A_533 = arith.constant 0 : i32
      %dma_wait3A_534 = tpu.memref_slice %arg2[%dma_wait3A_532, %dma_wait3A_533] : memref<90000x32xf32, #tpu.memory_space<hbm>> -> memref<90000x32xf32, #tpu.memory_space<hbm>>
      %dma_wait3A_535 = tpu.memref_slice %arg12[%dma_wait3A_524] : memref<10x!tpu.dma_semaphore, #tpu.memory_space<semaphore_mem>> -> memref<1x!tpu.dma_semaphore, #tpu.memory_space<semaphore_mem>>
      %dma_wait3A_536 = tpu.memref_squeeze %dma_wait3A_535 : memref<1x!tpu.dma_semaphore, #tpu.memory_space<semaphore_mem>> -> memref<!tpu.dma_semaphore, #tpu.memory_space<semaphore_mem>>
      tpu.wait_indirect_dma semaphore(%dma_wait3A_536 : memref<!tpu.dma_semaphore, #tpu.memory_space<semaphore_mem>>) src(%dma_wait3A_534 : memref<90000x32xf32, #tpu.memory_space<hbm>>) dst(%dma_wait3A_528 : memref<125x32xf32, #tpu.memory_space<vmem>>)
      %dma_start3A_537 = arith.constant 6 : i32
      %dma_start3A_538 = arith.constant 6 : i32
      %dma_start3A_539 = arith.constant 0 : i32
      %dma_start3A_540 = arith.constant 0 : i32
      %dma_start3A_541 = tpu.memref_slice %arg9[%dma_start3A_537, %dma_start3A_539, %dma_start3A_540] : memref<10x125x32xf32, #tpu.memory_space<vmem>> -> memref<1x125x32xf32, #tpu.memory_space<vmem>>
      %dma_start3A_542 = tpu.memref_squeeze %dma_start3A_541 : memref<1x125x32xf32, #tpu.memory_space<vmem>> -> memref<125x32xf32, #tpu.memory_space<vmem>>
      %dma_start3A_543 = arith.constant 0 : i32
      %dma_start3A_544 = tpu.memref_slice %arg8[%add3A_522, %dma_start3A_543] : memref<40x125xi32, #tpu.memory_space<vmem>> -> memref<1x125xi32, #tpu.memory_space<vmem>>
      %dma_start3A_545 = tpu.memref_squeeze %dma_start3A_544 : memref<1x125xi32, #tpu.memory_space<vmem>> -> memref<125xi32, #tpu.memory_space<vmem>>
      %dma_start3A_546 = arith.constant 0 : i32
      %dma_start3A_547 = arith.constant 0 : i32
      %dma_start3A_548 = tpu.memref_slice %arg10[%dma_start3A_546, %dma_start3A_547] : memref<10000x32xf32, #tpu.memory_space<vmem_shared>> -> memref<10000x32xf32, #tpu.memory_space<vmem_shared>>
      %dma_start3A_549 = tpu.memref_slice %arg13[%dma_start3A_538] : memref<10x!tpu.dma_semaphore, #tpu.memory_space<semaphore_mem>> -> memref<1x!tpu.dma_semaphore, #tpu.memory_space<semaphore_mem>>
      %dma_start3A_550 = tpu.memref_squeeze %dma_start3A_549 : memref<1x!tpu.dma_semaphore, #tpu.memory_space<semaphore_mem>> -> memref<!tpu.dma_semaphore, #tpu.memory_space<semaphore_mem>>
      tpu.enqueue_indirect_dma source(%dma_start3A_542 : memref<125x32xf32, #tpu.memory_space<vmem>>) target(%dma_start3A_548 : memref<10000x32xf32, #tpu.memory_space<vmem_shared>>) offsets(%dma_start3A_545 : memref<125xi32, #tpu.memory_space<vmem>>) semaphore(%dma_start3A_550 : memref<!tpu.dma_semaphore, #tpu.memory_space<semaphore_mem>>) {add = true}
      %add3A_551 = arith.constant 7 : i32
      %add3A_552 = arith.addi %mul3A_340, %add3A_551 : i32
      %dma_wait3A_553 = arith.constant 7 : i32
      %dma_wait3A_554 = arith.constant 7 : i32
      %dma_wait3A_555 = arith.constant 0 : i32
      %dma_wait3A_556 = arith.constant 0 : i32
      %dma_wait3A_557 = tpu.memref_slice %arg9[%dma_wait3A_553, %dma_wait3A_555, %dma_wait3A_556] : memref<10x125x32xf32, #tpu.memory_space<vmem>> -> memref<1x125x32xf32, #tpu.memory_space<vmem>>
      %dma_wait3A_558 = tpu.memref_squeeze %dma_wait3A_557 : memref<1x125x32xf32, #tpu.memory_space<vmem>> -> memref<125x32xf32, #tpu.memory_space<vmem>>
      %dma_wait3A_559 = arith.constant 0 : i32
      %dma_wait3A_560 = tpu.memref_slice %arg7[%add3A_552, %dma_wait3A_559] : memref<40x125xi32, #tpu.memory_space<vmem>> -> memref<1x125xi32, #tpu.memory_space<vmem>>
      %dma_wait3A_561 = tpu.memref_squeeze %dma_wait3A_560 : memref<1x125xi32, #tpu.memory_space<vmem>> -> memref<125xi32, #tpu.memory_space<vmem>>
      %dma_wait3A_562 = arith.constant 0 : i32
      %dma_wait3A_563 = arith.constant 0 : i32
      %dma_wait3A_564 = tpu.memref_slice %arg2[%dma_wait3A_562, %dma_wait3A_563] : memref<90000x32xf32, #tpu.memory_space<hbm>> -> memref<90000x32xf32, #tpu.memory_space<hbm>>
      %dma_wait3A_565 = tpu.memref_slice %arg12[%dma_wait3A_554] : memref<10x!tpu.dma_semaphore, #tpu.memory_space<semaphore_mem>> -> memref<1x!tpu.dma_semaphore, #tpu.memory_space<semaphore_mem>>
      %dma_wait3A_566 = tpu.memref_squeeze %dma_wait3A_565 : memref<1x!tpu.dma_semaphore, #tpu.memory_space<semaphore_mem>> -> memref<!tpu.dma_semaphore, #tpu.memory_space<semaphore_mem>>
      tpu.wait_indirect_dma semaphore(%dma_wait3A_566 : memref<!tpu.dma_semaphore, #tpu.memory_space<semaphore_mem>>) src(%dma_wait3A_564 : memref<90000x32xf32, #tpu.memory_space<hbm>>) dst(%dma_wait3A_558 : memref<125x32xf32, #tpu.memory_space<vmem>>)
      %dma_start3A_567 = arith.constant 7 : i32
      %dma_start3A_568 = arith.constant 7 : i32
      %dma_start3A_569 = arith.constant 0 : i32
      %dma_start3A_570 = arith.constant 0 : i32
      %dma_start3A_571 = tpu.memref_slice %arg9[%dma_start3A_567, %dma_start3A_569, %dma_start3A_570] : memref<10x125x32xf32, #tpu.memory_space<vmem>> -> memref<1x125x32xf32, #tpu.memory_space<vmem>>
      %dma_start3A_572 = tpu.memref_squeeze %dma_start3A_571 : memref<1x125x32xf32, #tpu.memory_space<vmem>> -> memref<125x32xf32, #tpu.memory_space<vmem>>
      %dma_start3A_573 = arith.constant 0 : i32
      %dma_start3A_574 = tpu.memref_slice %arg8[%add3A_552, %dma_start3A_573] : memref<40x125xi32, #tpu.memory_space<vmem>> -> memref<1x125xi32, #tpu.memory_space<vmem>>
      %dma_start3A_575 = tpu.memref_squeeze %dma_start3A_574 : memref<1x125xi32, #tpu.memory_space<vmem>> -> memref<125xi32, #tpu.memory_space<vmem>>
      %dma_start3A_576 = arith.constant 0 : i32
      %dma_start3A_577 = arith.constant 0 : i32
      %dma_start3A_578 = tpu.memref_slice %arg10[%dma_start3A_576, %dma_start3A_577] : memref<10000x32xf32, #tpu.memory_space<vmem_shared>> -> memref<10000x32xf32, #tpu.memory_space<vmem_shared>>
      %dma_start3A_579 = tpu.memref_slice %arg13[%dma_start3A_568] : memref<10x!tpu.dma_semaphore, #tpu.memory_space<semaphore_mem>> -> memref<1x!tpu.dma_semaphore, #tpu.memory_space<semaphore_mem>>
      %dma_start3A_580 = tpu.memref_squeeze %dma_start3A_579 : memref<1x!tpu.dma_semaphore, #tpu.memory_space<semaphore_mem>> -> memref<!tpu.dma_semaphore, #tpu.memory_space<semaphore_mem>>
      tpu.enqueue_indirect_dma source(%dma_start3A_572 : memref<125x32xf32, #tpu.memory_space<vmem>>) target(%dma_start3A_578 : memref<10000x32xf32, #tpu.memory_space<vmem_shared>>) offsets(%dma_start3A_575 : memref<125xi32, #tpu.memory_space<vmem>>) semaphore(%dma_start3A_580 : memref<!tpu.dma_semaphore, #tpu.memory_space<semaphore_mem>>) {add = true}
      %add3A_581 = arith.constant 8 : i32
      %add3A_582 = arith.addi %mul3A_340, %add3A_581 : i32
      %dma_wait3A_583 = arith.constant 8 : i32
      %dma_wait3A_584 = arith.constant 8 : i32
      %dma_wait3A_585 = arith.constant 0 : i32
      %dma_wait3A_586 = arith.constant 0 : i32
      %dma_wait3A_587 = tpu.memref_slice %arg9[%dma_wait3A_583, %dma_wait3A_585, %dma_wait3A_586] : memref<10x125x32xf32, #tpu.memory_space<vmem>> -> memref<1x125x32xf32, #tpu.memory_space<vmem>>
      %dma_wait3A_588 = tpu.memref_squeeze %dma_wait3A_587 : memref<1x125x32xf32, #tpu.memory_space<vmem>> -> memref<125x32xf32, #tpu.memory_space<vmem>>
      %dma_wait3A_589 = arith.constant 0 : i32
      %dma_wait3A_590 = tpu.memref_slice %arg7[%add3A_582, %dma_wait3A_589] : memref<40x125xi32, #tpu.memory_space<vmem>> -> memref<1x125xi32, #tpu.memory_space<vmem>>
      %dma_wait3A_591 = tpu.memref_squeeze %dma_wait3A_590 : memref<1x125xi32, #tpu.memory_space<vmem>> -> memref<125xi32, #tpu.memory_space<vmem>>
      %dma_wait3A_592 = arith.constant 0 : i32
      %dma_wait3A_593 = arith.constant 0 : i32
      %dma_wait3A_594 = tpu.memref_slice %arg2[%dma_wait3A_592, %dma_wait3A_593] : memref<90000x32xf32, #tpu.memory_space<hbm>> -> memref<90000x32xf32, #tpu.memory_space<hbm>>
      %dma_wait3A_595 = tpu.memref_slice %arg12[%dma_wait3A_584] : memref<10x!tpu.dma_semaphore, #tpu.memory_space<semaphore_mem>> -> memref<1x!tpu.dma_semaphore, #tpu.memory_space<semaphore_mem>>
      %dma_wait3A_596 = tpu.memref_squeeze %dma_wait3A_595 : memref<1x!tpu.dma_semaphore, #tpu.memory_space<semaphore_mem>> -> memref<!tpu.dma_semaphore, #tpu.memory_space<semaphore_mem>>
      tpu.wait_indirect_dma semaphore(%dma_wait3A_596 : memref<!tpu.dma_semaphore, #tpu.memory_space<semaphore_mem>>) src(%dma_wait3A_594 : memref<90000x32xf32, #tpu.memory_space<hbm>>) dst(%dma_wait3A_588 : memref<125x32xf32, #tpu.memory_space<vmem>>)
      %dma_start3A_597 = arith.constant 8 : i32
      %dma_start3A_598 = arith.constant 8 : i32
      %dma_start3A_599 = arith.constant 0 : i32
      %dma_start3A_600 = arith.constant 0 : i32
      %dma_start3A_601 = tpu.memref_slice %arg9[%dma_start3A_597, %dma_start3A_599, %dma_start3A_600] : memref<10x125x32xf32, #tpu.memory_space<vmem>> -> memref<1x125x32xf32, #tpu.memory_space<vmem>>
      %dma_start3A_602 = tpu.memref_squeeze %dma_start3A_601 : memref<1x125x32xf32, #tpu.memory_space<vmem>> -> memref<125x32xf32, #tpu.memory_space<vmem>>
      %dma_start3A_603 = arith.constant 0 : i32
      %dma_start3A_604 = tpu.memref_slice %arg8[%add3A_582, %dma_start3A_603] : memref<40x125xi32, #tpu.memory_space<vmem>> -> memref<1x125xi32, #tpu.memory_space<vmem>>
      %dma_start3A_605 = tpu.memref_squeeze %dma_start3A_604 : memref<1x125xi32, #tpu.memory_space<vmem>> -> memref<125xi32, #tpu.memory_space<vmem>>
      %dma_start3A_606 = arith.constant 0 : i32
      %dma_start3A_607 = arith.constant 0 : i32
      %dma_start3A_608 = tpu.memref_slice %arg10[%dma_start3A_606, %dma_start3A_607] : memref<10000x32xf32, #tpu.memory_space<vmem_shared>> -> memref<10000x32xf32, #tpu.memory_space<vmem_shared>>
      %dma_start3A_609 = tpu.memref_slice %arg13[%dma_start3A_598] : memref<10x!tpu.dma_semaphore, #tpu.memory_space<semaphore_mem>> -> memref<1x!tpu.dma_semaphore, #tpu.memory_space<semaphore_mem>>
      %dma_start3A_610 = tpu.memref_squeeze %dma_start3A_609 : memref<1x!tpu.dma_semaphore, #tpu.memory_space<semaphore_mem>> -> memref<!tpu.dma_semaphore, #tpu.memory_space<semaphore_mem>>
      tpu.enqueue_indirect_dma source(%dma_start3A_602 : memref<125x32xf32, #tpu.memory_space<vmem>>) target(%dma_start3A_608 : memref<10000x32xf32, #tpu.memory_space<vmem_shared>>) offsets(%dma_start3A_605 : memref<125xi32, #tpu.memory_space<vmem>>) semaphore(%dma_start3A_610 : memref<!tpu.dma_semaphore, #tpu.memory_space<semaphore_mem>>) {add = true}
      %add3A_611 = arith.constant 9 : i32
      %add3A_612 = arith.addi %mul3A_340, %add3A_611 : i32
      %dma_wait3A_613 = arith.constant 9 : i32
      %dma_wait3A_614 = arith.constant 9 : i32
      %dma_wait3A_615 = arith.constant 0 : i32
      %dma_wait3A_616 = arith.constant 0 : i32
      %dma_wait3A_617 = tpu.memref_slice %arg9[%dma_wait3A_613, %dma_wait3A_615, %dma_wait3A_616] : memref<10x125x32xf32, #tpu.memory_space<vmem>> -> memref<1x125x32xf32, #tpu.memory_space<vmem>>
      %dma_wait3A_618 = tpu.memref_squeeze %dma_wait3A_617 : memref<1x125x32xf32, #tpu.memory_space<vmem>> -> memref<125x32xf32, #tpu.memory_space<vmem>>
      %dma_wait3A_619 = arith.constant 0 : i32
      %dma_wait3A_620 = tpu.memref_slice %arg7[%add3A_612, %dma_wait3A_619] : memref<40x125xi32, #tpu.memory_space<vmem>> -> memref<1x125xi32, #tpu.memory_space<vmem>>
      %dma_wait3A_621 = tpu.memref_squeeze %dma_wait3A_620 : memref<1x125xi32, #tpu.memory_space<vmem>> -> memref<125xi32, #tpu.memory_space<vmem>>
      %dma_wait3A_622 = arith.constant 0 : i32
      %dma_wait3A_623 = arith.constant 0 : i32
      %dma_wait3A_624 = tpu.memref_slice %arg2[%dma_wait3A_622, %dma_wait3A_623] : memref<90000x32xf32, #tpu.memory_space<hbm>> -> memref<90000x32xf32, #tpu.memory_space<hbm>>
      %dma_wait3A_625 = tpu.memref_slice %arg12[%dma_wait3A_614] : memref<10x!tpu.dma_semaphore, #tpu.memory_space<semaphore_mem>> -> memref<1x!tpu.dma_semaphore, #tpu.memory_space<semaphore_mem>>
      %dma_wait3A_626 = tpu.memref_squeeze %dma_wait3A_625 : memref<1x!tpu.dma_semaphore, #tpu.memory_space<semaphore_mem>> -> memref<!tpu.dma_semaphore, #tpu.memory_space<semaphore_mem>>
      tpu.wait_indirect_dma semaphore(%dma_wait3A_626 : memref<!tpu.dma_semaphore, #tpu.memory_space<semaphore_mem>>) src(%dma_wait3A_624 : memref<90000x32xf32, #tpu.memory_space<hbm>>) dst(%dma_wait3A_618 : memref<125x32xf32, #tpu.memory_space<vmem>>)
      %dma_start3A_627 = arith.constant 9 : i32
      %dma_start3A_628 = arith.constant 9 : i32
      %dma_start3A_629 = arith.constant 0 : i32
      %dma_start3A_630 = arith.constant 0 : i32
      %dma_start3A_631 = tpu.memref_slice %arg9[%dma_start3A_627, %dma_start3A_629, %dma_start3A_630] : memref<10x125x32xf32, #tpu.memory_space<vmem>> -> memref<1x125x32xf32, #tpu.memory_space<vmem>>
      %dma_start3A_632 = tpu.memref_squeeze %dma_start3A_631 : memref<1x125x32xf32, #tpu.memory_space<vmem>> -> memref<125x32xf32, #tpu.memory_space<vmem>>
      %dma_start3A_633 = arith.constant 0 : i32
      %dma_start3A_634 = tpu.memref_slice %arg8[%add3A_612, %dma_start3A_633] : memref<40x125xi32, #tpu.memory_space<vmem>> -> memref<1x125xi32, #tpu.memory_space<vmem>>
      %dma_start3A_635 = tpu.memref_squeeze %dma_start3A_634 : memref<1x125xi32, #tpu.memory_space<vmem>> -> memref<125xi32, #tpu.memory_space<vmem>>
      %dma_start3A_636 = arith.constant 0 : i32
      %dma_start3A_637 = arith.constant 0 : i32
      %dma_start3A_638 = tpu.memref_slice %arg10[%dma_start3A_636, %dma_start3A_637] : memref<10000x32xf32, #tpu.memory_space<vmem_shared>> -> memref<10000x32xf32, #tpu.memory_space<vmem_shared>>
      %dma_start3A_639 = tpu.memref_slice %arg13[%dma_start3A_628] : memref<10x!tpu.dma_semaphore, #tpu.memory_space<semaphore_mem>> -> memref<1x!tpu.dma_semaphore, #tpu.memory_space<semaphore_mem>>
      %dma_start3A_640 = tpu.memref_squeeze %dma_start3A_639 : memref<1x!tpu.dma_semaphore, #tpu.memory_space<semaphore_mem>> -> memref<!tpu.dma_semaphore, #tpu.memory_space<semaphore_mem>>
      tpu.enqueue_indirect_dma source(%dma_start3A_632 : memref<125x32xf32, #tpu.memory_space<vmem>>) target(%dma_start3A_638 : memref<10000x32xf32, #tpu.memory_space<vmem_shared>>) offsets(%dma_start3A_635 : memref<125xi32, #tpu.memory_space<vmem>>) semaphore(%dma_start3A_640 : memref<!tpu.dma_semaphore, #tpu.memory_space<semaphore_mem>>) {add = true}
      %add3A_641 = arith.constant 0 : i32
      %add3A_642 = arith.addi %mul3A_340, %add3A_641 : i32
      %add3A_643 = arith.constant 10 : i32
      %add3A_644 = arith.addi %add3A_642, %add3A_643 : i32
      %lt3A = arith.constant 40 : i32
      %lt3A_645 = arith.cmpi slt, %add3A_644, %lt3A : i32
      %convert_element_type3A = arith.extui %lt3A_645 : i1 to i32
      %cond3A = arith.constant 0 : i32
      %cond3A_646 = arith.cmpi ne, %convert_element_type3A, %cond3A : i32
      scf.if %cond3A_646 {
        %dma_wait3A_728 = arith.constant 0 : i32
        %dma_wait3A_729 = arith.constant 0 : i32
        %dma_wait3A_730 = arith.constant 0 : i32
        %dma_wait3A_731 = arith.constant 0 : i32
        %dma_wait3A_732 = tpu.memref_slice %arg9[%dma_wait3A_728, %dma_wait3A_730, %dma_wait3A_731] : memref<10x125x32xf32, #tpu.memory_space<vmem>> -> memref<1x125x32xf32, #tpu.memory_space<vmem>>
        %dma_wait3A_733 = tpu.memref_squeeze %dma_wait3A_732 : memref<1x125x32xf32, #tpu.memory_space<vmem>> -> memref<125x32xf32, #tpu.memory_space<vmem>>
        %dma_wait3A_734 = arith.constant 0 : i32
        %dma_wait3A_735 = tpu.memref_slice %arg8[%add3A_642, %dma_wait3A_734] : memref<40x125xi32, #tpu.memory_space<vmem>> -> memref<1x125xi32, #tpu.memory_space<vmem>>
        %dma_wait3A_736 = tpu.memref_squeeze %dma_wait3A_735 : memref<1x125xi32, #tpu.memory_space<vmem>> -> memref<125xi32, #tpu.memory_space<vmem>>
        %dma_wait3A_737 = arith.constant 0 : i32
        %dma_wait3A_738 = arith.constant 0 : i32
        %dma_wait3A_739 = tpu.memref_slice %arg10[%dma_wait3A_737, %dma_wait3A_738] : memref<10000x32xf32, #tpu.memory_space<vmem_shared>> -> memref<10000x32xf32, #tpu.memory_space<vmem_shared>>
        %dma_wait3A_740 = tpu.memref_slice %arg13[%dma_wait3A_729] : memref<10x!tpu.dma_semaphore, #tpu.memory_space<semaphore_mem>> -> memref<1x!tpu.dma_semaphore, #tpu.memory_space<semaphore_mem>>
        %dma_wait3A_741 = tpu.memref_squeeze %dma_wait3A_740 : memref<1x!tpu.dma_semaphore, #tpu.memory_space<semaphore_mem>> -> memref<!tpu.dma_semaphore, #tpu.memory_space<semaphore_mem>>
        tpu.wait_indirect_dma semaphore(%dma_wait3A_741 : memref<!tpu.dma_semaphore, #tpu.memory_space<semaphore_mem>>) src(%dma_wait3A_733 : memref<125x32xf32, #tpu.memory_space<vmem>>) dst(%dma_wait3A_739 : memref<10000x32xf32, #tpu.memory_space<vmem_shared>>)
        %add3A_742 = arith.constant 10 : i32
        %add3A_743 = arith.addi %add3A_642, %add3A_742 : i32
        %dma_start3A_744 = arith.constant 0 : i32
        %dma_start3A_745 = arith.constant 0 : i32
        %dma_start3A_746 = arith.constant 0 : i32
        %dma_start3A_747 = arith.constant 0 : i32
        %dma_start3A_748 = tpu.memref_slice %arg9[%dma_start3A_744, %dma_start3A_746, %dma_start3A_747] : memref<10x125x32xf32, #tpu.memory_space<vmem>> -> memref<1x125x32xf32, #tpu.memory_space<vmem>>
        %dma_start3A_749 = tpu.memref_squeeze %dma_start3A_748 : memref<1x125x32xf32, #tpu.memory_space<vmem>> -> memref<125x32xf32, #tpu.memory_space<vmem>>
        %dma_start3A_750 = arith.constant 0 : i32
        %dma_start3A_751 = tpu.memref_slice %arg7[%add3A_743, %dma_start3A_750] : memref<40x125xi32, #tpu.memory_space<vmem>> -> memref<1x125xi32, #tpu.memory_space<vmem>>
        %dma_start3A_752 = tpu.memref_squeeze %dma_start3A_751 : memref<1x125xi32, #tpu.memory_space<vmem>> -> memref<125xi32, #tpu.memory_space<vmem>>
        %dma_start3A_753 = arith.constant 0 : i32
        %dma_start3A_754 = arith.constant 0 : i32
        %dma_start3A_755 = tpu.memref_slice %arg2[%dma_start3A_753, %dma_start3A_754] : memref<90000x32xf32, #tpu.memory_space<hbm>> -> memref<90000x32xf32, #tpu.memory_space<hbm>>
        %dma_start3A_756 = tpu.memref_slice %arg12[%dma_start3A_745] : memref<10x!tpu.dma_semaphore, #tpu.memory_space<semaphore_mem>> -> memref<1x!tpu.dma_semaphore, #tpu.memory_space<semaphore_mem>>
        %dma_start3A_757 = tpu.memref_squeeze %dma_start3A_756 : memref<1x!tpu.dma_semaphore, #tpu.memory_space<semaphore_mem>> -> memref<!tpu.dma_semaphore, #tpu.memory_space<semaphore_mem>>
        tpu.enqueue_indirect_dma source(%dma_start3A_755 : memref<90000x32xf32, #tpu.memory_space<hbm>>) target(%dma_start3A_749 : memref<125x32xf32, #tpu.memory_space<vmem>>) offsets(%dma_start3A_752 : memref<125xi32, #tpu.memory_space<vmem>>) semaphore(%dma_start3A_757 : memref<!tpu.dma_semaphore, #tpu.memory_space<semaphore_mem>>)
      } else {
      }
      %add3A_647 = arith.constant 1 : i32
      %add3A_648 = arith.addi %mul3A_340, %add3A_647 : i32
      %add3A_649 = arith.constant 10 : i32
      %add3A_650 = arith.addi %add3A_648, %add3A_649 : i32
      %lt3A_651 = arith.constant 40 : i32
      %lt3A_652 = arith.cmpi slt, %add3A_650, %lt3A_651 : i32
      %convert_element_type3A_653 = arith.extui %lt3A_652 : i1 to i32
      %cond3A_654 = arith.constant 0 : i32
      %cond3A_655 = arith.cmpi ne, %convert_element_type3A_653, %cond3A_654 : i32
      scf.if %cond3A_655 {
        %dma_wait3A_728 = arith.constant 1 : i32
        %dma_wait3A_729 = arith.constant 1 : i32
        %dma_wait3A_730 = arith.constant 0 : i32
        %dma_wait3A_731 = arith.constant 0 : i32
        %dma_wait3A_732 = tpu.memref_slice %arg9[%dma_wait3A_728, %dma_wait3A_730, %dma_wait3A_731] : memref<10x125x32xf32, #tpu.memory_space<vmem>> -> memref<1x125x32xf32, #tpu.memory_space<vmem>>
        %dma_wait3A_733 = tpu.memref_squeeze %dma_wait3A_732 : memref<1x125x32xf32, #tpu.memory_space<vmem>> -> memref<125x32xf32, #tpu.memory_space<vmem>>
        %dma_wait3A_734 = arith.constant 0 : i32
        %dma_wait3A_735 = tpu.memref_slice %arg8[%add3A_648, %dma_wait3A_734] : memref<40x125xi32, #tpu.memory_space<vmem>> -> memref<1x125xi32, #tpu.memory_space<vmem>>
        %dma_wait3A_736 = tpu.memref_squeeze %dma_wait3A_735 : memref<1x125xi32, #tpu.memory_space<vmem>> -> memref<125xi32, #tpu.memory_space<vmem>>
        %dma_wait3A_737 = arith.constant 0 : i32
        %dma_wait3A_738 = arith.constant 0 : i32
        %dma_wait3A_739 = tpu.memref_slice %arg10[%dma_wait3A_737, %dma_wait3A_738] : memref<10000x32xf32, #tpu.memory_space<vmem_shared>> -> memref<10000x32xf32, #tpu.memory_space<vmem_shared>>
        %dma_wait3A_740 = tpu.memref_slice %arg13[%dma_wait3A_729] : memref<10x!tpu.dma_semaphore, #tpu.memory_space<semaphore_mem>> -> memref<1x!tpu.dma_semaphore, #tpu.memory_space<semaphore_mem>>
        %dma_wait3A_741 = tpu.memref_squeeze %dma_wait3A_740 : memref<1x!tpu.dma_semaphore, #tpu.memory_space<semaphore_mem>> -> memref<!tpu.dma_semaphore, #tpu.memory_space<semaphore_mem>>
        tpu.wait_indirect_dma semaphore(%dma_wait3A_741 : memref<!tpu.dma_semaphore, #tpu.memory_space<semaphore_mem>>) src(%dma_wait3A_733 : memref<125x32xf32, #tpu.memory_space<vmem>>) dst(%dma_wait3A_739 : memref<10000x32xf32, #tpu.memory_space<vmem_shared>>)
        %add3A_742 = arith.constant 10 : i32
        %add3A_743 = arith.addi %add3A_648, %add3A_742 : i32
        %dma_start3A_744 = arith.constant 1 : i32
        %dma_start3A_745 = arith.constant 1 : i32
        %dma_start3A_746 = arith.constant 0 : i32
        %dma_start3A_747 = arith.constant 0 : i32
        %dma_start3A_748 = tpu.memref_slice %arg9[%dma_start3A_744, %dma_start3A_746, %dma_start3A_747] : memref<10x125x32xf32, #tpu.memory_space<vmem>> -> memref<1x125x32xf32, #tpu.memory_space<vmem>>
        %dma_start3A_749 = tpu.memref_squeeze %dma_start3A_748 : memref<1x125x32xf32, #tpu.memory_space<vmem>> -> memref<125x32xf32, #tpu.memory_space<vmem>>
        %dma_start3A_750 = arith.constant 0 : i32
        %dma_start3A_751 = tpu.memref_slice %arg7[%add3A_743, %dma_start3A_750] : memref<40x125xi32, #tpu.memory_space<vmem>> -> memref<1x125xi32, #tpu.memory_space<vmem>>
        %dma_start3A_752 = tpu.memref_squeeze %dma_start3A_751 : memref<1x125xi32, #tpu.memory_space<vmem>> -> memref<125xi32, #tpu.memory_space<vmem>>
        %dma_start3A_753 = arith.constant 0 : i32
        %dma_start3A_754 = arith.constant 0 : i32
        %dma_start3A_755 = tpu.memref_slice %arg2[%dma_start3A_753, %dma_start3A_754] : memref<90000x32xf32, #tpu.memory_space<hbm>> -> memref<90000x32xf32, #tpu.memory_space<hbm>>
        %dma_start3A_756 = tpu.memref_slice %arg12[%dma_start3A_745] : memref<10x!tpu.dma_semaphore, #tpu.memory_space<semaphore_mem>> -> memref<1x!tpu.dma_semaphore, #tpu.memory_space<semaphore_mem>>
        %dma_start3A_757 = tpu.memref_squeeze %dma_start3A_756 : memref<1x!tpu.dma_semaphore, #tpu.memory_space<semaphore_mem>> -> memref<!tpu.dma_semaphore, #tpu.memory_space<semaphore_mem>>
        tpu.enqueue_indirect_dma source(%dma_start3A_755 : memref<90000x32xf32, #tpu.memory_space<hbm>>) target(%dma_start3A_749 : memref<125x32xf32, #tpu.memory_space<vmem>>) offsets(%dma_start3A_752 : memref<125xi32, #tpu.memory_space<vmem>>) semaphore(%dma_start3A_757 : memref<!tpu.dma_semaphore, #tpu.memory_space<semaphore_mem>>)
      } else {
      }
      %add3A_656 = arith.constant 2 : i32
      %add3A_657 = arith.addi %mul3A_340, %add3A_656 : i32
      %add3A_658 = arith.constant 10 : i32
      %add3A_659 = arith.addi %add3A_657, %add3A_658 : i32
      %lt3A_660 = arith.constant 40 : i32
      %lt3A_661 = arith.cmpi slt, %add3A_659, %lt3A_660 : i32
      %convert_element_type3A_662 = arith.extui %lt3A_661 : i1 to i32
      %cond3A_663 = arith.constant 0 : i32
      %cond3A_664 = arith.cmpi ne, %convert_element_type3A_662, %cond3A_663 : i32
      scf.if %cond3A_664 {
        %dma_wait3A_728 = arith.constant 2 : i32
        %dma_wait3A_729 = arith.constant 2 : i32
        %dma_wait3A_730 = arith.constant 0 : i32
        %dma_wait3A_731 = arith.constant 0 : i32
        %dma_wait3A_732 = tpu.memref_slice %arg9[%dma_wait3A_728, %dma_wait3A_730, %dma_wait3A_731] : memref<10x125x32xf32, #tpu.memory_space<vmem>> -> memref<1x125x32xf32, #tpu.memory_space<vmem>>
        %dma_wait3A_733 = tpu.memref_squeeze %dma_wait3A_732 : memref<1x125x32xf32, #tpu.memory_space<vmem>> -> memref<125x32xf32, #tpu.memory_space<vmem>>
        %dma_wait3A_734 = arith.constant 0 : i32
        %dma_wait3A_735 = tpu.memref_slice %arg8[%add3A_657, %dma_wait3A_734] : memref<40x125xi32, #tpu.memory_space<vmem>> -> memref<1x125xi32, #tpu.memory_space<vmem>>
        %dma_wait3A_736 = tpu.memref_squeeze %dma_wait3A_735 : memref<1x125xi32, #tpu.memory_space<vmem>> -> memref<125xi32, #tpu.memory_space<vmem>>
        %dma_wait3A_737 = arith.constant 0 : i32
        %dma_wait3A_738 = arith.constant 0 : i32
        %dma_wait3A_739 = tpu.memref_slice %arg10[%dma_wait3A_737, %dma_wait3A_738] : memref<10000x32xf32, #tpu.memory_space<vmem_shared>> -> memref<10000x32xf32, #tpu.memory_space<vmem_shared>>
        %dma_wait3A_740 = tpu.memref_slice %arg13[%dma_wait3A_729] : memref<10x!tpu.dma_semaphore, #tpu.memory_space<semaphore_mem>> -> memref<1x!tpu.dma_semaphore, #tpu.memory_space<semaphore_mem>>
        %dma_wait3A_741 = tpu.memref_squeeze %dma_wait3A_740 : memref<1x!tpu.dma_semaphore, #tpu.memory_space<semaphore_mem>> -> memref<!tpu.dma_semaphore, #tpu.memory_space<semaphore_mem>>
        tpu.wait_indirect_dma semaphore(%dma_wait3A_741 : memref<!tpu.dma_semaphore, #tpu.memory_space<semaphore_mem>>) src(%dma_wait3A_733 : memref<125x32xf32, #tpu.memory_space<vmem>>) dst(%dma_wait3A_739 : memref<10000x32xf32, #tpu.memory_space<vmem_shared>>)
        %add3A_742 = arith.constant 10 : i32
        %add3A_743 = arith.addi %add3A_657, %add3A_742 : i32
        %dma_start3A_744 = arith.constant 2 : i32
        %dma_start3A_745 = arith.constant 2 : i32
        %dma_start3A_746 = arith.constant 0 : i32
        %dma_start3A_747 = arith.constant 0 : i32
        %dma_start3A_748 = tpu.memref_slice %arg9[%dma_start3A_744, %dma_start3A_746, %dma_start3A_747] : memref<10x125x32xf32, #tpu.memory_space<vmem>> -> memref<1x125x32xf32, #tpu.memory_space<vmem>>
        %dma_start3A_749 = tpu.memref_squeeze %dma_start3A_748 : memref<1x125x32xf32, #tpu.memory_space<vmem>> -> memref<125x32xf32, #tpu.memory_space<vmem>>
        %dma_start3A_750 = arith.constant 0 : i32
        %dma_start3A_751 = tpu.memref_slice %arg7[%add3A_743, %dma_start3A_750] : memref<40x125xi32, #tpu.memory_space<vmem>> -> memref<1x125xi32, #tpu.memory_space<vmem>>
        %dma_start3A_752 = tpu.memref_squeeze %dma_start3A_751 : memref<1x125xi32, #tpu.memory_space<vmem>> -> memref<125xi32, #tpu.memory_space<vmem>>
        %dma_start3A_753 = arith.constant 0 : i32
        %dma_start3A_754 = arith.constant 0 : i32
        %dma_start3A_755 = tpu.memref_slice %arg2[%dma_start3A_753, %dma_start3A_754] : memref<90000x32xf32, #tpu.memory_space<hbm>> -> memref<90000x32xf32, #tpu.memory_space<hbm>>
        %dma_start3A_756 = tpu.memref_slice %arg12[%dma_start3A_745] : memref<10x!tpu.dma_semaphore, #tpu.memory_space<semaphore_mem>> -> memref<1x!tpu.dma_semaphore, #tpu.memory_space<semaphore_mem>>
        %dma_start3A_757 = tpu.memref_squeeze %dma_start3A_756 : memref<1x!tpu.dma_semaphore, #tpu.memory_space<semaphore_mem>> -> memref<!tpu.dma_semaphore, #tpu.memory_space<semaphore_mem>>
        tpu.enqueue_indirect_dma source(%dma_start3A_755 : memref<90000x32xf32, #tpu.memory_space<hbm>>) target(%dma_start3A_749 : memref<125x32xf32, #tpu.memory_space<vmem>>) offsets(%dma_start3A_752 : memref<125xi32, #tpu.memory_space<vmem>>) semaphore(%dma_start3A_757 : memref<!tpu.dma_semaphore, #tpu.memory_space<semaphore_mem>>)
      } else {
      }
      %add3A_665 = arith.constant 3 : i32
      %add3A_666 = arith.addi %mul3A_340, %add3A_665 : i32
      %add3A_667 = arith.constant 10 : i32
      %add3A_668 = arith.addi %add3A_666, %add3A_667 : i32
      %lt3A_669 = arith.constant 40 : i32
      %lt3A_670 = arith.cmpi slt, %add3A_668, %lt3A_669 : i32
      %convert_element_type3A_671 = arith.extui %lt3A_670 : i1 to i32
      %cond3A_672 = arith.constant 0 : i32
      %cond3A_673 = arith.cmpi ne, %convert_element_type3A_671, %cond3A_672 : i32
      scf.if %cond3A_673 {
        %dma_wait3A_728 = arith.constant 3 : i32
        %dma_wait3A_729 = arith.constant 3 : i32
        %dma_wait3A_730 = arith.constant 0 : i32
        %dma_wait3A_731 = arith.constant 0 : i32
        %dma_wait3A_732 = tpu.memref_slice %arg9[%dma_wait3A_728, %dma_wait3A_730, %dma_wait3A_731] : memref<10x125x32xf32, #tpu.memory_space<vmem>> -> memref<1x125x32xf32, #tpu.memory_space<vmem>>
        %dma_wait3A_733 = tpu.memref_squeeze %dma_wait3A_732 : memref<1x125x32xf32, #tpu.memory_space<vmem>> -> memref<125x32xf32, #tpu.memory_space<vmem>>
        %dma_wait3A_734 = arith.constant 0 : i32
        %dma_wait3A_735 = tpu.memref_slice %arg8[%add3A_666, %dma_wait3A_734] : memref<40x125xi32, #tpu.memory_space<vmem>> -> memref<1x125xi32, #tpu.memory_space<vmem>>
        %dma_wait3A_736 = tpu.memref_squeeze %dma_wait3A_735 : memref<1x125xi32, #tpu.memory_space<vmem>> -> memref<125xi32, #tpu.memory_space<vmem>>
        %dma_wait3A_737 = arith.constant 0 : i32
        %dma_wait3A_738 = arith.constant 0 : i32
        %dma_wait3A_739 = tpu.memref_slice %arg10[%dma_wait3A_737, %dma_wait3A_738] : memref<10000x32xf32, #tpu.memory_space<vmem_shared>> -> memref<10000x32xf32, #tpu.memory_space<vmem_shared>>
        %dma_wait3A_740 = tpu.memref_slice %arg13[%dma_wait3A_729] : memref<10x!tpu.dma_semaphore, #tpu.memory_space<semaphore_mem>> -> memref<1x!tpu.dma_semaphore, #tpu.memory_space<semaphore_mem>>
        %dma_wait3A_741 = tpu.memref_squeeze %dma_wait3A_740 : memref<1x!tpu.dma_semaphore, #tpu.memory_space<semaphore_mem>> -> memref<!tpu.dma_semaphore, #tpu.memory_space<semaphore_mem>>
        tpu.wait_indirect_dma semaphore(%dma_wait3A_741 : memref<!tpu.dma_semaphore, #tpu.memory_space<semaphore_mem>>) src(%dma_wait3A_733 : memref<125x32xf32, #tpu.memory_space<vmem>>) dst(%dma_wait3A_739 : memref<10000x32xf32, #tpu.memory_space<vmem_shared>>)
        %add3A_742 = arith.constant 10 : i32
        %add3A_743 = arith.addi %add3A_666, %add3A_742 : i32
        %dma_start3A_744 = arith.constant 3 : i32
        %dma_start3A_745 = arith.constant 3 : i32
        %dma_start3A_746 = arith.constant 0 : i32
        %dma_start3A_747 = arith.constant 0 : i32
        %dma_start3A_748 = tpu.memref_slice %arg9[%dma_start3A_744, %dma_start3A_746, %dma_start3A_747] : memref<10x125x32xf32, #tpu.memory_space<vmem>> -> memref<1x125x32xf32, #tpu.memory_space<vmem>>
        %dma_start3A_749 = tpu.memref_squeeze %dma_start3A_748 : memref<1x125x32xf32, #tpu.memory_space<vmem>> -> memref<125x32xf32, #tpu.memory_space<vmem>>
        %dma_start3A_750 = arith.constant 0 : i32
        %dma_start3A_751 = tpu.memref_slice %arg7[%add3A_743, %dma_start3A_750] : memref<40x125xi32, #tpu.memory_space<vmem>> -> memref<1x125xi32, #tpu.memory_space<vmem>>
        %dma_start3A_752 = tpu.memref_squeeze %dma_start3A_751 : memref<1x125xi32, #tpu.memory_space<vmem>> -> memref<125xi32, #tpu.memory_space<vmem>>
        %dma_start3A_753 = arith.constant 0 : i32
        %dma_start3A_754 = arith.constant 0 : i32
        %dma_start3A_755 = tpu.memref_slice %arg2[%dma_start3A_753, %dma_start3A_754] : memref<90000x32xf32, #tpu.memory_space<hbm>> -> memref<90000x32xf32, #tpu.memory_space<hbm>>
        %dma_start3A_756 = tpu.memref_slice %arg12[%dma_start3A_745] : memref<10x!tpu.dma_semaphore, #tpu.memory_space<semaphore_mem>> -> memref<1x!tpu.dma_semaphore, #tpu.memory_space<semaphore_mem>>
        %dma_start3A_757 = tpu.memref_squeeze %dma_start3A_756 : memref<1x!tpu.dma_semaphore, #tpu.memory_space<semaphore_mem>> -> memref<!tpu.dma_semaphore, #tpu.memory_space<semaphore_mem>>
        tpu.enqueue_indirect_dma source(%dma_start3A_755 : memref<90000x32xf32, #tpu.memory_space<hbm>>) target(%dma_start3A_749 : memref<125x32xf32, #tpu.memory_space<vmem>>) offsets(%dma_start3A_752 : memref<125xi32, #tpu.memory_space<vmem>>) semaphore(%dma_start3A_757 : memref<!tpu.dma_semaphore, #tpu.memory_space<semaphore_mem>>)
      } else {
      }
      %add3A_674 = arith.constant 4 : i32
      %add3A_675 = arith.addi %mul3A_340, %add3A_674 : i32
      %add3A_676 = arith.constant 10 : i32
      %add3A_677 = arith.addi %add3A_675, %add3A_676 : i32
      %lt3A_678 = arith.constant 40 : i32
      %lt3A_679 = arith.cmpi slt, %add3A_677, %lt3A_678 : i32
      %convert_element_type3A_680 = arith.extui %lt3A_679 : i1 to i32
      %cond3A_681 = arith.constant 0 : i32
      %cond3A_682 = arith.cmpi ne, %convert_element_type3A_680, %cond3A_681 : i32
      scf.if %cond3A_682 {
        %dma_wait3A_728 = arith.constant 4 : i32
        %dma_wait3A_729 = arith.constant 4 : i32
        %dma_wait3A_730 = arith.constant 0 : i32
        %dma_wait3A_731 = arith.constant 0 : i32
        %dma_wait3A_732 = tpu.memref_slice %arg9[%dma_wait3A_728, %dma_wait3A_730, %dma_wait3A_731] : memref<10x125x32xf32, #tpu.memory_space<vmem>> -> memref<1x125x32xf32, #tpu.memory_space<vmem>>
        %dma_wait3A_733 = tpu.memref_squeeze %dma_wait3A_732 : memref<1x125x32xf32, #tpu.memory_space<vmem>> -> memref<125x32xf32, #tpu.memory_space<vmem>>
        %dma_wait3A_734 = arith.constant 0 : i32
        %dma_wait3A_735 = tpu.memref_slice %arg8[%add3A_675, %dma_wait3A_734] : memref<40x125xi32, #tpu.memory_space<vmem>> -> memref<1x125xi32, #tpu.memory_space<vmem>>
        %dma_wait3A_736 = tpu.memref_squeeze %dma_wait3A_735 : memref<1x125xi32, #tpu.memory_space<vmem>> -> memref<125xi32, #tpu.memory_space<vmem>>
        %dma_wait3A_737 = arith.constant 0 : i32
        %dma_wait3A_738 = arith.constant 0 : i32
        %dma_wait3A_739 = tpu.memref_slice %arg10[%dma_wait3A_737, %dma_wait3A_738] : memref<10000x32xf32, #tpu.memory_space<vmem_shared>> -> memref<10000x32xf32, #tpu.memory_space<vmem_shared>>
        %dma_wait3A_740 = tpu.memref_slice %arg13[%dma_wait3A_729] : memref<10x!tpu.dma_semaphore, #tpu.memory_space<semaphore_mem>> -> memref<1x!tpu.dma_semaphore, #tpu.memory_space<semaphore_mem>>
        %dma_wait3A_741 = tpu.memref_squeeze %dma_wait3A_740 : memref<1x!tpu.dma_semaphore, #tpu.memory_space<semaphore_mem>> -> memref<!tpu.dma_semaphore, #tpu.memory_space<semaphore_mem>>
        tpu.wait_indirect_dma semaphore(%dma_wait3A_741 : memref<!tpu.dma_semaphore, #tpu.memory_space<semaphore_mem>>) src(%dma_wait3A_733 : memref<125x32xf32, #tpu.memory_space<vmem>>) dst(%dma_wait3A_739 : memref<10000x32xf32, #tpu.memory_space<vmem_shared>>)
        %add3A_742 = arith.constant 10 : i32
        %add3A_743 = arith.addi %add3A_675, %add3A_742 : i32
        %dma_start3A_744 = arith.constant 4 : i32
        %dma_start3A_745 = arith.constant 4 : i32
        %dma_start3A_746 = arith.constant 0 : i32
        %dma_start3A_747 = arith.constant 0 : i32
        %dma_start3A_748 = tpu.memref_slice %arg9[%dma_start3A_744, %dma_start3A_746, %dma_start3A_747] : memref<10x125x32xf32, #tpu.memory_space<vmem>> -> memref<1x125x32xf32, #tpu.memory_space<vmem>>
        %dma_start3A_749 = tpu.memref_squeeze %dma_start3A_748 : memref<1x125x32xf32, #tpu.memory_space<vmem>> -> memref<125x32xf32, #tpu.memory_space<vmem>>
        %dma_start3A_750 = arith.constant 0 : i32
        %dma_start3A_751 = tpu.memref_slice %arg7[%add3A_743, %dma_start3A_750] : memref<40x125xi32, #tpu.memory_space<vmem>> -> memref<1x125xi32, #tpu.memory_space<vmem>>
        %dma_start3A_752 = tpu.memref_squeeze %dma_start3A_751 : memref<1x125xi32, #tpu.memory_space<vmem>> -> memref<125xi32, #tpu.memory_space<vmem>>
        %dma_start3A_753 = arith.constant 0 : i32
        %dma_start3A_754 = arith.constant 0 : i32
        %dma_start3A_755 = tpu.memref_slice %arg2[%dma_start3A_753, %dma_start3A_754] : memref<90000x32xf32, #tpu.memory_space<hbm>> -> memref<90000x32xf32, #tpu.memory_space<hbm>>
        %dma_start3A_756 = tpu.memref_slice %arg12[%dma_start3A_745] : memref<10x!tpu.dma_semaphore, #tpu.memory_space<semaphore_mem>> -> memref<1x!tpu.dma_semaphore, #tpu.memory_space<semaphore_mem>>
        %dma_start3A_757 = tpu.memref_squeeze %dma_start3A_756 : memref<1x!tpu.dma_semaphore, #tpu.memory_space<semaphore_mem>> -> memref<!tpu.dma_semaphore, #tpu.memory_space<semaphore_mem>>
        tpu.enqueue_indirect_dma source(%dma_start3A_755 : memref<90000x32xf32, #tpu.memory_space<hbm>>) target(%dma_start3A_749 : memref<125x32xf32, #tpu.memory_space<vmem>>) offsets(%dma_start3A_752 : memref<125xi32, #tpu.memory_space<vmem>>) semaphore(%dma_start3A_757 : memref<!tpu.dma_semaphore, #tpu.memory_space<semaphore_mem>>)
      } else {
      }
      %add3A_683 = arith.constant 5 : i32
      %add3A_684 = arith.addi %mul3A_340, %add3A_683 : i32
      %add3A_685 = arith.constant 10 : i32
      %add3A_686 = arith.addi %add3A_684, %add3A_685 : i32
      %lt3A_687 = arith.constant 40 : i32
      %lt3A_688 = arith.cmpi slt, %add3A_686, %lt3A_687 : i32
      %convert_element_type3A_689 = arith.extui %lt3A_688 : i1 to i32
      %cond3A_690 = arith.constant 0 : i32
      %cond3A_691 = arith.cmpi ne, %convert_element_type3A_689, %cond3A_690 : i32
      scf.if %cond3A_691 {
        %dma_wait3A_728 = arith.constant 5 : i32
        %dma_wait3A_729 = arith.constant 5 : i32
        %dma_wait3A_730 = arith.constant 0 : i32
        %dma_wait3A_731 = arith.constant 0 : i32
        %dma_wait3A_732 = tpu.memref_slice %arg9[%dma_wait3A_728, %dma_wait3A_730, %dma_wait3A_731] : memref<10x125x32xf32, #tpu.memory_space<vmem>> -> memref<1x125x32xf32, #tpu.memory_space<vmem>>
        %dma_wait3A_733 = tpu.memref_squeeze %dma_wait3A_732 : memref<1x125x32xf32, #tpu.memory_space<vmem>> -> memref<125x32xf32, #tpu.memory_space<vmem>>
        %dma_wait3A_734 = arith.constant 0 : i32
        %dma_wait3A_735 = tpu.memref_slice %arg8[%add3A_684, %dma_wait3A_734] : memref<40x125xi32, #tpu.memory_space<vmem>> -> memref<1x125xi32, #tpu.memory_space<vmem>>
        %dma_wait3A_736 = tpu.memref_squeeze %dma_wait3A_735 : memref<1x125xi32, #tpu.memory_space<vmem>> -> memref<125xi32, #tpu.memory_space<vmem>>
        %dma_wait3A_737 = arith.constant 0 : i32
        %dma_wait3A_738 = arith.constant 0 : i32
        %dma_wait3A_739 = tpu.memref_slice %arg10[%dma_wait3A_737, %dma_wait3A_738] : memref<10000x32xf32, #tpu.memory_space<vmem_shared>> -> memref<10000x32xf32, #tpu.memory_space<vmem_shared>>
        %dma_wait3A_740 = tpu.memref_slice %arg13[%dma_wait3A_729] : memref<10x!tpu.dma_semaphore, #tpu.memory_space<semaphore_mem>> -> memref<1x!tpu.dma_semaphore, #tpu.memory_space<semaphore_mem>>
        %dma_wait3A_741 = tpu.memref_squeeze %dma_wait3A_740 : memref<1x!tpu.dma_semaphore, #tpu.memory_space<semaphore_mem>> -> memref<!tpu.dma_semaphore, #tpu.memory_space<semaphore_mem>>
        tpu.wait_indirect_dma semaphore(%dma_wait3A_741 : memref<!tpu.dma_semaphore, #tpu.memory_space<semaphore_mem>>) src(%dma_wait3A_733 : memref<125x32xf32, #tpu.memory_space<vmem>>) dst(%dma_wait3A_739 : memref<10000x32xf32, #tpu.memory_space<vmem_shared>>)
        %add3A_742 = arith.constant 10 : i32
        %add3A_743 = arith.addi %add3A_684, %add3A_742 : i32
        %dma_start3A_744 = arith.constant 5 : i32
        %dma_start3A_745 = arith.constant 5 : i32
        %dma_start3A_746 = arith.constant 0 : i32
        %dma_start3A_747 = arith.constant 0 : i32
        %dma_start3A_748 = tpu.memref_slice %arg9[%dma_start3A_744, %dma_start3A_746, %dma_start3A_747] : memref<10x125x32xf32, #tpu.memory_space<vmem>> -> memref<1x125x32xf32, #tpu.memory_space<vmem>>
        %dma_start3A_749 = tpu.memref_squeeze %dma_start3A_748 : memref<1x125x32xf32, #tpu.memory_space<vmem>> -> memref<125x32xf32, #tpu.memory_space<vmem>>
        %dma_start3A_750 = arith.constant 0 : i32
        %dma_start3A_751 = tpu.memref_slice %arg7[%add3A_743, %dma_start3A_750] : memref<40x125xi32, #tpu.memory_space<vmem>> -> memref<1x125xi32, #tpu.memory_space<vmem>>
        %dma_start3A_752 = tpu.memref_squeeze %dma_start3A_751 : memref<1x125xi32, #tpu.memory_space<vmem>> -> memref<125xi32, #tpu.memory_space<vmem>>
        %dma_start3A_753 = arith.constant 0 : i32
        %dma_start3A_754 = arith.constant 0 : i32
        %dma_start3A_755 = tpu.memref_slice %arg2[%dma_start3A_753, %dma_start3A_754] : memref<90000x32xf32, #tpu.memory_space<hbm>> -> memref<90000x32xf32, #tpu.memory_space<hbm>>
        %dma_start3A_756 = tpu.memref_slice %arg12[%dma_start3A_745] : memref<10x!tpu.dma_semaphore, #tpu.memory_space<semaphore_mem>> -> memref<1x!tpu.dma_semaphore, #tpu.memory_space<semaphore_mem>>
        %dma_start3A_757 = tpu.memref_squeeze %dma_start3A_756 : memref<1x!tpu.dma_semaphore, #tpu.memory_space<semaphore_mem>> -> memref<!tpu.dma_semaphore, #tpu.memory_space<semaphore_mem>>
        tpu.enqueue_indirect_dma source(%dma_start3A_755 : memref<90000x32xf32, #tpu.memory_space<hbm>>) target(%dma_start3A_749 : memref<125x32xf32, #tpu.memory_space<vmem>>) offsets(%dma_start3A_752 : memref<125xi32, #tpu.memory_space<vmem>>) semaphore(%dma_start3A_757 : memref<!tpu.dma_semaphore, #tpu.memory_space<semaphore_mem>>)
      } else {
      }
      %add3A_692 = arith.constant 6 : i32
      %add3A_693 = arith.addi %mul3A_340, %add3A_692 : i32
      %add3A_694 = arith.constant 10 : i32
      %add3A_695 = arith.addi %add3A_693, %add3A_694 : i32
      %lt3A_696 = arith.constant 40 : i32
      %lt3A_697 = arith.cmpi slt, %add3A_695, %lt3A_696 : i32
      %convert_element_type3A_698 = arith.extui %lt3A_697 : i1 to i32
      %cond3A_699 = arith.constant 0 : i32
      %cond3A_700 = arith.cmpi ne, %convert_element_type3A_698, %cond3A_699 : i32
      scf.if %cond3A_700 {
        %dma_wait3A_728 = arith.constant 6 : i32
        %dma_wait3A_729 = arith.constant 6 : i32
        %dma_wait3A_730 = arith.constant 0 : i32
        %dma_wait3A_731 = arith.constant 0 : i32
        %dma_wait3A_732 = tpu.memref_slice %arg9[%dma_wait3A_728, %dma_wait3A_730, %dma_wait3A_731] : memref<10x125x32xf32, #tpu.memory_space<vmem>> -> memref<1x125x32xf32, #tpu.memory_space<vmem>>
        %dma_wait3A_733 = tpu.memref_squeeze %dma_wait3A_732 : memref<1x125x32xf32, #tpu.memory_space<vmem>> -> memref<125x32xf32, #tpu.memory_space<vmem>>
        %dma_wait3A_734 = arith.constant 0 : i32
        %dma_wait3A_735 = tpu.memref_slice %arg8[%add3A_693, %dma_wait3A_734] : memref<40x125xi32, #tpu.memory_space<vmem>> -> memref<1x125xi32, #tpu.memory_space<vmem>>
        %dma_wait3A_736 = tpu.memref_squeeze %dma_wait3A_735 : memref<1x125xi32, #tpu.memory_space<vmem>> -> memref<125xi32, #tpu.memory_space<vmem>>
        %dma_wait3A_737 = arith.constant 0 : i32
        %dma_wait3A_738 = arith.constant 0 : i32
        %dma_wait3A_739 = tpu.memref_slice %arg10[%dma_wait3A_737, %dma_wait3A_738] : memref<10000x32xf32, #tpu.memory_space<vmem_shared>> -> memref<10000x32xf32, #tpu.memory_space<vmem_shared>>
        %dma_wait3A_740 = tpu.memref_slice %arg13[%dma_wait3A_729] : memref<10x!tpu.dma_semaphore, #tpu.memory_space<semaphore_mem>> -> memref<1x!tpu.dma_semaphore, #tpu.memory_space<semaphore_mem>>
        %dma_wait3A_741 = tpu.memref_squeeze %dma_wait3A_740 : memref<1x!tpu.dma_semaphore, #tpu.memory_space<semaphore_mem>> -> memref<!tpu.dma_semaphore, #tpu.memory_space<semaphore_mem>>
        tpu.wait_indirect_dma semaphore(%dma_wait3A_741 : memref<!tpu.dma_semaphore, #tpu.memory_space<semaphore_mem>>) src(%dma_wait3A_733 : memref<125x32xf32, #tpu.memory_space<vmem>>) dst(%dma_wait3A_739 : memref<10000x32xf32, #tpu.memory_space<vmem_shared>>)
        %add3A_742 = arith.constant 10 : i32
        %add3A_743 = arith.addi %add3A_693, %add3A_742 : i32
        %dma_start3A_744 = arith.constant 6 : i32
        %dma_start3A_745 = arith.constant 6 : i32
        %dma_start3A_746 = arith.constant 0 : i32
        %dma_start3A_747 = arith.constant 0 : i32
        %dma_start3A_748 = tpu.memref_slice %arg9[%dma_start3A_744, %dma_start3A_746, %dma_start3A_747] : memref<10x125x32xf32, #tpu.memory_space<vmem>> -> memref<1x125x32xf32, #tpu.memory_space<vmem>>
        %dma_start3A_749 = tpu.memref_squeeze %dma_start3A_748 : memref<1x125x32xf32, #tpu.memory_space<vmem>> -> memref<125x32xf32, #tpu.memory_space<vmem>>
        %dma_start3A_750 = arith.constant 0 : i32
        %dma_start3A_751 = tpu.memref_slice %arg7[%add3A_743, %dma_start3A_750] : memref<40x125xi32, #tpu.memory_space<vmem>> -> memref<1x125xi32, #tpu.memory_space<vmem>>
        %dma_start3A_752 = tpu.memref_squeeze %dma_start3A_751 : memref<1x125xi32, #tpu.memory_space<vmem>> -> memref<125xi32, #tpu.memory_space<vmem>>
        %dma_start3A_753 = arith.constant 0 : i32
        %dma_start3A_754 = arith.constant 0 : i32
        %dma_start3A_755 = tpu.memref_slice %arg2[%dma_start3A_753, %dma_start3A_754] : memref<90000x32xf32, #tpu.memory_space<hbm>> -> memref<90000x32xf32, #tpu.memory_space<hbm>>
        %dma_start3A_756 = tpu.memref_slice %arg12[%dma_start3A_745] : memref<10x!tpu.dma_semaphore, #tpu.memory_space<semaphore_mem>> -> memref<1x!tpu.dma_semaphore, #tpu.memory_space<semaphore_mem>>
        %dma_start3A_757 = tpu.memref_squeeze %dma_start3A_756 : memref<1x!tpu.dma_semaphore, #tpu.memory_space<semaphore_mem>> -> memref<!tpu.dma_semaphore, #tpu.memory_space<semaphore_mem>>
        tpu.enqueue_indirect_dma source(%dma_start3A_755 : memref<90000x32xf32, #tpu.memory_space<hbm>>) target(%dma_start3A_749 : memref<125x32xf32, #tpu.memory_space<vmem>>) offsets(%dma_start3A_752 : memref<125xi32, #tpu.memory_space<vmem>>) semaphore(%dma_start3A_757 : memref<!tpu.dma_semaphore, #tpu.memory_space<semaphore_mem>>)
      } else {
      }
      %add3A_701 = arith.constant 7 : i32
      %add3A_702 = arith.addi %mul3A_340, %add3A_701 : i32
      %add3A_703 = arith.constant 10 : i32
      %add3A_704 = arith.addi %add3A_702, %add3A_703 : i32
      %lt3A_705 = arith.constant 40 : i32
      %lt3A_706 = arith.cmpi slt, %add3A_704, %lt3A_705 : i32
      %convert_element_type3A_707 = arith.extui %lt3A_706 : i1 to i32
      %cond3A_708 = arith.constant 0 : i32
      %cond3A_709 = arith.cmpi ne, %convert_element_type3A_707, %cond3A_708 : i32
      scf.if %cond3A_709 {
        %dma_wait3A_728 = arith.constant 7 : i32
        %dma_wait3A_729 = arith.constant 7 : i32
        %dma_wait3A_730 = arith.constant 0 : i32
        %dma_wait3A_731 = arith.constant 0 : i32
        %dma_wait3A_732 = tpu.memref_slice %arg9[%dma_wait3A_728, %dma_wait3A_730, %dma_wait3A_731] : memref<10x125x32xf32, #tpu.memory_space<vmem>> -> memref<1x125x32xf32, #tpu.memory_space<vmem>>
        %dma_wait3A_733 = tpu.memref_squeeze %dma_wait3A_732 : memref<1x125x32xf32, #tpu.memory_space<vmem>> -> memref<125x32xf32, #tpu.memory_space<vmem>>
        %dma_wait3A_734 = arith.constant 0 : i32
        %dma_wait3A_735 = tpu.memref_slice %arg8[%add3A_702, %dma_wait3A_734] : memref<40x125xi32, #tpu.memory_space<vmem>> -> memref<1x125xi32, #tpu.memory_space<vmem>>
        %dma_wait3A_736 = tpu.memref_squeeze %dma_wait3A_735 : memref<1x125xi32, #tpu.memory_space<vmem>> -> memref<125xi32, #tpu.memory_space<vmem>>
        %dma_wait3A_737 = arith.constant 0 : i32
        %dma_wait3A_738 = arith.constant 0 : i32
        %dma_wait3A_739 = tpu.memref_slice %arg10[%dma_wait3A_737, %dma_wait3A_738] : memref<10000x32xf32, #tpu.memory_space<vmem_shared>> -> memref<10000x32xf32, #tpu.memory_space<vmem_shared>>
        %dma_wait3A_740 = tpu.memref_slice %arg13[%dma_wait3A_729] : memref<10x!tpu.dma_semaphore, #tpu.memory_space<semaphore_mem>> -> memref<1x!tpu.dma_semaphore, #tpu.memory_space<semaphore_mem>>
        %dma_wait3A_741 = tpu.memref_squeeze %dma_wait3A_740 : memref<1x!tpu.dma_semaphore, #tpu.memory_space<semaphore_mem>> -> memref<!tpu.dma_semaphore, #tpu.memory_space<semaphore_mem>>
        tpu.wait_indirect_dma semaphore(%dma_wait3A_741 : memref<!tpu.dma_semaphore, #tpu.memory_space<semaphore_mem>>) src(%dma_wait3A_733 : memref<125x32xf32, #tpu.memory_space<vmem>>) dst(%dma_wait3A_739 : memref<10000x32xf32, #tpu.memory_space<vmem_shared>>)
        %add3A_742 = arith.constant 10 : i32
        %add3A_743 = arith.addi %add3A_702, %add3A_742 : i32
        %dma_start3A_744 = arith.constant 7 : i32
        %dma_start3A_745 = arith.constant 7 : i32
        %dma_start3A_746 = arith.constant 0 : i32
        %dma_start3A_747 = arith.constant 0 : i32
        %dma_start3A_748 = tpu.memref_slice %arg9[%dma_start3A_744, %dma_start3A_746, %dma_start3A_747] : memref<10x125x32xf32, #tpu.memory_space<vmem>> -> memref<1x125x32xf32, #tpu.memory_space<vmem>>
        %dma_start3A_749 = tpu.memref_squeeze %dma_start3A_748 : memref<1x125x32xf32, #tpu.memory_space<vmem>> -> memref<125x32xf32, #tpu.memory_space<vmem>>
        %dma_start3A_750 = arith.constant 0 : i32
        %dma_start3A_751 = tpu.memref_slice %arg7[%add3A_743, %dma_start3A_750] : memref<40x125xi32, #tpu.memory_space<vmem>> -> memref<1x125xi32, #tpu.memory_space<vmem>>
        %dma_start3A_752 = tpu.memref_squeeze %dma_start3A_751 : memref<1x125xi32, #tpu.memory_space<vmem>> -> memref<125xi32, #tpu.memory_space<vmem>>
        %dma_start3A_753 = arith.constant 0 : i32
        %dma_start3A_754 = arith.constant 0 : i32
        %dma_start3A_755 = tpu.memref_slice %arg2[%dma_start3A_753, %dma_start3A_754] : memref<90000x32xf32, #tpu.memory_space<hbm>> -> memref<90000x32xf32, #tpu.memory_space<hbm>>
        %dma_start3A_756 = tpu.memref_slice %arg12[%dma_start3A_745] : memref<10x!tpu.dma_semaphore, #tpu.memory_space<semaphore_mem>> -> memref<1x!tpu.dma_semaphore, #tpu.memory_space<semaphore_mem>>
        %dma_start3A_757 = tpu.memref_squeeze %dma_start3A_756 : memref<1x!tpu.dma_semaphore, #tpu.memory_space<semaphore_mem>> -> memref<!tpu.dma_semaphore, #tpu.memory_space<semaphore_mem>>
        tpu.enqueue_indirect_dma source(%dma_start3A_755 : memref<90000x32xf32, #tpu.memory_space<hbm>>) target(%dma_start3A_749 : memref<125x32xf32, #tpu.memory_space<vmem>>) offsets(%dma_start3A_752 : memref<125xi32, #tpu.memory_space<vmem>>) semaphore(%dma_start3A_757 : memref<!tpu.dma_semaphore, #tpu.memory_space<semaphore_mem>>)
      } else {
      }
      %add3A_710 = arith.constant 8 : i32
      %add3A_711 = arith.addi %mul3A_340, %add3A_710 : i32
      %add3A_712 = arith.constant 10 : i32
      %add3A_713 = arith.addi %add3A_711, %add3A_712 : i32
      %lt3A_714 = arith.constant 40 : i32
      %lt3A_715 = arith.cmpi slt, %add3A_713, %lt3A_714 : i32
      %convert_element_type3A_716 = arith.extui %lt3A_715 : i1 to i32
      %cond3A_717 = arith.constant 0 : i32
      %cond3A_718 = arith.cmpi ne, %convert_element_type3A_716, %cond3A_717 : i32
      scf.if %cond3A_718 {
        %dma_wait3A_728 = arith.constant 8 : i32
        %dma_wait3A_729 = arith.constant 8 : i32
        %dma_wait3A_730 = arith.constant 0 : i32
        %dma_wait3A_731 = arith.constant 0 : i32
        %dma_wait3A_732 = tpu.memref_slice %arg9[%dma_wait3A_728, %dma_wait3A_730, %dma_wait3A_731] : memref<10x125x32xf32, #tpu.memory_space<vmem>> -> memref<1x125x32xf32, #tpu.memory_space<vmem>>
        %dma_wait3A_733 = tpu.memref_squeeze %dma_wait3A_732 : memref<1x125x32xf32, #tpu.memory_space<vmem>> -> memref<125x32xf32, #tpu.memory_space<vmem>>
        %dma_wait3A_734 = arith.constant 0 : i32
        %dma_wait3A_735 = tpu.memref_slice %arg8[%add3A_711, %dma_wait3A_734] : memref<40x125xi32, #tpu.memory_space<vmem>> -> memref<1x125xi32, #tpu.memory_space<vmem>>
        %dma_wait3A_736 = tpu.memref_squeeze %dma_wait3A_735 : memref<1x125xi32, #tpu.memory_space<vmem>> -> memref<125xi32, #tpu.memory_space<vmem>>
        %dma_wait3A_737 = arith.constant 0 : i32
        %dma_wait3A_738 = arith.constant 0 : i32
        %dma_wait3A_739 = tpu.memref_slice %arg10[%dma_wait3A_737, %dma_wait3A_738] : memref<10000x32xf32, #tpu.memory_space<vmem_shared>> -> memref<10000x32xf32, #tpu.memory_space<vmem_shared>>
        %dma_wait3A_740 = tpu.memref_slice %arg13[%dma_wait3A_729] : memref<10x!tpu.dma_semaphore, #tpu.memory_space<semaphore_mem>> -> memref<1x!tpu.dma_semaphore, #tpu.memory_space<semaphore_mem>>
        %dma_wait3A_741 = tpu.memref_squeeze %dma_wait3A_740 : memref<1x!tpu.dma_semaphore, #tpu.memory_space<semaphore_mem>> -> memref<!tpu.dma_semaphore, #tpu.memory_space<semaphore_mem>>
        tpu.wait_indirect_dma semaphore(%dma_wait3A_741 : memref<!tpu.dma_semaphore, #tpu.memory_space<semaphore_mem>>) src(%dma_wait3A_733 : memref<125x32xf32, #tpu.memory_space<vmem>>) dst(%dma_wait3A_739 : memref<10000x32xf32, #tpu.memory_space<vmem_shared>>)
        %add3A_742 = arith.constant 10 : i32
        %add3A_743 = arith.addi %add3A_711, %add3A_742 : i32
        %dma_start3A_744 = arith.constant 8 : i32
        %dma_start3A_745 = arith.constant 8 : i32
        %dma_start3A_746 = arith.constant 0 : i32
        %dma_start3A_747 = arith.constant 0 : i32
        %dma_start3A_748 = tpu.memref_slice %arg9[%dma_start3A_744, %dma_start3A_746, %dma_start3A_747] : memref<10x125x32xf32, #tpu.memory_space<vmem>> -> memref<1x125x32xf32, #tpu.memory_space<vmem>>
        %dma_start3A_749 = tpu.memref_squeeze %dma_start3A_748 : memref<1x125x32xf32, #tpu.memory_space<vmem>> -> memref<125x32xf32, #tpu.memory_space<vmem>>
        %dma_start3A_750 = arith.constant 0 : i32
        %dma_start3A_751 = tpu.memref_slice %arg7[%add3A_743, %dma_start3A_750] : memref<40x125xi32, #tpu.memory_space<vmem>> -> memref<1x125xi32, #tpu.memory_space<vmem>>
        %dma_start3A_752 = tpu.memref_squeeze %dma_start3A_751 : memref<1x125xi32, #tpu.memory_space<vmem>> -> memref<125xi32, #tpu.memory_space<vmem>>
        %dma_start3A_753 = arith.constant 0 : i32
        %dma_start3A_754 = arith.constant 0 : i32
        %dma_start3A_755 = tpu.memref_slice %arg2[%dma_start3A_753, %dma_start3A_754] : memref<90000x32xf32, #tpu.memory_space<hbm>> -> memref<90000x32xf32, #tpu.memory_space<hbm>>
        %dma_start3A_756 = tpu.memref_slice %arg12[%dma_start3A_745] : memref<10x!tpu.dma_semaphore, #tpu.memory_space<semaphore_mem>> -> memref<1x!tpu.dma_semaphore, #tpu.memory_space<semaphore_mem>>
        %dma_start3A_757 = tpu.memref_squeeze %dma_start3A_756 : memref<1x!tpu.dma_semaphore, #tpu.memory_space<semaphore_mem>> -> memref<!tpu.dma_semaphore, #tpu.memory_space<semaphore_mem>>
        tpu.enqueue_indirect_dma source(%dma_start3A_755 : memref<90000x32xf32, #tpu.memory_space<hbm>>) target(%dma_start3A_749 : memref<125x32xf32, #tpu.memory_space<vmem>>) offsets(%dma_start3A_752 : memref<125xi32, #tpu.memory_space<vmem>>) semaphore(%dma_start3A_757 : memref<!tpu.dma_semaphore, #tpu.memory_space<semaphore_mem>>)
      } else {
      }
      %add3A_719 = arith.constant 9 : i32
      %add3A_720 = arith.addi %mul3A_340, %add3A_719 : i32
      %add3A_721 = arith.constant 10 : i32
      %add3A_722 = arith.addi %add3A_720, %add3A_721 : i32
      %lt3A_723 = arith.constant 40 : i32
      %lt3A_724 = arith.cmpi slt, %add3A_722, %lt3A_723 : i32
      %convert_element_type3A_725 = arith.extui %lt3A_724 : i1 to i32
      %cond3A_726 = arith.constant 0 : i32
      %cond3A_727 = arith.cmpi ne, %convert_element_type3A_725, %cond3A_726 : i32
      scf.if %cond3A_727 {
        %dma_wait3A_728 = arith.constant 9 : i32
        %dma_wait3A_729 = arith.constant 9 : i32
        %dma_wait3A_730 = arith.constant 0 : i32
        %dma_wait3A_731 = arith.constant 0 : i32
        %dma_wait3A_732 = tpu.memref_slice %arg9[%dma_wait3A_728, %dma_wait3A_730, %dma_wait3A_731] : memref<10x125x32xf32, #tpu.memory_space<vmem>> -> memref<1x125x32xf32, #tpu.memory_space<vmem>>
        %dma_wait3A_733 = tpu.memref_squeeze %dma_wait3A_732 : memref<1x125x32xf32, #tpu.memory_space<vmem>> -> memref<125x32xf32, #tpu.memory_space<vmem>>
        %dma_wait3A_734 = arith.constant 0 : i32
        %dma_wait3A_735 = tpu.memref_slice %arg8[%add3A_720, %dma_wait3A_734] : memref<40x125xi32, #tpu.memory_space<vmem>> -> memref<1x125xi32, #tpu.memory_space<vmem>>
        %dma_wait3A_736 = tpu.memref_squeeze %dma_wait3A_735 : memref<1x125xi32, #tpu.memory_space<vmem>> -> memref<125xi32, #tpu.memory_space<vmem>>
        %dma_wait3A_737 = arith.constant 0 : i32
        %dma_wait3A_738 = arith.constant 0 : i32
        %dma_wait3A_739 = tpu.memref_slice %arg10[%dma_wait3A_737, %dma_wait3A_738] : memref<10000x32xf32, #tpu.memory_space<vmem_shared>> -> memref<10000x32xf32, #tpu.memory_space<vmem_shared>>
        %dma_wait3A_740 = tpu.memref_slice %arg13[%dma_wait3A_729] : memref<10x!tpu.dma_semaphore, #tpu.memory_space<semaphore_mem>> -> memref<1x!tpu.dma_semaphore, #tpu.memory_space<semaphore_mem>>
        %dma_wait3A_741 = tpu.memref_squeeze %dma_wait3A_740 : memref<1x!tpu.dma_semaphore, #tpu.memory_space<semaphore_mem>> -> memref<!tpu.dma_semaphore, #tpu.memory_space<semaphore_mem>>
        tpu.wait_indirect_dma semaphore(%dma_wait3A_741 : memref<!tpu.dma_semaphore, #tpu.memory_space<semaphore_mem>>) src(%dma_wait3A_733 : memref<125x32xf32, #tpu.memory_space<vmem>>) dst(%dma_wait3A_739 : memref<10000x32xf32, #tpu.memory_space<vmem_shared>>)
        %add3A_742 = arith.constant 10 : i32
        %add3A_743 = arith.addi %add3A_720, %add3A_742 : i32
        %dma_start3A_744 = arith.constant 9 : i32
        %dma_start3A_745 = arith.constant 9 : i32
        %dma_start3A_746 = arith.constant 0 : i32
        %dma_start3A_747 = arith.constant 0 : i32
        %dma_start3A_748 = tpu.memref_slice %arg9[%dma_start3A_744, %dma_start3A_746, %dma_start3A_747] : memref<10x125x32xf32, #tpu.memory_space<vmem>> -> memref<1x125x32xf32, #tpu.memory_space<vmem>>
        %dma_start3A_749 = tpu.memref_squeeze %dma_start3A_748 : memref<1x125x32xf32, #tpu.memory_space<vmem>> -> memref<125x32xf32, #tpu.memory_space<vmem>>
        %dma_start3A_750 = arith.constant 0 : i32
        %dma_start3A_751 = tpu.memref_slice %arg7[%add3A_743, %dma_start3A_750] : memref<40x125xi32, #tpu.memory_space<vmem>> -> memref<1x125xi32, #tpu.memory_space<vmem>>
        %dma_start3A_752 = tpu.memref_squeeze %dma_start3A_751 : memref<1x125xi32, #tpu.memory_space<vmem>> -> memref<125xi32, #tpu.memory_space<vmem>>
        %dma_start3A_753 = arith.constant 0 : i32
        %dma_start3A_754 = arith.constant 0 : i32
        %dma_start3A_755 = tpu.memref_slice %arg2[%dma_start3A_753, %dma_start3A_754] : memref<90000x32xf32, #tpu.memory_space<hbm>> -> memref<90000x32xf32, #tpu.memory_space<hbm>>
        %dma_start3A_756 = tpu.memref_slice %arg12[%dma_start3A_745] : memref<10x!tpu.dma_semaphore, #tpu.memory_space<semaphore_mem>> -> memref<1x!tpu.dma_semaphore, #tpu.memory_space<semaphore_mem>>
        %dma_start3A_757 = tpu.memref_squeeze %dma_start3A_756 : memref<1x!tpu.dma_semaphore, #tpu.memory_space<semaphore_mem>> -> memref<!tpu.dma_semaphore, #tpu.memory_space<semaphore_mem>>
        tpu.enqueue_indirect_dma source(%dma_start3A_755 : memref<90000x32xf32, #tpu.memory_space<hbm>>) target(%dma_start3A_749 : memref<125x32xf32, #tpu.memory_space<vmem>>) offsets(%dma_start3A_752 : memref<125xi32, #tpu.memory_space<vmem>>) semaphore(%dma_start3A_757 : memref<!tpu.dma_semaphore, #tpu.memory_space<semaphore_mem>>)
      } else {
      }
    }
    %scan3A_179 = arith.constant 4 : i32
    %dma_wait3A_180 = arith.constant 0 : i32
    %dma_wait3A_181 = arith.constant 30 : i32
    %dma_wait3A_182 = arith.constant 0 : i32
    %dma_wait3A_183 = arith.constant 0 : i32
    %dma_wait3A_184 = arith.constant 0 : i32
    %dma_wait3A_185 = tpu.memref_slice %arg9[%dma_wait3A_180, %dma_wait3A_183, %dma_wait3A_184] : memref<10x125x32xf32, #tpu.memory_space<vmem>> -> memref<1x125x32xf32, #tpu.memory_space<vmem>>
    %dma_wait3A_186 = tpu.memref_squeeze %dma_wait3A_185 : memref<1x125x32xf32, #tpu.memory_space<vmem>> -> memref<125x32xf32, #tpu.memory_space<vmem>>
    %dma_wait3A_187 = arith.constant 0 : i32
    %dma_wait3A_188 = tpu.memref_slice %arg8[%dma_wait3A_181, %dma_wait3A_187] : memref<40x125xi32, #tpu.memory_space<vmem>> -> memref<1x125xi32, #tpu.memory_space<vmem>>
    %dma_wait3A_189 = tpu.memref_squeeze %dma_wait3A_188 : memref<1x125xi32, #tpu.memory_space<vmem>> -> memref<125xi32, #tpu.memory_space<vmem>>
    %dma_wait3A_190 = arith.constant 0 : i32
    %dma_wait3A_191 = arith.constant 0 : i32
    %dma_wait3A_192 = tpu.memref_slice %arg10[%dma_wait3A_190, %dma_wait3A_191] : memref<10000x32xf32, #tpu.memory_space<vmem_shared>> -> memref<10000x32xf32, #tpu.memory_space<vmem_shared>>
    %dma_wait3A_193 = tpu.memref_slice %arg13[%dma_wait3A_182] : memref<10x!tpu.dma_semaphore, #tpu.memory_space<semaphore_mem>> -> memref<1x!tpu.dma_semaphore, #tpu.memory_space<semaphore_mem>>
    %dma_wait3A_194 = tpu.memref_squeeze %dma_wait3A_193 : memref<1x!tpu.dma_semaphore, #tpu.memory_space<semaphore_mem>> -> memref<!tpu.dma_semaphore, #tpu.memory_space<semaphore_mem>>
    tpu.wait_indirect_dma semaphore(%dma_wait3A_194 : memref<!tpu.dma_semaphore, #tpu.memory_space<semaphore_mem>>) src(%dma_wait3A_186 : memref<125x32xf32, #tpu.memory_space<vmem>>) dst(%dma_wait3A_192 : memref<10000x32xf32, #tpu.memory_space<vmem_shared>>)
    %dma_wait3A_195 = arith.constant 1 : i32
    %dma_wait3A_196 = arith.constant 31 : i32
    %dma_wait3A_197 = arith.constant 1 : i32
    %dma_wait3A_198 = arith.constant 0 : i32
    %dma_wait3A_199 = arith.constant 0 : i32
    %dma_wait3A_200 = tpu.memref_slice %arg9[%dma_wait3A_195, %dma_wait3A_198, %dma_wait3A_199] : memref<10x125x32xf32, #tpu.memory_space<vmem>> -> memref<1x125x32xf32, #tpu.memory_space<vmem>>
    %dma_wait3A_201 = tpu.memref_squeeze %dma_wait3A_200 : memref<1x125x32xf32, #tpu.memory_space<vmem>> -> memref<125x32xf32, #tpu.memory_space<vmem>>
    %dma_wait3A_202 = arith.constant 0 : i32
    %dma_wait3A_203 = tpu.memref_slice %arg8[%dma_wait3A_196, %dma_wait3A_202] : memref<40x125xi32, #tpu.memory_space<vmem>> -> memref<1x125xi32, #tpu.memory_space<vmem>>
    %dma_wait3A_204 = tpu.memref_squeeze %dma_wait3A_203 : memref<1x125xi32, #tpu.memory_space<vmem>> -> memref<125xi32, #tpu.memory_space<vmem>>
    %dma_wait3A_205 = arith.constant 0 : i32
    %dma_wait3A_206 = arith.constant 0 : i32
    %dma_wait3A_207 = tpu.memref_slice %arg10[%dma_wait3A_205, %dma_wait3A_206] : memref<10000x32xf32, #tpu.memory_space<vmem_shared>> -> memref<10000x32xf32, #tpu.memory_space<vmem_shared>>
    %dma_wait3A_208 = tpu.memref_slice %arg13[%dma_wait3A_197] : memref<10x!tpu.dma_semaphore, #tpu.memory_space<semaphore_mem>> -> memref<1x!tpu.dma_semaphore, #tpu.memory_space<semaphore_mem>>
    %dma_wait3A_209 = tpu.memref_squeeze %dma_wait3A_208 : memref<1x!tpu.dma_semaphore, #tpu.memory_space<semaphore_mem>> -> memref<!tpu.dma_semaphore, #tpu.memory_space<semaphore_mem>>
    tpu.wait_indirect_dma semaphore(%dma_wait3A_209 : memref<!tpu.dma_semaphore, #tpu.memory_space<semaphore_mem>>) src(%dma_wait3A_201 : memref<125x32xf32, #tpu.memory_space<vmem>>) dst(%dma_wait3A_207 : memref<10000x32xf32, #tpu.memory_space<vmem_shared>>)
    %dma_wait3A_210 = arith.constant 2 : i32
    %dma_wait3A_211 = arith.constant 32 : i32
    %dma_wait3A_212 = arith.constant 2 : i32
    %dma_wait3A_213 = arith.constant 0 : i32
    %dma_wait3A_214 = arith.constant 0 : i32
    %dma_wait3A_215 = tpu.memref_slice %arg9[%dma_wait3A_210, %dma_wait3A_213, %dma_wait3A_214] : memref<10x125x32xf32, #tpu.memory_space<vmem>> -> memref<1x125x32xf32, #tpu.memory_space<vmem>>
    %dma_wait3A_216 = tpu.memref_squeeze %dma_wait3A_215 : memref<1x125x32xf32, #tpu.memory_space<vmem>> -> memref<125x32xf32, #tpu.memory_space<vmem>>
    %dma_wait3A_217 = arith.constant 0 : i32
    %dma_wait3A_218 = tpu.memref_slice %arg8[%dma_wait3A_211, %dma_wait3A_217] : memref<40x125xi32, #tpu.memory_space<vmem>> -> memref<1x125xi32, #tpu.memory_space<vmem>>
    %dma_wait3A_219 = tpu.memref_squeeze %dma_wait3A_218 : memref<1x125xi32, #tpu.memory_space<vmem>> -> memref<125xi32, #tpu.memory_space<vmem>>
    %dma_wait3A_220 = arith.constant 0 : i32
    %dma_wait3A_221 = arith.constant 0 : i32
    %dma_wait3A_222 = tpu.memref_slice %arg10[%dma_wait3A_220, %dma_wait3A_221] : memref<10000x32xf32, #tpu.memory_space<vmem_shared>> -> memref<10000x32xf32, #tpu.memory_space<vmem_shared>>
    %dma_wait3A_223 = tpu.memref_slice %arg13[%dma_wait3A_212] : memref<10x!tpu.dma_semaphore, #tpu.memory_space<semaphore_mem>> -> memref<1x!tpu.dma_semaphore, #tpu.memory_space<semaphore_mem>>
    %dma_wait3A_224 = tpu.memref_squeeze %dma_wait3A_223 : memref<1x!tpu.dma_semaphore, #tpu.memory_space<semaphore_mem>> -> memref<!tpu.dma_semaphore, #tpu.memory_space<semaphore_mem>>
    tpu.wait_indirect_dma semaphore(%dma_wait3A_224 : memref<!tpu.dma_semaphore, #tpu.memory_space<semaphore_mem>>) src(%dma_wait3A_216 : memref<125x32xf32, #tpu.memory_space<vmem>>) dst(%dma_wait3A_222 : memref<10000x32xf32, #tpu.memory_space<vmem_shared>>)
    %dma_wait3A_225 = arith.constant 3 : i32
    %dma_wait3A_226 = arith.constant 33 : i32
    %dma_wait3A_227 = arith.constant 3 : i32
    %dma_wait3A_228 = arith.constant 0 : i32
    %dma_wait3A_229 = arith.constant 0 : i32
    %dma_wait3A_230 = tpu.memref_slice %arg9[%dma_wait3A_225, %dma_wait3A_228, %dma_wait3A_229] : memref<10x125x32xf32, #tpu.memory_space<vmem>> -> memref<1x125x32xf32, #tpu.memory_space<vmem>>
    %dma_wait3A_231 = tpu.memref_squeeze %dma_wait3A_230 : memref<1x125x32xf32, #tpu.memory_space<vmem>> -> memref<125x32xf32, #tpu.memory_space<vmem>>
    %dma_wait3A_232 = arith.constant 0 : i32
    %dma_wait3A_233 = tpu.memref_slice %arg8[%dma_wait3A_226, %dma_wait3A_232] : memref<40x125xi32, #tpu.memory_space<vmem>> -> memref<1x125xi32, #tpu.memory_space<vmem>>
    %dma_wait3A_234 = tpu.memref_squeeze %dma_wait3A_233 : memref<1x125xi32, #tpu.memory_space<vmem>> -> memref<125xi32, #tpu.memory_space<vmem>>
    %dma_wait3A_235 = arith.constant 0 : i32
    %dma_wait3A_236 = arith.constant 0 : i32
    %dma_wait3A_237 = tpu.memref_slice %arg10[%dma_wait3A_235, %dma_wait3A_236] : memref<10000x32xf32, #tpu.memory_space<vmem_shared>> -> memref<10000x32xf32, #tpu.memory_space<vmem_shared>>
    %dma_wait3A_238 = tpu.memref_slice %arg13[%dma_wait3A_227] : memref<10x!tpu.dma_semaphore, #tpu.memory_space<semaphore_mem>> -> memref<1x!tpu.dma_semaphore, #tpu.memory_space<semaphore_mem>>
    %dma_wait3A_239 = tpu.memref_squeeze %dma_wait3A_238 : memref<1x!tpu.dma_semaphore, #tpu.memory_space<semaphore_mem>> -> memref<!tpu.dma_semaphore, #tpu.memory_space<semaphore_mem>>
    tpu.wait_indirect_dma semaphore(%dma_wait3A_239 : memref<!tpu.dma_semaphore, #tpu.memory_space<semaphore_mem>>) src(%dma_wait3A_231 : memref<125x32xf32, #tpu.memory_space<vmem>>) dst(%dma_wait3A_237 : memref<10000x32xf32, #tpu.memory_space<vmem_shared>>)
    %dma_wait3A_240 = arith.constant 4 : i32
    %dma_wait3A_241 = arith.constant 34 : i32
    %dma_wait3A_242 = arith.constant 4 : i32
    %dma_wait3A_243 = arith.constant 0 : i32
    %dma_wait3A_244 = arith.constant 0 : i32
    %dma_wait3A_245 = tpu.memref_slice %arg9[%dma_wait3A_240, %dma_wait3A_243, %dma_wait3A_244] : memref<10x125x32xf32, #tpu.memory_space<vmem>> -> memref<1x125x32xf32, #tpu.memory_space<vmem>>
    %dma_wait3A_246 = tpu.memref_squeeze %dma_wait3A_245 : memref<1x125x32xf32, #tpu.memory_space<vmem>> -> memref<125x32xf32, #tpu.memory_space<vmem>>
    %dma_wait3A_247 = arith.constant 0 : i32
    %dma_wait3A_248 = tpu.memref_slice %arg8[%dma_wait3A_241, %dma_wait3A_247] : memref<40x125xi32, #tpu.memory_space<vmem>> -> memref<1x125xi32, #tpu.memory_space<vmem>>
    %dma_wait3A_249 = tpu.memref_squeeze %dma_wait3A_248 : memref<1x125xi32, #tpu.memory_space<vmem>> -> memref<125xi32, #tpu.memory_space<vmem>>
    %dma_wait3A_250 = arith.constant 0 : i32
    %dma_wait3A_251 = arith.constant 0 : i32
    %dma_wait3A_252 = tpu.memref_slice %arg10[%dma_wait3A_250, %dma_wait3A_251] : memref<10000x32xf32, #tpu.memory_space<vmem_shared>> -> memref<10000x32xf32, #tpu.memory_space<vmem_shared>>
    %dma_wait3A_253 = tpu.memref_slice %arg13[%dma_wait3A_242] : memref<10x!tpu.dma_semaphore, #tpu.memory_space<semaphore_mem>> -> memref<1x!tpu.dma_semaphore, #tpu.memory_space<semaphore_mem>>
    %dma_wait3A_254 = tpu.memref_squeeze %dma_wait3A_253 : memref<1x!tpu.dma_semaphore, #tpu.memory_space<semaphore_mem>> -> memref<!tpu.dma_semaphore, #tpu.memory_space<semaphore_mem>>
    tpu.wait_indirect_dma semaphore(%dma_wait3A_254 : memref<!tpu.dma_semaphore, #tpu.memory_space<semaphore_mem>>) src(%dma_wait3A_246 : memref<125x32xf32, #tpu.memory_space<vmem>>) dst(%dma_wait3A_252 : memref<10000x32xf32, #tpu.memory_space<vmem_shared>>)
    %dma_wait3A_255 = arith.constant 5 : i32
    %dma_wait3A_256 = arith.constant 35 : i32
    %dma_wait3A_257 = arith.constant 5 : i32
    %dma_wait3A_258 = arith.constant 0 : i32
    %dma_wait3A_259 = arith.constant 0 : i32
    %dma_wait3A_260 = tpu.memref_slice %arg9[%dma_wait3A_255, %dma_wait3A_258, %dma_wait3A_259] : memref<10x125x32xf32, #tpu.memory_space<vmem>> -> memref<1x125x32xf32, #tpu.memory_space<vmem>>
    %dma_wait3A_261 = tpu.memref_squeeze %dma_wait3A_260 : memref<1x125x32xf32, #tpu.memory_space<vmem>> -> memref<125x32xf32, #tpu.memory_space<vmem>>
    %dma_wait3A_262 = arith.constant 0 : i32
    %dma_wait3A_263 = tpu.memref_slice %arg8[%dma_wait3A_256, %dma_wait3A_262] : memref<40x125xi32, #tpu.memory_space<vmem>> -> memref<1x125xi32, #tpu.memory_space<vmem>>
    %dma_wait3A_264 = tpu.memref_squeeze %dma_wait3A_263 : memref<1x125xi32, #tpu.memory_space<vmem>> -> memref<125xi32, #tpu.memory_space<vmem>>
    %dma_wait3A_265 = arith.constant 0 : i32
    %dma_wait3A_266 = arith.constant 0 : i32
    %dma_wait3A_267 = tpu.memref_slice %arg10[%dma_wait3A_265, %dma_wait3A_266] : memref<10000x32xf32, #tpu.memory_space<vmem_shared>> -> memref<10000x32xf32, #tpu.memory_space<vmem_shared>>
    %dma_wait3A_268 = tpu.memref_slice %arg13[%dma_wait3A_257] : memref<10x!tpu.dma_semaphore, #tpu.memory_space<semaphore_mem>> -> memref<1x!tpu.dma_semaphore, #tpu.memory_space<semaphore_mem>>
    %dma_wait3A_269 = tpu.memref_squeeze %dma_wait3A_268 : memref<1x!tpu.dma_semaphore, #tpu.memory_space<semaphore_mem>> -> memref<!tpu.dma_semaphore, #tpu.memory_space<semaphore_mem>>
    tpu.wait_indirect_dma semaphore(%dma_wait3A_269 : memref<!tpu.dma_semaphore, #tpu.memory_space<semaphore_mem>>) src(%dma_wait3A_261 : memref<125x32xf32, #tpu.memory_space<vmem>>) dst(%dma_wait3A_267 : memref<10000x32xf32, #tpu.memory_space<vmem_shared>>)
    %dma_wait3A_270 = arith.constant 6 : i32
    %dma_wait3A_271 = arith.constant 36 : i32
    %dma_wait3A_272 = arith.constant 6 : i32
    %dma_wait3A_273 = arith.constant 0 : i32
    %dma_wait3A_274 = arith.constant 0 : i32
    %dma_wait3A_275 = tpu.memref_slice %arg9[%dma_wait3A_270, %dma_wait3A_273, %dma_wait3A_274] : memref<10x125x32xf32, #tpu.memory_space<vmem>> -> memref<1x125x32xf32, #tpu.memory_space<vmem>>
    %dma_wait3A_276 = tpu.memref_squeeze %dma_wait3A_275 : memref<1x125x32xf32, #tpu.memory_space<vmem>> -> memref<125x32xf32, #tpu.memory_space<vmem>>
    %dma_wait3A_277 = arith.constant 0 : i32
    %dma_wait3A_278 = tpu.memref_slice %arg8[%dma_wait3A_271, %dma_wait3A_277] : memref<40x125xi32, #tpu.memory_space<vmem>> -> memref<1x125xi32, #tpu.memory_space<vmem>>
    %dma_wait3A_279 = tpu.memref_squeeze %dma_wait3A_278 : memref<1x125xi32, #tpu.memory_space<vmem>> -> memref<125xi32, #tpu.memory_space<vmem>>
    %dma_wait3A_280 = arith.constant 0 : i32
    %dma_wait3A_281 = arith.constant 0 : i32
    %dma_wait3A_282 = tpu.memref_slice %arg10[%dma_wait3A_280, %dma_wait3A_281] : memref<10000x32xf32, #tpu.memory_space<vmem_shared>> -> memref<10000x32xf32, #tpu.memory_space<vmem_shared>>
    %dma_wait3A_283 = tpu.memref_slice %arg13[%dma_wait3A_272] : memref<10x!tpu.dma_semaphore, #tpu.memory_space<semaphore_mem>> -> memref<1x!tpu.dma_semaphore, #tpu.memory_space<semaphore_mem>>
    %dma_wait3A_284 = tpu.memref_squeeze %dma_wait3A_283 : memref<1x!tpu.dma_semaphore, #tpu.memory_space<semaphore_mem>> -> memref<!tpu.dma_semaphore, #tpu.memory_space<semaphore_mem>>
    tpu.wait_indirect_dma semaphore(%dma_wait3A_284 : memref<!tpu.dma_semaphore, #tpu.memory_space<semaphore_mem>>) src(%dma_wait3A_276 : memref<125x32xf32, #tpu.memory_space<vmem>>) dst(%dma_wait3A_282 : memref<10000x32xf32, #tpu.memory_space<vmem_shared>>)
    %dma_wait3A_285 = arith.constant 7 : i32
    %dma_wait3A_286 = arith.constant 37 : i32
    %dma_wait3A_287 = arith.constant 7 : i32
    %dma_wait3A_288 = arith.constant 0 : i32
    %dma_wait3A_289 = arith.constant 0 : i32
    %dma_wait3A_290 = tpu.memref_slice %arg9[%dma_wait3A_285, %dma_wait3A_288, %dma_wait3A_289] : memref<10x125x32xf32, #tpu.memory_space<vmem>> -> memref<1x125x32xf32, #tpu.memory_space<vmem>>
    %dma_wait3A_291 = tpu.memref_squeeze %dma_wait3A_290 : memref<1x125x32xf32, #tpu.memory_space<vmem>> -> memref<125x32xf32, #tpu.memory_space<vmem>>
    %dma_wait3A_292 = arith.constant 0 : i32
    %dma_wait3A_293 = tpu.memref_slice %arg8[%dma_wait3A_286, %dma_wait3A_292] : memref<40x125xi32, #tpu.memory_space<vmem>> -> memref<1x125xi32, #tpu.memory_space<vmem>>
    %dma_wait3A_294 = tpu.memref_squeeze %dma_wait3A_293 : memref<1x125xi32, #tpu.memory_space<vmem>> -> memref<125xi32, #tpu.memory_space<vmem>>
    %dma_wait3A_295 = arith.constant 0 : i32
    %dma_wait3A_296 = arith.constant 0 : i32
    %dma_wait3A_297 = tpu.memref_slice %arg10[%dma_wait3A_295, %dma_wait3A_296] : memref<10000x32xf32, #tpu.memory_space<vmem_shared>> -> memref<10000x32xf32, #tpu.memory_space<vmem_shared>>
    %dma_wait3A_298 = tpu.memref_slice %arg13[%dma_wait3A_287] : memref<10x!tpu.dma_semaphore, #tpu.memory_space<semaphore_mem>> -> memref<1x!tpu.dma_semaphore, #tpu.memory_space<semaphore_mem>>
    %dma_wait3A_299 = tpu.memref_squeeze %dma_wait3A_298 : memref<1x!tpu.dma_semaphore, #tpu.memory_space<semaphore_mem>> -> memref<!tpu.dma_semaphore, #tpu.memory_space<semaphore_mem>>
    tpu.wait_indirect_dma semaphore(%dma_wait3A_299 : memref<!tpu.dma_semaphore, #tpu.memory_space<semaphore_mem>>) src(%dma_wait3A_291 : memref<125x32xf32, #tpu.memory_space<vmem>>) dst(%dma_wait3A_297 : memref<10000x32xf32, #tpu.memory_space<vmem_shared>>)
    %dma_wait3A_300 = arith.constant 8 : i32
    %dma_wait3A_301 = arith.constant 38 : i32
    %dma_wait3A_302 = arith.constant 8 : i32
    %dma_wait3A_303 = arith.constant 0 : i32
    %dma_wait3A_304 = arith.constant 0 : i32
    %dma_wait3A_305 = tpu.memref_slice %arg9[%dma_wait3A_300, %dma_wait3A_303, %dma_wait3A_304] : memref<10x125x32xf32, #tpu.memory_space<vmem>> -> memref<1x125x32xf32, #tpu.memory_space<vmem>>
    %dma_wait3A_306 = tpu.memref_squeeze %dma_wait3A_305 : memref<1x125x32xf32, #tpu.memory_space<vmem>> -> memref<125x32xf32, #tpu.memory_space<vmem>>
    %dma_wait3A_307 = arith.constant 0 : i32
    %dma_wait3A_308 = tpu.memref_slice %arg8[%dma_wait3A_301, %dma_wait3A_307] : memref<40x125xi32, #tpu.memory_space<vmem>> -> memref<1x125xi32, #tpu.memory_space<vmem>>
    %dma_wait3A_309 = tpu.memref_squeeze %dma_wait3A_308 : memref<1x125xi32, #tpu.memory_space<vmem>> -> memref<125xi32, #tpu.memory_space<vmem>>
    %dma_wait3A_310 = arith.constant 0 : i32
    %dma_wait3A_311 = arith.constant 0 : i32
    %dma_wait3A_312 = tpu.memref_slice %arg10[%dma_wait3A_310, %dma_wait3A_311] : memref<10000x32xf32, #tpu.memory_space<vmem_shared>> -> memref<10000x32xf32, #tpu.memory_space<vmem_shared>>
    %dma_wait3A_313 = tpu.memref_slice %arg13[%dma_wait3A_302] : memref<10x!tpu.dma_semaphore, #tpu.memory_space<semaphore_mem>> -> memref<1x!tpu.dma_semaphore, #tpu.memory_space<semaphore_mem>>
    %dma_wait3A_314 = tpu.memref_squeeze %dma_wait3A_313 : memref<1x!tpu.dma_semaphore, #tpu.memory_space<semaphore_mem>> -> memref<!tpu.dma_semaphore, #tpu.memory_space<semaphore_mem>>
    tpu.wait_indirect_dma semaphore(%dma_wait3A_314 : memref<!tpu.dma_semaphore, #tpu.memory_space<semaphore_mem>>) src(%dma_wait3A_306 : memref<125x32xf32, #tpu.memory_space<vmem>>) dst(%dma_wait3A_312 : memref<10000x32xf32, #tpu.memory_space<vmem_shared>>)
    %dma_wait3A_315 = arith.constant 9 : i32
    %dma_wait3A_316 = arith.constant 39 : i32
    %dma_wait3A_317 = arith.constant 9 : i32
    %dma_wait3A_318 = arith.constant 0 : i32
    %dma_wait3A_319 = arith.constant 0 : i32
    %dma_wait3A_320 = tpu.memref_slice %arg9[%dma_wait3A_315, %dma_wait3A_318, %dma_wait3A_319] : memref<10x125x32xf32, #tpu.memory_space<vmem>> -> memref<1x125x32xf32, #tpu.memory_space<vmem>>
    %dma_wait3A_321 = tpu.memref_squeeze %dma_wait3A_320 : memref<1x125x32xf32, #tpu.memory_space<vmem>> -> memref<125x32xf32, #tpu.memory_space<vmem>>
    %dma_wait3A_322 = arith.constant 0 : i32
    %dma_wait3A_323 = tpu.memref_slice %arg8[%dma_wait3A_316, %dma_wait3A_322] : memref<40x125xi32, #tpu.memory_space<vmem>> -> memref<1x125xi32, #tpu.memory_space<vmem>>
    %dma_wait3A_324 = tpu.memref_squeeze %dma_wait3A_323 : memref<1x125xi32, #tpu.memory_space<vmem>> -> memref<125xi32, #tpu.memory_space<vmem>>
    %dma_wait3A_325 = arith.constant 0 : i32
    %dma_wait3A_326 = arith.constant 0 : i32
    %dma_wait3A_327 = tpu.memref_slice %arg10[%dma_wait3A_325, %dma_wait3A_326] : memref<10000x32xf32, #tpu.memory_space<vmem_shared>> -> memref<10000x32xf32, #tpu.memory_space<vmem_shared>>
    %dma_wait3A_328 = tpu.memref_slice %arg13[%dma_wait3A_317] : memref<10x!tpu.dma_semaphore, #tpu.memory_space<semaphore_mem>> -> memref<1x!tpu.dma_semaphore, #tpu.memory_space<semaphore_mem>>
    %dma_wait3A_329 = tpu.memref_squeeze %dma_wait3A_328 : memref<1x!tpu.dma_semaphore, #tpu.memory_space<semaphore_mem>> -> memref<!tpu.dma_semaphore, #tpu.memory_space<semaphore_mem>>
    tpu.wait_indirect_dma semaphore(%dma_wait3A_329 : memref<!tpu.dma_semaphore, #tpu.memory_space<semaphore_mem>>) src(%dma_wait3A_321 : memref<125x32xf32, #tpu.memory_space<vmem>>) dst(%dma_wait3A_327 : memref<10000x32xf32, #tpu.memory_space<vmem_shared>>)
    %barrier3A_330 = arith.constant 0 : index
    tpu.barrier barrier_id(%barrier3A_330)
    %mul3A_331 = arith.constant 625 : i32
    %mul3A_332 = arith.muli %arg1, %mul3A_331 : i32
    "tpu.region"() ({
      %run_scoped3A = tpu.sem_alloc : memref<!tpu.dma_semaphore, #tpu.memory_space<semaphore_mem>>
      %dma_start3A_338 = arith.constant 0 : i32
      %dma_start3A_339 = tpu.memref_slice %arg10[%mul3A_332, %dma_start3A_338] : memref<10000x32xf32, #tpu.memory_space<vmem_shared>> -> memref<625x32xf32, #tpu.memory_space<vmem_shared>>
      %dma_start3A_340 = arith.constant 0 : i32
      %dma_start3A_341 = tpu.memref_slice %arg10[%mul3A_332, %dma_start3A_340] : memref<10000x32xf32, #tpu.memory_space<vmem_shared>> -> memref<625x32xf32, #tpu.memory_space<vmem_shared>>
      tpu.enqueue_dma source(%dma_start3A_341 : memref<625x32xf32, #tpu.memory_space<vmem_shared>>) target(%arg6 : memref<625x32xf32, #tpu.memory_space<vmem>>) target_semaphore(%run_scoped3A : memref<!tpu.dma_semaphore, #tpu.memory_space<semaphore_mem>>)
      %dma_wait3A_342 = arith.constant 0 : i32
      %dma_wait3A_343 = tpu.memref_slice %arg10[%mul3A_332, %dma_wait3A_342] : memref<10000x32xf32, #tpu.memory_space<vmem_shared>> -> memref<625x32xf32, #tpu.memory_space<vmem_shared>>
      %dma_wait3A_344 = arith.constant 0 : i32
      %dma_wait3A_345 = tpu.memref_slice %arg10[%mul3A_332, %dma_wait3A_344] : memref<10000x32xf32, #tpu.memory_space<vmem_shared>> -> memref<625x32xf32, #tpu.memory_space<vmem_shared>>
      tpu.wait_dma2 semaphore(%run_scoped3A : memref<!tpu.dma_semaphore, #tpu.memory_space<semaphore_mem>>) src(%dma_wait3A_345 : memref<625x32xf32, #tpu.memory_space<vmem_shared>>) dst(%arg6 : memref<625x32xf32, #tpu.memory_space<vmem>>)
      tpu.yield
    }) : () -> ()
    %mul3A_333 = arith.constant 10000 : i32
    %mul3A_334 = arith.muli %arg0, %mul3A_333 : i32
    %mul3A_335 = arith.constant 625 : i32
    %mul3A_336 = arith.muli %arg1, %mul3A_335 : i32
    %add3A_337 = arith.addi %mul3A_334, %mul3A_336 : i32
    "tpu.region"() ({
      %run_scoped3A = tpu.sem_alloc : memref<!tpu.dma_semaphore, #tpu.memory_space<semaphore_mem>>
      %dma_start3A_338 = arith.constant 0 : i32
      %dma_start3A_339 = tpu.memref_slice %arg5[%add3A_337, %dma_start3A_338] : memref<20000x32xf32, #tpu.memory_space<hbm>> -> memref<625x32xf32, #tpu.memory_space<hbm>>
      %dma_start3A_340 = arith.constant 0 : i32
      %dma_start3A_341 = tpu.memref_slice %arg5[%add3A_337, %dma_start3A_340] : memref<20000x32xf32, #tpu.memory_space<hbm>> -> memref<625x32xf32, #tpu.memory_space<hbm>>
      tpu.enqueue_dma source(%arg6 : memref<625x32xf32, #tpu.memory_space<vmem>>) target(%dma_start3A_341 : memref<625x32xf32, #tpu.memory_space<hbm>>) target_semaphore(%run_scoped3A : memref<!tpu.dma_semaphore, #tpu.memory_space<semaphore_mem>>)
      %dma_wait3A_342 = arith.constant 0 : i32
      %dma_wait3A_343 = tpu.memref_slice %arg5[%add3A_337, %dma_wait3A_342] : memref<20000x32xf32, #tpu.memory_space<hbm>> -> memref<625x32xf32, #tpu.memory_space<hbm>>
      %dma_wait3A_344 = arith.constant 0 : i32
      %dma_wait3A_345 = tpu.memref_slice %arg5[%add3A_337, %dma_wait3A_344] : memref<20000x32xf32, #tpu.memory_space<hbm>> -> memref<625x32xf32, #tpu.memory_space<hbm>>
      tpu.wait_dma2 semaphore(%run_scoped3A : memref<!tpu.dma_semaphore, #tpu.memory_space<semaphore_mem>>) src(%arg6 : memref<625x32xf32, #tpu.memory_space<vmem>>) dst(%dma_wait3A_345 : memref<625x32xf32, #tpu.memory_space<hbm>>)
      tpu.yield
    }) : () -> ()
    return
  }
}

module attributes {stable_mosaic.version = 14 : i64} {
  func.func @_const_body(%arg0: memref<9x33xf32, #tpu.memory_space<vmem>>, %arg1: memref<33x32xf32, #tpu.memory_space<vmem>>, %arg2: memref<1x32xf32, #tpu.memory_space<vmem>>, %arg3: memref<32x1024xf32, #tpu.memory_space<vmem>>, %arg4: memref<1x1024xf32, #tpu.memory_space<vmem>>, %arg5: memref<1280x125xi32, #tpu.memory_space<vmem>>, %arg6: memref<1280x125xi32, #tpu.memory_space<vmem>>, %arg7: memref<9x1024xf32, #tpu.memory_space<vmem>>, %arg8: memref<1280x125xi32, #tpu.memory_space<vmem>>) attributes {dimension_semantics = [], scalar_prefetch = 0 : i64, scratch_operands = 0 : i64, tpu.core_type = #tpu.core_type<tc>} {
    %get3A = arith.constant 0 : index
    %get3A_0 = arith.constant 0 : index
    %get3A_1 = vector.load %arg0[%get3A, %get3A_0] : memref<9x33xf32, #tpu.memory_space<vmem>>, vector<9x33xf32>
    %get3A_2 = arith.constant 0 : index
    %get3A_3 = arith.constant 0 : index
    %get3A_4 = vector.load %arg1[%get3A_2, %get3A_3] : memref<33x32xf32, #tpu.memory_space<vmem>>, vector<33x32xf32>
    %dot_general3A = arith.constant dense<0.000000e+00> : vector<9x32xf32>
    %dot_general3A_5 = tpu.matmul %get3A_1, %get3A_4, %dot_general3A {dimension_numbers = #tpu.dot_dimension_numbers<[1], [0], [0], [1], [0, 0, 1, 1], [], []>, transpose_lhs_hint = false} : vector<9x33xf32>, vector<33x32xf32>, vector<9x32xf32> -> vector<9x32xf32>
    %get3A_6 = arith.constant 0 : index
    %get3A_7 = arith.constant 0 : index
    %get3A_8 = vector.load %arg2[%get3A_6, %get3A_7] : memref<1x32xf32, #tpu.memory_space<vmem>>, vector<1x32xf32>
    %add3A = vector.broadcast %get3A_8 : vector<1x32xf32> to vector<9x32xf32>
    %add3A_9 = arith.addf %dot_general3A_5, %add3A : vector<9x32xf32>
    %max3A = arith.constant 0.000000e+00 : f32
    %max3A_10 = vector.broadcast %max3A : f32 to vector<9x32xf32>
    %max3A_11 = arith.maximumf %add3A_9, %max3A_10 : vector<9x32xf32>
    %get3A_12 = arith.constant 0 : index
    %get3A_13 = arith.constant 0 : index
    %get3A_14 = vector.load %arg3[%get3A_12, %get3A_13] : memref<32x1024xf32, #tpu.memory_space<vmem>>, vector<32x1024xf32>
    %dot_general3A_15 = arith.constant dense<0.000000e+00> : vector<9x1024xf32>
    %dot_general3A_16 = tpu.matmul %max3A_11, %get3A_14, %dot_general3A_15 {dimension_numbers = #tpu.dot_dimension_numbers<[1], [0], [0], [1], [0, 0, 1, 1], [], []>, transpose_lhs_hint = false} : vector<9x32xf32>, vector<32x1024xf32>, vector<9x1024xf32> -> vector<9x1024xf32>
    %get3A_17 = arith.constant 0 : index
    %get3A_18 = arith.constant 0 : index
    %get3A_19 = vector.load %arg4[%get3A_17, %get3A_18] : memref<1x1024xf32, #tpu.memory_space<vmem>>, vector<1x1024xf32>
    %add3A_20 = vector.broadcast %get3A_19 : vector<1x1024xf32> to vector<9x1024xf32>
    %add3A_21 = arith.addf %dot_general3A_16, %add3A_20 : vector<9x1024xf32>
    %swap3A = arith.constant 0 : index
    %swap3A_22 = arith.constant 0 : index
    %swap3A_23 = vector.load %arg7[%swap3A, %swap3A_22] : memref<9x1024xf32, #tpu.memory_space<vmem>>, vector<9x1024xf32>
    tpu.vector_store %arg7[%swap3A, %swap3A_22], %add3A_21 {strides = array<i32>} : memref<9x1024xf32, #tpu.memory_space<vmem>>, vector<9x1024xf32>,
    %get3A_24 = arith.constant 0 : index
    %get3A_25 = arith.constant 0 : index
    %get3A_26 = vector.load %arg5[%get3A_24, %get3A_25] : memref<1280x125xi32, #tpu.memory_space<vmem>>, vector<1280x125xi32>
    %mul3A = arith.constant 9 : i32
    %mul3A_27 = vector.broadcast %mul3A : i32 to vector<1280x125xi32>
    %mul3A_28 = arith.muli %get3A_26, %mul3A_27 : vector<1280x125xi32>
    %get3A_29 = arith.constant 0 : index
    %get3A_30 = arith.constant 0 : index
    %get3A_31 = vector.load %arg6[%get3A_29, %get3A_30] : memref<1280x125xi32, #tpu.memory_space<vmem>>, vector<1280x125xi32>
    %jit3A = arith.constant 0 : i32
    %jit3A_32 = arith.constant 8 : i32
    %max3A_33 = vector.broadcast %jit3A : i32 to vector<1280x125xi32>
    %max3A_34 = arith.maxsi %max3A_33, %get3A_31 : vector<1280x125xi32>
    %min3A = vector.broadcast %jit3A_32 : i32 to vector<1280x125xi32>
    %min3A_35 = arith.minsi %min3A, %max3A_34 : vector<1280x125xi32>
    %add3A_36 = arith.addi %mul3A_28, %min3A_35 : vector<1280x125xi32>
    %swap3A_37 = arith.constant 0 : index
    %swap3A_38 = arith.constant 0 : index
    %swap3A_39 = vector.load %arg8[%swap3A_37, %swap3A_38] : memref<1280x125xi32, #tpu.memory_space<vmem>>, vector<1280x125xi32>
    tpu.vector_store %arg8[%swap3A_37, %swap3A_38], %add3A_36 {strides = array<i32>} : memref<1280x125xi32, #tpu.memory_space<vmem>>, vector<1280x125xi32>,
    return
  }
}

module attributes {stable_mosaic.version = 14 : i64} {
  func.func @_init_body(%arg0: i32, %arg1: memref<2000x34xf32, #tpu.memory_space<vmem>>, %arg2: memref<9x32xf32, #tpu.memory_space<vmem>>, %arg3: memref<34x32xf32, #tpu.memory_space<vmem>>, %arg4: memref<1x32xf32, #tpu.memory_space<vmem>>, %arg5: memref<32x288xf32, #tpu.memory_space<vmem>>, %arg6: memref<2000x32xf32, #tpu.memory_space<vmem>>, %arg7: memref<2000x288xf32, #tpu.memory_space<vmem>>) attributes {dimension_semantics = [#tpu.dimension_semantics<arbitrary>], iteration_bounds = array<i64: 5>, scalar_prefetch = 0 : i64, scratch_operands = 0 : i64, tpu.core_type = #tpu.core_type<tc>, window_params = [{transform_indices = @transform_0, window_bounds = array<i64: 2000, 34>}, {pipeline_mode = #tpu.pipeline_mode<synchronous>, transform_indices = @transform_1, window_bounds = array<i64: 9, 32>}, {pipeline_mode = #tpu.pipeline_mode<synchronous>, transform_indices = @transform_2, window_bounds = array<i64: 34, 32>}, {pipeline_mode = #tpu.pipeline_mode<synchronous>, transform_indices = @transform_3, window_bounds = array<i64: 1, 32>}, {pipeline_mode = #tpu.pipeline_mode<synchronous>, transform_indices = @transform_4, window_bounds = array<i64: 32, 288>}, {transform_indices = @transform_5, window_bounds = array<i64: 2000, 32>}, {transform_indices = @transform_6, window_bounds = array<i64: 2000, 288>}]} {
    %get3A = arith.constant 0 : index
    %get3A_0 = arith.constant 0 : index
    %get3A_1 = vector.load %arg1[%get3A, %get3A_0] : memref<2000x34xf32, #tpu.memory_space<vmem>>, vector<2000x34xf32>
    %slice3A = vector.extract_strided_slice %get3A_1 {offsets = [0, 33], sizes = [2000, 1], strides = [1, 1]} : vector<2000x34xf32> to vector<2000x1xf32>
    %convert_element_type3A = arith.fptosi %slice3A : vector<2000x1xf32> to vector<2000x1xi32>
    %jit3A = arith.constant 0 : i32
    %jit3A_2 = arith.constant 8 : i32
    %max3A = vector.broadcast %jit3A : i32 to vector<2000x1xi32>
    %max3A_3 = arith.maxsi %max3A, %convert_element_type3A : vector<2000x1xi32>
    %min3A = vector.broadcast %jit3A_2 : i32 to vector<2000x1xi32>
    %min3A_4 = arith.minsi %min3A, %max3A_3 : vector<2000x1xi32>
    %iota3A = tpu.iota {dimensions = array<i32: 1>} : vector<2000x9xi32>
    %eq3A = vector.broadcast %min3A_4 : vector<2000x1xi32> to vector<2000x9xi32>
    %eq3A_5 = arith.cmpi eq, %iota3A, %eq3A : vector<2000x9xi32>
    %convert_element_type3A_6 = arith.extui %eq3A_5 : vector<2000x9xi1> to vector<2000x9xi32>
    %convert_element_type3A_7 = arith.sitofp %convert_element_type3A_6 : vector<2000x9xi32> to vector<2000x9xf32>
    %get3A_8 = arith.constant 0 : index
    %get3A_9 = arith.constant 0 : index
    %get3A_10 = vector.load %arg3[%get3A_8, %get3A_9] : memref<34x32xf32, #tpu.memory_space<vmem>>, vector<34x32xf32>
    %dot_general3A = arith.constant dense<0.000000e+00> : vector<2000x32xf32>
    %dot_general3A_11 = tpu.matmul %get3A_1, %get3A_10, %dot_general3A {dimension_numbers = #tpu.dot_dimension_numbers<[1], [0], [0], [1], [0, 0, 1, 1], [], []>, transpose_lhs_hint = false} : vector<2000x34xf32>, vector<34x32xf32>, vector<2000x32xf32> -> vector<2000x32xf32>
    %get3A_12 = arith.constant 0 : index
    %get3A_13 = arith.constant 0 : index
    %get3A_14 = vector.load %arg2[%get3A_12, %get3A_13] : memref<9x32xf32, #tpu.memory_space<vmem>>, vector<9x32xf32>
    %dot_general3A_15 = arith.constant dense<0.000000e+00> : vector<2000x32xf32>
    %dot_general3A_16 = tpu.matmul %convert_element_type3A_7, %get3A_14, %dot_general3A_15 {dimension_numbers = #tpu.dot_dimension_numbers<[1], [0], [0], [1], [0, 0, 1, 1], [], []>, transpose_lhs_hint = false} : vector<2000x9xf32>, vector<9x32xf32>, vector<2000x32xf32> -> vector<2000x32xf32>
    %add3A = arith.addf %dot_general3A_11, %dot_general3A_16 : vector<2000x32xf32>
    %get3A_17 = arith.constant 0 : index
    %get3A_18 = arith.constant 0 : index
    %get3A_19 = vector.load %arg4[%get3A_17, %get3A_18] : memref<1x32xf32, #tpu.memory_space<vmem>>, vector<1x32xf32>
    %add3A_20 = vector.broadcast %get3A_19 : vector<1x32xf32> to vector<2000x32xf32>
    %add3A_21 = arith.addf %add3A, %add3A_20 : vector<2000x32xf32>
    %max3A_22 = arith.constant 0.000000e+00 : f32
    %max3A_23 = vector.broadcast %max3A_22 : f32 to vector<2000x32xf32>
    %max3A_24 = arith.maximumf %add3A_21, %max3A_23 : vector<2000x32xf32>
    %swap3A = arith.constant 0 : index
    %swap3A_25 = arith.constant 0 : index
    %swap3A_26 = vector.load %arg6[%swap3A, %swap3A_25] : memref<2000x32xf32, #tpu.memory_space<vmem>>, vector<2000x32xf32>
    tpu.vector_store %arg6[%swap3A, %swap3A_25], %max3A_24 {strides = array<i32>} : memref<2000x32xf32, #tpu.memory_space<vmem>>, vector<2000x32xf32>,
    %get3A_27 = arith.constant 0 : index
    %get3A_28 = arith.constant 0 : index
    %get3A_29 = vector.load %arg5[%get3A_27, %get3A_28] : memref<32x288xf32, #tpu.memory_space<vmem>>, vector<32x288xf32>
    %dot_general3A_30 = arith.constant dense<0.000000e+00> : vector<2000x288xf32>
    %dot_general3A_31 = tpu.matmul %max3A_24, %get3A_29, %dot_general3A_30 {dimension_numbers = #tpu.dot_dimension_numbers<[1], [0], [0], [1], [0, 0, 1, 1], [], []>, transpose_lhs_hint = false} : vector<2000x32xf32>, vector<32x288xf32>, vector<2000x288xf32> -> vector<2000x288xf32>
    %swap3A_32 = arith.constant 0 : index
    %swap3A_33 = arith.constant 0 : index
    %swap3A_34 = vector.load %arg7[%swap3A_32, %swap3A_33] : memref<2000x288xf32, #tpu.memory_space<vmem>>, vector<2000x288xf32>
    tpu.vector_store %arg7[%swap3A_32, %swap3A_33], %dot_general3A_31 {strides = array<i32>} : memref<2000x288xf32, #tpu.memory_space<vmem>>, vector<2000x288xf32>,
    return
  }
  func.func @transform_0(%arg0: i32) -> (i32, i32) {
    %c0_i32 = arith.constant 0 : i32
    %c0_i32_0 = arith.constant 0 : i32
    return %arg0, %c0_i32 : i32, i32
  }
  func.func @transform_1(%arg0: i32) -> (i32, i32) {
    %c0_i32 = arith.constant 0 : i32
    %c0_i32_0 = arith.constant 0 : i32
    %c0_i32_1 = arith.constant 0 : i32
    return %c0_i32, %c0_i32_0 : i32, i32
  }
  func.func @transform_2(%arg0: i32) -> (i32, i32) {
    %c0_i32 = arith.constant 0 : i32
    %c0_i32_0 = arith.constant 0 : i32
    %c0_i32_1 = arith.constant 0 : i32
    return %c0_i32, %c0_i32_0 : i32, i32
  }
  func.func @transform_3(%arg0: i32) -> (i32, i32) {
    %c0_i32 = arith.constant 0 : i32
    %c0_i32_0 = arith.constant 0 : i32
    %c0_i32_1 = arith.constant 0 : i32
    return %c0_i32, %c0_i32_0 : i32, i32
  }
  func.func @transform_4(%arg0: i32) -> (i32, i32) {
    %c0_i32 = arith.constant 0 : i32
    %c0_i32_0 = arith.constant 0 : i32
    %c0_i32_1 = arith.constant 0 : i32
    return %c0_i32, %c0_i32_0 : i32, i32
  }
  func.func @transform_5(%arg0: i32) -> (i32, i32) {
    %c0_i32 = arith.constant 0 : i32
    %c0_i32_0 = arith.constant 0 : i32
    return %arg0, %c0_i32 : i32, i32
  }
  func.func @transform_6(%arg0: i32) -> (i32, i32) {
    %c0_i32 = arith.constant 0 : i32
    %c0_i32_0 = arith.constant 0 : i32
    return %arg0, %c0_i32 : i32, i32
  }
}

module attributes {stable_mosaic.version = 14 : i64} {
  func.func @_gru_body(%arg0: i32, %arg1: memref<2000x32xf32, #tpu.memory_space<vmem>>, %arg2: memref<2000x32xf32, #tpu.memory_space<vmem>>, %arg3: memref<2000x32xf32, #tpu.memory_space<vmem>>, %arg4: memref<1x32xf32, #tpu.memory_space<vmem>>, %arg5: memref<32x96xf32, #tpu.memory_space<vmem>>, %arg6: memref<1x96xf32, #tpu.memory_space<vmem>>, %arg7: memref<32x96xf32, #tpu.memory_space<vmem>>, %arg8: memref<1x96xf32, #tpu.memory_space<vmem>>, %arg9: memref<32x288xf32, #tpu.memory_space<vmem>>, %arg10: memref<2000x32xf32, #tpu.memory_space<vmem>>, %arg11: memref<2000x288xf32, #tpu.memory_space<vmem>>) attributes {dimension_semantics = [#tpu.dimension_semantics<arbitrary>], iteration_bounds = array<i64: 5>, scalar_prefetch = 0 : i64, scratch_operands = 0 : i64, tpu.core_type = #tpu.core_type<tc>, window_params = [{transform_indices = @transform_0, window_bounds = array<i64: 2000, 32>}, {transform_indices = @transform_1, window_bounds = array<i64: 2000, 32>}, {transform_indices = @transform_2, window_bounds = array<i64: 2000, 32>}, {pipeline_mode = #tpu.pipeline_mode<synchronous>, transform_indices = @transform_3, window_bounds = array<i64: 1, 32>}, {pipeline_mode = #tpu.pipeline_mode<synchronous>, transform_indices = @transform_4, window_bounds = array<i64: 32, 96>}, {pipeline_mode = #tpu.pipeline_mode<synchronous>, transform_indices = @transform_5, window_bounds = array<i64: 1, 96>}, {pipeline_mode = #tpu.pipeline_mode<synchronous>, transform_indices = @transform_6, window_bounds = array<i64: 32, 96>}, {pipeline_mode = #tpu.pipeline_mode<synchronous>, transform_indices = @transform_7, window_bounds = array<i64: 1, 96>}, {pipeline_mode = #tpu.pipeline_mode<synchronous>, transform_indices = @transform_8, window_bounds = array<i64: 32, 288>}, {transform_indices = @transform_9, window_bounds = array<i64: 2000, 32>}, {transform_indices = @transform_10, window_bounds = array<i64: 2000, 288>}]} {
    %get3A = arith.constant 0 : index
    %get3A_0 = arith.constant 0 : index
    %get3A_1 = vector.load %arg3[%get3A, %get3A_0] : memref<2000x32xf32, #tpu.memory_space<vmem>>, vector<2000x32xf32>
    %get3A_2 = arith.constant 0 : index
    %get3A_3 = arith.constant 0 : index
    %get3A_4 = vector.load %arg1[%get3A_2, %get3A_3] : memref<2000x32xf32, #tpu.memory_space<vmem>>, vector<2000x32xf32>
    %get3A_5 = arith.constant 0 : index
    %get3A_6 = arith.constant 0 : index
    %get3A_7 = vector.load %arg2[%get3A_5, %get3A_6] : memref<2000x32xf32, #tpu.memory_space<vmem>>, vector<2000x32xf32>
    %add3A = arith.addf %get3A_4, %get3A_7 : vector<2000x32xf32>
    %get3A_8 = arith.constant 0 : index
    %get3A_9 = arith.constant 0 : index
    %get3A_10 = vector.load %arg4[%get3A_8, %get3A_9] : memref<1x32xf32, #tpu.memory_space<vmem>>, vector<1x32xf32>
    %add3A_11 = vector.broadcast %get3A_10 : vector<1x32xf32> to vector<2000x32xf32>
    %add3A_12 = arith.addf %add3A, %add3A_11 : vector<2000x32xf32>
    %max3A = arith.constant 0.000000e+00 : f32
    %max3A_13 = vector.broadcast %max3A : f32 to vector<2000x32xf32>
    %max3A_14 = arith.maximumf %add3A_12, %max3A_13 : vector<2000x32xf32>
    %get3A_15 = arith.constant 0 : index
    %get3A_16 = arith.constant 0 : index
    %get3A_17 = vector.load %arg5[%get3A_15, %get3A_16] : memref<32x96xf32, #tpu.memory_space<vmem>>, vector<32x96xf32>
    %dot_general3A = arith.constant dense<0.000000e+00> : vector<2000x96xf32>
    %dot_general3A_18 = tpu.matmul %max3A_14, %get3A_17, %dot_general3A {dimension_numbers = #tpu.dot_dimension_numbers<[1], [0], [0], [1], [0, 0, 1, 1], [], []>, transpose_lhs_hint = false} : vector<2000x32xf32>, vector<32x96xf32>, vector<2000x96xf32> -> vector<2000x96xf32>
    %get3A_19 = arith.constant 0 : index
    %get3A_20 = arith.constant 0 : index
    %get3A_21 = vector.load %arg6[%get3A_19, %get3A_20] : memref<1x96xf32, #tpu.memory_space<vmem>>, vector<1x96xf32>
    %add3A_22 = vector.broadcast %get3A_21 : vector<1x96xf32> to vector<2000x96xf32>
    %add3A_23 = arith.addf %dot_general3A_18, %add3A_22 : vector<2000x96xf32>
    %get3A_24 = arith.constant 0 : index
    %get3A_25 = arith.constant 0 : index
    %get3A_26 = vector.load %arg7[%get3A_24, %get3A_25] : memref<32x96xf32, #tpu.memory_space<vmem>>, vector<32x96xf32>
    %dot_general3A_27 = arith.constant dense<0.000000e+00> : vector<2000x96xf32>
    %dot_general3A_28 = tpu.matmul %get3A_1, %get3A_26, %dot_general3A_27 {dimension_numbers = #tpu.dot_dimension_numbers<[1], [0], [0], [1], [0, 0, 1, 1], [], []>, transpose_lhs_hint = false} : vector<2000x32xf32>, vector<32x96xf32>, vector<2000x96xf32> -> vector<2000x96xf32>
    %get3A_29 = arith.constant 0 : index
    %get3A_30 = arith.constant 0 : index
    %get3A_31 = vector.load %arg8[%get3A_29, %get3A_30] : memref<1x96xf32, #tpu.memory_space<vmem>>, vector<1x96xf32>
    %add3A_32 = vector.broadcast %get3A_31 : vector<1x96xf32> to vector<2000x96xf32>
    %add3A_33 = arith.addf %dot_general3A_28, %add3A_32 : vector<2000x96xf32>
    %slice3A = vector.extract_strided_slice %add3A_23 {offsets = [0, 0], sizes = [2000, 32], strides = [1, 1]} : vector<2000x96xf32> to vector<2000x32xf32>
    %slice3A_34 = vector.extract_strided_slice %add3A_33 {offsets = [0, 0], sizes = [2000, 32], strides = [1, 1]} : vector<2000x96xf32> to vector<2000x32xf32>
    %add3A_35 = arith.addf %slice3A, %slice3A_34 : vector<2000x32xf32>
    %logistic3A = arith.negf %add3A_35 : vector<2000x32xf32>
    %logistic3A_36 = math.exp %logistic3A : vector<2000x32xf32>
    %logistic3A_37 = arith.constant 1.000000e+00 : f32
    %logistic3A_38 = vector.broadcast %logistic3A_37 : f32 to vector<2000x32xf32>
    %logistic3A_39 = arith.addf %logistic3A_38, %logistic3A_36 : vector<2000x32xf32>
    %logistic3A_40 = arith.divf %logistic3A_38, %logistic3A_39 : vector<2000x32xf32>
    %slice3A_41 = vector.extract_strided_slice %add3A_23 {offsets = [0, 32], sizes = [2000, 32], strides = [1, 1]} : vector<2000x96xf32> to vector<2000x32xf32>
    %slice3A_42 = vector.extract_strided_slice %add3A_33 {offsets = [0, 32], sizes = [2000, 32], strides = [1, 1]} : vector<2000x96xf32> to vector<2000x32xf32>
    %add3A_43 = arith.addf %slice3A_41, %slice3A_42 : vector<2000x32xf32>
    %logistic3A_44 = arith.negf %add3A_43 : vector<2000x32xf32>
    %logistic3A_45 = math.exp %logistic3A_44 : vector<2000x32xf32>
    %logistic3A_46 = arith.constant 1.000000e+00 : f32
    %logistic3A_47 = vector.broadcast %logistic3A_46 : f32 to vector<2000x32xf32>
    %logistic3A_48 = arith.addf %logistic3A_47, %logistic3A_45 : vector<2000x32xf32>
    %logistic3A_49 = arith.divf %logistic3A_47, %logistic3A_48 : vector<2000x32xf32>
    %slice3A_50 = vector.extract_strided_slice %add3A_23 {offsets = [0, 64], sizes = [2000, 32], strides = [1, 1]} : vector<2000x96xf32> to vector<2000x32xf32>
    %slice3A_51 = vector.extract_strided_slice %add3A_33 {offsets = [0, 64], sizes = [2000, 32], strides = [1, 1]} : vector<2000x96xf32> to vector<2000x32xf32>
    %mul3A = arith.mulf %logistic3A_40, %slice3A_51 : vector<2000x32xf32>
    %add3A_52 = arith.addf %slice3A_50, %mul3A : vector<2000x32xf32>
    %tanh3A = math.tanh %add3A_52 : vector<2000x32xf32>
    %sub3A = arith.constant 1.000000e+00 : f32
    %sub3A_53 = vector.broadcast %sub3A : f32 to vector<2000x32xf32>
    %sub3A_54 = arith.subf %sub3A_53, %logistic3A_49 : vector<2000x32xf32>
    %mul3A_55 = arith.mulf %sub3A_54, %tanh3A : vector<2000x32xf32>
    %mul3A_56 = arith.mulf %logistic3A_49, %get3A_1 : vector<2000x32xf32>
    %add3A_57 = arith.addf %mul3A_55, %mul3A_56 : vector<2000x32xf32>
    %swap3A = arith.constant 0 : index
    %swap3A_58 = arith.constant 0 : index
    %swap3A_59 = vector.load %arg10[%swap3A, %swap3A_58] : memref<2000x32xf32, #tpu.memory_space<vmem>>, vector<2000x32xf32>
    tpu.vector_store %arg10[%swap3A, %swap3A_58], %add3A_57 {strides = array<i32>} : memref<2000x32xf32, #tpu.memory_space<vmem>>, vector<2000x32xf32>,
    %get3A_60 = arith.constant 0 : index
    %get3A_61 = arith.constant 0 : index
    %get3A_62 = vector.load %arg9[%get3A_60, %get3A_61] : memref<32x288xf32, #tpu.memory_space<vmem>>, vector<32x288xf32>
    %dot_general3A_63 = arith.constant dense<0.000000e+00> : vector<2000x288xf32>
    %dot_general3A_64 = tpu.matmul %add3A_57, %get3A_62, %dot_general3A_63 {dimension_numbers = #tpu.dot_dimension_numbers<[1], [0], [0], [1], [0, 0, 1, 1], [], []>, transpose_lhs_hint = false} : vector<2000x32xf32>, vector<32x288xf32>, vector<2000x288xf32> -> vector<2000x288xf32>
    %swap3A_65 = arith.constant 0 : index
    %swap3A_66 = arith.constant 0 : index
    %swap3A_67 = vector.load %arg11[%swap3A_65, %swap3A_66] : memref<2000x288xf32, #tpu.memory_space<vmem>>, vector<2000x288xf32>
    tpu.vector_store %arg11[%swap3A_65, %swap3A_66], %dot_general3A_64 {strides = array<i32>} : memref<2000x288xf32, #tpu.memory_space<vmem>>, vector<2000x288xf32>,
    return
  }
  func.func @transform_0(%arg0: i32) -> (i32, i32) {
    %c0_i32 = arith.constant 0 : i32
    %c0_i32_0 = arith.constant 0 : i32
    return %arg0, %c0_i32 : i32, i32
  }
  func.func @transform_1(%arg0: i32) -> (i32, i32) {
    %add3A = arith.constant 5 : i32
    %add3A_0 = arith.addi %arg0, %add3A : i32
    %c0_i32 = arith.constant 0 : i32
    %c0_i32_1 = arith.constant 0 : i32
    return %add3A_0, %c0_i32 : i32, i32
  }
  func.func @transform_2(%arg0: i32) -> (i32, i32) {
    %c0_i32 = arith.constant 0 : i32
    %c0_i32_0 = arith.constant 0 : i32
    return %arg0, %c0_i32 : i32, i32
  }
  func.func @transform_3(%arg0: i32) -> (i32, i32) {
    %c0_i32 = arith.constant 0 : i32
    %c0_i32_0 = arith.constant 0 : i32
    %c0_i32_1 = arith.constant 0 : i32
    return %c0_i32, %c0_i32_0 : i32, i32
  }
  func.func @transform_4(%arg0: i32) -> (i32, i32) {
    %c0_i32 = arith.constant 0 : i32
    %c0_i32_0 = arith.constant 0 : i32
    %c0_i32_1 = arith.constant 0 : i32
    return %c0_i32, %c0_i32_0 : i32, i32
  }
  func.func @transform_5(%arg0: i32) -> (i32, i32) {
    %c0_i32 = arith.constant 0 : i32
    %c0_i32_0 = arith.constant 0 : i32
    %c0_i32_1 = arith.constant 0 : i32
    return %c0_i32, %c0_i32_0 : i32, i32
  }
  func.func @transform_6(%arg0: i32) -> (i32, i32) {
    %c0_i32 = arith.constant 0 : i32
    %c0_i32_0 = arith.constant 0 : i32
    %c0_i32_1 = arith.constant 0 : i32
    return %c0_i32, %c0_i32_0 : i32, i32
  }
  func.func @transform_7(%arg0: i32) -> (i32, i32) {
    %c0_i32 = arith.constant 0 : i32
    %c0_i32_0 = arith.constant 0 : i32
    %c0_i32_1 = arith.constant 0 : i32
    return %c0_i32, %c0_i32_0 : i32, i32
  }
  func.func @transform_8(%arg0: i32) -> (i32, i32) {
    %c0_i32 = arith.constant 0 : i32
    %c0_i32_0 = arith.constant 0 : i32
    %c0_i32_1 = arith.constant 0 : i32
    return %c0_i32, %c0_i32_0 : i32, i32
  }
  func.func @transform_9(%arg0: i32) -> (i32, i32) {
    %c0_i32 = arith.constant 0 : i32
    %c0_i32_0 = arith.constant 0 : i32
    return %arg0, %c0_i32 : i32, i32
  }
  func.func @transform_10(%arg0: i32) -> (i32, i32) {
    %c0_i32 = arith.constant 0 : i32
    %c0_i32_0 = arith.constant 0 : i32
    return %arg0, %c0_i32 : i32, i32
  }
}

module attributes {stable_mosaic.version = 14 : i64} {
  func.func @_s2s_body(%arg0: memref<10000x32xf32, #tpu.memory_space<vmem>>, %arg1: memref<64x128xf32, #tpu.memory_space<vmem>>, %arg2: memref<32x128xf32, #tpu.memory_space<vmem>>, %arg3: memref<1x128xf32, #tpu.memory_space<vmem>>, %arg4: memref<1x128xf32, #tpu.memory_space<vmem>>, %arg5: memref<32x128xf32, #tpu.memory_space<vmem>>, %arg6: memref<32x128xf32, #tpu.memory_space<vmem>>, %arg7: memref<1x128xf32, #tpu.memory_space<vmem>>, %arg8: memref<1x128xf32, #tpu.memory_space<vmem>>, %arg9: memref<32x128xf32, #tpu.memory_space<vmem>>, %arg10: memref<32x128xf32, #tpu.memory_space<vmem>>, %arg11: memref<1x128xf32, #tpu.memory_space<vmem>>, %arg12: memref<1x128xf32, #tpu.memory_space<vmem>>, %arg13: memref<64x32xf32, #tpu.memory_space<vmem>>, %arg14: memref<1x32xf32, #tpu.memory_space<vmem>>, %arg15: memref<32x32xf32, #tpu.memory_space<vmem>>, %arg16: memref<1x32xf32, #tpu.memory_space<vmem>>, %arg17: memref<8x32xf32, #tpu.memory_space<vmem>>) attributes {dimension_semantics = [], scalar_prefetch = 0 : i64, scratch_operands = 0 : i64, tpu.core_type = #tpu.core_type<tc>} {
    %get3A = arith.constant 0 : index
    %get3A_0 = arith.constant 0 : index
    %get3A_1 = vector.load %arg0[%get3A, %get3A_0] : memref<10000x32xf32, #tpu.memory_space<vmem>>, vector<10000x32xf32>
    %get3A_2 = arith.constant 0 : index
    %get3A_3 = arith.constant 0 : index
    %get3A_4 = vector.load %arg1[%get3A_2, %get3A_3] : memref<64x128xf32, #tpu.memory_space<vmem>>, vector<64x128xf32>
    %get3A_5 = arith.constant 0 : index
    %get3A_6 = arith.constant 0 : index
    %get3A_7 = vector.load %arg2[%get3A_5, %get3A_6] : memref<32x128xf32, #tpu.memory_space<vmem>>, vector<32x128xf32>
    %get3A_8 = arith.constant 0 : index
    %get3A_9 = arith.constant 0 : index
    %get3A_10 = vector.load %arg3[%get3A_8, %get3A_9] : memref<1x128xf32, #tpu.memory_space<vmem>>, vector<1x128xf32>
    %get3A_11 = arith.constant 0 : index
    %get3A_12 = arith.constant 0 : index
    %get3A_13 = vector.load %arg4[%get3A_11, %get3A_12] : memref<1x128xf32, #tpu.memory_space<vmem>>, vector<1x128xf32>
    %add3A = arith.addf %get3A_10, %get3A_13 : vector<1x128xf32>
    %get3A_14 = arith.constant 0 : index
    %get3A_15 = arith.constant 0 : index
    %get3A_16 = vector.load %arg5[%get3A_14, %get3A_15] : memref<32x128xf32, #tpu.memory_space<vmem>>, vector<32x128xf32>
    %get3A_17 = arith.constant 0 : index
    %get3A_18 = arith.constant 0 : index
    %get3A_19 = vector.load %arg6[%get3A_17, %get3A_18] : memref<32x128xf32, #tpu.memory_space<vmem>>, vector<32x128xf32>
    %get3A_20 = arith.constant 0 : index
    %get3A_21 = arith.constant 0 : index
    %get3A_22 = vector.load %arg7[%get3A_20, %get3A_21] : memref<1x128xf32, #tpu.memory_space<vmem>>, vector<1x128xf32>
    %get3A_23 = arith.constant 0 : index
    %get3A_24 = arith.constant 0 : index
    %get3A_25 = vector.load %arg8[%get3A_23, %get3A_24] : memref<1x128xf32, #tpu.memory_space<vmem>>, vector<1x128xf32>
    %add3A_26 = arith.addf %get3A_22, %get3A_25 : vector<1x128xf32>
    %get3A_27 = arith.constant 0 : index
    %get3A_28 = arith.constant 0 : index
    %get3A_29 = vector.load %arg9[%get3A_27, %get3A_28] : memref<32x128xf32, #tpu.memory_space<vmem>>, vector<32x128xf32>
    %get3A_30 = arith.constant 0 : index
    %get3A_31 = arith.constant 0 : index
    %get3A_32 = vector.load %arg10[%get3A_30, %get3A_31] : memref<32x128xf32, #tpu.memory_space<vmem>>, vector<32x128xf32>
    %get3A_33 = arith.constant 0 : index
    %get3A_34 = arith.constant 0 : index
    %get3A_35 = vector.load %arg11[%get3A_33, %get3A_34] : memref<1x128xf32, #tpu.memory_space<vmem>>, vector<1x128xf32>
    %get3A_36 = arith.constant 0 : index
    %get3A_37 = arith.constant 0 : index
    %get3A_38 = vector.load %arg12[%get3A_36, %get3A_37] : memref<1x128xf32, #tpu.memory_space<vmem>>, vector<1x128xf32>
    %add3A_39 = arith.addf %get3A_35, %get3A_38 : vector<1x128xf32>
    %get3A_40 = arith.constant 0 : index
    %get3A_41 = arith.constant 0 : index
    %get3A_42 = vector.load %arg13[%get3A_40, %get3A_41] : memref<64x32xf32, #tpu.memory_space<vmem>>, vector<64x32xf32>
    %get3A_43 = arith.constant 0 : index
    %get3A_44 = arith.constant 0 : index
    %get3A_45 = vector.load %arg15[%get3A_43, %get3A_44] : memref<32x32xf32, #tpu.memory_space<vmem>>, vector<32x32xf32>
    %broadcast_in_dim3A = arith.constant 0.000000e+00 : f32
    %broadcast_in_dim3A_46 = vector.broadcast %broadcast_in_dim3A : f32 to vector<1x32xf32>
    %scan3A = arith.constant 0 : i32
    %scan3A_47 = arith.constant 6 : i32
    %scan3A_48 = arith.addi %scan3A, %scan3A_47 : i32
    %scan3A_49 = arith.constant 1 : i32
    %scan3A_50:8 = scf.for %scan3A_72 = %scan3A to %scan3A_48 step %scan3A_49 iter_args(%scan3A_73 = %broadcast_in_dim3A_46, %scan3A_74 = %broadcast_in_dim3A_46, %scan3A_75 = %broadcast_in_dim3A_46, %scan3A_76 = %broadcast_in_dim3A_46, %scan3A_77 = %broadcast_in_dim3A_46, %scan3A_78 = %broadcast_in_dim3A_46, %scan3A_79 = %broadcast_in_dim3A_46, %scan3A_80 = %broadcast_in_dim3A_46) -> (vector<1x32xf32>, vector<1x32xf32>, vector<1x32xf32>, vector<1x32xf32>, vector<1x32xf32>, vector<1x32xf32>, vector<1x32xf32>, vector<1x32xf32>)  : i32 {
      %slice3A_81 = vector.extract_strided_slice %get3A_4 {offsets = [0, 0], sizes = [32, 128], strides = [1, 1]} : vector<64x128xf32> to vector<32x128xf32>
      %dot_general3A_82 = arith.constant dense<0.000000e+00> : vector<1x128xf32>
      %dot_general3A_83 = tpu.matmul %scan3A_73, %slice3A_81, %dot_general3A_82 {dimension_numbers = #tpu.dot_dimension_numbers<[1], [0], [0], [1], [0, 0, 1, 1], [], []>, transpose_lhs_hint = false} : vector<1x32xf32>, vector<32x128xf32>, vector<1x128xf32> -> vector<1x128xf32>
      %slice3A_84 = vector.extract_strided_slice %get3A_4 {offsets = [32, 0], sizes = [32, 128], strides = [1, 1]} : vector<64x128xf32> to vector<32x128xf32>
      %dot_general3A_85 = arith.constant dense<0.000000e+00> : vector<1x128xf32>
      %dot_general3A_86 = tpu.matmul %scan3A_74, %slice3A_84, %dot_general3A_85 {dimension_numbers = #tpu.dot_dimension_numbers<[1], [0], [0], [1], [0, 0, 1, 1], [], []>, transpose_lhs_hint = false} : vector<1x32xf32>, vector<32x128xf32>, vector<1x128xf32> -> vector<1x128xf32>
      %add3A_87 = arith.addf %dot_general3A_83, %dot_general3A_86 : vector<1x128xf32>
      %dot_general3A_88 = arith.constant dense<0.000000e+00> : vector<1x128xf32>
      %dot_general3A_89 = tpu.matmul %scan3A_75, %get3A_7, %dot_general3A_88 {dimension_numbers = #tpu.dot_dimension_numbers<[1], [0], [0], [1], [0, 0, 1, 1], [], []>, transpose_lhs_hint = false} : vector<1x32xf32>, vector<32x128xf32>, vector<1x128xf32> -> vector<1x128xf32>
      %add3A_90 = arith.addf %add3A_87, %dot_general3A_89 : vector<1x128xf32>
      %add3A_91 = arith.addf %add3A_90, %add3A : vector<1x128xf32>
      %slice3A_92 = vector.extract_strided_slice %add3A_91 {offsets = [0, 0], sizes = [1, 32], strides = [1, 1]} : vector<1x128xf32> to vector<1x32xf32>
      %logistic3A = arith.negf %slice3A_92 : vector<1x32xf32>
      %logistic3A_93 = math.exp %logistic3A : vector<1x32xf32>
      %logistic3A_94 = arith.constant 1.000000e+00 : f32
      %logistic3A_95 = vector.broadcast %logistic3A_94 : f32 to vector<1x32xf32>
      %logistic3A_96 = arith.addf %logistic3A_95, %logistic3A_93 : vector<1x32xf32>
      %logistic3A_97 = arith.divf %logistic3A_95, %logistic3A_96 : vector<1x32xf32>
      %slice3A_98 = vector.extract_strided_slice %add3A_91 {offsets = [0, 32], sizes = [1, 32], strides = [1, 1]} : vector<1x128xf32> to vector<1x32xf32>
      %logistic3A_99 = arith.negf %slice3A_98 : vector<1x32xf32>
      %logistic3A_100 = math.exp %logistic3A_99 : vector<1x32xf32>
      %logistic3A_101 = arith.constant 1.000000e+00 : f32
      %logistic3A_102 = vector.broadcast %logistic3A_101 : f32 to vector<1x32xf32>
      %logistic3A_103 = arith.addf %logistic3A_102, %logistic3A_100 : vector<1x32xf32>
      %logistic3A_104 = arith.divf %logistic3A_102, %logistic3A_103 : vector<1x32xf32>
      %slice3A_105 = vector.extract_strided_slice %add3A_91 {offsets = [0, 64], sizes = [1, 32], strides = [1, 1]} : vector<1x128xf32> to vector<1x32xf32>
      %tanh3A = math.tanh %slice3A_105 : vector<1x32xf32>
      %slice3A_106 = vector.extract_strided_slice %add3A_91 {offsets = [0, 96], sizes = [1, 32], strides = [1, 1]} : vector<1x128xf32> to vector<1x32xf32>
      %logistic3A_107 = arith.negf %slice3A_106 : vector<1x32xf32>
      %logistic3A_108 = math.exp %logistic3A_107 : vector<1x32xf32>
      %logistic3A_109 = arith.constant 1.000000e+00 : f32
      %logistic3A_110 = vector.broadcast %logistic3A_109 : f32 to vector<1x32xf32>
      %logistic3A_111 = arith.addf %logistic3A_110, %logistic3A_108 : vector<1x32xf32>
      %logistic3A_112 = arith.divf %logistic3A_110, %logistic3A_111 : vector<1x32xf32>
      %mul3A = arith.mulf %logistic3A_104, %scan3A_76 : vector<1x32xf32>
      %mul3A_113 = arith.mulf %logistic3A_97, %tanh3A : vector<1x32xf32>
      %add3A_114 = arith.addf %mul3A, %mul3A_113 : vector<1x32xf32>
      %tanh3A_115 = math.tanh %add3A_114 : vector<1x32xf32>
      %mul3A_116 = arith.mulf %logistic3A_112, %tanh3A_115 : vector<1x32xf32>
      %dot_general3A_117 = arith.constant dense<0.000000e+00> : vector<1x128xf32>
      %dot_general3A_118 = tpu.matmul %mul3A_116, %get3A_16, %dot_general3A_117 {dimension_numbers = #tpu.dot_dimension_numbers<[1], [0], [0], [1], [0, 0, 1, 1], [], []>, transpose_lhs_hint = false} : vector<1x32xf32>, vector<32x128xf32>, vector<1x128xf32> -> vector<1x128xf32>
      %dot_general3A_119 = arith.constant dense<0.000000e+00> : vector<1x128xf32>
      %dot_general3A_120 = tpu.matmul %scan3A_77, %get3A_19, %dot_general3A_119 {dimension_numbers = #tpu.dot_dimension_numbers<[1], [0], [0], [1], [0, 0, 1, 1], [], []>, transpose_lhs_hint = false} : vector<1x32xf32>, vector<32x128xf32>, vector<1x128xf32> -> vector<1x128xf32>
      %add3A_121 = arith.addf %dot_general3A_118, %dot_general3A_120 : vector<1x128xf32>
      %add3A_122 = arith.addf %add3A_121, %add3A_26 : vector<1x128xf32>
      %slice3A_123 = vector.extract_strided_slice %add3A_122 {offsets = [0, 0], sizes = [1, 32], strides = [1, 1]} : vector<1x128xf32> to vector<1x32xf32>
      %logistic3A_124 = arith.negf %slice3A_123 : vector<1x32xf32>
      %logistic3A_125 = math.exp %logistic3A_124 : vector<1x32xf32>
      %logistic3A_126 = arith.constant 1.000000e+00 : f32
      %logistic3A_127 = vector.broadcast %logistic3A_126 : f32 to vector<1x32xf32>
      %logistic3A_128 = arith.addf %logistic3A_127, %logistic3A_125 : vector<1x32xf32>
      %logistic3A_129 = arith.divf %logistic3A_127, %logistic3A_128 : vector<1x32xf32>
      %slice3A_130 = vector.extract_strided_slice %add3A_122 {offsets = [0, 32], sizes = [1, 32], strides = [1, 1]} : vector<1x128xf32> to vector<1x32xf32>
      %logistic3A_131 = arith.negf %slice3A_130 : vector<1x32xf32>
      %logistic3A_132 = math.exp %logistic3A_131 : vector<1x32xf32>
      %logistic3A_133 = arith.constant 1.000000e+00 : f32
      %logistic3A_134 = vector.broadcast %logistic3A_133 : f32 to vector<1x32xf32>
      %logistic3A_135 = arith.addf %logistic3A_134, %logistic3A_132 : vector<1x32xf32>
      %logistic3A_136 = arith.divf %logistic3A_134, %logistic3A_135 : vector<1x32xf32>
      %slice3A_137 = vector.extract_strided_slice %add3A_122 {offsets = [0, 64], sizes = [1, 32], strides = [1, 1]} : vector<1x128xf32> to vector<1x32xf32>
      %tanh3A_138 = math.tanh %slice3A_137 : vector<1x32xf32>
      %slice3A_139 = vector.extract_strided_slice %add3A_122 {offsets = [0, 96], sizes = [1, 32], strides = [1, 1]} : vector<1x128xf32> to vector<1x32xf32>
      %logistic3A_140 = arith.negf %slice3A_139 : vector<1x32xf32>
      %logistic3A_141 = math.exp %logistic3A_140 : vector<1x32xf32>
      %logistic3A_142 = arith.constant 1.000000e+00 : f32
      %logistic3A_143 = vector.broadcast %logistic3A_142 : f32 to vector<1x32xf32>
      %logistic3A_144 = arith.addf %logistic3A_143, %logistic3A_141 : vector<1x32xf32>
      %logistic3A_145 = arith.divf %logistic3A_143, %logistic3A_144 : vector<1x32xf32>
      %mul3A_146 = arith.mulf %logistic3A_136, %scan3A_78 : vector<1x32xf32>
      %mul3A_147 = arith.mulf %logistic3A_129, %tanh3A_138 : vector<1x32xf32>
      %add3A_148 = arith.addf %mul3A_146, %mul3A_147 : vector<1x32xf32>
      %tanh3A_149 = math.tanh %add3A_148 : vector<1x32xf32>
      %mul3A_150 = arith.mulf %logistic3A_145, %tanh3A_149 : vector<1x32xf32>
      %dot_general3A_151 = arith.constant dense<0.000000e+00> : vector<1x128xf32>
      %dot_general3A_152 = tpu.matmul %mul3A_150, %get3A_29, %dot_general3A_151 {dimension_numbers = #tpu.dot_dimension_numbers<[1], [0], [0], [1], [0, 0, 1, 1], [], []>, transpose_lhs_hint = false} : vector<1x32xf32>, vector<32x128xf32>, vector<1x128xf32> -> vector<1x128xf32>
      %dot_general3A_153 = arith.constant dense<0.000000e+00> : vector<1x128xf32>
      %dot_general3A_154 = tpu.matmul %scan3A_79, %get3A_32, %dot_general3A_153 {dimension_numbers = #tpu.dot_dimension_numbers<[1], [0], [0], [1], [0, 0, 1, 1], [], []>, transpose_lhs_hint = false} : vector<1x32xf32>, vector<32x128xf32>, vector<1x128xf32> -> vector<1x128xf32>
      %add3A_155 = arith.addf %dot_general3A_152, %dot_general3A_154 : vector<1x128xf32>
      %add3A_156 = arith.addf %add3A_155, %add3A_39 : vector<1x128xf32>
      %slice3A_157 = vector.extract_strided_slice %add3A_156 {offsets = [0, 0], sizes = [1, 32], strides = [1, 1]} : vector<1x128xf32> to vector<1x32xf32>
      %logistic3A_158 = arith.negf %slice3A_157 : vector<1x32xf32>
      %logistic3A_159 = math.exp %logistic3A_158 : vector<1x32xf32>
      %logistic3A_160 = arith.constant 1.000000e+00 : f32
      %logistic3A_161 = vector.broadcast %logistic3A_160 : f32 to vector<1x32xf32>
      %logistic3A_162 = arith.addf %logistic3A_161, %logistic3A_159 : vector<1x32xf32>
      %logistic3A_163 = arith.divf %logistic3A_161, %logistic3A_162 : vector<1x32xf32>
      %slice3A_164 = vector.extract_strided_slice %add3A_156 {offsets = [0, 32], sizes = [1, 32], strides = [1, 1]} : vector<1x128xf32> to vector<1x32xf32>
      %logistic3A_165 = arith.negf %slice3A_164 : vector<1x32xf32>
      %logistic3A_166 = math.exp %logistic3A_165 : vector<1x32xf32>
      %logistic3A_167 = arith.constant 1.000000e+00 : f32
      %logistic3A_168 = vector.broadcast %logistic3A_167 : f32 to vector<1x32xf32>
      %logistic3A_169 = arith.addf %logistic3A_168, %logistic3A_166 : vector<1x32xf32>
      %logistic3A_170 = arith.divf %logistic3A_168, %logistic3A_169 : vector<1x32xf32>
      %slice3A_171 = vector.extract_strided_slice %add3A_156 {offsets = [0, 64], sizes = [1, 32], strides = [1, 1]} : vector<1x128xf32> to vector<1x32xf32>
      %tanh3A_172 = math.tanh %slice3A_171 : vector<1x32xf32>
      %slice3A_173 = vector.extract_strided_slice %add3A_156 {offsets = [0, 96], sizes = [1, 32], strides = [1, 1]} : vector<1x128xf32> to vector<1x32xf32>
      %logistic3A_174 = arith.negf %slice3A_173 : vector<1x32xf32>
      %logistic3A_175 = math.exp %logistic3A_174 : vector<1x32xf32>
      %logistic3A_176 = arith.constant 1.000000e+00 : f32
      %logistic3A_177 = vector.broadcast %logistic3A_176 : f32 to vector<1x32xf32>
      %logistic3A_178 = arith.addf %logistic3A_177, %logistic3A_175 : vector<1x32xf32>
      %logistic3A_179 = arith.divf %logistic3A_177, %logistic3A_178 : vector<1x32xf32>
      %mul3A_180 = arith.mulf %logistic3A_170, %scan3A_80 : vector<1x32xf32>
      %mul3A_181 = arith.mulf %logistic3A_163, %tanh3A_172 : vector<1x32xf32>
      %add3A_182 = arith.addf %mul3A_180, %mul3A_181 : vector<1x32xf32>
      %tanh3A_183 = math.tanh %add3A_182 : vector<1x32xf32>
      %mul3A_184 = arith.mulf %logistic3A_179, %tanh3A_183 : vector<1x32xf32>
      %mul3A_185 = vector.broadcast %mul3A_184 : vector<1x32xf32> to vector<10000x32xf32>
      %mul3A_186 = arith.mulf %get3A_1, %mul3A_185 : vector<10000x32xf32>
      %reduce_sum3A = arith.constant dense<0.000000e+00> : vector<10000xf32>
      %reduce_sum3A_187 = vector.multi_reduction <add>, %mul3A_186, %reduce_sum3A [1] : vector<10000x32xf32> to vector<10000xf32>
      %broadcast_in_dim3A_188 = vector.shape_cast %reduce_sum3A_187 : vector<10000xf32> to vector<10000x1xf32>
      %reduce_max3A = vector.shape_cast %broadcast_in_dim3A_188 : vector<10000x1xf32> to vector<1x10000x1xf32>
      %reduce_max3A_189 = arith.constant dense<0xFF800000> : vector<1xf32>
      %reduce_max3A_190 = vector.multi_reduction <maximumf>, %reduce_max3A, %reduce_max3A_189 [1, 2] : vector<1x10000x1xf32> to vector<1xf32>
      %reduce_max3A_191 = vector.shape_cast %reduce_max3A_190 : vector<1xf32> to vector<1x1x1xf32>
      %reduce_max3A_192 = vector.extract %reduce_max3A_191[0, 0, 0] : f32 from vector<1x1x1xf32>
      %sub3A = vector.broadcast %reduce_max3A_192 : f32 to vector<10000x1xf32>
      %sub3A_193 = arith.subf %broadcast_in_dim3A_188, %sub3A : vector<10000x1xf32>
      %exp3A = math.exp %sub3A_193 : vector<10000x1xf32>
      %mul3A_194 = vector.broadcast %exp3A : vector<10000x1xf32> to vector<10000x32xf32>
      %mul3A_195 = arith.mulf %mul3A_194, %get3A_1 : vector<10000x32xf32>
      %reduce_sum3A_196 = arith.constant dense<0.000000e+00> : vector<32xf32>
      %reduce_sum3A_197 = vector.multi_reduction <add>, %mul3A_195, %reduce_sum3A_196 [0] : vector<10000x32xf32> to vector<32xf32>
      %broadcast_in_dim3A_198 = vector.shape_cast %reduce_sum3A_197 : vector<32xf32> to vector<1x32xf32>
      %reduce_sum3A_199 = vector.shape_cast %exp3A : vector<10000x1xf32> to vector<1x10000x1xf32>
      %reduce_sum3A_200 = arith.constant dense<0.000000e+00> : vector<1xf32>
      %reduce_sum3A_201 = vector.multi_reduction <add>, %reduce_sum3A_199, %reduce_sum3A_200 [1, 2] : vector<1x10000x1xf32> to vector<1xf32>
      %reduce_sum3A_202 = vector.shape_cast %reduce_sum3A_201 : vector<1xf32> to vector<1x1x1xf32>
      %reduce_sum3A_203 = vector.extract %reduce_sum3A_202[0, 0, 0] : f32 from vector<1x1x1xf32>
      %div3A = vector.broadcast %reduce_sum3A_203 : f32 to vector<1x32xf32>
      %div3A_204 = arith.divf %broadcast_in_dim3A_198, %div3A : vector<1x32xf32>
      scf.yield %mul3A_184, %div3A_204, %mul3A_116, %add3A_114, %mul3A_150, %add3A_148, %mul3A_184, %add3A_182 : vector<1x32xf32>, vector<1x32xf32>, vector<1x32xf32>, vector<1x32xf32>, vector<1x32xf32>, vector<1x32xf32>, vector<1x32xf32>, vector<1x32xf32>
    }
    %slice3A = vector.extract_strided_slice %get3A_42 {offsets = [0, 0], sizes = [32, 32], strides = [1, 1]} : vector<64x32xf32> to vector<32x32xf32>
    %dot_general3A = arith.constant dense<0.000000e+00> : vector<1x32xf32>
    %dot_general3A_51 = tpu.matmul %scan3A_50#0, %slice3A, %dot_general3A {dimension_numbers = #tpu.dot_dimension_numbers<[1], [0], [0], [1], [0, 0, 1, 1], [], []>, transpose_lhs_hint = false} : vector<1x32xf32>, vector<32x32xf32>, vector<1x32xf32> -> vector<1x32xf32>
    %slice3A_52 = vector.extract_strided_slice %get3A_42 {offsets = [32, 0], sizes = [32, 32], strides = [1, 1]} : vector<64x32xf32> to vector<32x32xf32>
    %dot_general3A_53 = arith.constant dense<0.000000e+00> : vector<1x32xf32>
    %dot_general3A_54 = tpu.matmul %scan3A_50#1, %slice3A_52, %dot_general3A_53 {dimension_numbers = #tpu.dot_dimension_numbers<[1], [0], [0], [1], [0, 0, 1, 1], [], []>, transpose_lhs_hint = false} : vector<1x32xf32>, vector<32x32xf32>, vector<1x32xf32> -> vector<1x32xf32>
    %add3A_55 = arith.addf %dot_general3A_51, %dot_general3A_54 : vector<1x32xf32>
    %get3A_56 = arith.constant 0 : index
    %get3A_57 = arith.constant 0 : index
    %get3A_58 = vector.load %arg14[%get3A_56, %get3A_57] : memref<1x32xf32, #tpu.memory_space<vmem>>, vector<1x32xf32>
    %add3A_59 = arith.addf %add3A_55, %get3A_58 : vector<1x32xf32>
    %max3A = arith.constant 0.000000e+00 : f32
    %max3A_60 = vector.broadcast %max3A : f32 to vector<1x32xf32>
    %max3A_61 = arith.maximumf %add3A_59, %max3A_60 : vector<1x32xf32>
    %dot_general3A_62 = arith.constant dense<0.000000e+00> : vector<1x32xf32>
    %dot_general3A_63 = tpu.matmul %max3A_61, %get3A_45, %dot_general3A_62 {dimension_numbers = #tpu.dot_dimension_numbers<[1], [0], [0], [1], [0, 0, 1, 1], [], []>, transpose_lhs_hint = false} : vector<1x32xf32>, vector<32x32xf32>, vector<1x32xf32> -> vector<1x32xf32>
    %get3A_64 = arith.constant 0 : index
    %get3A_65 = arith.constant 0 : index
    %get3A_66 = vector.load %arg16[%get3A_64, %get3A_65] : memref<1x32xf32, #tpu.memory_space<vmem>>, vector<1x32xf32>
    %add3A_67 = arith.addf %dot_general3A_63, %get3A_66 : vector<1x32xf32>
    %broadcast_in_dim3A_68 = vector.shape_cast %add3A_67 : vector<1x32xf32> to vector<1x32xf32>
    %broadcast_in_dim3A_69 = vector.broadcast %broadcast_in_dim3A_68 : vector<1x32xf32> to vector<8x32xf32>
    %swap3A = arith.constant 0 : index
    %swap3A_70 = arith.constant 0 : index
    %swap3A_71 = vector.load %arg17[%swap3A, %swap3A_70] : memref<8x32xf32, #tpu.memory_space<vmem>>, vector<8x32xf32>
    tpu.vector_store %arg17[%swap3A, %swap3A_70], %broadcast_in_dim3A_69 {strides = array<i32>} : memref<8x32xf32, #tpu.memory_space<vmem>>, vector<8x32xf32>,
    return
  }
}

</mosaic_0001>

<sc_bundles>
// kernel: kernel.11.cloned.1.call-start
scs
__scs_entry_jumppad:
0x0: {  	(pc) =	sbr.rel $0x88, $3  }
0x1: {  	(tag) =	ssettag $0x0;
	lr =	simm.s32 $0x1  }
0x2: {  	[smem:$0x3F7E] =	sst lr;
	_ =	strace $0xD0000000  }
0x3: {  	_ = 	snop  }
0x4: {  	_ = 	snop  }
0x5: {  	_ = 	snop  }
0x6: {  	_ = 	snop  }
0x7: {  	_ = 	snop  }
__scs_overlays_trampoline_lowered:
0x8: {  	[smem:$0x3F8D] =	sst s0  }
0x9: {  	[smem:$0x3F8E] =	sst s1  }
0xa: {  	[smem:$0x3F8F] =	sst s2  }
0xb: {  	[smem:$0x3F90] =	sst s3  }
0xc: {  	[smem:$0x3F91] =	sst s4  }
0xd: {  	[smem:$0x3F92] =	sst s5  }
0xe: {  	[smem:$0x3F93] =	sst s6  }
0xf: {  	[smem:$0x3F94] =	sst s7  }
0x10: {  	[smem:$0x3F95] =	sst s8  }
0x11: {  	[smem:$0x3F96] =	sst s9;
	s0 =	simm.s32 @!p0 $0x0  }
0x12: {  	s1 =	sld [smem:$0x3F7C];
	s0 =	simm.s32 @p0 $0x1  }
0x13: {  	[smem:$0x3F97] =	sst s0;
	s0 =	simm.s32 @!p1 $0x0  }
0x14: {  	s2 =	sld [smem:$0x3F7B];
	s0 =	simm.s32 @p1 $0x1  }
0x15: {  	[smem:$0x3F98] =	sst s0;
	s0 =	simm.s32 @!p2 $0x0  }
0x16: {  	s3 =	sld [smem:$0x3FDB];
	s0 =	simm.s32 @p2 $0x1  }
0x17: {  	s4 =	simm.s32 $0x1BF5;
	[smem:$0x3F9A] =	sst s0  }
0x18: {  	s0 =	sld [smem:$0x3F7D];
	_ =	swait.ge [sflag:s4], $0x0  }
0x19: {  	s7 =	sld [smem:$0x3F7E]  }
0x1a: {  	s8 =	sadd.s32 $0xFFFFE003, lr  }
0x1b: {  	s9 =	sadd.s32 $0xFFFFFEF7, lr;
	s5 =	simm.s32 $0xFFFFFFFF;
	p2 =	slt.u32 s8, $0xFFFFF086  }
0x1c: {  	p1 =	slt.u32 s9, $0xF7A;
	s5 =	simm.s32 @!p2 $0x0  }
0x1d: {  	s5 =	simm.s32 @p1 $0x1;
	p0 =	seq.s32 s7, s2  }
0x1e: {  	s7 =	smul.u32 @!p0 $0xF7A, s2;
	p2 =	seq.s32 @!p0 s5, $0x0  }
0x1f: {  	s9 =	smul.u32 $0xF7A, s1;
	s8 =	simm.s32 @!p0 $0x1BF5;
	p2 =	por !p2, p0  }
0x20: {  	[sflag:s8] =	ssyncset.s32 @!p0 $0xFFFFF086;
	s6 =	sadd.s32 @!p0 s3, s7;
	s7 =	simm.s32 @!p0 $0x108  }
0x21: {  	s3 =	sadd.s32 s3, s9;
	s6 =	sadd.s32 @!p0 $0x88, s6;
	s7 =	simm.s32 @p2 $0x1082  }
0x22: {  	[simem:s7], [sflag:s8] =	dma.local @!p0 [hbm:s6], $0xF7A  }
0x23: {  	s9 =	sor.u32 $0xD0000000, s2;
	s6 =	simm.s32 $0x108;
	_ =	swait.ge @!p0 [sflag:s8], $0x0  }
0x24: {  	s3 =	sadd.s32 $0x88, s3;
	s6 =	simm.s32 @!p1 $0x1082;
	[sflag:s4] =	ssyncset.s32 $0xFFFFF086  }
0x25: {  	[simem:s6], [sflag:s4] =	dma.local [hbm:s3], $0xF7A  }
0x26: {  	[smem:$0x3F7E] =	sst s1;
	(tag) =	ssettag s2;
	_ =	strace s9  }
0x27: {  	s1 =	sld [smem:$0x3F8E]  }
0x28: {  	s2 =	sld [smem:$0x3F8F]  }
0x29: {  	s4 =	sld [smem:$0x3F91]  }
0x2a: {  	p0 =	seq.s32 s5, $0x0;
	s5 =	sld [smem:$0x3F92]  }
0x2b: {  	s6 =	sld [smem:$0x3F93]  }
0x2c: {  	s7 =	sld [smem:$0x3F94]  }
0x2d: {  	s3 =	simm.s32 $0x108;
	s8 =	sld [smem:$0x3F95]  }
0x2e: {  	s3 =	simm.s32 @!p0 $0x1082;
	s9 =	sld [smem:$0x3F96]  }
0x2f: {  	lr =	sadd.s32 s0, s3;
	s0 =	sld [smem:$0x3F8D]  }
0x30: {  	s3 =	sld [smem:$0x3F90]  }
0x31: {  	[smem:$0x3F99] =	sst s10  }
0x32: {  	s10 =	sld [smem:$0x3F97];
	_ =	sdelay $0x3  }
0x33: {  	p0 =	seq.s32 s10, $0x1;
	s10 =	sld [smem:$0x3F99];
	_ =	sdelay $0x3  }
0x34: {  	[smem:$0x3F99] =	sst s10  }
0x35: {  	s10 =	sld [smem:$0x3F98];
	_ =	sdelay $0x3  }
0x36: {  	p1 =	seq.s32 s10, $0x1;
	s10 =	sld [smem:$0x3F99];
	_ =	sdelay $0x3  }
0x37: {  	[smem:$0x3F99] =	sst s10  }
0x38: {  	s10 =	sld [smem:$0x3F9A]  }
0x39: {  	_ = 	snop;
	(pc) =	sbr.ind lr, $3  }
0x3a: {  	_ = 	snop  }
0x3b: {  	_ = 	snop  }
0x3c: {  	p2 =	seq.s32 s10, $0x1;
	s10 =	sld [smem:$0x3F99]  }
0x3d: {  	_ =	shalt  }
0x3e: {  	_ =	shalt  }
0x3f: {  	_ =	shalt  }
0x40: {  	_ =	shalt  }
0x41: {  	_ =	shalt  }
0x42: {  	_ =	shalt  }
0x43: {  	_ =	shalt  }
0x44: {  	_ =	shalt  }
0x45: {  	_ =	shalt  }
0x46: {  	_ =	shalt  }
0x47: {  	_ =	shalt  }
0x48: {  	_ =	shalt  }
0x49: {  	_ =	shalt  }
0x4a: {  	_ =	shalt  }
0x4b: {  	_ =	shalt  }
0x4c: {  	_ =	shalt  }
0x4d: {  	_ =	shalt  }
0x4e: {  	_ =	shalt  }
0x4f: {  	_ =	shalt  }
0x50: {  	_ =	shalt  }
0x51: {  	_ =	shalt  }
0x52: {  	_ =	shalt  }
0x53: {  	_ =	shalt  }
0x54: {  	_ =	shalt  }
0x55: {  	_ =	shalt  }
0x56: {  	_ =	shalt  }
0x57: {  	_ =	shalt  }
0x58: {  	_ =	shalt  }
0x59: {  	_ =	shalt  }
0x5a: {  	_ =	shalt  }
0x5b: {  	_ =	shalt  }
0x5c: {  	_ =	shalt  }
0x5d: {  	_ =	shalt  }
0x5e: {  	_ =	shalt  }
0x5f: {  	_ =	shalt  }
0x60: {  	_ =	shalt  }
0x61: {  	_ =	shalt  }
0x62: {  	_ =	shalt  }
0x63: {  	_ =	shalt  }
0x64: {  	_ =	shalt  }
0x65: {  	_ =	shalt  }
0x66: {  	_ =	shalt  }
0x67: {  	_ =	shalt  }
0x68: {  	_ =	shalt  }
0x69: {  	_ =	shalt  }
0x6a: {  	_ =	shalt  }
0x6b: {  	_ =	shalt  }
0x6c: {  	_ =	shalt  }
0x6d: {  	_ =	shalt  }
0x6e: {  	_ =	shalt  }
0x6f: {  	_ =	shalt  }
0x70: {  	_ =	shalt  }
0x71: {  	_ =	shalt  }
0x72: {  	_ =	shalt  }
0x73: {  	_ =	shalt  }
0x74: {  	_ =	shalt  }
0x75: {  	_ =	shalt  }
0x76: {  	_ =	shalt  }
0x77: {  	_ =	shalt  }
0x78: {  	_ =	shalt  }
0x79: {  	_ =	shalt  }
0x7a: {  	_ =	shalt  }
0x7b: {  	_ =	shalt  }
0x7c: {  	_ =	shalt  }
0x7d: {  	_ =	shalt  }
0x7e: {  	_ =	shalt  }
0x7f: {  	_ =	shalt  }
0x80: {  	_ =	shalt  }
0x81: {  	_ =	shalt  }
0x82: {  	_ =	shalt  }
0x83: {  	_ =	shalt  }
0x84: {  	_ =	shalt  }
0x85: {  	_ =	shalt  }
0x86: {  	_ =	shalt  }
0x87: {  	_ =	shalt  }
.Lfunc_end0:
.L_simem_size_0:
called_computation_lowered:
.L_overlay_start_0:
0x88: {  	s2 =	sld [smem:$0x3FD9]  }
0x89: {  	s3 =	sld [smem:$0x3FFE];
	_ =	sdelay $0x1  }
0x8a: {  	s1 =	srdreg.scid  }
0x8b: {  	s0 =	sand.u32 $0x1, s1  }
0x8c: {  	s16 =	sshll.u32 s0, $0xA;
	s2 =	sadd.s32 s3, s2  }
0x8d: {  	s2 =	sadd.s32 s2, s16  }
0x8e: {  	[smem:$0x3FA5] =	sst s2  }
0x8f: {  	_ = 	snop  }
0x90: {  	(tm) =	ssettm $0x1  }
0x91: {  	s17 =	sld [smem:$0x3FFB];
	_ =	sdelay $0x3  }
0x92: {  	_ =	strace s17  }
0x93: {  	s2 =	sld [smem:$0x3FFC];
	_ =	sdelay $0x3  }
0x94: {  	_ =	strace s2  }
0x95: {  	s2 =	sld [smem:$0x3FFD];
	_ =	sdelay $0x3  }
0x96: {  	_ =	strace s2  }
0x97: {  	_ =	strace $0x8FFFFFFF  }
0x98: {  	s18 =	sld [smem:$0x3FDB];
	_ =	sdelay $0x1  }
0x99: {  	s19 =	simm.s32 $_scs_section_size  }
0x9a: {  	s4 =	simm.s32 $_size__tile_overlayer_lowered;
	s5 =	simm.s32 $_tile_overlayer_lowered  }
0x9b: {  	s22 =	simm.s32 $0x1BFF;
	s21 =	sshll.u32 s5, $0x1;
	s2 =	sadd.s32 s19, s18  }
0x9c: {  	s6 =	simm.s32 $0x0;
	s20 =	sshll.u32 s4, $0x1;
	s4 =	sadd.s32 s21, s2  }
0x9d: {  	[timem:s6], [sflag:s22] =	dma.local [hbm:s4], s20  }
0x9e: {  	_ =	swait.ge [sflag:s22], s20  }
0x9f: {  	s3 =	ssub.s32 $0x0, s20;
	[sflag:s22] =	ssyncset.done $0x0  }
0xa0: {  	[sflag:s22] =	ssyncadd.s32 s3;
	_ =	sdelay $0x1  }
0xa1: {  	s23 =	simm.s32 $0x1B8B  }
0xa2: {  	_ =	swait.ge [sflag:s23], $0x1  }
0xa3: {  	[sflag:s23] =	ssyncset.done $0x0  }
0xa4: {  	s25 =	simm.s32 $0x1B8E;
	s24 =	sld [smem:$0x3FFE];
	[sflag:s23] =	ssyncadd.s32 $0xFFFFFFFF  }
0xa5: {  	s26 =	simm.s32 $execute0_lowered;
	[smem:$0x3FD2] =	sst s25  }
0xa6: {  	s4 =	sshll.u32 s26, $0x1;
	_ =	strace $0x80000046;
	[dreg:$0x1] =	wrdreg $0xFFFFFFFF  }
0xa7: {  	s28 =	simm.s32 $_size_execute0_lowered;
	s2 =	sadd.s32 s2, s4;
	[dreg:$0x0] =	wrdreg $0x0  }
0xa8: {  	s4 =	sshll.u32 s28, $0x1;
	[dreg:$0x2] =	wrdreg s2  }
0xa9: {  	[dreg:$0x3] =	wrdreg s4  }
0xaa: {  	[dreg:$0x4] =	wrdreg $0xC0  }
0xab: {  	_ =	task [dreg:s6], $0x5FFFF  }
0xac: {  	[dreg:$0x1] =	wrdreg $0xFFFFFFFF  }
0xad: {  	[dreg:$0x0] =	wrdreg $0x60  }
0xae: {  	[dreg:$0x2] =	wrdreg s24  }
0xaf: {  	[dreg:$0x3] =	wrdreg $0x112600  }
0xb0: {  	[dreg:$0x4] =	wrdreg $0x9  }
0xb1: {  	_ =	task.clear_ibuf [dreg:s6], $0x5FFFF;
	_ =	strace $0x90000046  }
0xb2: {  	s29 =	simm.s32 $0x9;
	_ =	strace $0x80000048  }
0xb3: {  	_ =	swait.ge [sflag:s29], $0x1  }
0xb4: {  	[sflag:s29] =	ssyncadd.s32 $0xFFFFFFFF  }
0xb5: {  	_ =	strace $0x90000048  }
0xb6: {  	_ =	sfence  }
0xb7: {  	s30 =	sld [smem:$0x0];
	_ =	sdelay $0x2  }
0xb8: {  	s31 =	sshll.u32 s1, $0xD;
	s1 =	sshrl.u32 s1, $0x2  }
0xb9: {  	s3 =	sand.u32 $0x4000, s31;
	s1 =	sadd.s32 s1, s30  }
0xba: {  	s0 =	sor.u32 s3, s0;
	s1 =	sshll.u32 s1, $0x11  }
0xbb: {  	s0 =	sor.u32 s1, s0  }
0xbc: {  	s0 =	sadd.s32 $0x8F2B, s0  }
0xbd: {  	[sflag:s0] =	ssyncadd.remote.s32 $0x1  }
0xbe: {  	_ =	sfence.sel $0xFFFF  }
0xbf: {  	[dreg:$0x0] =	wrdreg $0xFFFFFFFF;
	(pc) =	sbr.abs _section_cstart, $3  }
0xc0: {  	[dreg:$0x1] =	wrdreg $0xFFFFFFFF  }
0xc1: {  	_ =	task.clear_ibuf [dreg:s6], $0x2FFFF;
	_ =	strace $0x9FFFFFFF  }
0xc2: {  	(tm) =	ssettm $0x7FFFFFFF  }
0xc3: {  	_ =	shalt  }
tec
execute0_lowered:
.L_overlay_start_1:
0x0: {  	(tag) =	ssettag $0x1  }
0x1: {  	s0 =	rddreg [dreg:$0x0];
	s1 =	srdreg.scid  }
0x2: {  	s2 =	rddreg [dreg:$0x1];
	s7 =	stileid.u32  }
0x3: {  	s18 =	simm.s32 $0x0;
	s13 =	simm.s32 $0x7D;
	s28 =	simm.s32 $0x8  }
0x4: {  	s30 =	simm.s32 $0x9;
	s10 =	simm.s32 $0xD;
	s8 =	simm.s32 $0xE  }
0x5: {  	s9 =	simm.s32 $0xF;
	s12 =	simm.s32 $0x12;
	s11 =	simm.s32 $0x13  }
0x6: {  	s14 =	simm.s32 $0x14;
	s16 =	simm.s32 $0x15;
	s4 =	smul.u32 $0x28, s7  }
0x7: {  	s15 =	simm.s32 $0x0;
	s29 =	simm.s32 $0x9560;
	s5 =	smul.u32 $0x9C4, s7  }
0x8: {  	s31 =	simm.s32 $0xA500;
	s1 =	sand.u32 $0x1, s1;
	s7 =	smul.u32 $0x13880, s7  }
0x9: {  	s17 =	simm.s32 $0xD3E0;
	s19 =	simm.s32 $0xE380;
	s3 =	smul.u32 $0x280, s1  }
0xa: {  	[smem:$0x7FF] =	sst s18;
	s6 =	smul.u32 $0x9C40, s1;
	s1 =	ssub.s32 $0x2, s1  }
0xb: {  	s21 =	simm.s32 $0xF320;
	_ =	strace $0x80000047;
	s23 =	sshrl.u32 s1, $0x1  }
0xc: {  	s25 =	sshrl.u32 s7, $0x2;
	s7 =	simm.s32 $0x11;
	s3 =	sadd.s32 s4, s3  }
0xd: {  	s4 =	sadd.s32 $0x7A800, s0;
	s5 =	sadd.s32 s5, s6;
	s1 =	ssub.s32 s1, s23  }
0xe: {  	s6 =	simm.s32 $0xC;
	s3 =	sshll.u32 s3, $0x4;
	s26 =	smax.u32 s1, $0x1  }
0xf: {  	s3 =	sadd.s32 s3, s0;
	s0 =	sadd.s32 s5, s0;
	[dreg:$0x7] =	wrdreg s26  }
.Ltmp0:
0x10: {  	s5 =	simm.s32 $0xB;
	s24 =	sadd.s32 $0x5400, s3;
	(pc) =	sbr.rel .LBB2_1-.Ltmp0, $4  }
0x11: {  	s26 =	simm.s32 $0x85C0;
	s3 =	sadd.s32 $0xA400, s3;
	[dreg:$0x3] =	wrdreg s24  }
0x12: {  	s0 =	sadd.s32 $0xF400, s0;
	[dreg:$0x4] =	wrdreg s3;
	s3 =	sadd.s32 s25, s2  }
0x13: {  	[dreg:$0x6] =	wrdreg s0;
	s25 =	simm.s32 $0x7;
	s0 =	simm.s32 $0xA  }
0x14: {  	v0 =	vimm.f32 $0.0e+00;
	s24 =	simm.s32 $0x7620;
	[dreg:$0x5] =	wrdreg s3;
	s3 =	simm.s32 $0x10  }
.LBB2_6:
0x15: {  	_ =	swait.ge [sflag:s10], $0xFA0  }
0x16: {  	[sflag:s10] =	ssyncset.done $0x0  }
0x17: {  	[sflag:s10] =	ssyncadd.s32 $0xFFFFF060  }
0x18: {  	_ =	swait.ge [sflag:s8], $0xFA0  }
0x19: {  	[sflag:s8] =	ssyncset.done $0x0  }
0x1a: {  	[sflag:s8] =	ssyncadd.s32 $0xFFFFF060  }
0x1b: {  	_ =	swait.ge [sflag:s9], $0xFA0  }
0x1c: {  	[sflag:s9] =	ssyncset.done $0x0  }
0x1d: {  	[sflag:s9] =	ssyncadd.s32 $0xFFFFF060  }
0x1e: {  	_ =	swait.ge [sflag:s3], $0xFA0  }
0x1f: {  	[sflag:s3] =	ssyncset.done $0x0  }
0x20: {  	[sflag:s3] =	ssyncadd.s32 $0xFFFFF060  }
0x21: {  	_ =	swait.ge [sflag:s7], $0xFA0  }
0x22: {  	[sflag:s7] =	ssyncset.done $0x0  }
0x23: {  	[sflag:s7] =	ssyncadd.s32 $0xFFFFF060  }
0x24: {  	_ =	swait.ge [sflag:s12], $0xFA0  }
0x25: {  	[sflag:s12] =	ssyncset.done $0x0  }
0x26: {  	[sflag:s12] =	ssyncadd.s32 $0xFFFFF060  }
0x27: {  	_ =	swait.ge [sflag:s11], $0xFA0  }
0x28: {  	[sflag:s11] =	ssyncset.done $0x0  }
0x29: {  	[sflag:s11] =	ssyncadd.s32 $0xFFFFF060  }
0x2a: {  	_ =	swait.ge [sflag:s14], $0xFA0  }
0x2b: {  	[sflag:s14] =	ssyncset.done $0x0  }
0x2c: {  	[sflag:s14] =	ssyncadd.s32 $0xFFFFF060  }
0x2d: {  	_ =	swait.ge [sflag:s16], $0xFA0  }
0x2e: {  	[sflag:s16] =	ssyncset.done $0x0  }
0x2f: {  	[sflag:s16] =	ssyncadd.s32 $0xFFFFF060  }
0x30: {  	[bflag:$0x0] =	sbarrier.arrive $0xFFFF  }
0x31: {  	s18 =	simm.s32 $0x0;
	s1 =	simm.s32 $0x16;
	s20 =	rddreg [dreg:$0x5]  }
0x32: {  	[tilespmem:s18], [sflag:$0x16] =	stream.linear.gather [spmem:s20], $0x4E20, $0x38;
	[tilespmem:$0x16080] =	vst v63  }
0x33: {  	_ =	swait.ge [sflag:s1], $0x4E20  }
0x34: {  	[sflag:s1] =	ssyncset.done $0x0  }
0x35: {  	s22 =	rddreg [dreg:$0x6];
	[sflag:s1] =	ssyncadd.s32 $0xFFFFB1E0  }
0x36: {  	[hbm4b:s22+s18] =	stream.linear.scatter [tilespmem:s18], [sflag:$0x16], $0x4E20, $0x38;
	[tilespmem:$0x16080] =	vst v63  }
0x37: {  	_ =	swait.ge [sflag:s1], $0x4E20  }
0x38: {  	s15 =	rddreg [dreg:$0x8]  }
0x39: {  	s23 =	rddreg [dreg:$0x7];
	s15 =	sadd.s32 $0x1, s15  }
0x3a: {  	p0 =	sne.s32 s15, s23  }
.Ltmp1:
0x3b: {  	_ = 	snop;
	(pc) =	sbr.rel @!p0 .LBB2_7-.Ltmp1, $3  }
0x3c: {  	_ =	sdelay $0x1  }
0x3d: {  	[sflag:s1] =	ssyncset.done $0x0  }
0x3e: {  	[sflag:s1] =	ssyncadd.s32 $0xFFFFB1E0  }
.LBB2_1:
0x3f: {  	s20 =	rddreg [dreg:$0x3];
	s22 =	simm.s32 $0x4E20  }
0x40: {  	[tilespmem:s22], [sflag:$0x1] =	stream.linear.gather [hbm4b:s20+s18], $0x1400, $0x38;
	[tilespmem:$0x16080] =	vst v63  }
0x41: {  	s23 =	simm.s32 $0x6220;
	s22 =	rddreg [dreg:$0x4]  }
0x42: {  	[tilespmem:s23], [sflag:$0x1] =	stream.linear.gather [hbm4b:s22+s18], $0x1400, $0x38;
	[tilespmem:$0x16080] =	vst v63  }
0x43: {  	[dreg:$0x8] =	wrdreg s15;
	s20 =	simm.s32 $0x0;
	s18 =	simm.s32 $0x80  }
.LBB2_2:
0x44: {  	p0 =	sne.s32 s18, $0x13800;
	[tilespmem:s20+$0x0] =	vst v0;
	s22 =	smov.u32 s18;
	s18 =	sadd.s32 $0x80, s18  }
.Ltmp2:
0x45: {  	[tilespmem:s20+$0x10] =	vst v0;
	(pc) =	sbr.rel @p0 .LBB2_2-.Ltmp2, $2  }
0x46: {  	_ =	sdelay $0x2  }
0x47: {  	s20 =	sshra.s32 s22, $0x2  }
0x48: {  	[tilespmem:s20+$0x0] =	vst v0  }
0x49: {  	[tilespmem:s20+$0x10] =	vst v0;
	s18 =	simm.s32 $0x1  }
0x4a: {  	_ =	swait.ge [sflag:s18], $0x1400  }
0x4b: {  	[sflag:s18] =	ssyncset.done $0x0  }
0x4c: {  	[sflag:s18] =	ssyncadd.s32 $0xFFFFEC00  }
0x4d: {  	_ =	swait.ge [sflag:s18], $0x1400  }
0x4e: {  	[sflag:s18] =	ssyncset.done $0x0  }
0x4f: {  	s23 =	simm.s32 $0x4E20;
	[sflag:s18] =	ssyncadd.s32 $0xFFFFEC00  }
0x50: {  	[tilespmem:s24], [sflag:$0x2] =	stream.indirect.gather [hbm4b:s4+s13], $0x20, s23, s13, $0xb8;
	[tilespmem:$0x16080] =	vst v63  }
0x51: {  	s1 =	simm.s32 $0x4EA0  }
0x52: {  	[tilespmem:s26], [sflag:$0x3] =	stream.indirect.gather [hbm4b:s4+s13], $0x20, s1, s13, $0xb8;
	[tilespmem:$0x16080] =	vst v63  }
0x53: {  	s15 =	simm.s32 $0x4F20  }
0x54: {  	[tilespmem:s29], [sflag:$0x4] =	stream.indirect.gather [hbm4b:s4+s13], $0x20, s15, s13, $0xb8;
	[tilespmem:$0x16080] =	vst v63  }
0x55: {  	s20 =	simm.s32 $0x4FA0  }
0x56: {  	[tilespmem:s31], [sflag:$0x5] =	stream.indirect.gather [hbm4b:s4+s13], $0x20, s20, s13, $0xb8;
	[tilespmem:$0x16080] =	vst v63  }
0x57: {  	s22 =	simm.s32 $0x5020;
	s1 =	simm.s32 $0xB4A0  }
0x58: {  	[tilespmem:s1], [sflag:$0x6] =	stream.indirect.gather [hbm4b:s4+s13], $0x20, s22, s13, $0xb8;
	[tilespmem:$0x16080] =	vst v63  }
0x59: {  	s23 =	simm.s32 $0x50A0;
	s15 =	simm.s32 $0xC440  }
0x5a: {  	[tilespmem:s15], [sflag:$0x7] =	stream.indirect.gather [hbm4b:s4+s13], $0x20, s23, s13, $0xb8;
	[tilespmem:$0x16080] =	vst v63  }
0x5b: {  	s20 =	simm.s32 $0x5120  }
0x5c: {  	[tilespmem:s17], [sflag:$0x8] =	stream.indirect.gather [hbm4b:s4+s13], $0x20, s20, s13, $0xb8;
	[tilespmem:$0x16080] =	vst v63  }
0x5d: {  	s22 =	simm.s32 $0x51A0  }
0x5e: {  	[tilespmem:s19], [sflag:$0x9] =	stream.indirect.gather [hbm4b:s4+s13], $0x20, s22, s13, $0xb8;
	[tilespmem:$0x16080] =	vst v63  }
0x5f: {  	s23 =	simm.s32 $0x5220  }
0x60: {  	[tilespmem:s21], [sflag:$0xA] =	stream.indirect.gather [hbm4b:s4+s13], $0x20, s23, s13, $0xb8;
	[tilespmem:$0x16080] =	vst v63  }
0x61: {  	s20 =	simm.s32 $0x52A0;
	s23 =	simm.s32 $0x102C0  }
0x62: {  	[tilespmem:s23], [sflag:$0xB] =	stream.indirect.gather [hbm4b:s4+s13], $0x20, s20, s13, $0xb8;
	[tilespmem:$0x16080] =	vst v63  }
0x63: {  	s18 =	simm.s32 $0x0;
	s22 =	rddreg [dreg:$0x5]  }
0x64: {  	[spmem:s22] =	stream.linear.scatter [tilespmem:s18], [sflag:$0x16], $0x4E20, $0x38;
	[tilespmem:$0x16080] =	vst v63  }
0x65: {  	s22 =	simm.s32 $0x16  }
0x66: {  	_ =	swait.ge [sflag:s22], $0x4E20  }
0x67: {  	[sflag:s22] =	ssyncset.done $0x0  }
0x68: {  	[sflag:s22] =	ssyncadd.s32 $0xFFFFB1E0  }
0x69: {  	[bflag:$0x0] =	sbarrier.arrive $0xFFFF  }
.LBB2_4:
0x6a: {  	s22 =	simm.s32 $0x2  }
0x6b: {  	_ =	swait.ge [sflag:s22], $0xFA0  }
0x6c: {  	s20 =	sshra.s32 s18, $0x2;
	[sflag:s22] =	ssyncset.done $0x0  }
0x6d: {  	[sflag:s22] =	ssyncadd.s32 $0xFFFFF060;
	s22 =	sadd.s32 $0x6220, s20  }
0x6e: {  	[spmem:s2] =	stream.indirect.scatter.add.f32 [tilespmem:s24], [sflag:$0xC], $0x20, s22, s13, $0xb8;
	[tilespmem:$0x16080] =	vst v63  }
0x6f: {  	s22 =	simm.s32 $0x3  }
0x70: {  	_ =	swait.ge [sflag:s22], $0xFA0  }
0x71: {  	[sflag:s22] =	ssyncset.done $0x0  }
0x72: {  	[sflag:s22] =	ssyncadd.s32 $0xFFFFF060;
	s22 =	sadd.s32 $0x62A0, s20  }
0x73: {  	[spmem:s2] =	stream.indirect.scatter.add.f32 [tilespmem:s26], [sflag:$0xD], $0x20, s22, s13, $0xb8;
	[tilespmem:$0x16080] =	vst v63  }
0x74: {  	s22 =	simm.s32 $0x4  }
0x75: {  	_ =	swait.ge [sflag:s22], $0xFA0  }
0x76: {  	[sflag:s22] =	ssyncset.done $0x0  }
0x77: {  	[sflag:s22] =	ssyncadd.s32 $0xFFFFF060;
	s22 =	sadd.s32 $0x6320, s20  }
0x78: {  	[spmem:s2] =	stream.indirect.scatter.add.f32 [tilespmem:s29], [sflag:$0xE], $0x20, s22, s13, $0xb8;
	[tilespmem:$0x16080] =	vst v63  }
0x79: {  	s22 =	simm.s32 $0x5  }
0x7a: {  	_ =	swait.ge [sflag:s22], $0xFA0  }
0x7b: {  	[sflag:s22] =	ssyncset.done $0x0  }
0x7c: {  	[sflag:s22] =	ssyncadd.s32 $0xFFFFF060;
	s22 =	sadd.s32 $0x63A0, s20  }
0x7d: {  	[spmem:s2] =	stream.indirect.scatter.add.f32 [tilespmem:s31], [sflag:$0xF], $0x20, s22, s13, $0xb8;
	[tilespmem:$0x16080] =	vst v63  }
0x7e: {  	s22 =	simm.s32 $0x6  }
0x7f: {  	_ =	swait.ge [sflag:s22], $0xFA0  }
0x80: {  	[sflag:s22] =	ssyncset.done $0x0  }
0x81: {  	[sflag:s22] =	ssyncadd.s32 $0xFFFFF060;
	s22 =	sadd.s32 $0x6420, s20  }
0x82: {  	[spmem:s2] =	stream.indirect.scatter.add.f32 [tilespmem:s1], [sflag:$0x10], $0x20, s22, s13, $0xb8;
	[tilespmem:$0x16080] =	vst v63  }
0x83: {  	_ =	swait.ge [sflag:s25], $0xFA0  }
0x84: {  	[sflag:s25] =	ssyncset.done $0x0  }
0x85: {  	s22 =	sadd.s32 $0x64A0, s20;
	[sflag:s25] =	ssyncadd.s32 $0xFFFFF060  }
0x86: {  	[spmem:s2] =	stream.indirect.scatter.add.f32 [tilespmem:s15], [sflag:$0x11], $0x20, s22, s13, $0xb8;
	[tilespmem:$0x16080] =	vst v63  }
0x87: {  	_ =	swait.ge [sflag:s28], $0xFA0  }
0x88: {  	[sflag:s28] =	ssyncset.done $0x0  }
0x89: {  	s22 =	sadd.s32 $0x6520, s20;
	[sflag:s28] =	ssyncadd.s32 $0xFFFFF060  }
0x8a: {  	[spmem:s2] =	stream.indirect.scatter.add.f32 [tilespmem:s17], [sflag:$0x12], $0x20, s22, s13, $0xb8;
	[tilespmem:$0x16080] =	vst v63  }
0x8b: {  	_ =	swait.ge [sflag:s30], $0xFA0  }
0x8c: {  	[sflag:s30] =	ssyncset.done $0x0  }
0x8d: {  	s22 =	sadd.s32 $0x65A0, s20;
	[sflag:s30] =	ssyncadd.s32 $0xFFFFF060  }
0x8e: {  	[spmem:s2] =	stream.indirect.scatter.add.f32 [tilespmem:s19], [sflag:$0x13], $0x20, s22, s13, $0xb8;
	[tilespmem:$0x16080] =	vst v63  }
0x8f: {  	_ =	swait.ge [sflag:s0], $0xFA0  }
0x90: {  	[sflag:s0] =	ssyncset.done $0x0  }
0x91: {  	s22 =	sadd.s32 $0x6620, s20;
	[sflag:s0] =	ssyncadd.s32 $0xFFFFF060  }
0x92: {  	[spmem:s2] =	stream.indirect.scatter.add.f32 [tilespmem:s21], [sflag:$0x14], $0x20, s22, s13, $0xb8;
	[tilespmem:$0x16080] =	vst v63  }
0x93: {  	_ =	swait.ge [sflag:s5], $0xFA0  }
0x94: {  	p0 =	seq.s32 s18, $0x3C00;
	[sflag:s5] =	ssyncset.done $0x0  }
.Ltmp3:
0x95: {  	s22 =	sadd.s32 $0x66A0, s20;
	[sflag:s5] =	ssyncadd.s32 $0xFFFFF060;
	(pc) =	sbr.rel @p0 .LBB2_6-.Ltmp3, $4  }
0x96: {  	[spmem:s2] =	stream.indirect.scatter.add.f32 [tilespmem:s23], [sflag:$0x15], $0x20, s22, s13, $0xb8;
	[tilespmem:$0x16080] =	vst v63  }
0x97: {  	_ =	swait.ge [sflag:s6], $0xFA0  }
0x98: {  	[sflag:s6] =	ssyncset.done $0x0  }
0x99: {  	[sflag:s6] =	ssyncadd.s32 $0xFFFFF060  }
0x9a: {  	s22 =	sadd.s32 $0x5320, s20  }
0x9b: {  	[tilespmem:s24], [sflag:$0x2] =	stream.indirect.gather [hbm4b:s4+s13], $0x20, s22, s13, $0xb8;
	[tilespmem:$0x16080] =	vst v63  }
0x9c: {  	_ =	swait.ge [sflag:s10], $0xFA0  }
0x9d: {  	[sflag:s10] =	ssyncset.done $0x0  }
0x9e: {  	s22 =	sadd.s32 $0x53A0, s20;
	[sflag:s10] =	ssyncadd.s32 $0xFFFFF060  }
0x9f: {  	[tilespmem:s26], [sflag:$0x3] =	stream.indirect.gather [hbm4b:s4+s13], $0x20, s22, s13, $0xb8;
	[tilespmem:$0x16080] =	vst v63  }
0xa0: {  	_ =	swait.ge [sflag:s8], $0xFA0  }
0xa1: {  	[sflag:s8] =	ssyncset.done $0x0  }
0xa2: {  	s22 =	sadd.s32 $0x5420, s20;
	[sflag:s8] =	ssyncadd.s32 $0xFFFFF060  }
0xa3: {  	[tilespmem:s29], [sflag:$0x4] =	stream.indirect.gather [hbm4b:s4+s13], $0x20, s22, s13, $0xb8;
	[tilespmem:$0x16080] =	vst v63  }
0xa4: {  	_ =	swait.ge [sflag:s9], $0xFA0  }
0xa5: {  	[sflag:s9] =	ssyncset.done $0x0  }
0xa6: {  	s22 =	sadd.s32 $0x54A0, s20;
	[sflag:s9] =	ssyncadd.s32 $0xFFFFF060  }
0xa7: {  	[tilespmem:s31], [sflag:$0x5] =	stream.indirect.gather [hbm4b:s4+s13], $0x20, s22, s13, $0xb8;
	[tilespmem:$0x16080] =	vst v63  }
0xa8: {  	_ =	swait.ge [sflag:s3], $0xFA0  }
0xa9: {  	[sflag:s3] =	ssyncset.done $0x0  }
0xaa: {  	s22 =	sadd.s32 $0x5520, s20;
	[sflag:s3] =	ssyncadd.s32 $0xFFFFF060  }
0xab: {  	[tilespmem:s1], [sflag:$0x6] =	stream.indirect.gather [hbm4b:s4+s13], $0x20, s22, s13, $0xb8;
	[tilespmem:$0x16080] =	vst v63  }
0xac: {  	_ =	swait.ge [sflag:s7], $0xFA0  }
0xad: {  	[sflag:s7] =	ssyncset.done $0x0  }
0xae: {  	s22 =	sadd.s32 $0x55A0, s20;
	[sflag:s7] =	ssyncadd.s32 $0xFFFFF060  }
0xaf: {  	[tilespmem:s15], [sflag:$0x7] =	stream.indirect.gather [hbm4b:s4+s13], $0x20, s22, s13, $0xb8;
	[tilespmem:$0x16080] =	vst v63  }
0xb0: {  	_ =	swait.ge [sflag:s12], $0xFA0  }
0xb1: {  	[sflag:s12] =	ssyncset.done $0x0  }
0xb2: {  	s22 =	sadd.s32 $0x5620, s20;
	[sflag:s12] =	ssyncadd.s32 $0xFFFFF060  }
0xb3: {  	[tilespmem:s17], [sflag:$0x8] =	stream.indirect.gather [hbm4b:s4+s13], $0x20, s22, s13, $0xb8;
	[tilespmem:$0x16080] =	vst v63  }
0xb4: {  	_ =	swait.ge [sflag:s11], $0xFA0  }
0xb5: {  	[sflag:s11] =	ssyncset.done $0x0  }
0xb6: {  	s22 =	sadd.s32 $0x56A0, s20;
	[sflag:s11] =	ssyncadd.s32 $0xFFFFF060  }
0xb7: {  	[tilespmem:s19], [sflag:$0x9] =	stream.indirect.gather [hbm4b:s4+s13], $0x20, s22, s13, $0xb8;
	[tilespmem:$0x16080] =	vst v63  }
0xb8: {  	_ =	swait.ge [sflag:s14], $0xFA0  }
0xb9: {  	[sflag:s14] =	ssyncset.done $0x0  }
0xba: {  	s22 =	sadd.s32 $0x5720, s20;
	[sflag:s14] =	ssyncadd.s32 $0xFFFFF060  }
0xbb: {  	[tilespmem:s21], [sflag:$0xA] =	stream.indirect.gather [hbm4b:s4+s13], $0x20, s22, s13, $0xb8;
	[tilespmem:$0x16080] =	vst v63  }
.Ltmp4:
0xbc: {  	_ = 	snop;
	(pc) =	sbr.rel .LBB2_4-.Ltmp4, $4  }
0xbd: {  	_ =	swait.ge [sflag:s16], $0xFA0  }
0xbe: {  	s23 =	simm.s32 $0x102C0;
	[sflag:s16] =	ssyncset.done $0x0  }
0xbf: {  	s18 =	sadd.s32 $0x1400, s18;
	s22 =	sadd.s32 $0x57A0, s20;
	[sflag:s16] =	ssyncadd.s32 $0xFFFFF060  }
0xc0: {  	[tilespmem:s23], [sflag:$0xB] =	stream.indirect.gather [hbm4b:s4+s13], $0x20, s22, s13, $0xb8;
	[tilespmem:$0x16080] =	vst v63  }
.LBB2_7:
0xc1: {  	_ =	sfence.sel $0x180000  }
0xc2: {  	[bflag:$0x0] =	sbarrier.arrive $0xFFFF  }
0xc3: {  	_ =	strace $0x90000047  }
0xc4: {  	s0 =	stileid.u32;
	[bflag:$0x2] =	sbarrier.arrive $0xFFFF  }
0xc5: {  	p0 =	sne.s32 s0, $0x0;
	s0 =	rddreg [dreg:$0x2]  }
0xc6: {  	s0 =	sadd.s32 @!p0 $0x100000, s0  }
0xc7: {  	[sflag:s0] =	ssyncadd.tile.s32 @!p0 $0x1;
	_ =	shalt  }
.Lfunc_end2:
_tile_overlayer_lowered:
.L_overlay_start_2:
0xc8: {  	(tag) =	ssettag $0x2  }
0xc9: {  	s0 =	rddreg [dreg:$0x0];
	s2 =	stileid.u32  }
0xca: {  	s1 =	rddreg [dreg:$0x1];
	p0 =	sne.s32 s2, $0x0  }
0xcb: {  	s3 =	rddreg [dreg:$0x2];
	[bflag:$0x3] =	sbarrier.arrive $0xFFFF;
	s2 =	simm.s32 @!p0 $0x1C16  }
0xcc: {  	[timem:s3], [sflag:s2] =	dma.local @!p0 [hbm:s0], s1  }
0xcd: {  	s0 =	simm.s32 @!p0 $0x16  }
0xce: {  	_ =	swait.ge @!p0 [sflag:s0], s1  }
0xcf: {  	s1 =	ssub.s32 @!p0 $0x0, s1;
	[sflag:s0] =	ssyncset.done @!p0 $0x0  }
0xd0: {  	[sflag:s0] =	ssyncadd.s32 @!p0 s1  }
0xd1: {  	[bflag:$0x3] =	sbarrier.arrive $0xFFFF  }
0xd2: {  	_ =	shalt  }

// kernel: kernel.14.cloned.1.call-start
scs
__scs_entry_jumppad:
0x0: {  	(pc) =	sbr.rel $0x88, $3  }
0x1: {  	(tag) =	ssettag $0x0;
	lr =	simm.s32 $0x1  }
0x2: {  	[smem:$0x3F7E] =	sst lr;
	_ =	strace $0xD0000000  }
0x3: {  	_ = 	snop  }
0x4: {  	_ = 	snop  }
0x5: {  	_ = 	snop  }
0x6: {  	_ = 	snop  }
0x7: {  	_ = 	snop  }
__scs_overlays_trampoline_lowered:
0x8: {  	[smem:$0x3F8D] =	sst s0  }
0x9: {  	[smem:$0x3F8E] =	sst s1  }
0xa: {  	[smem:$0x3F8F] =	sst s2  }
0xb: {  	[smem:$0x3F90] =	sst s3  }
0xc: {  	[smem:$0x3F91] =	sst s4  }
0xd: {  	[smem:$0x3F92] =	sst s5  }
0xe: {  	[smem:$0x3F93] =	sst s6  }
0xf: {  	[smem:$0x3F94] =	sst s7  }
0x10: {  	[smem:$0x3F95] =	sst s8  }
0x11: {  	[smem:$0x3F96] =	sst s9;
	s0 =	simm.s32 @!p0 $0x0  }
0x12: {  	s1 =	sld [smem:$0x3F7C];
	s0 =	simm.s32 @p0 $0x1  }
0x13: {  	[smem:$0x3F97] =	sst s0;
	s0 =	simm.s32 @!p1 $0x0  }
0x14: {  	s2 =	sld [smem:$0x3F7B];
	s0 =	simm.s32 @p1 $0x1  }
0x15: {  	[smem:$0x3F98] =	sst s0;
	s0 =	simm.s32 @!p2 $0x0  }
0x16: {  	s3 =	sld [smem:$0x3FDB];
	s0 =	simm.s32 @p2 $0x1  }
0x17: {  	s4 =	simm.s32 $0x1BF5;
	[smem:$0x3F9A] =	sst s0  }
0x18: {  	s0 =	sld [smem:$0x3F7D];
	_ =	swait.ge [sflag:s4], $0x0  }
0x19: {  	s7 =	sld [smem:$0x3F7E]  }
0x1a: {  	s8 =	sadd.s32 $0xFFFFE003, lr  }
0x1b: {  	s9 =	sadd.s32 $0xFFFFFEF7, lr;
	s5 =	simm.s32 $0xFFFFFFFF;
	p2 =	slt.u32 s8, $0xFFFFF086  }
0x1c: {  	p1 =	slt.u32 s9, $0xF7A;
	s5 =	simm.s32 @!p2 $0x0  }
0x1d: {  	s5 =	simm.s32 @p1 $0x1;
	p0 =	seq.s32 s7, s2  }
0x1e: {  	s7 =	smul.u32 @!p0 $0xF7A, s2;
	p2 =	seq.s32 @!p0 s5, $0x0  }
0x1f: {  	s9 =	smul.u32 $0xF7A, s1;
	s8 =	simm.s32 @!p0 $0x1BF5;
	p2 =	por !p2, p0  }
0x20: {  	[sflag:s8] =	ssyncset.s32 @!p0 $0xFFFFF086;
	s6 =	sadd.s32 @!p0 s3, s7;
	s7 =	simm.s32 @!p0 $0x108  }
0x21: {  	s3 =	sadd.s32 s3, s9;
	s6 =	sadd.s32 @!p0 $0x88, s6;
	s7 =	simm.s32 @p2 $0x1082  }
0x22: {  	[simem:s7], [sflag:s8] =	dma.local @!p0 [hbm:s6], $0xF7A  }
0x23: {  	s9 =	sor.u32 $0xD0000000, s2;
	s6 =	simm.s32 $0x108;
	_ =	swait.ge @!p0 [sflag:s8], $0x0  }
0x24: {  	s3 =	sadd.s32 $0x88, s3;
	s6 =	simm.s32 @!p1 $0x1082;
	[sflag:s4] =	ssyncset.s32 $0xFFFFF086  }
0x25: {  	[simem:s6], [sflag:s4] =	dma.local [hbm:s3], $0xF7A  }
0x26: {  	[smem:$0x3F7E] =	sst s1;
	(tag) =	ssettag s2;
	_ =	strace s9  }
0x27: {  	s1 =	sld [smem:$0x3F8E]  }
0x28: {  	s2 =	sld [smem:$0x3F8F]  }
0x29: {  	s4 =	sld [smem:$0x3F91]  }
0x2a: {  	p0 =	seq.s32 s5, $0x0;
	s5 =	sld [smem:$0x3F92]  }
0x2b: {  	s6 =	sld [smem:$0x3F93]  }
0x2c: {  	s7 =	sld [smem:$0x3F94]  }
0x2d: {  	s3 =	simm.s32 $0x108;
	s8 =	sld [smem:$0x3F95]  }
0x2e: {  	s3 =	simm.s32 @!p0 $0x1082;
	s9 =	sld [smem:$0x3F96]  }
0x2f: {  	lr =	sadd.s32 s0, s3;
	s0 =	sld [smem:$0x3F8D]  }
0x30: {  	s3 =	sld [smem:$0x3F90]  }
0x31: {  	[smem:$0x3F99] =	sst s10  }
0x32: {  	s10 =	sld [smem:$0x3F97];
	_ =	sdelay $0x3  }
0x33: {  	p0 =	seq.s32 s10, $0x1;
	s10 =	sld [smem:$0x3F99];
	_ =	sdelay $0x3  }
0x34: {  	[smem:$0x3F99] =	sst s10  }
0x35: {  	s10 =	sld [smem:$0x3F98];
	_ =	sdelay $0x3  }
0x36: {  	p1 =	seq.s32 s10, $0x1;
	s10 =	sld [smem:$0x3F99];
	_ =	sdelay $0x3  }
0x37: {  	[smem:$0x3F99] =	sst s10  }
0x38: {  	s10 =	sld [smem:$0x3F9A]  }
0x39: {  	_ = 	snop;
	(pc) =	sbr.ind lr, $3  }
0x3a: {  	_ = 	snop  }
0x3b: {  	_ = 	snop  }
0x3c: {  	p2 =	seq.s32 s10, $0x1;
	s10 =	sld [smem:$0x3F99]  }
0x3d: {  	_ =	shalt  }
0x3e: {  	_ =	shalt  }
0x3f: {  	_ =	shalt  }
0x40: {  	_ =	shalt  }
0x41: {  	_ =	shalt  }
0x42: {  	_ =	shalt  }
0x43: {  	_ =	shalt  }
0x44: {  	_ =	shalt  }
0x45: {  	_ =	shalt  }
0x46: {  	_ =	shalt  }
0x47: {  	_ =	shalt  }
0x48: {  	_ =	shalt  }
0x49: {  	_ =	shalt  }
0x4a: {  	_ =	shalt  }
0x4b: {  	_ =	shalt  }
0x4c: {  	_ =	shalt  }
0x4d: {  	_ =	shalt  }
0x4e: {  	_ =	shalt  }
0x4f: {  	_ =	shalt  }
0x50: {  	_ =	shalt  }
0x51: {  	_ =	shalt  }
0x52: {  	_ =	shalt  }
0x53: {  	_ =	shalt  }
0x54: {  	_ =	shalt  }
0x55: {  	_ =	shalt  }
0x56: {  	_ =	shalt  }
0x57: {  	_ =	shalt  }
0x58: {  	_ =	shalt  }
0x59: {  	_ =	shalt  }
0x5a: {  	_ =	shalt  }
0x5b: {  	_ =	shalt  }
0x5c: {  	_ =	shalt  }
0x5d: {  	_ =	shalt  }
0x5e: {  	_ =	shalt  }
0x5f: {  	_ =	shalt  }
0x60: {  	_ =	shalt  }
0x61: {  	_ =	shalt  }
0x62: {  	_ =	shalt  }
0x63: {  	_ =	shalt  }
0x64: {  	_ =	shalt  }
0x65: {  	_ =	shalt  }
0x66: {  	_ =	shalt  }
0x67: {  	_ =	shalt  }
0x68: {  	_ =	shalt  }
0x69: {  	_ =	shalt  }
0x6a: {  	_ =	shalt  }
0x6b: {  	_ =	shalt  }
0x6c: {  	_ =	shalt  }
0x6d: {  	_ =	shalt  }
0x6e: {  	_ =	shalt  }
0x6f: {  	_ =	shalt  }
0x70: {  	_ =	shalt  }
0x71: {  	_ =	shalt  }
0x72: {  	_ =	shalt  }
0x73: {  	_ =	shalt  }
0x74: {  	_ =	shalt  }
0x75: {  	_ =	shalt  }
0x76: {  	_ =	shalt  }
0x77: {  	_ =	shalt  }
0x78: {  	_ =	shalt  }
0x79: {  	_ =	shalt  }
0x7a: {  	_ =	shalt  }
0x7b: {  	_ =	shalt  }
0x7c: {  	_ =	shalt  }
0x7d: {  	_ =	shalt  }
0x7e: {  	_ =	shalt  }
0x7f: {  	_ =	shalt  }
0x80: {  	_ =	shalt  }
0x81: {  	_ =	shalt  }
0x82: {  	_ =	shalt  }
0x83: {  	_ =	shalt  }
0x84: {  	_ =	shalt  }
0x85: {  	_ =	shalt  }
0x86: {  	_ =	shalt  }
0x87: {  	_ =	shalt  }
.Lfunc_end0:
.L_simem_size_0:
called_computation.1_lowered:
.L_overlay_start_0:
0x88: {  	s2 =	sld [smem:$0x3FD9]  }
0x89: {  	s3 =	sld [smem:$0x3FFE];
	_ =	sdelay $0x1  }
0x8a: {  	s1 =	srdreg.scid  }
0x8b: {  	s0 =	sand.u32 $0x1, s1  }
0x8c: {  	s16 =	sshll.u32 s0, $0xA;
	s2 =	sadd.s32 s3, s2  }
0x8d: {  	s2 =	sadd.s32 s2, s16  }
0x8e: {  	[smem:$0x3FA5] =	sst s2  }
0x8f: {  	_ = 	snop  }
0x90: {  	(tm) =	ssettm $0x1  }
0x91: {  	s17 =	sld [smem:$0x3FFB];
	_ =	sdelay $0x3  }
0x92: {  	_ =	strace s17  }
0x93: {  	s2 =	sld [smem:$0x3FFC];
	_ =	sdelay $0x3  }
0x94: {  	_ =	strace s2  }
0x95: {  	s2 =	sld [smem:$0x3FFD];
	_ =	sdelay $0x3  }
0x96: {  	_ =	strace s2  }
0x97: {  	_ =	strace $0x8FFFFFFF  }
0x98: {  	s18 =	sld [smem:$0x3FDB];
	_ =	sdelay $0x1  }
0x99: {  	s19 =	simm.s32 $_scs_section_size  }
0x9a: {  	s4 =	simm.s32 $_size__tile_overlayer_lowered;
	s5 =	simm.s32 $_tile_overlayer_lowered  }
0x9b: {  	s22 =	simm.s32 $0x1BFF;
	s21 =	sshll.u32 s5, $0x1;
	s2 =	sadd.s32 s19, s18  }
0x9c: {  	s6 =	simm.s32 $0x0;
	s20 =	sshll.u32 s4, $0x1;
	s4 =	sadd.s32 s21, s2  }
0x9d: {  	[timem:s6], [sflag:s22] =	dma.local [hbm:s4], s20  }
0x9e: {  	_ =	swait.ge [sflag:s22], s20  }
0x9f: {  	s3 =	ssub.s32 $0x0, s20;
	[sflag:s22] =	ssyncset.done $0x0  }
0xa0: {  	[sflag:s22] =	ssyncadd.s32 s3;
	_ =	sdelay $0x1  }
0xa1: {  	s23 =	simm.s32 $0x1B8B  }
0xa2: {  	_ =	swait.ge [sflag:s23], $0x1  }
0xa3: {  	[sflag:s23] =	ssyncset.done $0x0  }
0xa4: {  	s25 =	simm.s32 $0x1B8E;
	s24 =	sld [smem:$0x3FFE];
	[sflag:s23] =	ssyncadd.s32 $0xFFFFFFFF  }
0xa5: {  	s26 =	simm.s32 $execute0_lowered;
	[smem:$0x3FD2] =	sst s25  }
0xa6: {  	s4 =	sshll.u32 s26, $0x1;
	_ =	strace $0x80000049;
	[dreg:$0x1] =	wrdreg $0xFFFFFFFF  }
0xa7: {  	s28 =	simm.s32 $_size_execute0_lowered;
	s2 =	sadd.s32 s2, s4;
	[dreg:$0x0] =	wrdreg $0x0  }
0xa8: {  	s4 =	sshll.u32 s28, $0x1;
	[dreg:$0x2] =	wrdreg s2  }
0xa9: {  	[dreg:$0x3] =	wrdreg s4  }
0xaa: {  	[dreg:$0x4] =	wrdreg $0xC0  }
0xab: {  	_ =	task [dreg:s6], $0x5FFFF  }
0xac: {  	[dreg:$0x1] =	wrdreg $0xFFFFFFFF  }
0xad: {  	[dreg:$0x0] =	wrdreg $0x60  }
0xae: {  	[dreg:$0x2] =	wrdreg s24  }
0xaf: {  	[dreg:$0x3] =	wrdreg $0x112600  }
0xb0: {  	[dreg:$0x4] =	wrdreg $0x9  }
0xb1: {  	_ =	task.clear_ibuf [dreg:s6], $0x5FFFF;
	_ =	strace $0x90000049  }
0xb2: {  	s29 =	simm.s32 $0x9;
	_ =	strace $0x8000004B  }
0xb3: {  	_ =	swait.ge [sflag:s29], $0x1  }
0xb4: {  	[sflag:s29] =	ssyncadd.s32 $0xFFFFFFFF  }
0xb5: {  	_ =	strace $0x9000004B  }
0xb6: {  	_ =	sfence  }
0xb7: {  	s30 =	sld [smem:$0x0];
	_ =	sdelay $0x2  }
0xb8: {  	s31 =	sshll.u32 s1, $0xD;
	s1 =	sshrl.u32 s1, $0x2  }
0xb9: {  	s3 =	sand.u32 $0x4000, s31;
	s1 =	sadd.s32 s1, s30  }
0xba: {  	s0 =	sor.u32 s3, s0;
	s1 =	sshll.u32 s1, $0x11  }
0xbb: {  	s0 =	sor.u32 s1, s0  }
0xbc: {  	s0 =	sadd.s32 $0x8F2B, s0  }
0xbd: {  	[sflag:s0] =	ssyncadd.remote.s32 $0x1  }
0xbe: {  	_ =	sfence.sel $0xFFFF  }
0xbf: {  	[dreg:$0x0] =	wrdreg $0xFFFFFFFF;
	(pc) =	sbr.abs _section_cstart, $3  }
0xc0: {  	[dreg:$0x1] =	wrdreg $0xFFFFFFFF  }
0xc1: {  	_ =	task.clear_ibuf [dreg:s6], $0x2FFFF;
	_ =	strace $0x9FFFFFFF  }
0xc2: {  	(tm) =	ssettm $0x7FFFFFFF  }
0xc3: {  	_ =	shalt  }
tec
execute0_lowered:
.L_overlay_start_1:
0x0: {  	(tag) =	ssettag $0x1  }
0x1: {  	s0 =	rddreg [dreg:$0x0];
	s1 =	srdreg.scid  }
0x2: {  	s2 =	rddreg [dreg:$0x1];
	s7 =	stileid.u32  }
0x3: {  	s18 =	simm.s32 $0x0;
	s13 =	simm.s32 $0x7D;
	s28 =	simm.s32 $0x8  }
0x4: {  	s30 =	simm.s32 $0x9;
	s10 =	simm.s32 $0xD;
	s8 =	simm.s32 $0xE  }
0x5: {  	s9 =	simm.s32 $0xF;
	s12 =	simm.s32 $0x12;
	s11 =	simm.s32 $0x13  }
0x6: {  	s14 =	simm.s32 $0x14;
	s16 =	simm.s32 $0x15;
	s4 =	smul.u32 $0x28, s7  }
0x7: {  	s15 =	simm.s32 $0x0;
	s29 =	simm.s32 $0x9560;
	s5 =	smul.u32 $0x9C4, s7  }
0x8: {  	s31 =	simm.s32 $0xA500;
	s1 =	sand.u32 $0x1, s1;
	s7 =	smul.u32 $0x13880, s7  }
0x9: {  	s17 =	simm.s32 $0xD3E0;
	s19 =	simm.s32 $0xE380;
	s3 =	smul.u32 $0x280, s1  }
0xa: {  	[smem:$0x7FF] =	sst s18;
	s6 =	smul.u32 $0x9C40, s1;
	s1 =	ssub.s32 $0x2, s1  }
0xb: {  	s21 =	simm.s32 $0xF320;
	_ =	strace $0x8000004A;
	s23 =	sshrl.u32 s1, $0x1  }
0xc: {  	s25 =	sshrl.u32 s7, $0x2;
	s7 =	simm.s32 $0x11;
	s3 =	sadd.s32 s4, s3  }
0xd: {  	s4 =	sadd.s32 $0x84800, s0;
	s5 =	sadd.s32 s5, s6;
	s1 =	ssub.s32 s1, s23  }
0xe: {  	s6 =	simm.s32 $0xC;
	s3 =	sshll.u32 s3, $0x4;
	s26 =	smax.u32 s1, $0x1  }
0xf: {  	s3 =	sadd.s32 s3, s0;
	s0 =	sadd.s32 s5, s0;
	[dreg:$0x7] =	wrdreg s26  }
.Ltmp0:
0x10: {  	s5 =	simm.s32 $0xB;
	s24 =	sadd.s32 $0x5400, s3;
	(pc) =	sbr.rel .LBB2_1-.Ltmp0, $4  }
0x11: {  	s26 =	simm.s32 $0x85C0;
	s3 =	sadd.s32 $0xA400, s3;
	[dreg:$0x3] =	wrdreg s24  }
0x12: {  	s0 =	sadd.s32 $0xF400, s0;
	[dreg:$0x4] =	wrdreg s3;
	s3 =	sadd.s32 s25, s2  }
0x13: {  	[dreg:$0x6] =	wrdreg s0;
	s25 =	simm.s32 $0x7;
	s0 =	simm.s32 $0xA  }
0x14: {  	v0 =	vimm.f32 $0.0e+00;
	s24 =	simm.s32 $0x7620;
	[dreg:$0x5] =	wrdreg s3;
	s3 =	simm.s32 $0x10  }
.LBB2_6:
0x15: {  	_ =	swait.ge [sflag:s10], $0xFA0  }
0x16: {  	[sflag:s10] =	ssyncset.done $0x0  }
0x17: {  	[sflag:s10] =	ssyncadd.s32 $0xFFFFF060  }
0x18: {  	_ =	swait.ge [sflag:s8], $0xFA0  }
0x19: {  	[sflag:s8] =	ssyncset.done $0x0  }
0x1a: {  	[sflag:s8] =	ssyncadd.s32 $0xFFFFF060  }
0x1b: {  	_ =	swait.ge [sflag:s9], $0xFA0  }
0x1c: {  	[sflag:s9] =	ssyncset.done $0x0  }
0x1d: {  	[sflag:s9] =	ssyncadd.s32 $0xFFFFF060  }
0x1e: {  	_ =	swait.ge [sflag:s3], $0xFA0  }
0x1f: {  	[sflag:s3] =	ssyncset.done $0x0  }
0x20: {  	[sflag:s3] =	ssyncadd.s32 $0xFFFFF060  }
0x21: {  	_ =	swait.ge [sflag:s7], $0xFA0  }
0x22: {  	[sflag:s7] =	ssyncset.done $0x0  }
0x23: {  	[sflag:s7] =	ssyncadd.s32 $0xFFFFF060  }
0x24: {  	_ =	swait.ge [sflag:s12], $0xFA0  }
0x25: {  	[sflag:s12] =	ssyncset.done $0x0  }
0x26: {  	[sflag:s12] =	ssyncadd.s32 $0xFFFFF060  }
0x27: {  	_ =	swait.ge [sflag:s11], $0xFA0  }
0x28: {  	[sflag:s11] =	ssyncset.done $0x0  }
0x29: {  	[sflag:s11] =	ssyncadd.s32 $0xFFFFF060  }
0x2a: {  	_ =	swait.ge [sflag:s14], $0xFA0  }
0x2b: {  	[sflag:s14] =	ssyncset.done $0x0  }
0x2c: {  	[sflag:s14] =	ssyncadd.s32 $0xFFFFF060  }
0x2d: {  	_ =	swait.ge [sflag:s16], $0xFA0  }
0x2e: {  	[sflag:s16] =	ssyncset.done $0x0  }
0x2f: {  	[sflag:s16] =	ssyncadd.s32 $0xFFFFF060  }
0x30: {  	[bflag:$0x0] =	sbarrier.arrive $0xFFFF  }
0x31: {  	s18 =	simm.s32 $0x0;
	s1 =	simm.s32 $0x16;
	s20 =	rddreg [dreg:$0x5]  }
0x32: {  	[tilespmem:s18], [sflag:$0x16] =	stream.linear.gather [spmem:s20], $0x4E20, $0x38;
	[tilespmem:$0x16080] =	vst v63  }
0x33: {  	_ =	swait.ge [sflag:s1], $0x4E20  }
0x34: {  	[sflag:s1] =	ssyncset.done $0x0  }
0x35: {  	s22 =	rddreg [dreg:$0x6];
	[sflag:s1] =	ssyncadd.s32 $0xFFFFB1E0  }
0x36: {  	[hbm4b:s22+s18] =	stream.linear.scatter [tilespmem:s18], [sflag:$0x16], $0x4E20, $0x38;
	[tilespmem:$0x16080] =	vst v63  }
0x37: {  	_ =	swait.ge [sflag:s1], $0x4E20  }
0x38: {  	s15 =	rddreg [dreg:$0x8]  }
0x39: {  	s23 =	rddreg [dreg:$0x7];
	s15 =	sadd.s32 $0x1, s15  }
0x3a: {  	p0 =	sne.s32 s15, s23  }
.Ltmp1:
0x3b: {  	_ = 	snop;
	(pc) =	sbr.rel @!p0 .LBB2_7-.Ltmp1, $3  }
0x3c: {  	_ =	sdelay $0x1  }
0x3d: {  	[sflag:s1] =	ssyncset.done $0x0  }
0x3e: {  	[sflag:s1] =	ssyncadd.s32 $0xFFFFB1E0  }
.LBB2_1:
0x3f: {  	s20 =	rddreg [dreg:$0x3];
	s22 =	simm.s32 $0x4E20  }
0x40: {  	[tilespmem:s22], [sflag:$0x1] =	stream.linear.gather [hbm4b:s20+s18], $0x1400, $0x38;
	[tilespmem:$0x16080] =	vst v63  }
0x41: {  	s23 =	simm.s32 $0x6220;
	s22 =	rddreg [dreg:$0x4]  }
0x42: {  	[tilespmem:s23], [sflag:$0x1] =	stream.linear.gather [hbm4b:s22+s18], $0x1400, $0x38;
	[tilespmem:$0x16080] =	vst v63  }
0x43: {  	[dreg:$0x8] =	wrdreg s15;
	s20 =	simm.s32 $0x0;
	s18 =	simm.s32 $0x80  }
.LBB2_2:
0x44: {  	p0 =	sne.s32 s18, $0x13800;
	[tilespmem:s20+$0x0] =	vst v0;
	s22 =	smov.u32 s18;
	s18 =	sadd.s32 $0x80, s18  }
.Ltmp2:
0x45: {  	[tilespmem:s20+$0x10] =	vst v0;
	(pc) =	sbr.rel @p0 .LBB2_2-.Ltmp2, $2  }
0x46: {  	_ =	sdelay $0x2  }
0x47: {  	s20 =	sshra.s32 s22, $0x2  }
0x48: {  	[tilespmem:s20+$0x0] =	vst v0  }
0x49: {  	[tilespmem:s20+$0x10] =	vst v0;
	s18 =	simm.s32 $0x1  }
0x4a: {  	_ =	swait.ge [sflag:s18], $0x1400  }
0x4b: {  	[sflag:s18] =	ssyncset.done $0x0  }
0x4c: {  	[sflag:s18] =	ssyncadd.s32 $0xFFFFEC00  }
0x4d: {  	_ =	swait.ge [sflag:s18], $0x1400  }
0x4e: {  	[sflag:s18] =	ssyncset.done $0x0  }
0x4f: {  	s23 =	simm.s32 $0x4E20;
	[sflag:s18] =	ssyncadd.s32 $0xFFFFEC00  }
0x50: {  	[tilespmem:s24], [sflag:$0x2] =	stream.indirect.gather [hbm4b:s4+s13], $0x20, s23, s13, $0xb8;
	[tilespmem:$0x16080] =	vst v63  }
0x51: {  	s1 =	simm.s32 $0x4EA0  }
0x52: {  	[tilespmem:s26], [sflag:$0x3] =	stream.indirect.gather [hbm4b:s4+s13], $0x20, s1, s13, $0xb8;
	[tilespmem:$0x16080] =	vst v63  }
0x53: {  	s15 =	simm.s32 $0x4F20  }
0x54: {  	[tilespmem:s29], [sflag:$0x4] =	stream.indirect.gather [hbm4b:s4+s13], $0x20, s15, s13, $0xb8;
	[tilespmem:$0x16080] =	vst v63  }
0x55: {  	s20 =	simm.s32 $0x4FA0  }
0x56: {  	[tilespmem:s31], [sflag:$0x5] =	stream.indirect.gather [hbm4b:s4+s13], $0x20, s20, s13, $0xb8;
	[tilespmem:$0x16080] =	vst v63  }
0x57: {  	s22 =	simm.s32 $0x5020;
	s1 =	simm.s32 $0xB4A0  }
0x58: {  	[tilespmem:s1], [sflag:$0x6] =	stream.indirect.gather [hbm4b:s4+s13], $0x20, s22, s13, $0xb8;
	[tilespmem:$0x16080] =	vst v63  }
0x59: {  	s23 =	simm.s32 $0x50A0;
	s15 =	simm.s32 $0xC440  }
0x5a: {  	[tilespmem:s15], [sflag:$0x7] =	stream.indirect.gather [hbm4b:s4+s13], $0x20, s23, s13, $0xb8;
	[tilespmem:$0x16080] =	vst v63  }
0x5b: {  	s20 =	simm.s32 $0x5120  }
0x5c: {  	[tilespmem:s17], [sflag:$0x8] =	stream.indirect.gather [hbm4b:s4+s13], $0x20, s20, s13, $0xb8;
	[tilespmem:$0x16080] =	vst v63  }
0x5d: {  	s22 =	simm.s32 $0x51A0  }
0x5e: {  	[tilespmem:s19], [sflag:$0x9] =	stream.indirect.gather [hbm4b:s4+s13], $0x20, s22, s13, $0xb8;
	[tilespmem:$0x16080] =	vst v63  }
0x5f: {  	s23 =	simm.s32 $0x5220  }
0x60: {  	[tilespmem:s21], [sflag:$0xA] =	stream.indirect.gather [hbm4b:s4+s13], $0x20, s23, s13, $0xb8;
	[tilespmem:$0x16080] =	vst v63  }
0x61: {  	s20 =	simm.s32 $0x52A0;
	s23 =	simm.s32 $0x102C0  }
0x62: {  	[tilespmem:s23], [sflag:$0xB] =	stream.indirect.gather [hbm4b:s4+s13], $0x20, s20, s13, $0xb8;
	[tilespmem:$0x16080] =	vst v63  }
0x63: {  	s18 =	simm.s32 $0x0;
	s22 =	rddreg [dreg:$0x5]  }
0x64: {  	[spmem:s22] =	stream.linear.scatter [tilespmem:s18], [sflag:$0x16], $0x4E20, $0x38;
	[tilespmem:$0x16080] =	vst v63  }
0x65: {  	s22 =	simm.s32 $0x16  }
0x66: {  	_ =	swait.ge [sflag:s22], $0x4E20  }
0x67: {  	[sflag:s22] =	ssyncset.done $0x0  }
0x68: {  	[sflag:s22] =	ssyncadd.s32 $0xFFFFB1E0  }
0x69: {  	[bflag:$0x0] =	sbarrier.arrive $0xFFFF  }
.LBB2_4:
0x6a: {  	s22 =	simm.s32 $0x2  }
0x6b: {  	_ =	swait.ge [sflag:s22], $0xFA0  }
0x6c: {  	s20 =	sshra.s32 s18, $0x2;
	[sflag:s22] =	ssyncset.done $0x0  }
0x6d: {  	[sflag:s22] =	ssyncadd.s32 $0xFFFFF060;
	s22 =	sadd.s32 $0x6220, s20  }
0x6e: {  	[spmem:s2] =	stream.indirect.scatter.add.f32 [tilespmem:s24], [sflag:$0xC], $0x20, s22, s13, $0xb8;
	[tilespmem:$0x16080] =	vst v63  }
0x6f: {  	s22 =	simm.s32 $0x3  }
0x70: {  	_ =	swait.ge [sflag:s22], $0xFA0  }
0x71: {  	[sflag:s22] =	ssyncset.done $0x0  }
0x72: {  	[sflag:s22] =	ssyncadd.s32 $0xFFFFF060;
	s22 =	sadd.s32 $0x62A0, s20  }
0x73: {  	[spmem:s2] =	stream.indirect.scatter.add.f32 [tilespmem:s26], [sflag:$0xD], $0x20, s22, s13, $0xb8;
	[tilespmem:$0x16080] =	vst v63  }
0x74: {  	s22 =	simm.s32 $0x4  }
0x75: {  	_ =	swait.ge [sflag:s22], $0xFA0  }
0x76: {  	[sflag:s22] =	ssyncset.done $0x0  }
0x77: {  	[sflag:s22] =	ssyncadd.s32 $0xFFFFF060;
	s22 =	sadd.s32 $0x6320, s20  }
0x78: {  	[spmem:s2] =	stream.indirect.scatter.add.f32 [tilespmem:s29], [sflag:$0xE], $0x20, s22, s13, $0xb8;
	[tilespmem:$0x16080] =	vst v63  }
0x79: {  	s22 =	simm.s32 $0x5  }
0x7a: {  	_ =	swait.ge [sflag:s22], $0xFA0  }
0x7b: {  	[sflag:s22] =	ssyncset.done $0x0  }
0x7c: {  	[sflag:s22] =	ssyncadd.s32 $0xFFFFF060;
	s22 =	sadd.s32 $0x63A0, s20  }
0x7d: {  	[spmem:s2] =	stream.indirect.scatter.add.f32 [tilespmem:s31], [sflag:$0xF], $0x20, s22, s13, $0xb8;
	[tilespmem:$0x16080] =	vst v63  }
0x7e: {  	s22 =	simm.s32 $0x6  }
0x7f: {  	_ =	swait.ge [sflag:s22], $0xFA0  }
0x80: {  	[sflag:s22] =	ssyncset.done $0x0  }
0x81: {  	[sflag:s22] =	ssyncadd.s32 $0xFFFFF060;
	s22 =	sadd.s32 $0x6420, s20  }
0x82: {  	[spmem:s2] =	stream.indirect.scatter.add.f32 [tilespmem:s1], [sflag:$0x10], $0x20, s22, s13, $0xb8;
	[tilespmem:$0x16080] =	vst v63  }
0x83: {  	_ =	swait.ge [sflag:s25], $0xFA0  }
0x84: {  	[sflag:s25] =	ssyncset.done $0x0  }
0x85: {  	s22 =	sadd.s32 $0x64A0, s20;
	[sflag:s25] =	ssyncadd.s32 $0xFFFFF060  }
0x86: {  	[spmem:s2] =	stream.indirect.scatter.add.f32 [tilespmem:s15], [sflag:$0x11], $0x20, s22, s13, $0xb8;
	[tilespmem:$0x16080] =	vst v63  }
0x87: {  	_ =	swait.ge [sflag:s28], $0xFA0  }
0x88: {  	[sflag:s28] =	ssyncset.done $0x0  }
0x89: {  	s22 =	sadd.s32 $0x6520, s20;
	[sflag:s28] =	ssyncadd.s32 $0xFFFFF060  }
0x8a: {  	[spmem:s2] =	stream.indirect.scatter.add.f32 [tilespmem:s17], [sflag:$0x12], $0x20, s22, s13, $0xb8;
	[tilespmem:$0x16080] =	vst v63  }
0x8b: {  	_ =	swait.ge [sflag:s30], $0xFA0  }
0x8c: {  	[sflag:s30] =	ssyncset.done $0x0  }
0x8d: {  	s22 =	sadd.s32 $0x65A0, s20;
	[sflag:s30] =	ssyncadd.s32 $0xFFFFF060  }
0x8e: {  	[spmem:s2] =	stream.indirect.scatter.add.f32 [tilespmem:s19], [sflag:$0x13], $0x20, s22, s13, $0xb8;
	[tilespmem:$0x16080] =	vst v63  }
0x8f: {  	_ =	swait.ge [sflag:s0], $0xFA0  }
0x90: {  	[sflag:s0] =	ssyncset.done $0x0  }
0x91: {  	s22 =	sadd.s32 $0x6620, s20;
	[sflag:s0] =	ssyncadd.s32 $0xFFFFF060  }
0x92: {  	[spmem:s2] =	stream.indirect.scatter.add.f32 [tilespmem:s21], [sflag:$0x14], $0x20, s22, s13, $0xb8;
	[tilespmem:$0x16080] =	vst v63  }
0x93: {  	_ =	swait.ge [sflag:s5], $0xFA0  }
0x94: {  	p0 =	seq.s32 s18, $0x3C00;
	[sflag:s5] =	ssyncset.done $0x0  }
.Ltmp3:
0x95: {  	s22 =	sadd.s32 $0x66A0, s20;
	[sflag:s5] =	ssyncadd.s32 $0xFFFFF060;
	(pc) =	sbr.rel @p0 .LBB2_6-.Ltmp3, $4  }
0x96: {  	[spmem:s2] =	stream.indirect.scatter.add.f32 [tilespmem:s23], [sflag:$0x15], $0x20, s22, s13, $0xb8;
	[tilespmem:$0x16080] =	vst v63  }
0x97: {  	_ =	swait.ge [sflag:s6], $0xFA0  }
0x98: {  	[sflag:s6] =	ssyncset.done $0x0  }
0x99: {  	[sflag:s6] =	ssyncadd.s32 $0xFFFFF060  }
0x9a: {  	s22 =	sadd.s32 $0x5320, s20  }
0x9b: {  	[tilespmem:s24], [sflag:$0x2] =	stream.indirect.gather [hbm4b:s4+s13], $0x20, s22, s13, $0xb8;
	[tilespmem:$0x16080] =	vst v63  }
0x9c: {  	_ =	swait.ge [sflag:s10], $0xFA0  }
0x9d: {  	[sflag:s10] =	ssyncset.done $0x0  }
0x9e: {  	s22 =	sadd.s32 $0x53A0, s20;
	[sflag:s10] =	ssyncadd.s32 $0xFFFFF060  }
0x9f: {  	[tilespmem:s26], [sflag:$0x3] =	stream.indirect.gather [hbm4b:s4+s13], $0x20, s22, s13, $0xb8;
	[tilespmem:$0x16080] =	vst v63  }
0xa0: {  	_ =	swait.ge [sflag:s8], $0xFA0  }
0xa1: {  	[sflag:s8] =	ssyncset.done $0x0  }
0xa2: {  	s22 =	sadd.s32 $0x5420, s20;
	[sflag:s8] =	ssyncadd.s32 $0xFFFFF060  }
0xa3: {  	[tilespmem:s29], [sflag:$0x4] =	stream.indirect.gather [hbm4b:s4+s13], $0x20, s22, s13, $0xb8;
	[tilespmem:$0x16080] =	vst v63  }
0xa4: {  	_ =	swait.ge [sflag:s9], $0xFA0  }
0xa5: {  	[sflag:s9] =	ssyncset.done $0x0  }
0xa6: {  	s22 =	sadd.s32 $0x54A0, s20;
	[sflag:s9] =	ssyncadd.s32 $0xFFFFF060  }
0xa7: {  	[tilespmem:s31], [sflag:$0x5] =	stream.indirect.gather [hbm4b:s4+s13], $0x20, s22, s13, $0xb8;
	[tilespmem:$0x16080] =	vst v63  }
0xa8: {  	_ =	swait.ge [sflag:s3], $0xFA0  }
0xa9: {  	[sflag:s3] =	ssyncset.done $0x0  }
0xaa: {  	s22 =	sadd.s32 $0x5520, s20;
	[sflag:s3] =	ssyncadd.s32 $0xFFFFF060  }
0xab: {  	[tilespmem:s1], [sflag:$0x6] =	stream.indirect.gather [hbm4b:s4+s13], $0x20, s22, s13, $0xb8;
	[tilespmem:$0x16080] =	vst v63  }
0xac: {  	_ =	swait.ge [sflag:s7], $0xFA0  }
0xad: {  	[sflag:s7] =	ssyncset.done $0x0  }
0xae: {  	s22 =	sadd.s32 $0x55A0, s20;
	[sflag:s7] =	ssyncadd.s32 $0xFFFFF060  }
0xaf: {  	[tilespmem:s15], [sflag:$0x7] =	stream.indirect.gather [hbm4b:s4+s13], $0x20, s22, s13, $0xb8;
	[tilespmem:$0x16080] =	vst v63  }
0xb0: {  	_ =	swait.ge [sflag:s12], $0xFA0  }
0xb1: {  	[sflag:s12] =	ssyncset.done $0x0  }
0xb2: {  	s22 =	sadd.s32 $0x5620, s20;
	[sflag:s12] =	ssyncadd.s32 $0xFFFFF060  }
0xb3: {  	[tilespmem:s17], [sflag:$0x8] =	stream.indirect.gather [hbm4b:s4+s13], $0x20, s22, s13, $0xb8;
	[tilespmem:$0x16080] =	vst v63  }
0xb4: {  	_ =	swait.ge [sflag:s11], $0xFA0  }
0xb5: {  	[sflag:s11] =	ssyncset.done $0x0  }
0xb6: {  	s22 =	sadd.s32 $0x56A0, s20;
	[sflag:s11] =	ssyncadd.s32 $0xFFFFF060  }
0xb7: {  	[tilespmem:s19], [sflag:$0x9] =	stream.indirect.gather [hbm4b:s4+s13], $0x20, s22, s13, $0xb8;
	[tilespmem:$0x16080] =	vst v63  }
0xb8: {  	_ =	swait.ge [sflag:s14], $0xFA0  }
0xb9: {  	[sflag:s14] =	ssyncset.done $0x0  }
0xba: {  	s22 =	sadd.s32 $0x5720, s20;
	[sflag:s14] =	ssyncadd.s32 $0xFFFFF060  }
0xbb: {  	[tilespmem:s21], [sflag:$0xA] =	stream.indirect.gather [hbm4b:s4+s13], $0x20, s22, s13, $0xb8;
	[tilespmem:$0x16080] =	vst v63  }
.Ltmp4:
0xbc: {  	_ = 	snop;
	(pc) =	sbr.rel .LBB2_4-.Ltmp4, $4  }
0xbd: {  	_ =	swait.ge [sflag:s16], $0xFA0  }
0xbe: {  	s23 =	simm.s32 $0x102C0;
	[sflag:s16] =	ssyncset.done $0x0  }
0xbf: {  	s18 =	sadd.s32 $0x1400, s18;
	s22 =	sadd.s32 $0x57A0, s20;
	[sflag:s16] =	ssyncadd.s32 $0xFFFFF060  }
0xc0: {  	[tilespmem:s23], [sflag:$0xB] =	stream.indirect.gather [hbm4b:s4+s13], $0x20, s22, s13, $0xb8;
	[tilespmem:$0x16080] =	vst v63  }
.LBB2_7:
0xc1: {  	_ =	sfence.sel $0x180000  }
0xc2: {  	[bflag:$0x0] =	sbarrier.arrive $0xFFFF  }
0xc3: {  	_ =	strace $0x9000004A  }
0xc4: {  	s0 =	stileid.u32;
	[bflag:$0x2] =	sbarrier.arrive $0xFFFF  }
0xc5: {  	p0 =	sne.s32 s0, $0x0;
	s0 =	rddreg [dreg:$0x2]  }
0xc6: {  	s0 =	sadd.s32 @!p0 $0x100000, s0  }
0xc7: {  	[sflag:s0] =	ssyncadd.tile.s32 @!p0 $0x1;
	_ =	shalt  }
.Lfunc_end2:
_tile_overlayer_lowered:
.L_overlay_start_2:
0xc8: {  	(tag) =	ssettag $0x2  }
0xc9: {  	s0 =	rddreg [dreg:$0x0];
	s2 =	stileid.u32  }
0xca: {  	s1 =	rddreg [dreg:$0x1];
	p0 =	sne.s32 s2, $0x0  }
0xcb: {  	s3 =	rddreg [dreg:$0x2];
	[bflag:$0x3] =	sbarrier.arrive $0xFFFF;
	s2 =	simm.s32 @!p0 $0x1C16  }
0xcc: {  	[timem:s3], [sflag:s2] =	dma.local @!p0 [hbm:s0], s1  }
0xcd: {  	s0 =	simm.s32 @!p0 $0x16  }
0xce: {  	_ =	swait.ge @!p0 [sflag:s0], s1  }
0xcf: {  	s1 =	ssub.s32 @!p0 $0x0, s1;
	[sflag:s0] =	ssyncset.done @!p0 $0x0  }
0xd0: {  	[sflag:s0] =	ssyncadd.s32 @!p0 s1  }
0xd1: {  	[bflag:$0x3] =	sbarrier.arrive $0xFFFF  }
0xd2: {  	_ =	shalt  }

// kernel: kernel.17.cloned.1.call-start
scs
__scs_entry_jumppad:
0x0: {  	(pc) =	sbr.rel $0x88, $3  }
0x1: {  	(tag) =	ssettag $0x0;
	lr =	simm.s32 $0x1  }
0x2: {  	[smem:$0x3F7E] =	sst lr;
	_ =	strace $0xD0000000  }
0x3: {  	_ = 	snop  }
0x4: {  	_ = 	snop  }
0x5: {  	_ = 	snop  }
0x6: {  	_ = 	snop  }
0x7: {  	_ = 	snop  }
__scs_overlays_trampoline_lowered:
0x8: {  	[smem:$0x3F8D] =	sst s0  }
0x9: {  	[smem:$0x3F8E] =	sst s1  }
0xa: {  	[smem:$0x3F8F] =	sst s2  }
0xb: {  	[smem:$0x3F90] =	sst s3  }
0xc: {  	[smem:$0x3F91] =	sst s4  }
0xd: {  	[smem:$0x3F92] =	sst s5  }
0xe: {  	[smem:$0x3F93] =	sst s6  }
0xf: {  	[smem:$0x3F94] =	sst s7  }
0x10: {  	[smem:$0x3F95] =	sst s8  }
0x11: {  	[smem:$0x3F96] =	sst s9;
	s0 =	simm.s32 @!p0 $0x0  }
0x12: {  	s1 =	sld [smem:$0x3F7C];
	s0 =	simm.s32 @p0 $0x1  }
0x13: {  	[smem:$0x3F97] =	sst s0;
	s0 =	simm.s32 @!p1 $0x0  }
0x14: {  	s2 =	sld [smem:$0x3F7B];
	s0 =	simm.s32 @p1 $0x1  }
0x15: {  	[smem:$0x3F98] =	sst s0;
	s0 =	simm.s32 @!p2 $0x0  }
0x16: {  	s3 =	sld [smem:$0x3FDB];
	s0 =	simm.s32 @p2 $0x1  }
0x17: {  	s4 =	simm.s32 $0x1BF5;
	[smem:$0x3F9A] =	sst s0  }
0x18: {  	s0 =	sld [smem:$0x3F7D];
	_ =	swait.ge [sflag:s4], $0x0  }
0x19: {  	s7 =	sld [smem:$0x3F7E]  }
0x1a: {  	s8 =	sadd.s32 $0xFFFFE003, lr  }
0x1b: {  	s9 =	sadd.s32 $0xFFFFFEF7, lr;
	s5 =	simm.s32 $0xFFFFFFFF;
	p2 =	slt.u32 s8, $0xFFFFF086  }
0x1c: {  	p1 =	slt.u32 s9, $0xF7A;
	s5 =	simm.s32 @!p2 $0x0  }
0x1d: {  	s5 =	simm.s32 @p1 $0x1;
	p0 =	seq.s32 s7, s2  }
0x1e: {  	s7 =	smul.u32 @!p0 $0xF7A, s2;
	p2 =	seq.s32 @!p0 s5, $0x0  }
0x1f: {  	s9 =	smul.u32 $0xF7A, s1;
	s8 =	simm.s32 @!p0 $0x1BF5;
	p2 =	por !p2, p0  }
0x20: {  	[sflag:s8] =	ssyncset.s32 @!p0 $0xFFFFF086;
	s6 =	sadd.s32 @!p0 s3, s7;
	s7 =	simm.s32 @!p0 $0x108  }
0x21: {  	s3 =	sadd.s32 s3, s9;
	s6 =	sadd.s32 @!p0 $0x88, s6;
	s7 =	simm.s32 @p2 $0x1082  }
0x22: {  	[simem:s7], [sflag:s8] =	dma.local @!p0 [hbm:s6], $0xF7A  }
0x23: {  	s9 =	sor.u32 $0xD0000000, s2;
	s6 =	simm.s32 $0x108;
	_ =	swait.ge @!p0 [sflag:s8], $0x0  }
0x24: {  	s3 =	sadd.s32 $0x88, s3;
	s6 =	simm.s32 @!p1 $0x1082;
	[sflag:s4] =	ssyncset.s32 $0xFFFFF086  }
0x25: {  	[simem:s6], [sflag:s4] =	dma.local [hbm:s3], $0xF7A  }
0x26: {  	[smem:$0x3F7E] =	sst s1;
	(tag) =	ssettag s2;
	_ =	strace s9  }
0x27: {  	s1 =	sld [smem:$0x3F8E]  }
0x28: {  	s2 =	sld [smem:$0x3F8F]  }
0x29: {  	s4 =	sld [smem:$0x3F91]  }
0x2a: {  	p0 =	seq.s32 s5, $0x0;
	s5 =	sld [smem:$0x3F92]  }
0x2b: {  	s6 =	sld [smem:$0x3F93]  }
0x2c: {  	s7 =	sld [smem:$0x3F94]  }
0x2d: {  	s3 =	simm.s32 $0x108;
	s8 =	sld [smem:$0x3F95]  }
0x2e: {  	s3 =	simm.s32 @!p0 $0x1082;
	s9 =	sld [smem:$0x3F96]  }
0x2f: {  	lr =	sadd.s32 s0, s3;
	s0 =	sld [smem:$0x3F8D]  }
0x30: {  	s3 =	sld [smem:$0x3F90]  }
0x31: {  	[smem:$0x3F99] =	sst s10  }
0x32: {  	s10 =	sld [smem:$0x3F97];
	_ =	sdelay $0x3  }
0x33: {  	p0 =	seq.s32 s10, $0x1;
	s10 =	sld [smem:$0x3F99];
	_ =	sdelay $0x3  }
0x34: {  	[smem:$0x3F99] =	sst s10  }
0x35: {  	s10 =	sld [smem:$0x3F98];
	_ =	sdelay $0x3  }
0x36: {  	p1 =	seq.s32 s10, $0x1;
	s10 =	sld [smem:$0x3F99];
	_ =	sdelay $0x3  }
0x37: {  	[smem:$0x3F99] =	sst s10  }
0x38: {  	s10 =	sld [smem:$0x3F9A]  }
0x39: {  	_ = 	snop;
	(pc) =	sbr.ind lr, $3  }
0x3a: {  	_ = 	snop  }
0x3b: {  	_ = 	snop  }
0x3c: {  	p2 =	seq.s32 s10, $0x1;
	s10 =	sld [smem:$0x3F99]  }
0x3d: {  	_ =	shalt  }
0x3e: {  	_ =	shalt  }
0x3f: {  	_ =	shalt  }
0x40: {  	_ =	shalt  }
0x41: {  	_ =	shalt  }
0x42: {  	_ =	shalt  }
0x43: {  	_ =	shalt  }
0x44: {  	_ =	shalt  }
0x45: {  	_ =	shalt  }
0x46: {  	_ =	shalt  }
0x47: {  	_ =	shalt  }
0x48: {  	_ =	shalt  }
0x49: {  	_ =	shalt  }
0x4a: {  	_ =	shalt  }
0x4b: {  	_ =	shalt  }
0x4c: {  	_ =	shalt  }
0x4d: {  	_ =	shalt  }
0x4e: {  	_ =	shalt  }
0x4f: {  	_ =	shalt  }
0x50: {  	_ =	shalt  }
0x51: {  	_ =	shalt  }
0x52: {  	_ =	shalt  }
0x53: {  	_ =	shalt  }
0x54: {  	_ =	shalt  }
0x55: {  	_ =	shalt  }
0x56: {  	_ =	shalt  }
0x57: {  	_ =	shalt  }
0x58: {  	_ =	shalt  }
0x59: {  	_ =	shalt  }
0x5a: {  	_ =	shalt  }
0x5b: {  	_ =	shalt  }
0x5c: {  	_ =	shalt  }
0x5d: {  	_ =	shalt  }
0x5e: {  	_ =	shalt  }
0x5f: {  	_ =	shalt  }
0x60: {  	_ =	shalt  }
0x61: {  	_ =	shalt  }
0x62: {  	_ =	shalt  }
0x63: {  	_ =	shalt  }
0x64: {  	_ =	shalt  }
0x65: {  	_ =	shalt  }
0x66: {  	_ =	shalt  }
0x67: {  	_ =	shalt  }
0x68: {  	_ =	shalt  }
0x69: {  	_ =	shalt  }
0x6a: {  	_ =	shalt  }
0x6b: {  	_ =	shalt  }
0x6c: {  	_ =	shalt  }
0x6d: {  	_ =	shalt  }
0x6e: {  	_ =	shalt  }
0x6f: {  	_ =	shalt  }
0x70: {  	_ =	shalt  }
0x71: {  	_ =	shalt  }
0x72: {  	_ =	shalt  }
0x73: {  	_ =	shalt  }
0x74: {  	_ =	shalt  }
0x75: {  	_ =	shalt  }
0x76: {  	_ =	shalt  }
0x77: {  	_ =	shalt  }
0x78: {  	_ =	shalt  }
0x79: {  	_ =	shalt  }
0x7a: {  	_ =	shalt  }
0x7b: {  	_ =	shalt  }
0x7c: {  	_ =	shalt  }
0x7d: {  	_ =	shalt  }
0x7e: {  	_ =	shalt  }
0x7f: {  	_ =	shalt  }
0x80: {  	_ =	shalt  }
0x81: {  	_ =	shalt  }
0x82: {  	_ =	shalt  }
0x83: {  	_ =	shalt  }
0x84: {  	_ =	shalt  }
0x85: {  	_ =	shalt  }
0x86: {  	_ =	shalt  }
0x87: {  	_ =	shalt  }
.Lfunc_end0:
.L_simem_size_0:
called_computation.2_lowered:
.L_overlay_start_0:
0x88: {  	s2 =	sld [smem:$0x3FD9]  }
0x89: {  	s3 =	sld [smem:$0x3FFE];
	_ =	sdelay $0x1  }
0x8a: {  	s1 =	srdreg.scid  }
0x8b: {  	s0 =	sand.u32 $0x1, s1  }
0x8c: {  	s16 =	sshll.u32 s0, $0xA;
	s2 =	sadd.s32 s3, s2  }
0x8d: {  	s2 =	sadd.s32 s2, s16  }
0x8e: {  	[smem:$0x3FA5] =	sst s2  }
0x8f: {  	_ = 	snop  }
0x90: {  	(tm) =	ssettm $0x1  }
0x91: {  	s17 =	sld [smem:$0x3FFB];
	_ =	sdelay $0x3  }
0x92: {  	_ =	strace s17  }
0x93: {  	s2 =	sld [smem:$0x3FFC];
	_ =	sdelay $0x3  }
0x94: {  	_ =	strace s2  }
0x95: {  	s2 =	sld [smem:$0x3FFD];
	_ =	sdelay $0x3  }
0x96: {  	_ =	strace s2  }
0x97: {  	_ =	strace $0x8FFFFFFF  }
0x98: {  	s18 =	sld [smem:$0x3FDB];
	_ =	sdelay $0x1  }
0x99: {  	s19 =	simm.s32 $_scs_section_size  }
0x9a: {  	s4 =	simm.s32 $_size__tile_overlayer_lowered;
	s5 =	simm.s32 $_tile_overlayer_lowered  }
0x9b: {  	s22 =	simm.s32 $0x1BFF;
	s21 =	sshll.u32 s5, $0x1;
	s2 =	sadd.s32 s19, s18  }
0x9c: {  	s6 =	simm.s32 $0x0;
	s20 =	sshll.u32 s4, $0x1;
	s4 =	sadd.s32 s21, s2  }
0x9d: {  	[timem:s6], [sflag:s22] =	dma.local [hbm:s4], s20  }
0x9e: {  	_ =	swait.ge [sflag:s22], s20  }
0x9f: {  	s3 =	ssub.s32 $0x0, s20;
	[sflag:s22] =	ssyncset.done $0x0  }
0xa0: {  	[sflag:s22] =	ssyncadd.s32 s3;
	_ =	sdelay $0x1  }
0xa1: {  	s23 =	simm.s32 $0x1B8B  }
0xa2: {  	_ =	swait.ge [sflag:s23], $0x1  }
0xa3: {  	[sflag:s23] =	ssyncset.done $0x0  }
0xa4: {  	s25 =	simm.s32 $0x1B8E;
	s24 =	sld [smem:$0x3FFE];
	[sflag:s23] =	ssyncadd.s32 $0xFFFFFFFF  }
0xa5: {  	s26 =	simm.s32 $execute0_lowered;
	[smem:$0x3FD2] =	sst s25  }
0xa6: {  	s4 =	sshll.u32 s26, $0x1;
	_ =	strace $0x8000004C;
	[dreg:$0x1] =	wrdreg $0xFFFFFFFF  }
0xa7: {  	s28 =	simm.s32 $_size_execute0_lowered;
	s2 =	sadd.s32 s2, s4;
	[dreg:$0x0] =	wrdreg $0x0  }
0xa8: {  	s4 =	sshll.u32 s28, $0x1;
	[dreg:$0x2] =	wrdreg s2  }
0xa9: {  	[dreg:$0x3] =	wrdreg s4  }
0xaa: {  	[dreg:$0x4] =	wrdreg $0xC0  }
0xab: {  	_ =	task [dreg:s6], $0x5FFFF  }
0xac: {  	[dreg:$0x1] =	wrdreg $0xFFFFFFFF  }
0xad: {  	[dreg:$0x0] =	wrdreg $0x60  }
0xae: {  	[dreg:$0x2] =	wrdreg s24  }
0xaf: {  	[dreg:$0x3] =	wrdreg $0x112600  }
0xb0: {  	[dreg:$0x4] =	wrdreg $0x9  }
0xb1: {  	_ =	task.clear_ibuf [dreg:s6], $0x5FFFF;
	_ =	strace $0x9000004C  }
0xb2: {  	s29 =	simm.s32 $0x9;
	_ =	strace $0x8000004E  }
0xb3: {  	_ =	swait.ge [sflag:s29], $0x1  }
0xb4: {  	[sflag:s29] =	ssyncadd.s32 $0xFFFFFFFF  }
0xb5: {  	_ =	strace $0x9000004E  }
0xb6: {  	_ =	sfence  }
0xb7: {  	s30 =	sld [smem:$0x0];
	_ =	sdelay $0x2  }
0xb8: {  	s31 =	sshll.u32 s1, $0xD;
	s1 =	sshrl.u32 s1, $0x2  }
0xb9: {  	s3 =	sand.u32 $0x4000, s31;
	s1 =	sadd.s32 s1, s30  }
0xba: {  	s0 =	sor.u32 s3, s0;
	s1 =	sshll.u32 s1, $0x11  }
0xbb: {  	s0 =	sor.u32 s1, s0  }
0xbc: {  	s0 =	sadd.s32 $0x8F2B, s0  }
0xbd: {  	[sflag:s0] =	ssyncadd.remote.s32 $0x1  }
0xbe: {  	_ =	sfence.sel $0xFFFF  }
0xbf: {  	[dreg:$0x0] =	wrdreg $0xFFFFFFFF;
	(pc) =	sbr.abs _section_cstart, $3  }
0xc0: {  	[dreg:$0x1] =	wrdreg $0xFFFFFFFF  }
0xc1: {  	_ =	task.clear_ibuf [dreg:s6], $0x2FFFF;
	_ =	strace $0x9FFFFFFF  }
0xc2: {  	(tm) =	ssettm $0x7FFFFFFF  }
0xc3: {  	_ =	shalt  }
tec
execute0_lowered:
.L_overlay_start_1:
0x0: {  	(tag) =	ssettag $0x1  }
0x1: {  	s0 =	rddreg [dreg:$0x0];
	s1 =	srdreg.scid  }
0x2: {  	s2 =	rddreg [dreg:$0x1];
	s7 =	stileid.u32  }
0x3: {  	s18 =	simm.s32 $0x0;
	s13 =	simm.s32 $0x7D;
	s28 =	simm.s32 $0x8  }
0x4: {  	s30 =	simm.s32 $0x9;
	s10 =	simm.s32 $0xD;
	s8 =	simm.s32 $0xE  }
0x5: {  	s9 =	simm.s32 $0xF;
	s12 =	simm.s32 $0x12;
	s11 =	simm.s32 $0x13  }
0x6: {  	s14 =	simm.s32 $0x14;
	s16 =	simm.s32 $0x15;
	s4 =	smul.u32 $0x28, s7  }
0x7: {  	s15 =	simm.s32 $0x0;
	s29 =	simm.s32 $0x9560;
	s5 =	smul.u32 $0x9C4, s7  }
0x8: {  	s31 =	simm.s32 $0xA500;
	s1 =	sand.u32 $0x1, s1;
	s7 =	smul.u32 $0x13880, s7  }
0x9: {  	s17 =	simm.s32 $0xD3E0;
	s19 =	simm.s32 $0xE380;
	s3 =	smul.u32 $0x280, s1  }
0xa: {  	[smem:$0x7FF] =	sst s18;
	s6 =	smul.u32 $0x9C40, s1;
	s1 =	ssub.s32 $0x2, s1  }
0xb: {  	s21 =	simm.s32 $0xF320;
	_ =	strace $0x8000004D;
	s23 =	sshrl.u32 s1, $0x1  }
0xc: {  	s25 =	sshrl.u32 s7, $0x2;
	s7 =	simm.s32 $0x11;
	s3 =	sadd.s32 s4, s3  }
0xd: {  	s4 =	sadd.s32 $0x84800, s0;
	s5 =	sadd.s32 s5, s6;
	s1 =	ssub.s32 s1, s23  }
0xe: {  	s6 =	simm.s32 $0xC;
	s3 =	sshll.u32 s3, $0x4;
	s26 =	smax.u32 s1, $0x1  }
0xf: {  	s3 =	sadd.s32 s3, s0;
	s0 =	sadd.s32 s5, s0;
	[dreg:$0x7] =	wrdreg s26  }
.Ltmp0:
0x10: {  	s5 =	simm.s32 $0xB;
	s24 =	sadd.s32 $0x5400, s3;
	(pc) =	sbr.rel .LBB2_1-.Ltmp0, $4  }
0x11: {  	s26 =	simm.s32 $0x85C0;
	s3 =	sadd.s32 $0xA400, s3;
	[dreg:$0x3] =	wrdreg s24  }
0x12: {  	s0 =	sadd.s32 $0xF400, s0;
	[dreg:$0x4] =	wrdreg s3;
	s3 =	sadd.s32 s25, s2  }
0x13: {  	[dreg:$0x6] =	wrdreg s0;
	s25 =	simm.s32 $0x7;
	s0 =	simm.s32 $0xA  }
0x14: {  	v0 =	vimm.f32 $0.0e+00;
	s24 =	simm.s32 $0x7620;
	[dreg:$0x5] =	wrdreg s3;
	s3 =	simm.s32 $0x10  }
.LBB2_6:
0x15: {  	_ =	swait.ge [sflag:s10], $0xFA0  }
0x16: {  	[sflag:s10] =	ssyncset.done $0x0  }
0x17: {  	[sflag:s10] =	ssyncadd.s32 $0xFFFFF060  }
0x18: {  	_ =	swait.ge [sflag:s8], $0xFA0  }
0x19: {  	[sflag:s8] =	ssyncset.done $0x0  }
0x1a: {  	[sflag:s8] =	ssyncadd.s32 $0xFFFFF060  }
0x1b: {  	_ =	swait.ge [sflag:s9], $0xFA0  }
0x1c: {  	[sflag:s9] =	ssyncset.done $0x0  }
0x1d: {  	[sflag:s9] =	ssyncadd.s32 $0xFFFFF060  }
0x1e: {  	_ =	swait.ge [sflag:s3], $0xFA0  }
0x1f: {  	[sflag:s3] =	ssyncset.done $0x0  }
0x20: {  	[sflag:s3] =	ssyncadd.s32 $0xFFFFF060  }
0x21: {  	_ =	swait.ge [sflag:s7], $0xFA0  }
0x22: {  	[sflag:s7] =	ssyncset.done $0x0  }
0x23: {  	[sflag:s7] =	ssyncadd.s32 $0xFFFFF060  }
0x24: {  	_ =	swait.ge [sflag:s12], $0xFA0  }
0x25: {  	[sflag:s12] =	ssyncset.done $0x0  }
0x26: {  	[sflag:s12] =	ssyncadd.s32 $0xFFFFF060  }
0x27: {  	_ =	swait.ge [sflag:s11], $0xFA0  }
0x28: {  	[sflag:s11] =	ssyncset.done $0x0  }
0x29: {  	[sflag:s11] =	ssyncadd.s32 $0xFFFFF060  }
0x2a: {  	_ =	swait.ge [sflag:s14], $0xFA0  }
0x2b: {  	[sflag:s14] =	ssyncset.done $0x0  }
0x2c: {  	[sflag:s14] =	ssyncadd.s32 $0xFFFFF060  }
0x2d: {  	_ =	swait.ge [sflag:s16], $0xFA0  }
0x2e: {  	[sflag:s16] =	ssyncset.done $0x0  }
0x2f: {  	[sflag:s16] =	ssyncadd.s32 $0xFFFFF060  }
0x30: {  	[bflag:$0x0] =	sbarrier.arrive $0xFFFF  }
0x31: {  	s18 =	simm.s32 $0x0;
	s1 =	simm.s32 $0x16;
	s20 =	rddreg [dreg:$0x5]  }
0x32: {  	[tilespmem:s18], [sflag:$0x16] =	stream.linear.gather [spmem:s20], $0x4E20, $0x38;
	[tilespmem:$0x16080] =	vst v63  }
0x33: {  	_ =	swait.ge [sflag:s1], $0x4E20  }
0x34: {  	[sflag:s1] =	ssyncset.done $0x0  }
0x35: {  	s22 =	rddreg [dreg:$0x6];
	[sflag:s1] =	ssyncadd.s32 $0xFFFFB1E0  }
0x36: {  	[hbm4b:s22+s18] =	stream.linear.scatter [tilespmem:s18], [sflag:$0x16], $0x4E20, $0x38;
	[tilespmem:$0x16080] =	vst v63  }
0x37: {  	_ =	swait.ge [sflag:s1], $0x4E20  }
0x38: {  	s15 =	rddreg [dreg:$0x8]  }
0x39: {  	s23 =	rddreg [dreg:$0x7];
	s15 =	sadd.s32 $0x1, s15  }
0x3a: {  	p0 =	sne.s32 s15, s23  }
.Ltmp1:
0x3b: {  	_ = 	snop;
	(pc) =	sbr.rel @!p0 .LBB2_7-.Ltmp1, $3  }
0x3c: {  	_ =	sdelay $0x1  }
0x3d: {  	[sflag:s1] =	ssyncset.done $0x0  }
0x3e: {  	[sflag:s1] =	ssyncadd.s32 $0xFFFFB1E0  }
.LBB2_1:
0x3f: {  	s20 =	rddreg [dreg:$0x3];
	s22 =	simm.s32 $0x4E20  }
0x40: {  	[tilespmem:s22], [sflag:$0x1] =	stream.linear.gather [hbm4b:s20+s18], $0x1400, $0x38;
	[tilespmem:$0x16080] =	vst v63  }
0x41: {  	s23 =	simm.s32 $0x6220;
	s22 =	rddreg [dreg:$0x4]  }
0x42: {  	[tilespmem:s23], [sflag:$0x1] =	stream.linear.gather [hbm4b:s22+s18], $0x1400, $0x38;
	[tilespmem:$0x16080] =	vst v63  }
0x43: {  	[dreg:$0x8] =	wrdreg s15;
	s20 =	simm.s32 $0x0;
	s18 =	simm.s32 $0x80  }
.LBB2_2:
0x44: {  	p0 =	sne.s32 s18, $0x13800;
	[tilespmem:s20+$0x0] =	vst v0;
	s22 =	smov.u32 s18;
	s18 =	sadd.s32 $0x80, s18  }
.Ltmp2:
0x45: {  	[tilespmem:s20+$0x10] =	vst v0;
	(pc) =	sbr.rel @p0 .LBB2_2-.Ltmp2, $2  }
0x46: {  	_ =	sdelay $0x2  }
0x47: {  	s20 =	sshra.s32 s22, $0x2  }
0x48: {  	[tilespmem:s20+$0x0] =	vst v0  }
0x49: {  	[tilespmem:s20+$0x10] =	vst v0;
	s18 =	simm.s32 $0x1  }
0x4a: {  	_ =	swait.ge [sflag:s18], $0x1400  }
0x4b: {  	[sflag:s18] =	ssyncset.done $0x0  }
0x4c: {  	[sflag:s18] =	ssyncadd.s32 $0xFFFFEC00  }
0x4d: {  	_ =	swait.ge [sflag:s18], $0x1400  }
0x4e: {  	[sflag:s18] =	ssyncset.done $0x0  }
0x4f: {  	s23 =	simm.s32 $0x4E20;
	[sflag:s18] =	ssyncadd.s32 $0xFFFFEC00  }
0x50: {  	[tilespmem:s24], [sflag:$0x2] =	stream.indirect.gather [hbm4b:s4+s13], $0x20, s23, s13, $0xb8;
	[tilespmem:$0x16080] =	vst v63  }
0x51: {  	s1 =	simm.s32 $0x4EA0  }
0x52: {  	[tilespmem:s26], [sflag:$0x3] =	stream.indirect.gather [hbm4b:s4+s13], $0x20, s1, s13, $0xb8;
	[tilespmem:$0x16080] =	vst v63  }
0x53: {  	s15 =	simm.s32 $0x4F20  }
0x54: {  	[tilespmem:s29], [sflag:$0x4] =	stream.indirect.gather [hbm4b:s4+s13], $0x20, s15, s13, $0xb8;
	[tilespmem:$0x16080] =	vst v63  }
0x55: {  	s20 =	simm.s32 $0x4FA0  }
0x56: {  	[tilespmem:s31], [sflag:$0x5] =	stream.indirect.gather [hbm4b:s4+s13], $0x20, s20, s13, $0xb8;
	[tilespmem:$0x16080] =	vst v63  }
0x57: {  	s22 =	simm.s32 $0x5020;
	s1 =	simm.s32 $0xB4A0  }
0x58: {  	[tilespmem:s1], [sflag:$0x6] =	stream.indirect.gather [hbm4b:s4+s13], $0x20, s22, s13, $0xb8;
	[tilespmem:$0x16080] =	vst v63  }
0x59: {  	s23 =	simm.s32 $0x50A0;
	s15 =	simm.s32 $0xC440  }
0x5a: {  	[tilespmem:s15], [sflag:$0x7] =	stream.indirect.gather [hbm4b:s4+s13], $0x20, s23, s13, $0xb8;
	[tilespmem:$0x16080] =	vst v63  }
0x5b: {  	s20 =	simm.s32 $0x5120  }
0x5c: {  	[tilespmem:s17], [sflag:$0x8] =	stream.indirect.gather [hbm4b:s4+s13], $0x20, s20, s13, $0xb8;
	[tilespmem:$0x16080] =	vst v63  }
0x5d: {  	s22 =	simm.s32 $0x51A0  }
0x5e: {  	[tilespmem:s19], [sflag:$0x9] =	stream.indirect.gather [hbm4b:s4+s13], $0x20, s22, s13, $0xb8;
	[tilespmem:$0x16080] =	vst v63  }
0x5f: {  	s23 =	simm.s32 $0x5220  }
0x60: {  	[tilespmem:s21], [sflag:$0xA] =	stream.indirect.gather [hbm4b:s4+s13], $0x20, s23, s13, $0xb8;
	[tilespmem:$0x16080] =	vst v63  }
0x61: {  	s20 =	simm.s32 $0x52A0;
	s23 =	simm.s32 $0x102C0  }
0x62: {  	[tilespmem:s23], [sflag:$0xB] =	stream.indirect.gather [hbm4b:s4+s13], $0x20, s20, s13, $0xb8;
	[tilespmem:$0x16080] =	vst v63  }
0x63: {  	s18 =	simm.s32 $0x0;
	s22 =	rddreg [dreg:$0x5]  }
0x64: {  	[spmem:s22] =	stream.linear.scatter [tilespmem:s18], [sflag:$0x16], $0x4E20, $0x38;
	[tilespmem:$0x16080] =	vst v63  }
0x65: {  	s22 =	simm.s32 $0x16  }
0x66: {  	_ =	swait.ge [sflag:s22], $0x4E20  }
0x67: {  	[sflag:s22] =	ssyncset.done $0x0  }
0x68: {  	[sflag:s22] =	ssyncadd.s32 $0xFFFFB1E0  }
0x69: {  	[bflag:$0x0] =	sbarrier.arrive $0xFFFF  }
.LBB2_4:
0x6a: {  	s22 =	simm.s32 $0x2  }
0x6b: {  	_ =	swait.ge [sflag:s22], $0xFA0  }
0x6c: {  	s20 =	sshra.s32 s18, $0x2;
	[sflag:s22] =	ssyncset.done $0x0  }
0x6d: {  	[sflag:s22] =	ssyncadd.s32 $0xFFFFF060;
	s22 =	sadd.s32 $0x6220, s20  }
0x6e: {  	[spmem:s2] =	stream.indirect.scatter.add.f32 [tilespmem:s24], [sflag:$0xC], $0x20, s22, s13, $0xb8;
	[tilespmem:$0x16080] =	vst v63  }
0x6f: {  	s22 =	simm.s32 $0x3  }
0x70: {  	_ =	swait.ge [sflag:s22], $0xFA0  }
0x71: {  	[sflag:s22] =	ssyncset.done $0x0  }
0x72: {  	[sflag:s22] =	ssyncadd.s32 $0xFFFFF060;
	s22 =	sadd.s32 $0x62A0, s20  }
0x73: {  	[spmem:s2] =	stream.indirect.scatter.add.f32 [tilespmem:s26], [sflag:$0xD], $0x20, s22, s13, $0xb8;
	[tilespmem:$0x16080] =	vst v63  }
0x74: {  	s22 =	simm.s32 $0x4  }
0x75: {  	_ =	swait.ge [sflag:s22], $0xFA0  }
0x76: {  	[sflag:s22] =	ssyncset.done $0x0  }
0x77: {  	[sflag:s22] =	ssyncadd.s32 $0xFFFFF060;
	s22 =	sadd.s32 $0x6320, s20  }
0x78: {  	[spmem:s2] =	stream.indirect.scatter.add.f32 [tilespmem:s29], [sflag:$0xE], $0x20, s22, s13, $0xb8;
	[tilespmem:$0x16080] =	vst v63  }
0x79: {  	s22 =	simm.s32 $0x5  }
0x7a: {  	_ =	swait.ge [sflag:s22], $0xFA0  }
0x7b: {  	[sflag:s22] =	ssyncset.done $0x0  }
0x7c: {  	[sflag:s22] =	ssyncadd.s32 $0xFFFFF060;
	s22 =	sadd.s32 $0x63A0, s20  }
0x7d: {  	[spmem:s2] =	stream.indirect.scatter.add.f32 [tilespmem:s31], [sflag:$0xF], $0x20, s22, s13, $0xb8;
	[tilespmem:$0x16080] =	vst v63  }
0x7e: {  	s22 =	simm.s32 $0x6  }
0x7f: {  	_ =	swait.ge [sflag:s22], $0xFA0  }
0x80: {  	[sflag:s22] =	ssyncset.done $0x0  }
0x81: {  	[sflag:s22] =	ssyncadd.s32 $0xFFFFF060;
	s22 =	sadd.s32 $0x6420, s20  }
0x82: {  	[spmem:s2] =	stream.indirect.scatter.add.f32 [tilespmem:s1], [sflag:$0x10], $0x20, s22, s13, $0xb8;
	[tilespmem:$0x16080] =	vst v63  }
0x83: {  	_ =	swait.ge [sflag:s25], $0xFA0  }
0x84: {  	[sflag:s25] =	ssyncset.done $0x0  }
0x85: {  	s22 =	sadd.s32 $0x64A0, s20;
	[sflag:s25] =	ssyncadd.s32 $0xFFFFF060  }
0x86: {  	[spmem:s2] =	stream.indirect.scatter.add.f32 [tilespmem:s15], [sflag:$0x11], $0x20, s22, s13, $0xb8;
	[tilespmem:$0x16080] =	vst v63  }
0x87: {  	_ =	swait.ge [sflag:s28], $0xFA0  }
0x88: {  	[sflag:s28] =	ssyncset.done $0x0  }
0x89: {  	s22 =	sadd.s32 $0x6520, s20;
	[sflag:s28] =	ssyncadd.s32 $0xFFFFF060  }
0x8a: {  	[spmem:s2] =	stream.indirect.scatter.add.f32 [tilespmem:s17], [sflag:$0x12], $0x20, s22, s13, $0xb8;
	[tilespmem:$0x16080] =	vst v63  }
0x8b: {  	_ =	swait.ge [sflag:s30], $0xFA0  }
0x8c: {  	[sflag:s30] =	ssyncset.done $0x0  }
0x8d: {  	s22 =	sadd.s32 $0x65A0, s20;
	[sflag:s30] =	ssyncadd.s32 $0xFFFFF060  }
0x8e: {  	[spmem:s2] =	stream.indirect.scatter.add.f32 [tilespmem:s19], [sflag:$0x13], $0x20, s22, s13, $0xb8;
	[tilespmem:$0x16080] =	vst v63  }
0x8f: {  	_ =	swait.ge [sflag:s0], $0xFA0  }
0x90: {  	[sflag:s0] =	ssyncset.done $0x0  }
0x91: {  	s22 =	sadd.s32 $0x6620, s20;
	[sflag:s0] =	ssyncadd.s32 $0xFFFFF060  }
0x92: {  	[spmem:s2] =	stream.indirect.scatter.add.f32 [tilespmem:s21], [sflag:$0x14], $0x20, s22, s13, $0xb8;
	[tilespmem:$0x16080] =	vst v63  }
0x93: {  	_ =	swait.ge [sflag:s5], $0xFA0  }
0x94: {  	p0 =	seq.s32 s18, $0x3C00;
	[sflag:s5] =	ssyncset.done $0x0  }
.Ltmp3:
0x95: {  	s22 =	sadd.s32 $0x66A0, s20;
	[sflag:s5] =	ssyncadd.s32 $0xFFFFF060;
	(pc) =	sbr.rel @p0 .LBB2_6-.Ltmp3, $4  }
0x96: {  	[spmem:s2] =	stream.indirect.scatter.add.f32 [tilespmem:s23], [sflag:$0x15], $0x20, s22, s13, $0xb8;
	[tilespmem:$0x16080] =	vst v63  }
0x97: {  	_ =	swait.ge [sflag:s6], $0xFA0  }
0x98: {  	[sflag:s6] =	ssyncset.done $0x0  }
0x99: {  	[sflag:s6] =	ssyncadd.s32 $0xFFFFF060  }
0x9a: {  	s22 =	sadd.s32 $0x5320, s20  }
0x9b: {  	[tilespmem:s24], [sflag:$0x2] =	stream.indirect.gather [hbm4b:s4+s13], $0x20, s22, s13, $0xb8;
	[tilespmem:$0x16080] =	vst v63  }
0x9c: {  	_ =	swait.ge [sflag:s10], $0xFA0  }
0x9d: {  	[sflag:s10] =	ssyncset.done $0x0  }
0x9e: {  	s22 =	sadd.s32 $0x53A0, s20;
	[sflag:s10] =	ssyncadd.s32 $0xFFFFF060  }
0x9f: {  	[tilespmem:s26], [sflag:$0x3] =	stream.indirect.gather [hbm4b:s4+s13], $0x20, s22, s13, $0xb8;
	[tilespmem:$0x16080] =	vst v63  }
0xa0: {  	_ =	swait.ge [sflag:s8], $0xFA0  }
0xa1: {  	[sflag:s8] =	ssyncset.done $0x0  }
0xa2: {  	s22 =	sadd.s32 $0x5420, s20;
	[sflag:s8] =	ssyncadd.s32 $0xFFFFF060  }
0xa3: {  	[tilespmem:s29], [sflag:$0x4] =	stream.indirect.gather [hbm4b:s4+s13], $0x20, s22, s13, $0xb8;
	[tilespmem:$0x16080] =	vst v63  }
0xa4: {  	_ =	swait.ge [sflag:s9], $0xFA0  }
0xa5: {  	[sflag:s9] =	ssyncset.done $0x0  }
0xa6: {  	s22 =	sadd.s32 $0x54A0, s20;
	[sflag:s9] =	ssyncadd.s32 $0xFFFFF060  }
0xa7: {  	[tilespmem:s31], [sflag:$0x5] =	stream.indirect.gather [hbm4b:s4+s13], $0x20, s22, s13, $0xb8;
	[tilespmem:$0x16080] =	vst v63  }
0xa8: {  	_ =	swait.ge [sflag:s3], $0xFA0  }
0xa9: {  	[sflag:s3] =	ssyncset.done $0x0  }
0xaa: {  	s22 =	sadd.s32 $0x5520, s20;
	[sflag:s3] =	ssyncadd.s32 $0xFFFFF060  }
0xab: {  	[tilespmem:s1], [sflag:$0x6] =	stream.indirect.gather [hbm4b:s4+s13], $0x20, s22, s13, $0xb8;
	[tilespmem:$0x16080] =	vst v63  }
0xac: {  	_ =	swait.ge [sflag:s7], $0xFA0  }
0xad: {  	[sflag:s7] =	ssyncset.done $0x0  }
0xae: {  	s22 =	sadd.s32 $0x55A0, s20;
	[sflag:s7] =	ssyncadd.s32 $0xFFFFF060  }
0xaf: {  	[tilespmem:s15], [sflag:$0x7] =	stream.indirect.gather [hbm4b:s4+s13], $0x20, s22, s13, $0xb8;
	[tilespmem:$0x16080] =	vst v63  }
0xb0: {  	_ =	swait.ge [sflag:s12], $0xFA0  }
0xb1: {  	[sflag:s12] =	ssyncset.done $0x0  }
0xb2: {  	s22 =	sadd.s32 $0x5620, s20;
	[sflag:s12] =	ssyncadd.s32 $0xFFFFF060  }
0xb3: {  	[tilespmem:s17], [sflag:$0x8] =	stream.indirect.gather [hbm4b:s4+s13], $0x20, s22, s13, $0xb8;
	[tilespmem:$0x16080] =	vst v63  }
0xb4: {  	_ =	swait.ge [sflag:s11], $0xFA0  }
0xb5: {  	[sflag:s11] =	ssyncset.done $0x0  }
0xb6: {  	s22 =	sadd.s32 $0x56A0, s20;
	[sflag:s11] =	ssyncadd.s32 $0xFFFFF060  }
0xb7: {  	[tilespmem:s19], [sflag:$0x9] =	stream.indirect.gather [hbm4b:s4+s13], $0x20, s22, s13, $0xb8;
	[tilespmem:$0x16080] =	vst v63  }
0xb8: {  	_ =	swait.ge [sflag:s14], $0xFA0  }
0xb9: {  	[sflag:s14] =	ssyncset.done $0x0  }
0xba: {  	s22 =	sadd.s32 $0x5720, s20;
	[sflag:s14] =	ssyncadd.s32 $0xFFFFF060  }
0xbb: {  	[tilespmem:s21], [sflag:$0xA] =	stream.indirect.gather [hbm4b:s4+s13], $0x20, s22, s13, $0xb8;
	[tilespmem:$0x16080] =	vst v63  }
.Ltmp4:
0xbc: {  	_ = 	snop;
	(pc) =	sbr.rel .LBB2_4-.Ltmp4, $4  }
0xbd: {  	_ =	swait.ge [sflag:s16], $0xFA0  }
0xbe: {  	s23 =	simm.s32 $0x102C0;
	[sflag:s16] =	ssyncset.done $0x0  }
0xbf: {  	s18 =	sadd.s32 $0x1400, s18;
	s22 =	sadd.s32 $0x57A0, s20;
	[sflag:s16] =	ssyncadd.s32 $0xFFFFF060  }
0xc0: {  	[tilespmem:s23], [sflag:$0xB] =	stream.indirect.gather [hbm4b:s4+s13], $0x20, s22, s13, $0xb8;
	[tilespmem:$0x16080] =	vst v63  }
.LBB2_7:
0xc1: {  	_ =	sfence.sel $0x180000  }
0xc2: {  	[bflag:$0x0] =	sbarrier.arrive $0xFFFF  }
0xc3: {  	_ =	strace $0x9000004D  }
0xc4: {  	s0 =	stileid.u32;
	[bflag:$0x2] =	sbarrier.arrive $0xFFFF  }
0xc5: {  	p0 =	sne.s32 s0, $0x0;
	s0 =	rddreg [dreg:$0x2]  }
0xc6: {  	s0 =	sadd.s32 @!p0 $0x100000, s0  }
0xc7: {  	[sflag:s0] =	ssyncadd.tile.s32 @!p0 $0x1;
	_ =	shalt  }
.Lfunc_end2:
_tile_overlayer_lowered:
.L_overlay_start_2:
0xc8: {  	(tag) =	ssettag $0x2  }
0xc9: {  	s0 =	rddreg [dreg:$0x0];
	s2 =	stileid.u32  }
0xca: {  	s1 =	rddreg [dreg:$0x1];
	p0 =	sne.s32 s2, $0x0  }
0xcb: {  	s3 =	rddreg [dreg:$0x2];
	[bflag:$0x3] =	sbarrier.arrive $0xFFFF;
	s2 =	simm.s32 @!p0 $0x1C16  }
0xcc: {  	[timem:s3], [sflag:s2] =	dma.local @!p0 [hbm:s0], s1  }
0xcd: {  	s0 =	simm.s32 @!p0 $0x16  }
0xce: {  	_ =	swait.ge @!p0 [sflag:s0], s1  }
0xcf: {  	s1 =	ssub.s32 @!p0 $0x0, s1;
	[sflag:s0] =	ssyncset.done @!p0 $0x0  }
0xd0: {  	[sflag:s0] =	ssyncadd.s32 @!p0 s1  }
0xd1: {  	[bflag:$0x3] =	sbarrier.arrive $0xFFFF  }
0xd2: {  	_ =	shalt  }

</sc_bundles>
